<compile_context>
chip_gen: v7x
topology: tpu7x:2x2x1
jax: 0.10.2.dev20260603
libtpu: 0.0.44.dev20260713+nightly
codegen_flags: <defaults>
</compile_context>

<pallas_src>
import functools

import jax
import jax.numpy as jnp
from jax import lax
from jax.experimental import pallas as pl
from jax.experimental.pallas import tpu as pltpu
from jax.experimental.pallas import tpu_sc as plsc

F32 = jnp.float32

NC = 2
NS = 16
NW = NC * NS

CHUNK = 128
HCOLS = 80


def _linear(x, w, b, relu):
    n, d = x.shape
    dout = w.shape[1]
    blk = 5000

    def body(x_ref, w_ref, b_ref, o_ref):
        y = jnp.dot(x_ref[...], w_ref[...], preferred_element_type=F32)
        y = y + b_ref[...]
        if relu:
            y = jnp.maximum(y, 0.0)
        o_ref[...] = y

    return pl.pallas_call(
        body,
        grid=(n // blk,),
        in_specs=[
            pl.BlockSpec((blk, d), lambda i: (i, 0)),
            pl.BlockSpec((d, dout), lambda i: (0, 0)),
            pl.BlockSpec((1, dout), lambda i: (0, 0)),
        ],
        out_specs=pl.BlockSpec((blk, dout), lambda i: (i, 0)),
        out_shape=jax.ShapeDtypeStruct((n, dout), F32),
    )(x, w, b.reshape(1, dout))


def _linear_chain(x, w1, b1, w2, b2):
    n, d = x.shape
    dout = w2.shape[1]
    blk = 5000

    def body(x_ref, w1_ref, b1_ref, w2_ref, b2_ref, o_ref):
        y = jnp.dot(x_ref[...], w1_ref[...], preferred_element_type=F32)
        y = jnp.maximum(y + b1_ref[...], 0.0)
        o_ref[...] = jnp.dot(y, w2_ref[...],
                             preferred_element_type=F32) + b2_ref[...]

    h = w1.shape[1]
    return pl.pallas_call(
        body,
        grid=(n // blk,),
        in_specs=[
            pl.BlockSpec((blk, d), lambda i: (i, 0)),
            pl.BlockSpec((d, h), lambda i: (0, 0)),
            pl.BlockSpec((1, h), lambda i: (0, 0)),
            pl.BlockSpec((h, dout), lambda i: (0, 0)),
            pl.BlockSpec((1, dout), lambda i: (0, 0)),
        ],
        out_specs=pl.BlockSpec((blk, dout), lambda i: (i, 0)),
        out_shape=jax.ShapeDtypeStruct((n, dout), F32),
    )(x, w1, b1.reshape(1, h), w2, b2.reshape(1, dout))


def _linear_dual(x, wa, ba, wb, bb):
    n, d = x.shape
    dout = wa.shape[1]
    blk = 5000

    def body(x_ref, wa_ref, ba_ref, wb_ref, bb_ref, oa_ref, ob_ref):
        xv = x_ref[...]
        oa_ref[...] = jnp.dot(xv, wa_ref[...],
                              preferred_element_type=F32) + ba_ref[...]
        ob_ref[...] = jnp.dot(xv, wb_ref[...],
                              preferred_element_type=F32) + bb_ref[...]

    return pl.pallas_call(
        body,
        grid=(n // blk,),
        in_specs=[
            pl.BlockSpec((blk, d), lambda i: (i, 0)),
            pl.BlockSpec((d, dout), lambda i: (0, 0)),
            pl.BlockSpec((1, dout), lambda i: (0, 0)),
            pl.BlockSpec((d, dout), lambda i: (0, 0)),
            pl.BlockSpec((1, dout), lambda i: (0, 0)),
        ],
        out_specs=[
            pl.BlockSpec((blk, dout), lambda i: (i, 0)),
            pl.BlockSpec((blk, dout), lambda i: (i, 0)),
        ],
        out_shape=[
            jax.ShapeDtypeStruct((n, dout), F32),
            jax.ShapeDtypeStruct((n, dout), F32),
        ],
    )(x, wa, ba.reshape(1, dout), wb, bb.reshape(1, dout))


def _edge_scores(hs_g3, hd_g3, att):
    eb = hs_g3.shape[0]
    rb = 50
    g = eb // rb

    def body(hs_ref, hd_ref, att_ref, e_ref, bm_ref):
        m = hs_ref[...] + hd_ref[...]
        m = jnp.where(m > 0, m, 0.2 * m)
        a = att_ref[0, :]
        e = lax.dot_general(m, a, (((2,), (0,)), ((), ())),
                            preferred_element_type=F32)
        e_ref[...] = e[None]
        bm_ref[...] = jnp.full((1, 1, 128), jnp.max(e), F32)

    return pl.pallas_call(
        body,
        grid=(g,),
        in_specs=[
            pl.BlockSpec((rb, 128, 128), lambda i: (i, 0, 0)),
            pl.BlockSpec((rb, 128, 128), lambda i: (i, 0, 0)),
            pl.BlockSpec((1, 128), lambda i: (0, 0)),
        ],
        out_specs=[
            pl.BlockSpec((1, rb, 128), lambda i: (i, 0, 0)),
            pl.BlockSpec((1, 1, 128), lambda i: (i, 0, 0)),
        ],
        out_shape=[
            jax.ShapeDtypeStruct((g, rb, 128), F32),
            jax.ShapeDtypeStruct((g, 1, 128), F32),
        ],
    )(hs_g3, hd_g3, att.reshape(1, 128))


def _edge_weights(e2, bmax, hs_g3, ebp):
    eb = hs_g3.shape[0]
    rb = 50
    g = eb // rb

    def body(e_ref, bm_ref, hs_ref, wa_ref):
        mglob = jnp.max(bm_ref[...])
        ex = jnp.exp(e_ref[0] - mglob)
        hs = hs_ref[...]
        exn = ex[:, :, None]
        w = hs * exn
        z16 = jnp.zeros((rb, 128, 16), F32)
        i16 = lax.broadcasted_iota(jnp.int32, (rb, 128, 16), 2)
        x16 = jnp.where(i16 == 0, exn, 0.0)
        wa_ref[0] = jnp.concatenate([w[:, :, :64], z16], axis=2)
        wa_ref[1] = jnp.concatenate([w[:, :, 64:], x16], axis=2)

    return pl.pallas_call(
        body,
        grid=(g,),
        in_specs=[
            pl.BlockSpec((1, rb, 128), lambda i: (i, 0, 0)),
            pl.BlockSpec((g, 1, 128), lambda i: (0, 0, 0)),
            pl.BlockSpec((rb, 128, 128), lambda i: (i, 0, 0)),
        ],
        out_specs=pl.BlockSpec((2, rb, 128, HCOLS), lambda i: (0, i, 0, 0)),
        out_shape=jax.ShapeDtypeStruct((2, ebp, 128, HCOLS), F32),
    )(e2, bmax, hs_g3)


def _finalize_linear(p, bias, w, b, n):
    blk = 5000
    dout = w.shape[1]

    def body(p_ref, bias_ref, w_ref, b_ref, o_ref):
        lo = p_ref[0]
        hi = p_ref[1]
        u = jnp.concatenate([lo[:, :64], hi[:, :64]], axis=1)
        den = hi[:, 64:65]
        y = u / (den + 1e-16) + bias_ref[...]
        x = jnp.maximum(y, 0.0)
        o_ref[...] = jnp.dot(x, w_ref[...],
                             preferred_element_type=F32) + b_ref[...]

    return pl.pallas_call(
        body,
        grid=(n // blk,),
        in_specs=[
            pl.BlockSpec((2, blk, HCOLS), lambda i: (0, i, 0)),
            pl.BlockSpec((1, 128), lambda i: (0, 0)),
            pl.BlockSpec((128, dout), lambda i: (0, 0)),
            pl.BlockSpec((1, dout), lambda i: (0, 0)),
        ],
        out_specs=pl.BlockSpec((blk, dout), lambda i: (i, 0)),
        out_shape=jax.ShapeDtypeStruct((n, dout), F32),
    )(p, bias.reshape(1, 128), w, b.reshape(1, dout))


def _sc_gather2(hs, hd, src, dst):
    n, h = hs.shape
    e = src.shape[0]
    dt = hs.dtype
    nchunks = e // CHUNK
    nju = (nchunks + NW - 1) // NW
    nju = nju + (nju & 1)
    npairs = nju // 2
    mesh = plsc.VectorSubcoreMesh(core_axis_name="c", subcore_axis_name="s")

    @functools.partial(
        pl.kernel,
        out_type=(jax.ShapeDtypeStruct((e, h), dt),
                  jax.ShapeDtypeStruct((e, h), dt)),
        mesh=mesh,
        scratch_types=[
            pltpu.VMEM((CHUNK,), jnp.int32),
            pltpu.VMEM((CHUNK,), jnp.int32),
            pltpu.VMEM((CHUNK,), jnp.int32),
            pltpu.VMEM((CHUNK,), jnp.int32),
            pltpu.VMEM((CHUNK, h), dt),
            pltpu.VMEM((CHUNK, h), dt),
            pltpu.VMEM((CHUNK, h), dt),
            pltpu.VMEM((CHUNK, h), dt),
            pltpu.SemaphoreType.DMA,
            pltpu.SemaphoreType.DMA,
            pltpu.SemaphoreType.DMA,
            pltpu.SemaphoreType.DMA,
        ],
        compiler_params=pltpu.CompilerParams(use_tc_tiling_on_sc=False),
    )
    def k(hs_hbm, hd_hbm, src_hbm, dst_hbm, ohs_hbm, ohd_hbm,
          si0, si1, di0, di1, hsb0, hsb1, hdb0, hdb1, sg0, sg1, sw0, sw1):
        wid = lax.axis_index("s") * NC + lax.axis_index("c")
        si = (si0, si1)
        di = (di0, di1)
        hsb = (hsb0, hsb1)
        hdb = (hdb0, hdb1)
        sg = (sg0, sg1)
        sw = (sw0, sw1)
        nj = (nchunks - wid + NW - 1) // NW

        def off(j):
            jc = jnp.minimum(j, nj - 1)
            return (wid + jc * NW) * CHUNK

        def load_idx(j, p):
            pltpu.sync_copy(src_hbm.at[pl.ds(off(j), CHUNK)], si[p])
            pltpu.sync_copy(dst_hbm.at[pl.ds(off(j), CHUNK)], di[p])

        def start_g(p):
            pltpu.async_copy(hs_hbm.at[si[p]], hsb[p], sg[p])
            pltpu.async_copy(hd_hbm.at[di[p]], hdb[p], sg[p])

        def drain_g(p):
            pltpu.make_async_copy(hs_hbm.at[si[p]], hsb[p], sg[p]).wait()
            pltpu.make_async_copy(hd_hbm.at[di[p]], hdb[p], sg[p]).wait()

        def start_w(j, p):
            pltpu.async_copy(hsb[p], ohs_hbm.at[pl.ds(off(j), CHUNK)], sw[p])
            pltpu.async_copy(hdb[p], ohd_hbm.at[pl.ds(off(j), CHUNK)], sw[p])

        def drain_w(j, p):
            pltpu.make_async_copy(
                hsb[p], ohs_hbm.at[pl.ds(off(j), CHUNK)], sw[p]).wait()
            pltpu.make_async_copy(
                hdb[p], ohd_hbm.at[pl.ds(off(j), CHUNK)], sw[p]).wait()

        load_idx(0, 0)
        start_g(0)
        load_idx(1, 1)
        start_g(1)

        def step(i, carry):
            j0 = 2 * i
            drain_g(0)
            start_w(j0, 0)
            drain_g(1)
            start_w(j0 + 1, 1)
            load_idx(j0 + 2, 0)
            drain_w(j0, 0)
            start_g(0)
            load_idx(j0 + 3, 1)
            drain_w(j0 + 1, 1)
            start_g(1)
            return carry

        lax.fori_loop(0, npairs - 1, step, 0)
        jl = 2 * (npairs - 1)
        drain_g(0)
        start_w(jl, 0)
        drain_g(1)
        start_w(jl + 1, 1)
        drain_w(jl, 0)
        drain_w(jl + 1, 1)

    return k(hs, hd, src, dst)


def _sc_scatter(wa2, dst, zeros):
    e = dst.shape[0]
    n = zeros.shape[0]
    nchunks = e // CHUNK
    rpt = n // NS
    mesh = plsc.VectorSubcoreMesh(core_axis_name="c", subcore_axis_name="s")

    @functools.partial(
        pl.kernel,
        out_type=jax.ShapeDtypeStruct((NC, n, HCOLS), F32),
        mesh=mesh,
        scratch_types=[
            pltpu.VMEM((CHUNK,), jnp.int32),
            pltpu.VMEM((CHUNK,), jnp.int32),
            pltpu.VMEM((CHUNK, HCOLS), F32),
            pltpu.VMEM((CHUNK, HCOLS), F32),
            pltpu.SemaphoreType.DMA,
            pltpu.SemaphoreType.DMA,
            pltpu.VMEM((rpt, HCOLS), F32),
            pltpu.VMEM_SHARED((n, HCOLS), F32),
        ],
        compiler_params=pltpu.CompilerParams(use_tc_tiling_on_sc=False),
    )
    def k(wa_hbm, dst_hbm, z_hbm, out_hbm,
          di0, di1, rows0, rows1, sr0, sr1, bounce, acc):
        c = lax.axis_index("c")
        s = lax.axis_index("s")
        r0 = s * rpt
        di = (di0, di1)
        rows = (rows0, rows1)
        sr = (sr0, sr1)

        pltpu.sync_copy(z_hbm.at[pl.ds(r0, rpt)], bounce)
        pltpu.sync_copy(bounce, acc.at[pl.ds(r0, rpt)])
        plsc.subcore_barrier()

        def off(j):
            return (s + j * NS) * CHUNK

        def start_r(j, p):
            pltpu.async_copy(dst_hbm.at[pl.ds(off(j), CHUNK)], di[p], sr[p])
            pltpu.async_copy(wa_hbm.at[c, pl.ds(off(j), CHUNK)], rows[p],
                             sr[p])

        def drain_r(j, p):
            pltpu.make_async_copy(
                dst_hbm.at[pl.ds(off(j), CHUNK)], di[p], sr[p]).wait()
            pltpu.make_async_copy(
                wa_hbm.at[c, pl.ds(off(j), CHUNK)], rows[p], sr[p]).wait()

        start_r(0, 0)
        start_r(1, 1)

        def step(i, carry):
            j0 = 2 * i
            drain_r(j0, 0)
            pltpu.sync_copy(rows[0], acc.at[di[0]], add=True)
            start_r(j0 + 2, 0)
            drain_r(j0 + 1, 1)
            pltpu.sync_copy(rows[1], acc.at[di[1]], add=True)
            start_r(j0 + 3, 1)
            return carry

        npairs = nchunks // NS // 2
        lax.fori_loop(0, npairs - 1, step, 0)
        jl = 2 * (npairs - 1)
        drain_r(jl, 0)
        pltpu.sync_copy(rows[0], acc.at[di[0]], add=True)
        drain_r(jl + 1, 1)
        pltpu.sync_copy(rows[1], acc.at[di[1]], add=True)
        plsc.subcore_barrier()

        pltpu.sync_copy(acc.at[pl.ds(r0, rpt)], bounce)
        pltpu.sync_copy(bounce, out_hbm.at[c, pl.ds(r0, rpt)])

    return k(wa2, dst, zeros)


def kernel(x_base, x_joint, x_foot, edge_index_bj, edge_index_jf,
           edge_index_fb, params):
    n = x_base.shape[0]
    e = edge_index_bj.shape[1]
    eb = e // 128

    npad = ((n + 8 * NS - 1) // (8 * NS)) * (8 * NS)
    if npad == n:
        npad += 8 * NS
    zeros_acc = jnp.zeros((npad, HCOLS), F32)

    ebp = ((eb + 2 * NS - 1) // (2 * NS)) * (2 * NS)
    ep = ebp * 128
    pad_dst = jnp.full((ep - e,), n, jnp.int32)

    hs1 = _linear_chain(x_base, params["enc_W_base"], params["enc_b_base"],
                        params["bj0_W_l"], params["bj0_b_l"])
    hd2 = _linear_chain(x_foot, params["enc_W_foot"], params["enc_b_foot"],
                        params["jf0_W_r"], params["jf0_b_r"])
    hj = _linear(x_joint, params["enc_W_joint"], params["enc_b_joint"], True)
    hd1, hs2 = _linear_dual(hj, params["bj0_W_r"], params["bj0_b_r"],
                            params["jf0_W_l"], params["jf0_b_l"])

    def agg2(hs, hd, edges, pre):
        src = edges[0]
        dst = edges[1]
        hs_g, hd_g = _sc_gather2(hs, hd, src, dst)
        hs_g3 = hs_g.reshape(eb, 128, 128)
        hd_g3 = hd_g.reshape(eb, 128, 128)
        e2, bmax = _edge_scores(hs_g3, hd_g3, params[pre + "_att"])
        wa = _edge_weights(e2, bmax, hs_g3, ebp)
        dst_p = jnp.concatenate([dst, pad_dst])
        return _sc_scatter(wa.reshape(2, ep, HCOLS), dst_p, zeros_acc)

    p1 = agg2(hs1, hd1, edge_index_bj, "bj0")
    hs3 = _finalize_linear(p1, params["bj0_bias"], params["jf1_W_l"],
                           params["jf1_b_l"], n)
    p2 = agg2(hs2, hd2, edge_index_jf, "jf0")
    hd3 = _finalize_linear(p2, params["jf0_bias"], params["jf1_W_r"],
                           params["jf1_b_r"], n)
    p3 = agg2(hs3, hd3, edge_index_jf, "jf1")

    out_dim = params["dec_W"].shape[1]
    dec_w = jnp.pad(params["dec_W"], ((0, 0), (0, 128 - out_dim)))
    dec_b = jnp.pad(params["dec_b"], (0, 128 - out_dim))
    out = _finalize_linear(p3, params["jf1_bias"], dec_w, dec_b, n)
    return out[:, :out_dim]

# --- scband reference (transcript-rebuilt; emitter-appended) ---
"""Pipeline reference for scband-grf-hgnn-20667382629196 (READ-ONLY COPY).

The authoritative reference and input builder live on the scoring server;
editing this copy changes nothing except your own understanding.
"""

import jax, jax.numpy as jnp
import numpy as np

H = 128
D_IN = 128
N = 10000
E = 160000
OUT = 3
NUM_LAYERS = 2
NODE_TYPES = ["base", "joint", "foot"]
EDGE_TYPES = [("base", "bj", "joint"), ("joint", "jf", "foot"), ("foot", "fb", "base")]


def _init_linear(k, din, dout):
    w = jax.random.normal(k, (din, dout), jnp.float32) * (1.0 / np.sqrt(din))
    b = jnp.zeros((dout,), jnp.float32)
    return w, b


def _make_params(key):
    params = {}
    i = [0]
    def nk():
        i[0] += 1
        return jax.random.fold_in(key, i[0])
    for t in NODE_TYPES:
        w, b = _init_linear(nk(), D_IN, H)
        params["enc_W_" + t] = w
        params["enc_b_" + t] = b
    for l in range(NUM_LAYERS):
        for (_, et, _) in EDGE_TYPES:
            pre = et + str(l)
            wl, bl = _init_linear(nk(), H, H)
            wr, br = _init_linear(nk(), H, H)
            params[pre + "_W_l"] = wl
            params[pre + "_b_l"] = bl
            params[pre + "_W_r"] = wr
            params[pre + "_b_r"] = br
            params[pre + "_att"] = jax.random.normal(nk(), (H,), jnp.float32) * (1.0 / np.sqrt(H))
            params[pre + "_bias"] = jnp.zeros((H,), jnp.float32)
    w, b = _init_linear(nk(), H, OUT)
    params["dec_W"] = w
    params["dec_b"] = b
    return params


def setup_inputs(seed: int = 0):
    key = jax.random.key(seed)
    ks = jax.random.split(key, 8)
    return {
        "x_base": jax.random.normal(ks[0], (N, D_IN), jnp.float32),
        "x_joint": jax.random.normal(ks[1], (N, D_IN), jnp.float32),
        "x_foot": jax.random.normal(ks[2], (N, D_IN), jnp.float32),
        "edge_index_bj": jax.random.randint(ks[3], (2, E), 0, N, dtype=jnp.int32),
        "edge_index_jf": jax.random.randint(ks[4], (2, E), 0, N, dtype=jnp.int32),
        "edge_index_fb": jax.random.randint(ks[5], (2, E), 0, N, dtype=jnp.int32),
        "params": _make_params(ks[6]),
    }


def _gatv2(x_src, x_dst, edge_index, p):
    # GATv2Conv, heads=1, add_self_loops=False, aggr='sum', edge_attr=None
    src = edge_index[0]
    dst = edge_index[1]
    hs = x_src @ p["W_l"] + p["b_l"]
    hd = x_dst @ p["W_r"] + p["b_r"]
    m = hs[src] + hd[dst]
    m = jnp.where(m > 0, m, 0.2 * m)  # leaky_relu, slope 0.2
    e = m @ p["att"]
    n_dst = x_dst.shape[0]
    emax = jax.ops.segment_max(e, dst, num_segments=n_dst)
    emax = jnp.where(jnp.isfinite(emax), emax, 0.0)
    ex = jnp.exp(e - emax[dst])
    denom = jax.ops.segment_sum(ex, dst, num_segments=n_dst)
    alpha = ex / (denom[dst] + 1e-16)
    out = jax.ops.segment_sum(alpha[:, None] * hs[src], dst, num_segments=n_dst)
    return out + p["bias"]


def _forward(x_base, x_joint, x_foot, edges, params):
    x = {"base": x_base, "joint": x_joint, "foot": x_foot}
    # HeteroDictLinear encoder + relu
    x = {t: jax.nn.relu(x[t] @ params["enc_W_" + t] + params["enc_b_" + t]) for t in NODE_TYPES}
    for l in range(NUM_LAYERS):
        new = {}
        for (s, et, d) in EDGE_TYPES:
            pre = et + str(l)
            p = {k: params[pre + "_" + k] for k in ["W_l", "b_l", "W_r", "b_r", "att", "bias"]}
            # HeteroConv aggr='sum': each dst type receives from exactly one edge type here
            new[d] = _gatv2(x[s], x[d], edges[et], p)
        x = {t: jax.nn.relu(new[t]) for t in NODE_TYPES}
    return x["foot"] @ params["dec_W"] + params["dec_b"]


def reference(x_base, x_joint, x_foot, edge_index_bj, edge_index_jf, edge_index_fb, params):
    edges = {"bj": edge_index_bj, "jf": edge_index_jf, "fb": edge_index_fb}
    return _forward(x_base, x_joint, x_foot, edges, params)

if __name__ == "__main__":
    import jax
    _d = setup_inputs()
    print(jax.jit(kernel)(*tuple(_d.values())))

</pallas_src>

<mosaic_0001>
#map = affine_map<(d0, d1) -> (0, 0, 0)>
#map1 = affine_map<(d0, d1) -> (0)>
#map2 = affine_map<(d0, d1) -> (0, 0)>
module attributes {stable_mosaic.version = 14 : i64} {
  func.func @k(%arg0: i32, %arg1: i32, %arg2: memref<2x163840x80xf32, #tpu.memory_space<hbm>>, %arg3: memref<163840xi32, #tpu.memory_space<hbm>>, %arg4: memref<10112x80xf32, #tpu.memory_space<hbm>>, %arg5: memref<2x10112x80xf32, #tpu.memory_space<hbm>>, %arg6: memref<128xi32, #tpu.memory_space<vmem>>, %arg7: memref<128xi32, #tpu.memory_space<vmem>>, %arg8: memref<128x80xf32, #tpu.memory_space<vmem>>, %arg9: memref<128x80xf32, #tpu.memory_space<vmem>>, %arg10: memref<!tpu.dma_semaphore, #tpu.memory_space<semaphore_mem>>, %arg11: memref<!tpu.dma_semaphore, #tpu.memory_space<semaphore_mem>>, %arg12: memref<632x80xf32, #tpu.memory_space<vmem>>, %arg13: memref<10112x80xf32, #tpu.memory_space<vmem_shared>>) attributes {dimension_semantics = [#tpu.dimension_semantics<core_parallel>, #tpu.dimension_semantics<subcore_parallel>], iteration_bounds = array<i64: 2, 16>, scalar_prefetch = 0 : i64, scratch_operands = 8 : i64, tpu.core_type = #tpu.core_type<sc_vector_subcore>, window_params = [{transform_indices = #map}, {transform_indices = #map1}, {transform_indices = #map2}, {transform_indices = #map}]} {
    %mul3A = arith.constant 632 : i32
    %mul3A_0 = arith.muli %arg1, %mul3A : i32
    "tpu.region"() ({
      %run_scoped3A = tpu.sem_alloc : memref<!tpu.dma_semaphore, #tpu.memory_space<semaphore_mem>>
      %dma_start3A_68 = arith.constant 0 : i32
      %dma_start3A_69 = tpu.memref_slice %arg4[%mul3A_0, %dma_start3A_68] : memref<10112x80xf32, #tpu.memory_space<hbm>> -> memref<632x80xf32, #tpu.memory_space<hbm>>
      %dma_start3A_70 = arith.constant 0 : i32
      %dma_start3A_71 = tpu.memref_slice %arg4[%mul3A_0, %dma_start3A_70] : memref<10112x80xf32, #tpu.memory_space<hbm>> -> memref<632x80xf32, #tpu.memory_space<hbm>>
      tpu.enqueue_dma source(%dma_start3A_71 : memref<632x80xf32, #tpu.memory_space<hbm>>) target(%arg12 : memref<632x80xf32, #tpu.memory_space<vmem>>) target_semaphore(%run_scoped3A : memref<!tpu.dma_semaphore, #tpu.memory_space<semaphore_mem>>)
      %dma_wait3A_72 = arith.constant 0 : i32
      %dma_wait3A_73 = tpu.memref_slice %arg4[%mul3A_0, %dma_wait3A_72] : memref<10112x80xf32, #tpu.memory_space<hbm>> -> memref<632x80xf32, #tpu.memory_space<hbm>>
      %dma_wait3A_74 = arith.constant 0 : i32
      %dma_wait3A_75 = tpu.memref_slice %arg4[%mul3A_0, %dma_wait3A_74] : memref<10112x80xf32, #tpu.memory_space<hbm>> -> memref<632x80xf32, #tpu.memory_space<hbm>>
      tpu.wait_dma2 semaphore(%run_scoped3A : memref<!tpu.dma_semaphore, #tpu.memory_space<semaphore_mem>>) src(%dma_wait3A_75 : memref<632x80xf32, #tpu.memory_space<hbm>>) dst(%arg12 : memref<632x80xf32, #tpu.memory_space<vmem>>)
      tpu.yield
    }) : () -> ()
    "tpu.region"() ({
      %run_scoped3A = tpu.sem_alloc : memref<!tpu.dma_semaphore, #tpu.memory_space<semaphore_mem>>
      %dma_start3A_68 = arith.constant 0 : i32
      %dma_start3A_69 = tpu.memref_slice %arg13[%mul3A_0, %dma_start3A_68] : memref<10112x80xf32, #tpu.memory_space<vmem_shared>> -> memref<632x80xf32, #tpu.memory_space<vmem_shared>>
      %dma_start3A_70 = arith.constant 0 : i32
      %dma_start3A_71 = tpu.memref_slice %arg13[%mul3A_0, %dma_start3A_70] : memref<10112x80xf32, #tpu.memory_space<vmem_shared>> -> memref<632x80xf32, #tpu.memory_space<vmem_shared>>
      tpu.enqueue_dma source(%arg12 : memref<632x80xf32, #tpu.memory_space<vmem>>) target(%dma_start3A_71 : memref<632x80xf32, #tpu.memory_space<vmem_shared>>) target_semaphore(%run_scoped3A : memref<!tpu.dma_semaphore, #tpu.memory_space<semaphore_mem>>)
      %dma_wait3A_72 = arith.constant 0 : i32
      %dma_wait3A_73 = tpu.memref_slice %arg13[%mul3A_0, %dma_wait3A_72] : memref<10112x80xf32, #tpu.memory_space<vmem_shared>> -> memref<632x80xf32, #tpu.memory_space<vmem_shared>>
      %dma_wait3A_74 = arith.constant 0 : i32
      %dma_wait3A_75 = tpu.memref_slice %arg13[%mul3A_0, %dma_wait3A_74] : memref<10112x80xf32, #tpu.memory_space<vmem_shared>> -> memref<632x80xf32, #tpu.memory_space<vmem_shared>>
      tpu.wait_dma2 semaphore(%run_scoped3A : memref<!tpu.dma_semaphore, #tpu.memory_space<semaphore_mem>>) src(%arg12 : memref<632x80xf32, #tpu.memory_space<vmem>>) dst(%dma_wait3A_75 : memref<632x80xf32, #tpu.memory_space<vmem_shared>>)
      tpu.yield
    }) : () -> ()
    %barrier3A = arith.constant 0 : index
    tpu.barrier barrier_id(%barrier3A)
    %add3A = arith.constant 0 : i32
    %add3A_1 = arith.addi %arg1, %add3A : i32
    %mul3A_2 = arith.constant 128 : i32
    %mul3A_3 = arith.muli %add3A_1, %mul3A_2 : i32
    %dma_start3A = tpu.memref_slice %arg3[%mul3A_3] : memref<163840xi32, #tpu.memory_space<hbm>> -> memref<128xi32, #tpu.memory_space<hbm>>
    %dma_start3A_4 = tpu.memref_slice %arg3[%mul3A_3] : memref<163840xi32, #tpu.memory_space<hbm>> -> memref<128xi32, #tpu.memory_space<hbm>>
    tpu.enqueue_dma source(%dma_start3A_4 : memref<128xi32, #tpu.memory_space<hbm>>) target(%arg6 : memref<128xi32, #tpu.memory_space<vmem>>) target_semaphore(%arg10 : memref<!tpu.dma_semaphore, #tpu.memory_space<semaphore_mem>>)
    %add3A_5 = arith.constant 0 : i32
    %add3A_6 = arith.addi %arg1, %add3A_5 : i32
    %mul3A_7 = arith.constant 128 : i32
    %mul3A_8 = arith.muli %add3A_6, %mul3A_7 : i32
    %dma_start3A_9 = arith.constant 0 : i32
    %dma_start3A_10 = tpu.memref_slice %arg2[%arg0, %mul3A_8, %dma_start3A_9] : memref<2x163840x80xf32, #tpu.memory_space<hbm>> -> memref<1x128x80xf32, #tpu.memory_space<hbm>>
    %dma_start3A_11 = tpu.memref_squeeze %dma_start3A_10 : memref<1x128x80xf32, #tpu.memory_space<hbm>> -> memref<128x80xf32, #tpu.memory_space<hbm>>
    %dma_start3A_12 = arith.constant 0 : i32
    %dma_start3A_13 = tpu.memref_slice %arg2[%arg0, %mul3A_8, %dma_start3A_12] : memref<2x163840x80xf32, #tpu.memory_space<hbm>> -> memref<1x128x80xf32, #tpu.memory_space<hbm>>
    %dma_start3A_14 = tpu.memref_squeeze %dma_start3A_13 : memref<1x128x80xf32, #tpu.memory_space<hbm>> -> memref<128x80xf32, #tpu.memory_space<hbm>>
    tpu.enqueue_dma source(%dma_start3A_14 : memref<128x80xf32, #tpu.memory_space<hbm>>) target(%arg8 : memref<128x80xf32, #tpu.memory_space<vmem>>) target_semaphore(%arg10 : memref<!tpu.dma_semaphore, #tpu.memory_space<semaphore_mem>>)
    %add3A_15 = arith.constant 16 : i32
    %add3A_16 = arith.addi %arg1, %add3A_15 : i32
    %mul3A_17 = arith.constant 128 : i32
    %mul3A_18 = arith.muli %add3A_16, %mul3A_17 : i32
    %dma_start3A_19 = tpu.memref_slice %arg3[%mul3A_18] : memref<163840xi32, #tpu.memory_space<hbm>> -> memref<128xi32, #tpu.memory_space<hbm>>
    %dma_start3A_20 = tpu.memref_slice %arg3[%mul3A_18] : memref<163840xi32, #tpu.memory_space<hbm>> -> memref<128xi32, #tpu.memory_space<hbm>>
    tpu.enqueue_dma source(%dma_start3A_20 : memref<128xi32, #tpu.memory_space<hbm>>) target(%arg7 : memref<128xi32, #tpu.memory_space<vmem>>) target_semaphore(%arg11 : memref<!tpu.dma_semaphore, #tpu.memory_space<semaphore_mem>>)
    %add3A_21 = arith.constant 16 : i32
    %add3A_22 = arith.addi %arg1, %add3A_21 : i32
    %mul3A_23 = arith.constant 128 : i32
    %mul3A_24 = arith.muli %add3A_22, %mul3A_23 : i32
    %dma_start3A_25 = arith.constant 0 : i32
    %dma_start3A_26 = tpu.memref_slice %arg2[%arg0, %mul3A_24, %dma_start3A_25] : memref<2x163840x80xf32, #tpu.memory_space<hbm>> -> memref<1x128x80xf32, #tpu.memory_space<hbm>>
    %dma_start3A_27 = tpu.memref_squeeze %dma_start3A_26 : memref<1x128x80xf32, #tpu.memory_space<hbm>> -> memref<128x80xf32, #tpu.memory_space<hbm>>
    %dma_start3A_28 = arith.constant 0 : i32
    %dma_start3A_29 = tpu.memref_slice %arg2[%arg0, %mul3A_24, %dma_start3A_28] : memref<2x163840x80xf32, #tpu.memory_space<hbm>> -> memref<1x128x80xf32, #tpu.memory_space<hbm>>
    %dma_start3A_30 = tpu.memref_squeeze %dma_start3A_29 : memref<1x128x80xf32, #tpu.memory_space<hbm>> -> memref<128x80xf32, #tpu.memory_space<hbm>>
    tpu.enqueue_dma source(%dma_start3A_30 : memref<128x80xf32, #tpu.memory_space<hbm>>) target(%arg9 : memref<128x80xf32, #tpu.memory_space<vmem>>) target_semaphore(%arg11 : memref<!tpu.dma_semaphore, #tpu.memory_space<semaphore_mem>>)
    %scan3A = arith.constant 0 : i32
    %scan3A_31 = arith.constant 0 : i32
    %scan3A_32 = arith.constant 39 : i32
    %scan3A_33 = arith.addi %scan3A_31, %scan3A_32 : i32
    %scan3A_34 = arith.constant 1 : i32
    scf.for %scan3A_68 = %scan3A_31 to %scan3A_33 step %scan3A_34  : i32 {
      %mul3A_69 = arith.constant 2 : i32
      %mul3A_70 = arith.muli %mul3A_69, %scan3A_68 : i32
      %mul3A_71 = arith.constant 16 : i32
      %mul3A_72 = arith.muli %mul3A_70, %mul3A_71 : i32
      %add3A_73 = arith.addi %arg1, %mul3A_72 : i32
      %mul3A_74 = arith.constant 128 : i32
      %mul3A_75 = arith.muli %add3A_73, %mul3A_74 : i32
      %dma_wait3A_76 = tpu.memref_slice %arg3[%mul3A_75] : memref<163840xi32, #tpu.memory_space<hbm>> -> memref<128xi32, #tpu.memory_space<hbm>>
      %dma_wait3A_77 = tpu.memref_slice %arg3[%mul3A_75] : memref<163840xi32, #tpu.memory_space<hbm>> -> memref<128xi32, #tpu.memory_space<hbm>>
      tpu.wait_dma2 semaphore(%arg10 : memref<!tpu.dma_semaphore, #tpu.memory_space<semaphore_mem>>) src(%dma_wait3A_77 : memref<128xi32, #tpu.memory_space<hbm>>) dst(%arg6 : memref<128xi32, #tpu.memory_space<vmem>>)
      %mul3A_78 = arith.constant 16 : i32
      %mul3A_79 = arith.muli %mul3A_70, %mul3A_78 : i32
      %add3A_80 = arith.addi %arg1, %mul3A_79 : i32
      %mul3A_81 = arith.constant 128 : i32
      %mul3A_82 = arith.muli %add3A_80, %mul3A_81 : i32
      %dma_wait3A_83 = arith.constant 0 : i32
      %dma_wait3A_84 = tpu.memref_slice %arg2[%arg0, %mul3A_82, %dma_wait3A_83] : memref<2x163840x80xf32, #tpu.memory_space<hbm>> -> memref<1x128x80xf32, #tpu.memory_space<hbm>>
      %dma_wait3A_85 = tpu.memref_squeeze %dma_wait3A_84 : memref<1x128x80xf32, #tpu.memory_space<hbm>> -> memref<128x80xf32, #tpu.memory_space<hbm>>
      %dma_wait3A_86 = arith.constant 0 : i32
      %dma_wait3A_87 = tpu.memref_slice %arg2[%arg0, %mul3A_82, %dma_wait3A_86] : memref<2x163840x80xf32, #tpu.memory_space<hbm>> -> memref<1x128x80xf32, #tpu.memory_space<hbm>>
      %dma_wait3A_88 = tpu.memref_squeeze %dma_wait3A_87 : memref<1x128x80xf32, #tpu.memory_space<hbm>> -> memref<128x80xf32, #tpu.memory_space<hbm>>
      tpu.wait_dma2 semaphore(%arg10 : memref<!tpu.dma_semaphore, #tpu.memory_space<semaphore_mem>>) src(%dma_wait3A_88 : memref<128x80xf32, #tpu.memory_space<hbm>>) dst(%arg8 : memref<128x80xf32, #tpu.memory_space<vmem>>)
      "tpu.region"() ({
        %run_scoped3A = tpu.sem_alloc : memref<!tpu.dma_semaphore, #tpu.memory_space<semaphore_mem>>
        %dma_start3A_149 = arith.constant 0 : i32
        %dma_start3A_150 = arith.constant 0 : i32
        %dma_start3A_151 = tpu.memref_slice %arg13[%dma_start3A_149, %dma_start3A_150] : memref<10112x80xf32, #tpu.memory_space<vmem_shared>> -> memref<10112x80xf32, #tpu.memory_space<vmem_shared>>
        tpu.enqueue_indirect_dma source(%arg8 : memref<128x80xf32, #tpu.memory_space<vmem>>) target(%dma_start3A_151 : memref<10112x80xf32, #tpu.memory_space<vmem_shared>>) offsets(%arg6 : memref<128xi32, #tpu.memory_space<vmem>>) semaphore(%run_scoped3A : memref<!tpu.dma_semaphore, #tpu.memory_space<semaphore_mem>>) {add = true}
        %dma_wait3A_152 = arith.constant 0 : i32
        %dma_wait3A_153 = arith.constant 0 : i32
        %dma_wait3A_154 = tpu.memref_slice %arg13[%dma_wait3A_152, %dma_wait3A_153] : memref<10112x80xf32, #tpu.memory_space<vmem_shared>> -> memref<10112x80xf32, #tpu.memory_space<vmem_shared>>
        tpu.wait_indirect_dma semaphore(%run_scoped3A : memref<!tpu.dma_semaphore, #tpu.memory_space<semaphore_mem>>) src(%arg8 : memref<128x80xf32, #tpu.memory_space<vmem>>) dst(%dma_wait3A_154 : memref<10112x80xf32, #tpu.memory_space<vmem_shared>>)
        tpu.yield
      }) : () -> ()
      %add3A_89 = arith.constant 2 : i32
      %add3A_90 = arith.addi %mul3A_70, %add3A_89 : i32
      %mul3A_91 = arith.constant 16 : i32
      %mul3A_92 = arith.muli %add3A_90, %mul3A_91 : i32
      %add3A_93 = arith.addi %arg1, %mul3A_92 : i32
      %mul3A_94 = arith.constant 128 : i32
      %mul3A_95 = arith.muli %add3A_93, %mul3A_94 : i32
      %dma_start3A_96 = tpu.memref_slice %arg3[%mul3A_95] : memref<163840xi32, #tpu.memory_space<hbm>> -> memref<128xi32, #tpu.memory_space<hbm>>
      %dma_start3A_97 = tpu.memref_slice %arg3[%mul3A_95] : memref<163840xi32, #tpu.memory_space<hbm>> -> memref<128xi32, #tpu.memory_space<hbm>>
      tpu.enqueue_dma source(%dma_start3A_97 : memref<128xi32, #tpu.memory_space<hbm>>) target(%arg6 : memref<128xi32, #tpu.memory_space<vmem>>) target_semaphore(%arg10 : memref<!tpu.dma_semaphore, #tpu.memory_space<semaphore_mem>>)
      %mul3A_98 = arith.constant 16 : i32
      %mul3A_99 = arith.muli %add3A_90, %mul3A_98 : i32
      %add3A_100 = arith.addi %arg1, %mul3A_99 : i32
      %mul3A_101 = arith.constant 128 : i32
      %mul3A_102 = arith.muli %add3A_100, %mul3A_101 : i32
      %dma_start3A_103 = arith.constant 0 : i32
      %dma_start3A_104 = tpu.memref_slice %arg2[%arg0, %mul3A_102, %dma_start3A_103] : memref<2x163840x80xf32, #tpu.memory_space<hbm>> -> memref<1x128x80xf32, #tpu.memory_space<hbm>>
      %dma_start3A_105 = tpu.memref_squeeze %dma_start3A_104 : memref<1x128x80xf32, #tpu.memory_space<hbm>> -> memref<128x80xf32, #tpu.memory_space<hbm>>
      %dma_start3A_106 = arith.constant 0 : i32
      %dma_start3A_107 = tpu.memref_slice %arg2[%arg0, %mul3A_102, %dma_start3A_106] : memref<2x163840x80xf32, #tpu.memory_space<hbm>> -> memref<1x128x80xf32, #tpu.memory_space<hbm>>
      %dma_start3A_108 = tpu.memref_squeeze %dma_start3A_107 : memref<1x128x80xf32, #tpu.memory_space<hbm>> -> memref<128x80xf32, #tpu.memory_space<hbm>>
      tpu.enqueue_dma source(%dma_start3A_108 : memref<128x80xf32, #tpu.memory_space<hbm>>) target(%arg8 : memref<128x80xf32, #tpu.memory_space<vmem>>) target_semaphore(%arg10 : memref<!tpu.dma_semaphore, #tpu.memory_space<semaphore_mem>>)
      %add3A_109 = arith.constant 1 : i32
      %add3A_110 = arith.addi %mul3A_70, %add3A_109 : i32
      %mul3A_111 = arith.constant 16 : i32
      %mul3A_112 = arith.muli %add3A_110, %mul3A_111 : i32
      %add3A_113 = arith.addi %arg1, %mul3A_112 : i32
      %mul3A_114 = arith.constant 128 : i32
      %mul3A_115 = arith.muli %add3A_113, %mul3A_114 : i32
      %dma_wait3A_116 = tpu.memref_slice %arg3[%mul3A_115] : memref<163840xi32, #tpu.memory_space<hbm>> -> memref<128xi32, #tpu.memory_space<hbm>>
      %dma_wait3A_117 = tpu.memref_slice %arg3[%mul3A_115] : memref<163840xi32, #tpu.memory_space<hbm>> -> memref<128xi32, #tpu.memory_space<hbm>>
      tpu.wait_dma2 semaphore(%arg11 : memref<!tpu.dma_semaphore, #tpu.memory_space<semaphore_mem>>) src(%dma_wait3A_117 : memref<128xi32, #tpu.memory_space<hbm>>) dst(%arg7 : memref<128xi32, #tpu.memory_space<vmem>>)
      %mul3A_118 = arith.constant 16 : i32
      %mul3A_119 = arith.muli %add3A_110, %mul3A_118 : i32
      %add3A_120 = arith.addi %arg1, %mul3A_119 : i32
      %mul3A_121 = arith.constant 128 : i32
      %mul3A_122 = arith.muli %add3A_120, %mul3A_121 : i32
      %dma_wait3A_123 = arith.constant 0 : i32
      %dma_wait3A_124 = tpu.memref_slice %arg2[%arg0, %mul3A_122, %dma_wait3A_123] : memref<2x163840x80xf32, #tpu.memory_space<hbm>> -> memref<1x128x80xf32, #tpu.memory_space<hbm>>
      %dma_wait3A_125 = tpu.memref_squeeze %dma_wait3A_124 : memref<1x128x80xf32, #tpu.memory_space<hbm>> -> memref<128x80xf32, #tpu.memory_space<hbm>>
      %dma_wait3A_126 = arith.constant 0 : i32
      %dma_wait3A_127 = tpu.memref_slice %arg2[%arg0, %mul3A_122, %dma_wait3A_126] : memref<2x163840x80xf32, #tpu.memory_space<hbm>> -> memref<1x128x80xf32, #tpu.memory_space<hbm>>
      %dma_wait3A_128 = tpu.memref_squeeze %dma_wait3A_127 : memref<1x128x80xf32, #tpu.memory_space<hbm>> -> memref<128x80xf32, #tpu.memory_space<hbm>>
      tpu.wait_dma2 semaphore(%arg11 : memref<!tpu.dma_semaphore, #tpu.memory_space<semaphore_mem>>) src(%dma_wait3A_128 : memref<128x80xf32, #tpu.memory_space<hbm>>) dst(%arg9 : memref<128x80xf32, #tpu.memory_space<vmem>>)
      "tpu.region"() ({
        %run_scoped3A = tpu.sem_alloc : memref<!tpu.dma_semaphore, #tpu.memory_space<semaphore_mem>>
        %dma_start3A_149 = arith.constant 0 : i32
        %dma_start3A_150 = arith.constant 0 : i32
        %dma_start3A_151 = tpu.memref_slice %arg13[%dma_start3A_149, %dma_start3A_150] : memref<10112x80xf32, #tpu.memory_space<vmem_shared>> -> memref<10112x80xf32, #tpu.memory_space<vmem_shared>>
        tpu.enqueue_indirect_dma source(%arg9 : memref<128x80xf32, #tpu.memory_space<vmem>>) target(%dma_start3A_151 : memref<10112x80xf32, #tpu.memory_space<vmem_shared>>) offsets(%arg7 : memref<128xi32, #tpu.memory_space<vmem>>) semaphore(%run_scoped3A : memref<!tpu.dma_semaphore, #tpu.memory_space<semaphore_mem>>) {add = true}
        %dma_wait3A_152 = arith.constant 0 : i32
        %dma_wait3A_153 = arith.constant 0 : i32
        %dma_wait3A_154 = tpu.memref_slice %arg13[%dma_wait3A_152, %dma_wait3A_153] : memref<10112x80xf32, #tpu.memory_space<vmem_shared>> -> memref<10112x80xf32, #tpu.memory_space<vmem_shared>>
        tpu.wait_indirect_dma semaphore(%run_scoped3A : memref<!tpu.dma_semaphore, #tpu.memory_space<semaphore_mem>>) src(%arg9 : memref<128x80xf32, #tpu.memory_space<vmem>>) dst(%dma_wait3A_154 : memref<10112x80xf32, #tpu.memory_space<vmem_shared>>)
        tpu.yield
      }) : () -> ()
      %add3A_129 = arith.constant 3 : i32
      %add3A_130 = arith.addi %mul3A_70, %add3A_129 : i32
      %mul3A_131 = arith.constant 16 : i32
      %mul3A_132 = arith.muli %add3A_130, %mul3A_131 : i32
      %add3A_133 = arith.addi %arg1, %mul3A_132 : i32
      %mul3A_134 = arith.constant 128 : i32
      %mul3A_135 = arith.muli %add3A_133, %mul3A_134 : i32
      %dma_start3A_136 = tpu.memref_slice %arg3[%mul3A_135] : memref<163840xi32, #tpu.memory_space<hbm>> -> memref<128xi32, #tpu.memory_space<hbm>>
      %dma_start3A_137 = tpu.memref_slice %arg3[%mul3A_135] : memref<163840xi32, #tpu.memory_space<hbm>> -> memref<128xi32, #tpu.memory_space<hbm>>
      tpu.enqueue_dma source(%dma_start3A_137 : memref<128xi32, #tpu.memory_space<hbm>>) target(%arg7 : memref<128xi32, #tpu.memory_space<vmem>>) target_semaphore(%arg11 : memref<!tpu.dma_semaphore, #tpu.memory_space<semaphore_mem>>)
      %mul3A_138 = arith.constant 16 : i32
      %mul3A_139 = arith.muli %add3A_130, %mul3A_138 : i32
      %add3A_140 = arith.addi %arg1, %mul3A_139 : i32
      %mul3A_141 = arith.constant 128 : i32
      %mul3A_142 = arith.muli %add3A_140, %mul3A_141 : i32
      %dma_start3A_143 = arith.constant 0 : i32
      %dma_start3A_144 = tpu.memref_slice %arg2[%arg0, %mul3A_142, %dma_start3A_143] : memref<2x163840x80xf32, #tpu.memory_space<hbm>> -> memref<1x128x80xf32, #tpu.memory_space<hbm>>
      %dma_start3A_145 = tpu.memref_squeeze %dma_start3A_144 : memref<1x128x80xf32, #tpu.memory_space<hbm>> -> memref<128x80xf32, #tpu.memory_space<hbm>>
      %dma_start3A_146 = arith.constant 0 : i32
      %dma_start3A_147 = tpu.memref_slice %arg2[%arg0, %mul3A_142, %dma_start3A_146] : memref<2x163840x80xf32, #tpu.memory_space<hbm>> -> memref<1x128x80xf32, #tpu.memory_space<hbm>>
      %dma_start3A_148 = tpu.memref_squeeze %dma_start3A_147 : memref<1x128x80xf32, #tpu.memory_space<hbm>> -> memref<128x80xf32, #tpu.memory_space<hbm>>
      tpu.enqueue_dma source(%dma_start3A_148 : memref<128x80xf32, #tpu.memory_space<hbm>>) target(%arg9 : memref<128x80xf32, #tpu.memory_space<vmem>>) target_semaphore(%arg11 : memref<!tpu.dma_semaphore, #tpu.memory_space<semaphore_mem>>)
    }
    %scan3A_35 = arith.constant 39 : i32
    %add3A_36 = arith.constant 1248 : i32
    %add3A_37 = arith.addi %arg1, %add3A_36 : i32
    %mul3A_38 = arith.constant 128 : i32
    %mul3A_39 = arith.muli %add3A_37, %mul3A_38 : i32
    %dma_wait3A = tpu.memref_slice %arg3[%mul3A_39] : memref<163840xi32, #tpu.memory_space<hbm>> -> memref<128xi32, #tpu.memory_space<hbm>>
    %dma_wait3A_40 = tpu.memref_slice %arg3[%mul3A_39] : memref<163840xi32, #tpu.memory_space<hbm>> -> memref<128xi32, #tpu.memory_space<hbm>>
    tpu.wait_dma2 semaphore(%arg10 : memref<!tpu.dma_semaphore, #tpu.memory_space<semaphore_mem>>) src(%dma_wait3A_40 : memref<128xi32, #tpu.memory_space<hbm>>) dst(%arg6 : memref<128xi32, #tpu.memory_space<vmem>>)
    %add3A_41 = arith.constant 1248 : i32
    %add3A_42 = arith.addi %arg1, %add3A_41 : i32
    %mul3A_43 = arith.constant 128 : i32
    %mul3A_44 = arith.muli %add3A_42, %mul3A_43 : i32
    %dma_wait3A_45 = arith.constant 0 : i32
    %dma_wait3A_46 = tpu.memref_slice %arg2[%arg0, %mul3A_44, %dma_wait3A_45] : memref<2x163840x80xf32, #tpu.memory_space<hbm>> -> memref<1x128x80xf32, #tpu.memory_space<hbm>>
    %dma_wait3A_47 = tpu.memref_squeeze %dma_wait3A_46 : memref<1x128x80xf32, #tpu.memory_space<hbm>> -> memref<128x80xf32, #tpu.memory_space<hbm>>
    %dma_wait3A_48 = arith.constant 0 : i32
    %dma_wait3A_49 = tpu.memref_slice %arg2[%arg0, %mul3A_44, %dma_wait3A_48] : memref<2x163840x80xf32, #tpu.memory_space<hbm>> -> memref<1x128x80xf32, #tpu.memory_space<hbm>>
    %dma_wait3A_50 = tpu.memref_squeeze %dma_wait3A_49 : memref<1x128x80xf32, #tpu.memory_space<hbm>> -> memref<128x80xf32, #tpu.memory_space<hbm>>
    tpu.wait_dma2 semaphore(%arg10 : memref<!tpu.dma_semaphore, #tpu.memory_space<semaphore_mem>>) src(%dma_wait3A_50 : memref<128x80xf32, #tpu.memory_space<hbm>>) dst(%arg8 : memref<128x80xf32, #tpu.memory_space<vmem>>)
    "tpu.region"() ({
      %run_scoped3A = tpu.sem_alloc : memref<!tpu.dma_semaphore, #tpu.memory_space<semaphore_mem>>
      %dma_start3A_68 = arith.constant 0 : i32
      %dma_start3A_69 = arith.constant 0 : i32
      %dma_start3A_70 = tpu.memref_slice %arg13[%dma_start3A_68, %dma_start3A_69] : memref<10112x80xf32, #tpu.memory_space<vmem_shared>> -> memref<10112x80xf32, #tpu.memory_space<vmem_shared>>
      tpu.enqueue_indirect_dma source(%arg8 : memref<128x80xf32, #tpu.memory_space<vmem>>) target(%dma_start3A_70 : memref<10112x80xf32, #tpu.memory_space<vmem_shared>>) offsets(%arg6 : memref<128xi32, #tpu.memory_space<vmem>>) semaphore(%run_scoped3A : memref<!tpu.dma_semaphore, #tpu.memory_space<semaphore_mem>>) {add = true}
      %dma_wait3A_71 = arith.constant 0 : i32
      %dma_wait3A_72 = arith.constant 0 : i32
      %dma_wait3A_73 = tpu.memref_slice %arg13[%dma_wait3A_71, %dma_wait3A_72] : memref<10112x80xf32, #tpu.memory_space<vmem_shared>> -> memref<10112x80xf32, #tpu.memory_space<vmem_shared>>
      tpu.wait_indirect_dma semaphore(%run_scoped3A : memref<!tpu.dma_semaphore, #tpu.memory_space<semaphore_mem>>) src(%arg8 : memref<128x80xf32, #tpu.memory_space<vmem>>) dst(%dma_wait3A_73 : memref<10112x80xf32, #tpu.memory_space<vmem_shared>>)
      tpu.yield
    }) : () -> ()
    %add3A_51 = arith.constant 1264 : i32
    %add3A_52 = arith.addi %arg1, %add3A_51 : i32
    %mul3A_53 = arith.constant 128 : i32
    %mul3A_54 = arith.muli %add3A_52, %mul3A_53 : i32
    %dma_wait3A_55 = tpu.memref_slice %arg3[%mul3A_54] : memref<163840xi32, #tpu.memory_space<hbm>> -> memref<128xi32, #tpu.memory_space<hbm>>
    %dma_wait3A_56 = tpu.memref_slice %arg3[%mul3A_54] : memref<163840xi32, #tpu.memory_space<hbm>> -> memref<128xi32, #tpu.memory_space<hbm>>
    tpu.wait_dma2 semaphore(%arg11 : memref<!tpu.dma_semaphore, #tpu.memory_space<semaphore_mem>>) src(%dma_wait3A_56 : memref<128xi32, #tpu.memory_space<hbm>>) dst(%arg7 : memref<128xi32, #tpu.memory_space<vmem>>)
    %add3A_57 = arith.constant 1264 : i32
    %add3A_58 = arith.addi %arg1, %add3A_57 : i32
    %mul3A_59 = arith.constant 128 : i32
    %mul3A_60 = arith.muli %add3A_58, %mul3A_59 : i32
    %dma_wait3A_61 = arith.constant 0 : i32
    %dma_wait3A_62 = tpu.memref_slice %arg2[%arg0, %mul3A_60, %dma_wait3A_61] : memref<2x163840x80xf32, #tpu.memory_space<hbm>> -> memref<1x128x80xf32, #tpu.memory_space<hbm>>
    %dma_wait3A_63 = tpu.memref_squeeze %dma_wait3A_62 : memref<1x128x80xf32, #tpu.memory_space<hbm>> -> memref<128x80xf32, #tpu.memory_space<hbm>>
    %dma_wait3A_64 = arith.constant 0 : i32
    %dma_wait3A_65 = tpu.memref_slice %arg2[%arg0, %mul3A_60, %dma_wait3A_64] : memref<2x163840x80xf32, #tpu.memory_space<hbm>> -> memref<1x128x80xf32, #tpu.memory_space<hbm>>
    %dma_wait3A_66 = tpu.memref_squeeze %dma_wait3A_65 : memref<1x128x80xf32, #tpu.memory_space<hbm>> -> memref<128x80xf32, #tpu.memory_space<hbm>>
    tpu.wait_dma2 semaphore(%arg11 : memref<!tpu.dma_semaphore, #tpu.memory_space<semaphore_mem>>) src(%dma_wait3A_66 : memref<128x80xf32, #tpu.memory_space<hbm>>) dst(%arg9 : memref<128x80xf32, #tpu.memory_space<vmem>>)
    "tpu.region"() ({
      %run_scoped3A = tpu.sem_alloc : memref<!tpu.dma_semaphore, #tpu.memory_space<semaphore_mem>>
      %dma_start3A_68 = arith.constant 0 : i32
      %dma_start3A_69 = arith.constant 0 : i32
      %dma_start3A_70 = tpu.memref_slice %arg13[%dma_start3A_68, %dma_start3A_69] : memref<10112x80xf32, #tpu.memory_space<vmem_shared>> -> memref<10112x80xf32, #tpu.memory_space<vmem_shared>>
      tpu.enqueue_indirect_dma source(%arg9 : memref<128x80xf32, #tpu.memory_space<vmem>>) target(%dma_start3A_70 : memref<10112x80xf32, #tpu.memory_space<vmem_shared>>) offsets(%arg7 : memref<128xi32, #tpu.memory_space<vmem>>) semaphore(%run_scoped3A : memref<!tpu.dma_semaphore, #tpu.memory_space<semaphore_mem>>) {add = true}
      %dma_wait3A_71 = arith.constant 0 : i32
      %dma_wait3A_72 = arith.constant 0 : i32
      %dma_wait3A_73 = tpu.memref_slice %arg13[%dma_wait3A_71, %dma_wait3A_72] : memref<10112x80xf32, #tpu.memory_space<vmem_shared>> -> memref<10112x80xf32, #tpu.memory_space<vmem_shared>>
      tpu.wait_indirect_dma semaphore(%run_scoped3A : memref<!tpu.dma_semaphore, #tpu.memory_space<semaphore_mem>>) src(%arg9 : memref<128x80xf32, #tpu.memory_space<vmem>>) dst(%dma_wait3A_73 : memref<10112x80xf32, #tpu.memory_space<vmem_shared>>)
      tpu.yield
    }) : () -> ()
    %barrier3A_67 = arith.constant 0 : index
    tpu.barrier barrier_id(%barrier3A_67)
    "tpu.region"() ({
      %run_scoped3A = tpu.sem_alloc : memref<!tpu.dma_semaphore, #tpu.memory_space<semaphore_mem>>
      %dma_start3A_68 = arith.constant 0 : i32
      %dma_start3A_69 = tpu.memref_slice %arg13[%mul3A_0, %dma_start3A_68] : memref<10112x80xf32, #tpu.memory_space<vmem_shared>> -> memref<632x80xf32, #tpu.memory_space<vmem_shared>>
      %dma_start3A_70 = arith.constant 0 : i32
      %dma_start3A_71 = tpu.memref_slice %arg13[%mul3A_0, %dma_start3A_70] : memref<10112x80xf32, #tpu.memory_space<vmem_shared>> -> memref<632x80xf32, #tpu.memory_space<vmem_shared>>
      tpu.enqueue_dma source(%dma_start3A_71 : memref<632x80xf32, #tpu.memory_space<vmem_shared>>) target(%arg12 : memref<632x80xf32, #tpu.memory_space<vmem>>) target_semaphore(%run_scoped3A : memref<!tpu.dma_semaphore, #tpu.memory_space<semaphore_mem>>)
      %dma_wait3A_72 = arith.constant 0 : i32
      %dma_wait3A_73 = tpu.memref_slice %arg13[%mul3A_0, %dma_wait3A_72] : memref<10112x80xf32, #tpu.memory_space<vmem_shared>> -> memref<632x80xf32, #tpu.memory_space<vmem_shared>>
      %dma_wait3A_74 = arith.constant 0 : i32
      %dma_wait3A_75 = tpu.memref_slice %arg13[%mul3A_0, %dma_wait3A_74] : memref<10112x80xf32, #tpu.memory_space<vmem_shared>> -> memref<632x80xf32, #tpu.memory_space<vmem_shared>>
      tpu.wait_dma2 semaphore(%run_scoped3A : memref<!tpu.dma_semaphore, #tpu.memory_space<semaphore_mem>>) src(%dma_wait3A_75 : memref<632x80xf32, #tpu.memory_space<vmem_shared>>) dst(%arg12 : memref<632x80xf32, #tpu.memory_space<vmem>>)
      tpu.yield
    }) : () -> ()
    "tpu.region"() ({
      %run_scoped3A = tpu.sem_alloc : memref<!tpu.dma_semaphore, #tpu.memory_space<semaphore_mem>>
      %dma_start3A_68 = arith.constant 0 : i32
      %dma_start3A_69 = tpu.memref_slice %arg5[%arg0, %mul3A_0, %dma_start3A_68] : memref<2x10112x80xf32, #tpu.memory_space<hbm>> -> memref<1x632x80xf32, #tpu.memory_space<hbm>>
      %dma_start3A_70 = tpu.memref_squeeze %dma_start3A_69 : memref<1x632x80xf32, #tpu.memory_space<hbm>> -> memref<632x80xf32, #tpu.memory_space<hbm>>
      %dma_start3A_71 = arith.constant 0 : i32
      %dma_start3A_72 = tpu.memref_slice %arg5[%arg0, %mul3A_0, %dma_start3A_71] : memref<2x10112x80xf32, #tpu.memory_space<hbm>> -> memref<1x632x80xf32, #tpu.memory_space<hbm>>
      %dma_start3A_73 = tpu.memref_squeeze %dma_start3A_72 : memref<1x632x80xf32, #tpu.memory_space<hbm>> -> memref<632x80xf32, #tpu.memory_space<hbm>>
      tpu.enqueue_dma source(%arg12 : memref<632x80xf32, #tpu.memory_space<vmem>>) target(%dma_start3A_73 : memref<632x80xf32, #tpu.memory_space<hbm>>) target_semaphore(%run_scoped3A : memref<!tpu.dma_semaphore, #tpu.memory_space<semaphore_mem>>)
      %dma_wait3A_74 = arith.constant 0 : i32
      %dma_wait3A_75 = tpu.memref_slice %arg5[%arg0, %mul3A_0, %dma_wait3A_74] : memref<2x10112x80xf32, #tpu.memory_space<hbm>> -> memref<1x632x80xf32, #tpu.memory_space<hbm>>
      %dma_wait3A_76 = tpu.memref_squeeze %dma_wait3A_75 : memref<1x632x80xf32, #tpu.memory_space<hbm>> -> memref<632x80xf32, #tpu.memory_space<hbm>>
      %dma_wait3A_77 = arith.constant 0 : i32
      %dma_wait3A_78 = tpu.memref_slice %arg5[%arg0, %mul3A_0, %dma_wait3A_77] : memref<2x10112x80xf32, #tpu.memory_space<hbm>> -> memref<1x632x80xf32, #tpu.memory_space<hbm>>
      %dma_wait3A_79 = tpu.memref_squeeze %dma_wait3A_78 : memref<1x632x80xf32, #tpu.memory_space<hbm>> -> memref<632x80xf32, #tpu.memory_space<hbm>>
      tpu.wait_dma2 semaphore(%run_scoped3A : memref<!tpu.dma_semaphore, #tpu.memory_space<semaphore_mem>>) src(%arg12 : memref<632x80xf32, #tpu.memory_space<vmem>>) dst(%dma_wait3A_79 : memref<632x80xf32, #tpu.memory_space<hbm>>)
      tpu.yield
    }) : () -> ()
    return
  }
}

#map = affine_map<(d0, d1) -> (0, 0)>
#map1 = affine_map<(d0, d1) -> (0)>
module attributes {stable_mosaic.version = 14 : i64} {
  func.func @k(%arg0: i32, %arg1: i32, %arg2: memref<10000x128xf32, #tpu.memory_space<hbm>>, %arg3: memref<10000x128xf32, #tpu.memory_space<hbm>>, %arg4: memref<160000xi32, #tpu.memory_space<hbm>>, %arg5: memref<160000xi32, #tpu.memory_space<hbm>>, %arg6: memref<160000x128xf32, #tpu.memory_space<hbm>>, %arg7: memref<160000x128xf32, #tpu.memory_space<hbm>>, %arg8: memref<128xi32, #tpu.memory_space<vmem>>, %arg9: memref<128xi32, #tpu.memory_space<vmem>>, %arg10: memref<128xi32, #tpu.memory_space<vmem>>, %arg11: memref<128xi32, #tpu.memory_space<vmem>>, %arg12: memref<128x128xf32, #tpu.memory_space<vmem>>, %arg13: memref<128x128xf32, #tpu.memory_space<vmem>>, %arg14: memref<128x128xf32, #tpu.memory_space<vmem>>, %arg15: memref<128x128xf32, #tpu.memory_space<vmem>>, %arg16: memref<!tpu.dma_semaphore, #tpu.memory_space<semaphore_mem>>, %arg17: memref<!tpu.dma_semaphore, #tpu.memory_space<semaphore_mem>>, %arg18: memref<!tpu.dma_semaphore, #tpu.memory_space<semaphore_mem>>, %arg19: memref<!tpu.dma_semaphore, #tpu.memory_space<semaphore_mem>>) attributes {dimension_semantics = [#tpu.dimension_semantics<core_parallel>, #tpu.dimension_semantics<subcore_parallel>], iteration_bounds = array<i64: 2, 16>, scalar_prefetch = 0 : i64, scratch_operands = 12 : i64, tpu.core_type = #tpu.core_type<sc_vector_subcore>, window_params = [{transform_indices = #map}, {transform_indices = #map}, {transform_indices = #map1}, {transform_indices = #map1}, {transform_indices = #map}, {transform_indices = #map}]} {
    %mul3A = arith.constant 2 : i32
    %mul3A_0 = arith.muli %arg1, %mul3A : i32
    %add3A = arith.addi %mul3A_0, %arg0 : i32
    %sub3A = arith.constant 1250 : i32
    %sub3A_1 = arith.subi %sub3A, %add3A : i32
    %add3A_2 = arith.constant 32 : i32
    %add3A_3 = arith.addi %sub3A_1, %add3A_2 : i32
    %sub3A_4 = arith.constant 1 : i32
    %sub3A_5 = arith.subi %add3A_3, %sub3A_4 : i32
    %jit3A = arith.constant 32 : i32
    %div3A = arith.divsi %sub3A_5, %jit3A : i32
    %sign3A = arith.constant 0 : i32
    %sign3A_6 = arith.cmpi sgt, %sub3A_5, %sign3A : i32
    %sign3A_7 = arith.extui %sign3A_6 : i1 to i32
    %sign3A_8 = arith.constant 0 : i32
    %sign3A_9 = arith.cmpi slt, %sub3A_5, %sign3A_8 : i32
    %sign3A_10 = arith.extui %sign3A_9 : i1 to i32
    %sign3A_11 = arith.subi %sign3A_7, %sign3A_10 : i32
    %sign3A_12 = arith.constant 0 : i32
    %sign3A_13 = arith.cmpi sgt, %jit3A, %sign3A_12 : i32
    %sign3A_14 = arith.extui %sign3A_13 : i1 to i32
    %sign3A_15 = arith.constant 0 : i32
    %sign3A_16 = arith.cmpi slt, %jit3A, %sign3A_15 : i32
    %sign3A_17 = arith.extui %sign3A_16 : i1 to i32
    %sign3A_18 = arith.subi %sign3A_14, %sign3A_17 : i32
    %ne3A = arith.cmpi ne, %sign3A_11, %sign3A_18 : i32
    %rem3A = arith.remsi %sub3A_5, %jit3A : i32
    %ne3A_19 = arith.constant 0 : i32
    %ne3A_20 = arith.cmpi ne, %rem3A, %ne3A_19 : i32
    %and3A = arith.andi %ne3A, %ne3A_20 : i1
    %sub3A_21 = arith.constant 1 : i32
    %sub3A_22 = arith.subi %div3A, %sub3A_21 : i32
    %select_n3A = arith.select %and3A, %sub3A_22, %div3A : i32
    %sub3A_23 = arith.constant 1 : i32
    %sub3A_24 = arith.subi %select_n3A, %sub3A_23 : i32
    %min3A = arith.constant 0 : i32
    %min3A_25 = arith.minsi %min3A, %sub3A_24 : i32
    %mul3A_26 = arith.constant 32 : i32
    %mul3A_27 = arith.muli %min3A_25, %mul3A_26 : i32
    %add3A_28 = arith.addi %add3A, %mul3A_27 : i32
    %mul3A_29 = arith.constant 128 : i32
    %mul3A_30 = arith.muli %add3A_28, %mul3A_29 : i32
    "tpu.region"() ({
      %run_scoped3A = tpu.sem_alloc : memref<!tpu.dma_semaphore, #tpu.memory_space<semaphore_mem>>
      %dma_start3A_189 = tpu.memref_slice %arg4[%mul3A_30] : memref<160000xi32, #tpu.memory_space<hbm>> -> memref<128xi32, #tpu.memory_space<hbm>>
      %dma_start3A_190 = tpu.memref_slice %arg4[%mul3A_30] : memref<160000xi32, #tpu.memory_space<hbm>> -> memref<128xi32, #tpu.memory_space<hbm>>
      tpu.enqueue_dma source(%dma_start3A_190 : memref<128xi32, #tpu.memory_space<hbm>>) target(%arg8 : memref<128xi32, #tpu.memory_space<vmem>>) target_semaphore(%run_scoped3A : memref<!tpu.dma_semaphore, #tpu.memory_space<semaphore_mem>>)
      %dma_wait3A_191 = tpu.memref_slice %arg4[%mul3A_30] : memref<160000xi32, #tpu.memory_space<hbm>> -> memref<128xi32, #tpu.memory_space<hbm>>
      %dma_wait3A_192 = tpu.memref_slice %arg4[%mul3A_30] : memref<160000xi32, #tpu.memory_space<hbm>> -> memref<128xi32, #tpu.memory_space<hbm>>
      tpu.wait_dma2 semaphore(%run_scoped3A : memref<!tpu.dma_semaphore, #tpu.memory_space<semaphore_mem>>) src(%dma_wait3A_192 : memref<128xi32, #tpu.memory_space<hbm>>) dst(%arg8 : memref<128xi32, #tpu.memory_space<vmem>>)
      tpu.yield
    }) : () -> ()
    %sub3A_31 = arith.constant 1 : i32
    %sub3A_32 = arith.subi %select_n3A, %sub3A_31 : i32
    %min3A_33 = arith.constant 0 : i32
    %min3A_34 = arith.minsi %min3A_33, %sub3A_32 : i32
    %mul3A_35 = arith.constant 32 : i32
    %mul3A_36 = arith.muli %min3A_34, %mul3A_35 : i32
    %add3A_37 = arith.addi %add3A, %mul3A_36 : i32
    %mul3A_38 = arith.constant 128 : i32
    %mul3A_39 = arith.muli %add3A_37, %mul3A_38 : i32
    "tpu.region"() ({
      %run_scoped3A = tpu.sem_alloc : memref<!tpu.dma_semaphore, #tpu.memory_space<semaphore_mem>>
      %dma_start3A_189 = tpu.memref_slice %arg5[%mul3A_39] : memref<160000xi32, #tpu.memory_space<hbm>> -> memref<128xi32, #tpu.memory_space<hbm>>
      %dma_start3A_190 = tpu.memref_slice %arg5[%mul3A_39] : memref<160000xi32, #tpu.memory_space<hbm>> -> memref<128xi32, #tpu.memory_space<hbm>>
      tpu.enqueue_dma source(%dma_start3A_190 : memref<128xi32, #tpu.memory_space<hbm>>) target(%arg10 : memref<128xi32, #tpu.memory_space<vmem>>) target_semaphore(%run_scoped3A : memref<!tpu.dma_semaphore, #tpu.memory_space<semaphore_mem>>)
      %dma_wait3A_191 = tpu.memref_slice %arg5[%mul3A_39] : memref<160000xi32, #tpu.memory_space<hbm>> -> memref<128xi32, #tpu.memory_space<hbm>>
      %dma_wait3A_192 = tpu.memref_slice %arg5[%mul3A_39] : memref<160000xi32, #tpu.memory_space<hbm>> -> memref<128xi32, #tpu.memory_space<hbm>>
      tpu.wait_dma2 semaphore(%run_scoped3A : memref<!tpu.dma_semaphore, #tpu.memory_space<semaphore_mem>>) src(%dma_wait3A_192 : memref<128xi32, #tpu.memory_space<hbm>>) dst(%arg10 : memref<128xi32, #tpu.memory_space<vmem>>)
      tpu.yield
    }) : () -> ()
    %dma_start3A = arith.constant 0 : i32
    %dma_start3A_40 = arith.constant 0 : i32
    %dma_start3A_41 = tpu.memref_slice %arg2[%dma_start3A, %dma_start3A_40] : memref<10000x128xf32, #tpu.memory_space<hbm>> -> memref<10000x128xf32, #tpu.memory_space<hbm>>
    tpu.enqueue_indirect_dma source(%dma_start3A_41 : memref<10000x128xf32, #tpu.memory_space<hbm>>) target(%arg12 : memref<128x128xf32, #tpu.memory_space<vmem>>) offsets(%arg8 : memref<128xi32, #tpu.memory_space<vmem>>) semaphore(%arg16 : memref<!tpu.dma_semaphore, #tpu.memory_space<semaphore_mem>>)
    %dma_start3A_42 = arith.constant 0 : i32
    %dma_start3A_43 = arith.constant 0 : i32
    %dma_start3A_44 = tpu.memref_slice %arg3[%dma_start3A_42, %dma_start3A_43] : memref<10000x128xf32, #tpu.memory_space<hbm>> -> memref<10000x128xf32, #tpu.memory_space<hbm>>
    tpu.enqueue_indirect_dma source(%dma_start3A_44 : memref<10000x128xf32, #tpu.memory_space<hbm>>) target(%arg14 : memref<128x128xf32, #tpu.memory_space<vmem>>) offsets(%arg10 : memref<128xi32, #tpu.memory_space<vmem>>) semaphore(%arg16 : memref<!tpu.dma_semaphore, #tpu.memory_space<semaphore_mem>>)
    %sub3A_45 = arith.constant 1 : i32
    %sub3A_46 = arith.subi %select_n3A, %sub3A_45 : i32
    %min3A_47 = arith.constant 1 : i32
    %min3A_48 = arith.minsi %min3A_47, %sub3A_46 : i32
    %mul3A_49 = arith.constant 32 : i32
    %mul3A_50 = arith.muli %min3A_48, %mul3A_49 : i32
    %add3A_51 = arith.addi %add3A, %mul3A_50 : i32
    %mul3A_52 = arith.constant 128 : i32
    %mul3A_53 = arith.muli %add3A_51, %mul3A_52 : i32
    "tpu.region"() ({
      %run_scoped3A = tpu.sem_alloc : memref<!tpu.dma_semaphore, #tpu.memory_space<semaphore_mem>>
      %dma_start3A_189 = tpu.memref_slice %arg4[%mul3A_53] : memref<160000xi32, #tpu.memory_space<hbm>> -> memref<128xi32, #tpu.memory_space<hbm>>
      %dma_start3A_190 = tpu.memref_slice %arg4[%mul3A_53] : memref<160000xi32, #tpu.memory_space<hbm>> -> memref<128xi32, #tpu.memory_space<hbm>>
      tpu.enqueue_dma source(%dma_start3A_190 : memref<128xi32, #tpu.memory_space<hbm>>) target(%arg9 : memref<128xi32, #tpu.memory_space<vmem>>) target_semaphore(%run_scoped3A : memref<!tpu.dma_semaphore, #tpu.memory_space<semaphore_mem>>)
      %dma_wait3A_191 = tpu.memref_slice %arg4[%mul3A_53] : memref<160000xi32, #tpu.memory_space<hbm>> -> memref<128xi32, #tpu.memory_space<hbm>>
      %dma_wait3A_192 = tpu.memref_slice %arg4[%mul3A_53] : memref<160000xi32, #tpu.memory_space<hbm>> -> memref<128xi32, #tpu.memory_space<hbm>>
      tpu.wait_dma2 semaphore(%run_scoped3A : memref<!tpu.dma_semaphore, #tpu.memory_space<semaphore_mem>>) src(%dma_wait3A_192 : memref<128xi32, #tpu.memory_space<hbm>>) dst(%arg9 : memref<128xi32, #tpu.memory_space<vmem>>)
      tpu.yield
    }) : () -> ()
    %sub3A_54 = arith.constant 1 : i32
    %sub3A_55 = arith.subi %select_n3A, %sub3A_54 : i32
    %min3A_56 = arith.constant 1 : i32
    %min3A_57 = arith.minsi %min3A_56, %sub3A_55 : i32
    %mul3A_58 = arith.constant 32 : i32
    %mul3A_59 = arith.muli %min3A_57, %mul3A_58 : i32
    %add3A_60 = arith.addi %add3A, %mul3A_59 : i32
    %mul3A_61 = arith.constant 128 : i32
    %mul3A_62 = arith.muli %add3A_60, %mul3A_61 : i32
    "tpu.region"() ({
      %run_scoped3A = tpu.sem_alloc : memref<!tpu.dma_semaphore, #tpu.memory_space<semaphore_mem>>
      %dma_start3A_189 = tpu.memref_slice %arg5[%mul3A_62] : memref<160000xi32, #tpu.memory_space<hbm>> -> memref<128xi32, #tpu.memory_space<hbm>>
      %dma_start3A_190 = tpu.memref_slice %arg5[%mul3A_62] : memref<160000xi32, #tpu.memory_space<hbm>> -> memref<128xi32, #tpu.memory_space<hbm>>
      tpu.enqueue_dma source(%dma_start3A_190 : memref<128xi32, #tpu.memory_space<hbm>>) target(%arg11 : memref<128xi32, #tpu.memory_space<vmem>>) target_semaphore(%run_scoped3A : memref<!tpu.dma_semaphore, #tpu.memory_space<semaphore_mem>>)
      %dma_wait3A_191 = tpu.memref_slice %arg5[%mul3A_62] : memref<160000xi32, #tpu.memory_space<hbm>> -> memref<128xi32, #tpu.memory_space<hbm>>
      %dma_wait3A_192 = tpu.memref_slice %arg5[%mul3A_62] : memref<160000xi32, #tpu.memory_space<hbm>> -> memref<128xi32, #tpu.memory_space<hbm>>
      tpu.wait_dma2 semaphore(%run_scoped3A : memref<!tpu.dma_semaphore, #tpu.memory_space<semaphore_mem>>) src(%dma_wait3A_192 : memref<128xi32, #tpu.memory_space<hbm>>) dst(%arg11 : memref<128xi32, #tpu.memory_space<vmem>>)
      tpu.yield
    }) : () -> ()
    %dma_start3A_63 = arith.constant 0 : i32
    %dma_start3A_64 = arith.constant 0 : i32
    %dma_start3A_65 = tpu.memref_slice %arg2[%dma_start3A_63, %dma_start3A_64] : memref<10000x128xf32, #tpu.memory_space<hbm>> -> memref<10000x128xf32, #tpu.memory_space<hbm>>
    tpu.enqueue_indirect_dma source(%dma_start3A_65 : memref<10000x128xf32, #tpu.memory_space<hbm>>) target(%arg13 : memref<128x128xf32, #tpu.memory_space<vmem>>) offsets(%arg9 : memref<128xi32, #tpu.memory_space<vmem>>) semaphore(%arg17 : memref<!tpu.dma_semaphore, #tpu.memory_space<semaphore_mem>>)
    %dma_start3A_66 = arith.constant 0 : i32
    %dma_start3A_67 = arith.constant 0 : i32
    %dma_start3A_68 = tpu.memref_slice %arg3[%dma_start3A_66, %dma_start3A_67] : memref<10000x128xf32, #tpu.memory_space<hbm>> -> memref<10000x128xf32, #tpu.memory_space<hbm>>
    tpu.enqueue_indirect_dma source(%dma_start3A_68 : memref<10000x128xf32, #tpu.memory_space<hbm>>) target(%arg15 : memref<128x128xf32, #tpu.memory_space<vmem>>) offsets(%arg11 : memref<128xi32, #tpu.memory_space<vmem>>) semaphore(%arg17 : memref<!tpu.dma_semaphore, #tpu.memory_space<semaphore_mem>>)
    %scan3A = arith.constant 0 : i32
    %scan3A_69 = arith.constant 0 : i32
    %scan3A_70 = arith.constant 19 : i32
    %scan3A_71 = arith.addi %scan3A_69, %scan3A_70 : i32
    %scan3A_72 = arith.constant 1 : i32
    scf.for %scan3A_189 = %scan3A_69 to %scan3A_71 step %scan3A_72  : i32 {
      %mul3A_190 = arith.constant 2 : i32
      %mul3A_191 = arith.muli %mul3A_190, %scan3A_189 : i32
      %dma_wait3A_192 = arith.constant 0 : i32
      %dma_wait3A_193 = arith.constant 0 : i32
      %dma_wait3A_194 = tpu.memref_slice %arg2[%dma_wait3A_192, %dma_wait3A_193] : memref<10000x128xf32, #tpu.memory_space<hbm>> -> memref<10000x128xf32, #tpu.memory_space<hbm>>
      tpu.wait_indirect_dma semaphore(%arg16 : memref<!tpu.dma_semaphore, #tpu.memory_space<semaphore_mem>>) src(%dma_wait3A_194 : memref<10000x128xf32, #tpu.memory_space<hbm>>) dst(%arg12 : memref<128x128xf32, #tpu.memory_space<vmem>>)
      %dma_wait3A_195 = arith.constant 0 : i32
      %dma_wait3A_196 = arith.constant 0 : i32
      %dma_wait3A_197 = tpu.memref_slice %arg3[%dma_wait3A_195, %dma_wait3A_196] : memref<10000x128xf32, #tpu.memory_space<hbm>> -> memref<10000x128xf32, #tpu.memory_space<hbm>>
      tpu.wait_indirect_dma semaphore(%arg16 : memref<!tpu.dma_semaphore, #tpu.memory_space<semaphore_mem>>) src(%dma_wait3A_197 : memref<10000x128xf32, #tpu.memory_space<hbm>>) dst(%arg14 : memref<128x128xf32, #tpu.memory_space<vmem>>)
      %sub3A_198 = arith.constant 1 : i32
      %sub3A_199 = arith.subi %select_n3A, %sub3A_198 : i32
      %min3A_200 = arith.minsi %mul3A_191, %sub3A_199 : i32
      %mul3A_201 = arith.constant 32 : i32
      %mul3A_202 = arith.muli %min3A_200, %mul3A_201 : i32
      %add3A_203 = arith.addi %add3A, %mul3A_202 : i32
      %mul3A_204 = arith.constant 128 : i32
      %mul3A_205 = arith.muli %add3A_203, %mul3A_204 : i32
      %dma_start3A_206 = arith.constant 0 : i32
      %dma_start3A_207 = tpu.memref_slice %arg6[%mul3A_205, %dma_start3A_206] : memref<160000x128xf32, #tpu.memory_space<hbm>> -> memref<128x128xf32, #tpu.memory_space<hbm>>
      %dma_start3A_208 = arith.constant 0 : i32
      %dma_start3A_209 = tpu.memref_slice %arg6[%mul3A_205, %dma_start3A_208] : memref<160000x128xf32, #tpu.memory_space<hbm>> -> memref<128x128xf32, #tpu.memory_space<hbm>>
      tpu.enqueue_dma source(%arg12 : memref<128x128xf32, #tpu.memory_space<vmem>>) target(%dma_start3A_209 : memref<128x128xf32, #tpu.memory_space<hbm>>) target_semaphore(%arg18 : memref<!tpu.dma_semaphore, #tpu.memory_space<semaphore_mem>>)
      %sub3A_210 = arith.constant 1 : i32
      %sub3A_211 = arith.subi %select_n3A, %sub3A_210 : i32
      %min3A_212 = arith.minsi %mul3A_191, %sub3A_211 : i32
      %mul3A_213 = arith.constant 32 : i32
      %mul3A_214 = arith.muli %min3A_212, %mul3A_213 : i32
      %add3A_215 = arith.addi %add3A, %mul3A_214 : i32
      %mul3A_216 = arith.constant 128 : i32
      %mul3A_217 = arith.muli %add3A_215, %mul3A_216 : i32
      %dma_start3A_218 = arith.constant 0 : i32
      %dma_start3A_219 = tpu.memref_slice %arg7[%mul3A_217, %dma_start3A_218] : memref<160000x128xf32, #tpu.memory_space<hbm>> -> memref<128x128xf32, #tpu.memory_space<hbm>>
      %dma_start3A_220 = arith.constant 0 : i32
      %dma_start3A_221 = tpu.memref_slice %arg7[%mul3A_217, %dma_start3A_220] : memref<160000x128xf32, #tpu.memory_space<hbm>> -> memref<128x128xf32, #tpu.memory_space<hbm>>
      tpu.enqueue_dma source(%arg14 : memref<128x128xf32, #tpu.memory_space<vmem>>) target(%dma_start3A_221 : memref<128x128xf32, #tpu.memory_space<hbm>>) target_semaphore(%arg18 : memref<!tpu.dma_semaphore, #tpu.memory_space<semaphore_mem>>)
      %dma_wait3A_222 = arith.constant 0 : i32
      %dma_wait3A_223 = arith.constant 0 : i32
      %dma_wait3A_224 = tpu.memref_slice %arg2[%dma_wait3A_222, %dma_wait3A_223] : memref<10000x128xf32, #tpu.memory_space<hbm>> -> memref<10000x128xf32, #tpu.memory_space<hbm>>
      tpu.wait_indirect_dma semaphore(%arg17 : memref<!tpu.dma_semaphore, #tpu.memory_space<semaphore_mem>>) src(%dma_wait3A_224 : memref<10000x128xf32, #tpu.memory_space<hbm>>) dst(%arg13 : memref<128x128xf32, #tpu.memory_space<vmem>>)
      %dma_wait3A_225 = arith.constant 0 : i32
      %dma_wait3A_226 = arith.constant 0 : i32
      %dma_wait3A_227 = tpu.memref_slice %arg3[%dma_wait3A_225, %dma_wait3A_226] : memref<10000x128xf32, #tpu.memory_space<hbm>> -> memref<10000x128xf32, #tpu.memory_space<hbm>>
      tpu.wait_indirect_dma semaphore(%arg17 : memref<!tpu.dma_semaphore, #tpu.memory_space<semaphore_mem>>) src(%dma_wait3A_227 : memref<10000x128xf32, #tpu.memory_space<hbm>>) dst(%arg15 : memref<128x128xf32, #tpu.memory_space<vmem>>)
      %add3A_228 = arith.constant 1 : i32
      %add3A_229 = arith.addi %mul3A_191, %add3A_228 : i32
      %sub3A_230 = arith.constant 1 : i32
      %sub3A_231 = arith.subi %select_n3A, %sub3A_230 : i32
      %min3A_232 = arith.minsi %add3A_229, %sub3A_231 : i32
      %mul3A_233 = arith.constant 32 : i32
      %mul3A_234 = arith.muli %min3A_232, %mul3A_233 : i32
      %add3A_235 = arith.addi %add3A, %mul3A_234 : i32
      %mul3A_236 = arith.constant 128 : i32
      %mul3A_237 = arith.muli %add3A_235, %mul3A_236 : i32
      %dma_start3A_238 = arith.constant 0 : i32
      %dma_start3A_239 = tpu.memref_slice %arg6[%mul3A_237, %dma_start3A_238] : memref<160000x128xf32, #tpu.memory_space<hbm>> -> memref<128x128xf32, #tpu.memory_space<hbm>>
      %dma_start3A_240 = arith.constant 0 : i32
      %dma_start3A_241 = tpu.memref_slice %arg6[%mul3A_237, %dma_start3A_240] : memref<160000x128xf32, #tpu.memory_space<hbm>> -> memref<128x128xf32, #tpu.memory_space<hbm>>
      tpu.enqueue_dma source(%arg13 : memref<128x128xf32, #tpu.memory_space<vmem>>) target(%dma_start3A_241 : memref<128x128xf32, #tpu.memory_space<hbm>>) target_semaphore(%arg19 : memref<!tpu.dma_semaphore, #tpu.memory_space<semaphore_mem>>)
      %sub3A_242 = arith.constant 1 : i32
      %sub3A_243 = arith.subi %select_n3A, %sub3A_242 : i32
      %min3A_244 = arith.minsi %add3A_229, %sub3A_243 : i32
      %mul3A_245 = arith.constant 32 : i32
      %mul3A_246 = arith.muli %min3A_244, %mul3A_245 : i32
      %add3A_247 = arith.addi %add3A, %mul3A_246 : i32
      %mul3A_248 = arith.constant 128 : i32
      %mul3A_249 = arith.muli %add3A_247, %mul3A_248 : i32
      %dma_start3A_250 = arith.constant 0 : i32
      %dma_start3A_251 = tpu.memref_slice %arg7[%mul3A_249, %dma_start3A_250] : memref<160000x128xf32, #tpu.memory_space<hbm>> -> memref<128x128xf32, #tpu.memory_space<hbm>>
      %dma_start3A_252 = arith.constant 0 : i32
      %dma_start3A_253 = tpu.memref_slice %arg7[%mul3A_249, %dma_start3A_252] : memref<160000x128xf32, #tpu.memory_space<hbm>> -> memref<128x128xf32, #tpu.memory_space<hbm>>
      tpu.enqueue_dma source(%arg15 : memref<128x128xf32, #tpu.memory_space<vmem>>) target(%dma_start3A_253 : memref<128x128xf32, #tpu.memory_space<hbm>>) target_semaphore(%arg19 : memref<!tpu.dma_semaphore, #tpu.memory_space<semaphore_mem>>)
      %add3A_254 = arith.constant 2 : i32
      %add3A_255 = arith.addi %mul3A_191, %add3A_254 : i32
      %sub3A_256 = arith.constant 1 : i32
      %sub3A_257 = arith.subi %select_n3A, %sub3A_256 : i32
      %min3A_258 = arith.minsi %add3A_255, %sub3A_257 : i32
      %mul3A_259 = arith.constant 32 : i32
      %mul3A_260 = arith.muli %min3A_258, %mul3A_259 : i32
      %add3A_261 = arith.addi %add3A, %mul3A_260 : i32
      %mul3A_262 = arith.constant 128 : i32
      %mul3A_263 = arith.muli %add3A_261, %mul3A_262 : i32
      "tpu.region"() ({
        %run_scoped3A = tpu.sem_alloc : memref<!tpu.dma_semaphore, #tpu.memory_space<semaphore_mem>>
        %dma_start3A_352 = tpu.memref_slice %arg4[%mul3A_263] : memref<160000xi32, #tpu.memory_space<hbm>> -> memref<128xi32, #tpu.memory_space<hbm>>
        %dma_start3A_353 = tpu.memref_slice %arg4[%mul3A_263] : memref<160000xi32, #tpu.memory_space<hbm>> -> memref<128xi32, #tpu.memory_space<hbm>>
        tpu.enqueue_dma source(%dma_start3A_353 : memref<128xi32, #tpu.memory_space<hbm>>) target(%arg8 : memref<128xi32, #tpu.memory_space<vmem>>) target_semaphore(%run_scoped3A : memref<!tpu.dma_semaphore, #tpu.memory_space<semaphore_mem>>)
        %dma_wait3A_354 = tpu.memref_slice %arg4[%mul3A_263] : memref<160000xi32, #tpu.memory_space<hbm>> -> memref<128xi32, #tpu.memory_space<hbm>>
        %dma_wait3A_355 = tpu.memref_slice %arg4[%mul3A_263] : memref<160000xi32, #tpu.memory_space<hbm>> -> memref<128xi32, #tpu.memory_space<hbm>>
        tpu.wait_dma2 semaphore(%run_scoped3A : memref<!tpu.dma_semaphore, #tpu.memory_space<semaphore_mem>>) src(%dma_wait3A_355 : memref<128xi32, #tpu.memory_space<hbm>>) dst(%arg8 : memref<128xi32, #tpu.memory_space<vmem>>)
        tpu.yield
      }) : () -> ()
      %sub3A_264 = arith.constant 1 : i32
      %sub3A_265 = arith.subi %select_n3A, %sub3A_264 : i32
      %min3A_266 = arith.minsi %add3A_255, %sub3A_265 : i32
      %mul3A_267 = arith.constant 32 : i32
      %mul3A_268 = arith.muli %min3A_266, %mul3A_267 : i32
      %add3A_269 = arith.addi %add3A, %mul3A_268 : i32
      %mul3A_270 = arith.constant 128 : i32
      %mul3A_271 = arith.muli %add3A_269, %mul3A_270 : i32
      "tpu.region"() ({
        %run_scoped3A = tpu.sem_alloc : memref<!tpu.dma_semaphore, #tpu.memory_space<semaphore_mem>>
        %dma_start3A_352 = tpu.memref_slice %arg5[%mul3A_271] : memref<160000xi32, #tpu.memory_space<hbm>> -> memref<128xi32, #tpu.memory_space<hbm>>
        %dma_start3A_353 = tpu.memref_slice %arg5[%mul3A_271] : memref<160000xi32, #tpu.memory_space<hbm>> -> memref<128xi32, #tpu.memory_space<hbm>>
        tpu.enqueue_dma source(%dma_start3A_353 : memref<128xi32, #tpu.memory_space<hbm>>) target(%arg10 : memref<128xi32, #tpu.memory_space<vmem>>) target_semaphore(%run_scoped3A : memref<!tpu.dma_semaphore, #tpu.memory_space<semaphore_mem>>)
        %dma_wait3A_354 = tpu.memref_slice %arg5[%mul3A_271] : memref<160000xi32, #tpu.memory_space<hbm>> -> memref<128xi32, #tpu.memory_space<hbm>>
        %dma_wait3A_355 = tpu.memref_slice %arg5[%mul3A_271] : memref<160000xi32, #tpu.memory_space<hbm>> -> memref<128xi32, #tpu.memory_space<hbm>>
        tpu.wait_dma2 semaphore(%run_scoped3A : memref<!tpu.dma_semaphore, #tpu.memory_space<semaphore_mem>>) src(%dma_wait3A_355 : memref<128xi32, #tpu.memory_space<hbm>>) dst(%arg10 : memref<128xi32, #tpu.memory_space<vmem>>)
        tpu.yield
      }) : () -> ()
      %sub3A_272 = arith.constant 1 : i32
      %sub3A_273 = arith.subi %select_n3A, %sub3A_272 : i32
      %min3A_274 = arith.minsi %mul3A_191, %sub3A_273 : i32
      %mul3A_275 = arith.constant 32 : i32
      %mul3A_276 = arith.muli %min3A_274, %mul3A_275 : i32
      %add3A_277 = arith.addi %add3A, %mul3A_276 : i32
      %mul3A_278 = arith.constant 128 : i32
      %mul3A_279 = arith.muli %add3A_277, %mul3A_278 : i32
      %dma_wait3A_280 = arith.constant 0 : i32
      %dma_wait3A_281 = tpu.memref_slice %arg6[%mul3A_279, %dma_wait3A_280] : memref<160000x128xf32, #tpu.memory_space<hbm>> -> memref<128x128xf32, #tpu.memory_space<hbm>>
      %dma_wait3A_282 = arith.constant 0 : i32
      %dma_wait3A_283 = tpu.memref_slice %arg6[%mul3A_279, %dma_wait3A_282] : memref<160000x128xf32, #tpu.memory_space<hbm>> -> memref<128x128xf32, #tpu.memory_space<hbm>>
      tpu.wait_dma2 semaphore(%arg18 : memref<!tpu.dma_semaphore, #tpu.memory_space<semaphore_mem>>) src(%arg12 : memref<128x128xf32, #tpu.memory_space<vmem>>) dst(%dma_wait3A_283 : memref<128x128xf32, #tpu.memory_space<hbm>>)
      %sub3A_284 = arith.constant 1 : i32
      %sub3A_285 = arith.subi %select_n3A, %sub3A_284 : i32
      %min3A_286 = arith.minsi %mul3A_191, %sub3A_285 : i32
      %mul3A_287 = arith.constant 32 : i32
      %mul3A_288 = arith.muli %min3A_286, %mul3A_287 : i32
      %add3A_289 = arith.addi %add3A, %mul3A_288 : i32
      %mul3A_290 = arith.constant 128 : i32
      %mul3A_291 = arith.muli %add3A_289, %mul3A_290 : i32
      %dma_wait3A_292 = arith.constant 0 : i32
      %dma_wait3A_293 = tpu.memref_slice %arg7[%mul3A_291, %dma_wait3A_292] : memref<160000x128xf32, #tpu.memory_space<hbm>> -> memref<128x128xf32, #tpu.memory_space<hbm>>
      %dma_wait3A_294 = arith.constant 0 : i32
      %dma_wait3A_295 = tpu.memref_slice %arg7[%mul3A_291, %dma_wait3A_294] : memref<160000x128xf32, #tpu.memory_space<hbm>> -> memref<128x128xf32, #tpu.memory_space<hbm>>
      tpu.wait_dma2 semaphore(%arg18 : memref<!tpu.dma_semaphore, #tpu.memory_space<semaphore_mem>>) src(%arg14 : memref<128x128xf32, #tpu.memory_space<vmem>>) dst(%dma_wait3A_295 : memref<128x128xf32, #tpu.memory_space<hbm>>)
      %dma_start3A_296 = arith.constant 0 : i32
      %dma_start3A_297 = arith.constant 0 : i32
      %dma_start3A_298 = tpu.memref_slice %arg2[%dma_start3A_296, %dma_start3A_297] : memref<10000x128xf32, #tpu.memory_space<hbm>> -> memref<10000x128xf32, #tpu.memory_space<hbm>>
      tpu.enqueue_indirect_dma source(%dma_start3A_298 : memref<10000x128xf32, #tpu.memory_space<hbm>>) target(%arg12 : memref<128x128xf32, #tpu.memory_space<vmem>>) offsets(%arg8 : memref<128xi32, #tpu.memory_space<vmem>>) semaphore(%arg16 : memref<!tpu.dma_semaphore, #tpu.memory_space<semaphore_mem>>)
      %dma_start3A_299 = arith.constant 0 : i32
      %dma_start3A_300 = arith.constant 0 : i32
      %dma_start3A_301 = tpu.memref_slice %arg3[%dma_start3A_299, %dma_start3A_300] : memref<10000x128xf32, #tpu.memory_space<hbm>> -> memref<10000x128xf32, #tpu.memory_space<hbm>>
      tpu.enqueue_indirect_dma source(%dma_start3A_301 : memref<10000x128xf32, #tpu.memory_space<hbm>>) target(%arg14 : memref<128x128xf32, #tpu.memory_space<vmem>>) offsets(%arg10 : memref<128xi32, #tpu.memory_space<vmem>>) semaphore(%arg16 : memref<!tpu.dma_semaphore, #tpu.memory_space<semaphore_mem>>)
      %add3A_302 = arith.constant 3 : i32
      %add3A_303 = arith.addi %mul3A_191, %add3A_302 : i32
      %sub3A_304 = arith.constant 1 : i32
      %sub3A_305 = arith.subi %select_n3A, %sub3A_304 : i32
      %min3A_306 = arith.minsi %add3A_303, %sub3A_305 : i32
      %mul3A_307 = arith.constant 32 : i32
      %mul3A_308 = arith.muli %min3A_306, %mul3A_307 : i32
      %add3A_309 = arith.addi %add3A, %mul3A_308 : i32
      %mul3A_310 = arith.constant 128 : i32
      %mul3A_311 = arith.muli %add3A_309, %mul3A_310 : i32
      "tpu.region"() ({
        %run_scoped3A = tpu.sem_alloc : memref<!tpu.dma_semaphore, #tpu.memory_space<semaphore_mem>>
        %dma_start3A_352 = tpu.memref_slice %arg4[%mul3A_311] : memref<160000xi32, #tpu.memory_space<hbm>> -> memref<128xi32, #tpu.memory_space<hbm>>
        %dma_start3A_353 = tpu.memref_slice %arg4[%mul3A_311] : memref<160000xi32, #tpu.memory_space<hbm>> -> memref<128xi32, #tpu.memory_space<hbm>>
        tpu.enqueue_dma source(%dma_start3A_353 : memref<128xi32, #tpu.memory_space<hbm>>) target(%arg9 : memref<128xi32, #tpu.memory_space<vmem>>) target_semaphore(%run_scoped3A : memref<!tpu.dma_semaphore, #tpu.memory_space<semaphore_mem>>)
        %dma_wait3A_354 = tpu.memref_slice %arg4[%mul3A_311] : memref<160000xi32, #tpu.memory_space<hbm>> -> memref<128xi32, #tpu.memory_space<hbm>>
        %dma_wait3A_355 = tpu.memref_slice %arg4[%mul3A_311] : memref<160000xi32, #tpu.memory_space<hbm>> -> memref<128xi32, #tpu.memory_space<hbm>>
        tpu.wait_dma2 semaphore(%run_scoped3A : memref<!tpu.dma_semaphore, #tpu.memory_space<semaphore_mem>>) src(%dma_wait3A_355 : memref<128xi32, #tpu.memory_space<hbm>>) dst(%arg9 : memref<128xi32, #tpu.memory_space<vmem>>)
        tpu.yield
      }) : () -> ()
      %sub3A_312 = arith.constant 1 : i32
      %sub3A_313 = arith.subi %select_n3A, %sub3A_312 : i32
      %min3A_314 = arith.minsi %add3A_303, %sub3A_313 : i32
      %mul3A_315 = arith.constant 32 : i32
      %mul3A_316 = arith.muli %min3A_314, %mul3A_315 : i32
      %add3A_317 = arith.addi %add3A, %mul3A_316 : i32
      %mul3A_318 = arith.constant 128 : i32
      %mul3A_319 = arith.muli %add3A_317, %mul3A_318 : i32
      "tpu.region"() ({
        %run_scoped3A = tpu.sem_alloc : memref<!tpu.dma_semaphore, #tpu.memory_space<semaphore_mem>>
        %dma_start3A_352 = tpu.memref_slice %arg5[%mul3A_319] : memref<160000xi32, #tpu.memory_space<hbm>> -> memref<128xi32, #tpu.memory_space<hbm>>
        %dma_start3A_353 = tpu.memref_slice %arg5[%mul3A_319] : memref<160000xi32, #tpu.memory_space<hbm>> -> memref<128xi32, #tpu.memory_space<hbm>>
        tpu.enqueue_dma source(%dma_start3A_353 : memref<128xi32, #tpu.memory_space<hbm>>) target(%arg11 : memref<128xi32, #tpu.memory_space<vmem>>) target_semaphore(%run_scoped3A : memref<!tpu.dma_semaphore, #tpu.memory_space<semaphore_mem>>)
        %dma_wait3A_354 = tpu.memref_slice %arg5[%mul3A_319] : memref<160000xi32, #tpu.memory_space<hbm>> -> memref<128xi32, #tpu.memory_space<hbm>>
        %dma_wait3A_355 = tpu.memref_slice %arg5[%mul3A_319] : memref<160000xi32, #tpu.memory_space<hbm>> -> memref<128xi32, #tpu.memory_space<hbm>>
        tpu.wait_dma2 semaphore(%run_scoped3A : memref<!tpu.dma_semaphore, #tpu.memory_space<semaphore_mem>>) src(%dma_wait3A_355 : memref<128xi32, #tpu.memory_space<hbm>>) dst(%arg11 : memref<128xi32, #tpu.memory_space<vmem>>)
        tpu.yield
      }) : () -> ()
      %add3A_320 = arith.constant 1 : i32
      %add3A_321 = arith.addi %mul3A_191, %add3A_320 : i32
      %sub3A_322 = arith.constant 1 : i32
      %sub3A_323 = arith.subi %select_n3A, %sub3A_322 : i32
      %min3A_324 = arith.minsi %add3A_321, %sub3A_323 : i32
      %mul3A_325 = arith.constant 32 : i32
      %mul3A_326 = arith.muli %min3A_324, %mul3A_325 : i32
      %add3A_327 = arith.addi %add3A, %mul3A_326 : i32
      %mul3A_328 = arith.constant 128 : i32
      %mul3A_329 = arith.muli %add3A_327, %mul3A_328 : i32
      %dma_wait3A_330 = arith.constant 0 : i32
      %dma_wait3A_331 = tpu.memref_slice %arg6[%mul3A_329, %dma_wait3A_330] : memref<160000x128xf32, #tpu.memory_space<hbm>> -> memref<128x128xf32, #tpu.memory_space<hbm>>
      %dma_wait3A_332 = arith.constant 0 : i32
      %dma_wait3A_333 = tpu.memref_slice %arg6[%mul3A_329, %dma_wait3A_332] : memref<160000x128xf32, #tpu.memory_space<hbm>> -> memref<128x128xf32, #tpu.memory_space<hbm>>
      tpu.wait_dma2 semaphore(%arg19 : memref<!tpu.dma_semaphore, #tpu.memory_space<semaphore_mem>>) src(%arg13 : memref<128x128xf32, #tpu.memory_space<vmem>>) dst(%dma_wait3A_333 : memref<128x128xf32, #tpu.memory_space<hbm>>)
      %sub3A_334 = arith.constant 1 : i32
      %sub3A_335 = arith.subi %select_n3A, %sub3A_334 : i32
      %min3A_336 = arith.minsi %add3A_321, %sub3A_335 : i32
      %mul3A_337 = arith.constant 32 : i32
      %mul3A_338 = arith.muli %min3A_336, %mul3A_337 : i32
      %add3A_339 = arith.addi %add3A, %mul3A_338 : i32
      %mul3A_340 = arith.constant 128 : i32
      %mul3A_341 = arith.muli %add3A_339, %mul3A_340 : i32
      %dma_wait3A_342 = arith.constant 0 : i32
      %dma_wait3A_343 = tpu.memref_slice %arg7[%mul3A_341, %dma_wait3A_342] : memref<160000x128xf32, #tpu.memory_space<hbm>> -> memref<128x128xf32, #tpu.memory_space<hbm>>
      %dma_wait3A_344 = arith.constant 0 : i32
      %dma_wait3A_345 = tpu.memref_slice %arg7[%mul3A_341, %dma_wait3A_344] : memref<160000x128xf32, #tpu.memory_space<hbm>> -> memref<128x128xf32, #tpu.memory_space<hbm>>
      tpu.wait_dma2 semaphore(%arg19 : memref<!tpu.dma_semaphore, #tpu.memory_space<semaphore_mem>>) src(%arg15 : memref<128x128xf32, #tpu.memory_space<vmem>>) dst(%dma_wait3A_345 : memref<128x128xf32, #tpu.memory_space<hbm>>)
      %dma_start3A_346 = arith.constant 0 : i32
      %dma_start3A_347 = arith.constant 0 : i32
      %dma_start3A_348 = tpu.memref_slice %arg2[%dma_start3A_346, %dma_start3A_347] : memref<10000x128xf32, #tpu.memory_space<hbm>> -> memref<10000x128xf32, #tpu.memory_space<hbm>>
      tpu.enqueue_indirect_dma source(%dma_start3A_348 : memref<10000x128xf32, #tpu.memory_space<hbm>>) target(%arg13 : memref<128x128xf32, #tpu.memory_space<vmem>>) offsets(%arg9 : memref<128xi32, #tpu.memory_space<vmem>>) semaphore(%arg17 : memref<!tpu.dma_semaphore, #tpu.memory_space<semaphore_mem>>)
      %dma_start3A_349 = arith.constant 0 : i32
      %dma_start3A_350 = arith.constant 0 : i32
      %dma_start3A_351 = tpu.memref_slice %arg3[%dma_start3A_349, %dma_start3A_350] : memref<10000x128xf32, #tpu.memory_space<hbm>> -> memref<10000x128xf32, #tpu.memory_space<hbm>>
      tpu.enqueue_indirect_dma source(%dma_start3A_351 : memref<10000x128xf32, #tpu.memory_space<hbm>>) target(%arg15 : memref<128x128xf32, #tpu.memory_space<vmem>>) offsets(%arg11 : memref<128xi32, #tpu.memory_space<vmem>>) semaphore(%arg17 : memref<!tpu.dma_semaphore, #tpu.memory_space<semaphore_mem>>)
    }
    %scan3A_73 = arith.constant 19 : i32
    %dma_wait3A = arith.constant 0 : i32
    %dma_wait3A_74 = arith.constant 0 : i32
    %dma_wait3A_75 = tpu.memref_slice %arg2[%dma_wait3A, %dma_wait3A_74] : memref<10000x128xf32, #tpu.memory_space<hbm>> -> memref<10000x128xf32, #tpu.memory_space<hbm>>
    tpu.wait_indirect_dma semaphore(%arg16 : memref<!tpu.dma_semaphore, #tpu.memory_space<semaphore_mem>>) src(%dma_wait3A_75 : memref<10000x128xf32, #tpu.memory_space<hbm>>) dst(%arg12 : memref<128x128xf32, #tpu.memory_space<vmem>>)
    %dma_wait3A_76 = arith.constant 0 : i32
    %dma_wait3A_77 = arith.constant 0 : i32
    %dma_wait3A_78 = tpu.memref_slice %arg3[%dma_wait3A_76, %dma_wait3A_77] : memref<10000x128xf32, #tpu.memory_space<hbm>> -> memref<10000x128xf32, #tpu.memory_space<hbm>>
    tpu.wait_indirect_dma semaphore(%arg16 : memref<!tpu.dma_semaphore, #tpu.memory_space<semaphore_mem>>) src(%dma_wait3A_78 : memref<10000x128xf32, #tpu.memory_space<hbm>>) dst(%arg14 : memref<128x128xf32, #tpu.memory_space<vmem>>)
    %sub3A_79 = arith.constant 1 : i32
    %sub3A_80 = arith.subi %select_n3A, %sub3A_79 : i32
    %min3A_81 = arith.constant 38 : i32
    %min3A_82 = arith.minsi %min3A_81, %sub3A_80 : i32
    %mul3A_83 = arith.constant 32 : i32
    %mul3A_84 = arith.muli %min3A_82, %mul3A_83 : i32
    %add3A_85 = arith.addi %add3A, %mul3A_84 : i32
    %mul3A_86 = arith.constant 128 : i32
    %mul3A_87 = arith.muli %add3A_85, %mul3A_86 : i32
    %dma_start3A_88 = arith.constant 0 : i32
    %dma_start3A_89 = tpu.memref_slice %arg6[%mul3A_87, %dma_start3A_88] : memref<160000x128xf32, #tpu.memory_space<hbm>> -> memref<128x128xf32, #tpu.memory_space<hbm>>
    %dma_start3A_90 = arith.constant 0 : i32
    %dma_start3A_91 = tpu.memref_slice %arg6[%mul3A_87, %dma_start3A_90] : memref<160000x128xf32, #tpu.memory_space<hbm>> -> memref<128x128xf32, #tpu.memory_space<hbm>>
    tpu.enqueue_dma source(%arg12 : memref<128x128xf32, #tpu.memory_space<vmem>>) target(%dma_start3A_91 : memref<128x128xf32, #tpu.memory_space<hbm>>) target_semaphore(%arg18 : memref<!tpu.dma_semaphore, #tpu.memory_space<semaphore_mem>>)
    %sub3A_92 = arith.constant 1 : i32
    %sub3A_93 = arith.subi %select_n3A, %sub3A_92 : i32
    %min3A_94 = arith.constant 38 : i32
    %min3A_95 = arith.minsi %min3A_94, %sub3A_93 : i32
    %mul3A_96 = arith.constant 32 : i32
    %mul3A_97 = arith.muli %min3A_95, %mul3A_96 : i32
    %add3A_98 = arith.addi %add3A, %mul3A_97 : i32
    %mul3A_99 = arith.constant 128 : i32
    %mul3A_100 = arith.muli %add3A_98, %mul3A_99 : i32
    %dma_start3A_101 = arith.constant 0 : i32
    %dma_start3A_102 = tpu.memref_slice %arg7[%mul3A_100, %dma_start3A_101] : memref<160000x128xf32, #tpu.memory_space<hbm>> -> memref<128x128xf32, #tpu.memory_space<hbm>>
    %dma_start3A_103 = arith.constant 0 : i32
    %dma_start3A_104 = tpu.memref_slice %arg7[%mul3A_100, %dma_start3A_103] : memref<160000x128xf32, #tpu.memory_space<hbm>> -> memref<128x128xf32, #tpu.memory_space<hbm>>
    tpu.enqueue_dma source(%arg14 : memref<128x128xf32, #tpu.memory_space<vmem>>) target(%dma_start3A_104 : memref<128x128xf32, #tpu.memory_space<hbm>>) target_semaphore(%arg18 : memref<!tpu.dma_semaphore, #tpu.memory_space<semaphore_mem>>)
    %dma_wait3A_105 = arith.constant 0 : i32
    %dma_wait3A_106 = arith.constant 0 : i32
    %dma_wait3A_107 = tpu.memref_slice %arg2[%dma_wait3A_105, %dma_wait3A_106] : memref<10000x128xf32, #tpu.memory_space<hbm>> -> memref<10000x128xf32, #tpu.memory_space<hbm>>
    tpu.wait_indirect_dma semaphore(%arg17 : memref<!tpu.dma_semaphore, #tpu.memory_space<semaphore_mem>>) src(%dma_wait3A_107 : memref<10000x128xf32, #tpu.memory_space<hbm>>) dst(%arg13 : memref<128x128xf32, #tpu.memory_space<vmem>>)
    %dma_wait3A_108 = arith.constant 0 : i32
    %dma_wait3A_109 = arith.constant 0 : i32
    %dma_wait3A_110 = tpu.memref_slice %arg3[%dma_wait3A_108, %dma_wait3A_109] : memref<10000x128xf32, #tpu.memory_space<hbm>> -> memref<10000x128xf32, #tpu.memory_space<hbm>>
    tpu.wait_indirect_dma semaphore(%arg17 : memref<!tpu.dma_semaphore, #tpu.memory_space<semaphore_mem>>) src(%dma_wait3A_110 : memref<10000x128xf32, #tpu.memory_space<hbm>>) dst(%arg15 : memref<128x128xf32, #tpu.memory_space<vmem>>)
    %sub3A_111 = arith.constant 1 : i32
    %sub3A_112 = arith.subi %select_n3A, %sub3A_111 : i32
    %min3A_113 = arith.constant 39 : i32
    %min3A_114 = arith.minsi %min3A_113, %sub3A_112 : i32
    %mul3A_115 = arith.constant 32 : i32
    %mul3A_116 = arith.muli %min3A_114, %mul3A_115 : i32
    %add3A_117 = arith.addi %add3A, %mul3A_116 : i32
    %mul3A_118 = arith.constant 128 : i32
    %mul3A_119 = arith.muli %add3A_117, %mul3A_118 : i32
    %dma_start3A_120 = arith.constant 0 : i32
    %dma_start3A_121 = tpu.memref_slice %arg6[%mul3A_119, %dma_start3A_120] : memref<160000x128xf32, #tpu.memory_space<hbm>> -> memref<128x128xf32, #tpu.memory_space<hbm>>
    %dma_start3A_122 = arith.constant 0 : i32
    %dma_start3A_123 = tpu.memref_slice %arg6[%mul3A_119, %dma_start3A_122] : memref<160000x128xf32, #tpu.memory_space<hbm>> -> memref<128x128xf32, #tpu.memory_space<hbm>>
    tpu.enqueue_dma source(%arg13 : memref<128x128xf32, #tpu.memory_space<vmem>>) target(%dma_start3A_123 : memref<128x128xf32, #tpu.memory_space<hbm>>) target_semaphore(%arg19 : memref<!tpu.dma_semaphore, #tpu.memory_space<semaphore_mem>>)
    %sub3A_124 = arith.constant 1 : i32
    %sub3A_125 = arith.subi %select_n3A, %sub3A_124 : i32
    %min3A_126 = arith.constant 39 : i32
    %min3A_127 = arith.minsi %min3A_126, %sub3A_125 : i32
    %mul3A_128 = arith.constant 32 : i32
    %mul3A_129 = arith.muli %min3A_127, %mul3A_128 : i32
    %add3A_130 = arith.addi %add3A, %mul3A_129 : i32
    %mul3A_131 = arith.constant 128 : i32
    %mul3A_132 = arith.muli %add3A_130, %mul3A_131 : i32
    %dma_start3A_133 = arith.constant 0 : i32
    %dma_start3A_134 = tpu.memref_slice %arg7[%mul3A_132, %dma_start3A_133] : memref<160000x128xf32, #tpu.memory_space<hbm>> -> memref<128x128xf32, #tpu.memory_space<hbm>>
    %dma_start3A_135 = arith.constant 0 : i32
    %dma_start3A_136 = tpu.memref_slice %arg7[%mul3A_132, %dma_start3A_135] : memref<160000x128xf32, #tpu.memory_space<hbm>> -> memref<128x128xf32, #tpu.memory_space<hbm>>
    tpu.enqueue_dma source(%arg15 : memref<128x128xf32, #tpu.memory_space<vmem>>) target(%dma_start3A_136 : memref<128x128xf32, #tpu.memory_space<hbm>>) target_semaphore(%arg19 : memref<!tpu.dma_semaphore, #tpu.memory_space<semaphore_mem>>)
    %sub3A_137 = arith.constant 1 : i32
    %sub3A_138 = arith.subi %select_n3A, %sub3A_137 : i32
    %min3A_139 = arith.constant 38 : i32
    %min3A_140 = arith.minsi %min3A_139, %sub3A_138 : i32
    %mul3A_141 = arith.constant 32 : i32
    %mul3A_142 = arith.muli %min3A_140, %mul3A_141 : i32
    %add3A_143 = arith.addi %add3A, %mul3A_142 : i32
    %mul3A_144 = arith.constant 128 : i32
    %mul3A_145 = arith.muli %add3A_143, %mul3A_144 : i32
    %dma_wait3A_146 = arith.constant 0 : i32
    %dma_wait3A_147 = tpu.memref_slice %arg6[%mul3A_145, %dma_wait3A_146] : memref<160000x128xf32, #tpu.memory_space<hbm>> -> memref<128x128xf32, #tpu.memory_space<hbm>>
    %dma_wait3A_148 = arith.constant 0 : i32
    %dma_wait3A_149 = tpu.memref_slice %arg6[%mul3A_145, %dma_wait3A_148] : memref<160000x128xf32, #tpu.memory_space<hbm>> -> memref<128x128xf32, #tpu.memory_space<hbm>>
    tpu.wait_dma2 semaphore(%arg18 : memref<!tpu.dma_semaphore, #tpu.memory_space<semaphore_mem>>) src(%arg12 : memref<128x128xf32, #tpu.memory_space<vmem>>) dst(%dma_wait3A_149 : memref<128x128xf32, #tpu.memory_space<hbm>>)
    %sub3A_150 = arith.constant 1 : i32
    %sub3A_151 = arith.subi %select_n3A, %sub3A_150 : i32
    %min3A_152 = arith.constant 38 : i32
    %min3A_153 = arith.minsi %min3A_152, %sub3A_151 : i32
    %mul3A_154 = arith.constant 32 : i32
    %mul3A_155 = arith.muli %min3A_153, %mul3A_154 : i32
    %add3A_156 = arith.addi %add3A, %mul3A_155 : i32
    %mul3A_157 = arith.constant 128 : i32
    %mul3A_158 = arith.muli %add3A_156, %mul3A_157 : i32
    %dma_wait3A_159 = arith.constant 0 : i32
    %dma_wait3A_160 = tpu.memref_slice %arg7[%mul3A_158, %dma_wait3A_159] : memref<160000x128xf32, #tpu.memory_space<hbm>> -> memref<128x128xf32, #tpu.memory_space<hbm>>
    %dma_wait3A_161 = arith.constant 0 : i32
    %dma_wait3A_162 = tpu.memref_slice %arg7[%mul3A_158, %dma_wait3A_161] : memref<160000x128xf32, #tpu.memory_space<hbm>> -> memref<128x128xf32, #tpu.memory_space<hbm>>
    tpu.wait_dma2 semaphore(%arg18 : memref<!tpu.dma_semaphore, #tpu.memory_space<semaphore_mem>>) src(%arg14 : memref<128x128xf32, #tpu.memory_space<vmem>>) dst(%dma_wait3A_162 : memref<128x128xf32, #tpu.memory_space<hbm>>)
    %sub3A_163 = arith.constant 1 : i32
    %sub3A_164 = arith.subi %select_n3A, %sub3A_163 : i32
    %min3A_165 = arith.constant 39 : i32
    %min3A_166 = arith.minsi %min3A_165, %sub3A_164 : i32
    %mul3A_167 = arith.constant 32 : i32
    %mul3A_168 = arith.muli %min3A_166, %mul3A_167 : i32
    %add3A_169 = arith.addi %add3A, %mul3A_168 : i32
    %mul3A_170 = arith.constant 128 : i32
    %mul3A_171 = arith.muli %add3A_169, %mul3A_170 : i32
    %dma_wait3A_172 = arith.constant 0 : i32
    %dma_wait3A_173 = tpu.memref_slice %arg6[%mul3A_171, %dma_wait3A_172] : memref<160000x128xf32, #tpu.memory_space<hbm>> -> memref<128x128xf32, #tpu.memory_space<hbm>>
    %dma_wait3A_174 = arith.constant 0 : i32
    %dma_wait3A_175 = tpu.memref_slice %arg6[%mul3A_171, %dma_wait3A_174] : memref<160000x128xf32, #tpu.memory_space<hbm>> -> memref<128x128xf32, #tpu.memory_space<hbm>>
    tpu.wait_dma2 semaphore(%arg19 : memref<!tpu.dma_semaphore, #tpu.memory_space<semaphore_mem>>) src(%arg13 : memref<128x128xf32, #tpu.memory_space<vmem>>) dst(%dma_wait3A_175 : memref<128x128xf32, #tpu.memory_space<hbm>>)
    %sub3A_176 = arith.constant 1 : i32
    %sub3A_177 = arith.subi %select_n3A, %sub3A_176 : i32
    %min3A_178 = arith.constant 39 : i32
    %min3A_179 = arith.minsi %min3A_178, %sub3A_177 : i32
    %mul3A_180 = arith.constant 32 : i32
    %mul3A_181 = arith.muli %min3A_179, %mul3A_180 : i32
    %add3A_182 = arith.addi %add3A, %mul3A_181 : i32
    %mul3A_183 = arith.constant 128 : i32
    %mul3A_184 = arith.muli %add3A_182, %mul3A_183 : i32
    %dma_wait3A_185 = arith.constant 0 : i32
    %dma_wait3A_186 = tpu.memref_slice %arg7[%mul3A_184, %dma_wait3A_185] : memref<160000x128xf32, #tpu.memory_space<hbm>> -> memref<128x128xf32, #tpu.memory_space<hbm>>
    %dma_wait3A_187 = arith.constant 0 : i32
    %dma_wait3A_188 = tpu.memref_slice %arg7[%mul3A_184, %dma_wait3A_187] : memref<160000x128xf32, #tpu.memory_space<hbm>> -> memref<128x128xf32, #tpu.memory_space<hbm>>
    tpu.wait_dma2 semaphore(%arg19 : memref<!tpu.dma_semaphore, #tpu.memory_space<semaphore_mem>>) src(%arg15 : memref<128x128xf32, #tpu.memory_space<vmem>>) dst(%dma_wait3A_188 : memref<128x128xf32, #tpu.memory_space<hbm>>)
    return
  }
}

#map = affine_map<(d0, d1) -> (0, 0)>
#map1 = affine_map<(d0, d1) -> (0)>
module attributes {stable_mosaic.version = 14 : i64} {
  func.func @k(%arg0: i32, %arg1: i32, %arg2: memref<10000x128xf32, #tpu.memory_space<hbm>>, %arg3: memref<10000x128xf32, #tpu.memory_space<hbm>>, %arg4: memref<160000xi32, #tpu.memory_space<hbm>>, %arg5: memref<160000xi32, #tpu.memory_space<hbm>>, %arg6: memref<160000x128xf32, #tpu.memory_space<hbm>>, %arg7: memref<160000x128xf32, #tpu.memory_space<hbm>>, %arg8: memref<128xi32, #tpu.memory_space<vmem>>, %arg9: memref<128xi32, #tpu.memory_space<vmem>>, %arg10: memref<128xi32, #tpu.memory_space<vmem>>, %arg11: memref<128xi32, #tpu.memory_space<vmem>>, %arg12: memref<128x128xf32, #tpu.memory_space<vmem>>, %arg13: memref<128x128xf32, #tpu.memory_space<vmem>>, %arg14: memref<128x128xf32, #tpu.memory_space<vmem>>, %arg15: memref<128x128xf32, #tpu.memory_space<vmem>>, %arg16: memref<!tpu.dma_semaphore, #tpu.memory_space<semaphore_mem>>, %arg17: memref<!tpu.dma_semaphore, #tpu.memory_space<semaphore_mem>>, %arg18: memref<!tpu.dma_semaphore, #tpu.memory_space<semaphore_mem>>, %arg19: memref<!tpu.dma_semaphore, #tpu.memory_space<semaphore_mem>>) attributes {dimension_semantics = [#tpu.dimension_semantics<core_parallel>, #tpu.dimension_semantics<subcore_parallel>], iteration_bounds = array<i64: 2, 16>, scalar_prefetch = 0 : i64, scratch_operands = 12 : i64, tpu.core_type = #tpu.core_type<sc_vector_subcore>, window_params = [{transform_indices = #map}, {transform_indices = #map}, {transform_indices = #map1}, {transform_indices = #map1}, {transform_indices = #map}, {transform_indices = #map}]} {
    %mul3A = arith.constant 2 : i32
    %mul3A_0 = arith.muli %arg1, %mul3A : i32
    %add3A = arith.addi %mul3A_0, %arg0 : i32
    %sub3A = arith.constant 1250 : i32
    %sub3A_1 = arith.subi %sub3A, %add3A : i32
    %add3A_2 = arith.constant 32 : i32
    %add3A_3 = arith.addi %sub3A_1, %add3A_2 : i32
    %sub3A_4 = arith.constant 1 : i32
    %sub3A_5 = arith.subi %add3A_3, %sub3A_4 : i32
    %jit3A = arith.constant 32 : i32
    %div3A = arith.divsi %sub3A_5, %jit3A : i32
    %sign3A = arith.constant 0 : i32
    %sign3A_6 = arith.cmpi sgt, %sub3A_5, %sign3A : i32
    %sign3A_7 = arith.extui %sign3A_6 : i1 to i32
    %sign3A_8 = arith.constant 0 : i32
    %sign3A_9 = arith.cmpi slt, %sub3A_5, %sign3A_8 : i32
    %sign3A_10 = arith.extui %sign3A_9 : i1 to i32
    %sign3A_11 = arith.subi %sign3A_7, %sign3A_10 : i32
    %sign3A_12 = arith.constant 0 : i32
    %sign3A_13 = arith.cmpi sgt, %jit3A, %sign3A_12 : i32
    %sign3A_14 = arith.extui %sign3A_13 : i1 to i32
    %sign3A_15 = arith.constant 0 : i32
    %sign3A_16 = arith.cmpi slt, %jit3A, %sign3A_15 : i32
    %sign3A_17 = arith.extui %sign3A_16 : i1 to i32
    %sign3A_18 = arith.subi %sign3A_14, %sign3A_17 : i32
    %ne3A = arith.cmpi ne, %sign3A_11, %sign3A_18 : i32
    %rem3A = arith.remsi %sub3A_5, %jit3A : i32
    %ne3A_19 = arith.constant 0 : i32
    %ne3A_20 = arith.cmpi ne, %rem3A, %ne3A_19 : i32
    %and3A = arith.andi %ne3A, %ne3A_20 : i1
    %sub3A_21 = arith.constant 1 : i32
    %sub3A_22 = arith.subi %div3A, %sub3A_21 : i32
    %select_n3A = arith.select %and3A, %sub3A_22, %div3A : i32
    %sub3A_23 = arith.constant 1 : i32
    %sub3A_24 = arith.subi %select_n3A, %sub3A_23 : i32
    %min3A = arith.constant 0 : i32
    %min3A_25 = arith.minsi %min3A, %sub3A_24 : i32
    %mul3A_26 = arith.constant 32 : i32
    %mul3A_27 = arith.muli %min3A_25, %mul3A_26 : i32
    %add3A_28 = arith.addi %add3A, %mul3A_27 : i32
    %mul3A_29 = arith.constant 128 : i32
    %mul3A_30 = arith.muli %add3A_28, %mul3A_29 : i32
    "tpu.region"() ({
      %run_scoped3A = tpu.sem_alloc : memref<!tpu.dma_semaphore, #tpu.memory_space<semaphore_mem>>
      %dma_start3A_189 = tpu.memref_slice %arg4[%mul3A_30] : memref<160000xi32, #tpu.memory_space<hbm>> -> memref<128xi32, #tpu.memory_space<hbm>>
      %dma_start3A_190 = tpu.memref_slice %arg4[%mul3A_30] : memref<160000xi32, #tpu.memory_space<hbm>> -> memref<128xi32, #tpu.memory_space<hbm>>
      tpu.enqueue_dma source(%dma_start3A_190 : memref<128xi32, #tpu.memory_space<hbm>>) target(%arg8 : memref<128xi32, #tpu.memory_space<vmem>>) target_semaphore(%run_scoped3A : memref<!tpu.dma_semaphore, #tpu.memory_space<semaphore_mem>>)
      %dma_wait3A_191 = tpu.memref_slice %arg4[%mul3A_30] : memref<160000xi32, #tpu.memory_space<hbm>> -> memref<128xi32, #tpu.memory_space<hbm>>
      %dma_wait3A_192 = tpu.memref_slice %arg4[%mul3A_30] : memref<160000xi32, #tpu.memory_space<hbm>> -> memref<128xi32, #tpu.memory_space<hbm>>
      tpu.wait_dma2 semaphore(%run_scoped3A : memref<!tpu.dma_semaphore, #tpu.memory_space<semaphore_mem>>) src(%dma_wait3A_192 : memref<128xi32, #tpu.memory_space<hbm>>) dst(%arg8 : memref<128xi32, #tpu.memory_space<vmem>>)
      tpu.yield
    }) : () -> ()
    %sub3A_31 = arith.constant 1 : i32
    %sub3A_32 = arith.subi %select_n3A, %sub3A_31 : i32
    %min3A_33 = arith.constant 0 : i32
    %min3A_34 = arith.minsi %min3A_33, %sub3A_32 : i32
    %mul3A_35 = arith.constant 32 : i32
    %mul3A_36 = arith.muli %min3A_34, %mul3A_35 : i32
    %add3A_37 = arith.addi %add3A, %mul3A_36 : i32
    %mul3A_38 = arith.constant 128 : i32
    %mul3A_39 = arith.muli %add3A_37, %mul3A_38 : i32
    "tpu.region"() ({
      %run_scoped3A = tpu.sem_alloc : memref<!tpu.dma_semaphore, #tpu.memory_space<semaphore_mem>>
      %dma_start3A_189 = tpu.memref_slice %arg5[%mul3A_39] : memref<160000xi32, #tpu.memory_space<hbm>> -> memref<128xi32, #tpu.memory_space<hbm>>
      %dma_start3A_190 = tpu.memref_slice %arg5[%mul3A_39] : memref<160000xi32, #tpu.memory_space<hbm>> -> memref<128xi32, #tpu.memory_space<hbm>>
      tpu.enqueue_dma source(%dma_start3A_190 : memref<128xi32, #tpu.memory_space<hbm>>) target(%arg10 : memref<128xi32, #tpu.memory_space<vmem>>) target_semaphore(%run_scoped3A : memref<!tpu.dma_semaphore, #tpu.memory_space<semaphore_mem>>)
      %dma_wait3A_191 = tpu.memref_slice %arg5[%mul3A_39] : memref<160000xi32, #tpu.memory_space<hbm>> -> memref<128xi32, #tpu.memory_space<hbm>>
      %dma_wait3A_192 = tpu.memref_slice %arg5[%mul3A_39] : memref<160000xi32, #tpu.memory_space<hbm>> -> memref<128xi32, #tpu.memory_space<hbm>>
      tpu.wait_dma2 semaphore(%run_scoped3A : memref<!tpu.dma_semaphore, #tpu.memory_space<semaphore_mem>>) src(%dma_wait3A_192 : memref<128xi32, #tpu.memory_space<hbm>>) dst(%arg10 : memref<128xi32, #tpu.memory_space<vmem>>)
      tpu.yield
    }) : () -> ()
    %dma_start3A = arith.constant 0 : i32
    %dma_start3A_40 = arith.constant 0 : i32
    %dma_start3A_41 = tpu.memref_slice %arg2[%dma_start3A, %dma_start3A_40] : memref<10000x128xf32, #tpu.memory_space<hbm>> -> memref<10000x128xf32, #tpu.memory_space<hbm>>
    tpu.enqueue_indirect_dma source(%dma_start3A_41 : memref<10000x128xf32, #tpu.memory_space<hbm>>) target(%arg12 : memref<128x128xf32, #tpu.memory_space<vmem>>) offsets(%arg8 : memref<128xi32, #tpu.memory_space<vmem>>) semaphore(%arg16 : memref<!tpu.dma_semaphore, #tpu.memory_space<semaphore_mem>>)
    %dma_start3A_42 = arith.constant 0 : i32
    %dma_start3A_43 = arith.constant 0 : i32
    %dma_start3A_44 = tpu.memref_slice %arg3[%dma_start3A_42, %dma_start3A_43] : memref<10000x128xf32, #tpu.memory_space<hbm>> -> memref<10000x128xf32, #tpu.memory_space<hbm>>
    tpu.enqueue_indirect_dma source(%dma_start3A_44 : memref<10000x128xf32, #tpu.memory_space<hbm>>) target(%arg14 : memref<128x128xf32, #tpu.memory_space<vmem>>) offsets(%arg10 : memref<128xi32, #tpu.memory_space<vmem>>) semaphore(%arg16 : memref<!tpu.dma_semaphore, #tpu.memory_space<semaphore_mem>>)
    %sub3A_45 = arith.constant 1 : i32
    %sub3A_46 = arith.subi %select_n3A, %sub3A_45 : i32
    %min3A_47 = arith.constant 1 : i32
    %min3A_48 = arith.minsi %min3A_47, %sub3A_46 : i32
    %mul3A_49 = arith.constant 32 : i32
    %mul3A_50 = arith.muli %min3A_48, %mul3A_49 : i32
    %add3A_51 = arith.addi %add3A, %mul3A_50 : i32
    %mul3A_52 = arith.constant 128 : i32
    %mul3A_53 = arith.muli %add3A_51, %mul3A_52 : i32
    "tpu.region"() ({
      %run_scoped3A = tpu.sem_alloc : memref<!tpu.dma_semaphore, #tpu.memory_space<semaphore_mem>>
      %dma_start3A_189 = tpu.memref_slice %arg4[%mul3A_53] : memref<160000xi32, #tpu.memory_space<hbm>> -> memref<128xi32, #tpu.memory_space<hbm>>
      %dma_start3A_190 = tpu.memref_slice %arg4[%mul3A_53] : memref<160000xi32, #tpu.memory_space<hbm>> -> memref<128xi32, #tpu.memory_space<hbm>>
      tpu.enqueue_dma source(%dma_start3A_190 : memref<128xi32, #tpu.memory_space<hbm>>) target(%arg9 : memref<128xi32, #tpu.memory_space<vmem>>) target_semaphore(%run_scoped3A : memref<!tpu.dma_semaphore, #tpu.memory_space<semaphore_mem>>)
      %dma_wait3A_191 = tpu.memref_slice %arg4[%mul3A_53] : memref<160000xi32, #tpu.memory_space<hbm>> -> memref<128xi32, #tpu.memory_space<hbm>>
      %dma_wait3A_192 = tpu.memref_slice %arg4[%mul3A_53] : memref<160000xi32, #tpu.memory_space<hbm>> -> memref<128xi32, #tpu.memory_space<hbm>>
      tpu.wait_dma2 semaphore(%run_scoped3A : memref<!tpu.dma_semaphore, #tpu.memory_space<semaphore_mem>>) src(%dma_wait3A_192 : memref<128xi32, #tpu.memory_space<hbm>>) dst(%arg9 : memref<128xi32, #tpu.memory_space<vmem>>)
      tpu.yield
    }) : () -> ()
    %sub3A_54 = arith.constant 1 : i32
    %sub3A_55 = arith.subi %select_n3A, %sub3A_54 : i32
    %min3A_56 = arith.constant 1 : i32
    %min3A_57 = arith.minsi %min3A_56, %sub3A_55 : i32
    %mul3A_58 = arith.constant 32 : i32
    %mul3A_59 = arith.muli %min3A_57, %mul3A_58 : i32
    %add3A_60 = arith.addi %add3A, %mul3A_59 : i32
    %mul3A_61 = arith.constant 128 : i32
    %mul3A_62 = arith.muli %add3A_60, %mul3A_61 : i32
    "tpu.region"() ({
      %run_scoped3A = tpu.sem_alloc : memref<!tpu.dma_semaphore, #tpu.memory_space<semaphore_mem>>
      %dma_start3A_189 = tpu.memref_slice %arg5[%mul3A_62] : memref<160000xi32, #tpu.memory_space<hbm>> -> memref<128xi32, #tpu.memory_space<hbm>>
      %dma_start3A_190 = tpu.memref_slice %arg5[%mul3A_62] : memref<160000xi32, #tpu.memory_space<hbm>> -> memref<128xi32, #tpu.memory_space<hbm>>
      tpu.enqueue_dma source(%dma_start3A_190 : memref<128xi32, #tpu.memory_space<hbm>>) target(%arg11 : memref<128xi32, #tpu.memory_space<vmem>>) target_semaphore(%run_scoped3A : memref<!tpu.dma_semaphore, #tpu.memory_space<semaphore_mem>>)
      %dma_wait3A_191 = tpu.memref_slice %arg5[%mul3A_62] : memref<160000xi32, #tpu.memory_space<hbm>> -> memref<128xi32, #tpu.memory_space<hbm>>
      %dma_wait3A_192 = tpu.memref_slice %arg5[%mul3A_62] : memref<160000xi32, #tpu.memory_space<hbm>> -> memref<128xi32, #tpu.memory_space<hbm>>
      tpu.wait_dma2 semaphore(%run_scoped3A : memref<!tpu.dma_semaphore, #tpu.memory_space<semaphore_mem>>) src(%dma_wait3A_192 : memref<128xi32, #tpu.memory_space<hbm>>) dst(%arg11 : memref<128xi32, #tpu.memory_space<vmem>>)
      tpu.yield
    }) : () -> ()
    %dma_start3A_63 = arith.constant 0 : i32
    %dma_start3A_64 = arith.constant 0 : i32
    %dma_start3A_65 = tpu.memref_slice %arg2[%dma_start3A_63, %dma_start3A_64] : memref<10000x128xf32, #tpu.memory_space<hbm>> -> memref<10000x128xf32, #tpu.memory_space<hbm>>
    tpu.enqueue_indirect_dma source(%dma_start3A_65 : memref<10000x128xf32, #tpu.memory_space<hbm>>) target(%arg13 : memref<128x128xf32, #tpu.memory_space<vmem>>) offsets(%arg9 : memref<128xi32, #tpu.memory_space<vmem>>) semaphore(%arg17 : memref<!tpu.dma_semaphore, #tpu.memory_space<semaphore_mem>>)
    %dma_start3A_66 = arith.constant 0 : i32
    %dma_start3A_67 = arith.constant 0 : i32
    %dma_start3A_68 = tpu.memref_slice %arg3[%dma_start3A_66, %dma_start3A_67] : memref<10000x128xf32, #tpu.memory_space<hbm>> -> memref<10000x128xf32, #tpu.memory_space<hbm>>
    tpu.enqueue_indirect_dma source(%dma_start3A_68 : memref<10000x128xf32, #tpu.memory_space<hbm>>) target(%arg15 : memref<128x128xf32, #tpu.memory_space<vmem>>) offsets(%arg11 : memref<128xi32, #tpu.memory_space<vmem>>) semaphore(%arg17 : memref<!tpu.dma_semaphore, #tpu.memory_space<semaphore_mem>>)
    %scan3A = arith.constant 0 : i32
    %scan3A_69 = arith.constant 0 : i32
    %scan3A_70 = arith.constant 19 : i32
    %scan3A_71 = arith.addi %scan3A_69, %scan3A_70 : i32
    %scan3A_72 = arith.constant 1 : i32
    scf.for %scan3A_189 = %scan3A_69 to %scan3A_71 step %scan3A_72  : i32 {
      %mul3A_190 = arith.constant 2 : i32
      %mul3A_191 = arith.muli %mul3A_190, %scan3A_189 : i32
      %dma_wait3A_192 = arith.constant 0 : i32
      %dma_wait3A_193 = arith.constant 0 : i32
      %dma_wait3A_194 = tpu.memref_slice %arg2[%dma_wait3A_192, %dma_wait3A_193] : memref<10000x128xf32, #tpu.memory_space<hbm>> -> memref<10000x128xf32, #tpu.memory_space<hbm>>
      tpu.wait_indirect_dma semaphore(%arg16 : memref<!tpu.dma_semaphore, #tpu.memory_space<semaphore_mem>>) src(%dma_wait3A_194 : memref<10000x128xf32, #tpu.memory_space<hbm>>) dst(%arg12 : memref<128x128xf32, #tpu.memory_space<vmem>>)
      %dma_wait3A_195 = arith.constant 0 : i32
      %dma_wait3A_196 = arith.constant 0 : i32
      %dma_wait3A_197 = tpu.memref_slice %arg3[%dma_wait3A_195, %dma_wait3A_196] : memref<10000x128xf32, #tpu.memory_space<hbm>> -> memref<10000x128xf32, #tpu.memory_space<hbm>>
      tpu.wait_indirect_dma semaphore(%arg16 : memref<!tpu.dma_semaphore, #tpu.memory_space<semaphore_mem>>) src(%dma_wait3A_197 : memref<10000x128xf32, #tpu.memory_space<hbm>>) dst(%arg14 : memref<128x128xf32, #tpu.memory_space<vmem>>)
      %sub3A_198 = arith.constant 1 : i32
      %sub3A_199 = arith.subi %select_n3A, %sub3A_198 : i32
      %min3A_200 = arith.minsi %mul3A_191, %sub3A_199 : i32
      %mul3A_201 = arith.constant 32 : i32
      %mul3A_202 = arith.muli %min3A_200, %mul3A_201 : i32
      %add3A_203 = arith.addi %add3A, %mul3A_202 : i32
      %mul3A_204 = arith.constant 128 : i32
      %mul3A_205 = arith.muli %add3A_203, %mul3A_204 : i32
      %dma_start3A_206 = arith.constant 0 : i32
      %dma_start3A_207 = tpu.memref_slice %arg6[%mul3A_205, %dma_start3A_206] : memref<160000x128xf32, #tpu.memory_space<hbm>> -> memref<128x128xf32, #tpu.memory_space<hbm>>
      %dma_start3A_208 = arith.constant 0 : i32
      %dma_start3A_209 = tpu.memref_slice %arg6[%mul3A_205, %dma_start3A_208] : memref<160000x128xf32, #tpu.memory_space<hbm>> -> memref<128x128xf32, #tpu.memory_space<hbm>>
      tpu.enqueue_dma source(%arg12 : memref<128x128xf32, #tpu.memory_space<vmem>>) target(%dma_start3A_209 : memref<128x128xf32, #tpu.memory_space<hbm>>) target_semaphore(%arg18 : memref<!tpu.dma_semaphore, #tpu.memory_space<semaphore_mem>>)
      %sub3A_210 = arith.constant 1 : i32
      %sub3A_211 = arith.subi %select_n3A, %sub3A_210 : i32
      %min3A_212 = arith.minsi %mul3A_191, %sub3A_211 : i32
      %mul3A_213 = arith.constant 32 : i32
      %mul3A_214 = arith.muli %min3A_212, %mul3A_213 : i32
      %add3A_215 = arith.addi %add3A, %mul3A_214 : i32
      %mul3A_216 = arith.constant 128 : i32
      %mul3A_217 = arith.muli %add3A_215, %mul3A_216 : i32
      %dma_start3A_218 = arith.constant 0 : i32
      %dma_start3A_219 = tpu.memref_slice %arg7[%mul3A_217, %dma_start3A_218] : memref<160000x128xf32, #tpu.memory_space<hbm>> -> memref<128x128xf32, #tpu.memory_space<hbm>>
      %dma_start3A_220 = arith.constant 0 : i32
      %dma_start3A_221 = tpu.memref_slice %arg7[%mul3A_217, %dma_start3A_220] : memref<160000x128xf32, #tpu.memory_space<hbm>> -> memref<128x128xf32, #tpu.memory_space<hbm>>
      tpu.enqueue_dma source(%arg14 : memref<128x128xf32, #tpu.memory_space<vmem>>) target(%dma_start3A_221 : memref<128x128xf32, #tpu.memory_space<hbm>>) target_semaphore(%arg18 : memref<!tpu.dma_semaphore, #tpu.memory_space<semaphore_mem>>)
      %dma_wait3A_222 = arith.constant 0 : i32
      %dma_wait3A_223 = arith.constant 0 : i32
      %dma_wait3A_224 = tpu.memref_slice %arg2[%dma_wait3A_222, %dma_wait3A_223] : memref<10000x128xf32, #tpu.memory_space<hbm>> -> memref<10000x128xf32, #tpu.memory_space<hbm>>
      tpu.wait_indirect_dma semaphore(%arg17 : memref<!tpu.dma_semaphore, #tpu.memory_space<semaphore_mem>>) src(%dma_wait3A_224 : memref<10000x128xf32, #tpu.memory_space<hbm>>) dst(%arg13 : memref<128x128xf32, #tpu.memory_space<vmem>>)
      %dma_wait3A_225 = arith.constant 0 : i32
      %dma_wait3A_226 = arith.constant 0 : i32
      %dma_wait3A_227 = tpu.memref_slice %arg3[%dma_wait3A_225, %dma_wait3A_226] : memref<10000x128xf32, #tpu.memory_space<hbm>> -> memref<10000x128xf32, #tpu.memory_space<hbm>>
      tpu.wait_indirect_dma semaphore(%arg17 : memref<!tpu.dma_semaphore, #tpu.memory_space<semaphore_mem>>) src(%dma_wait3A_227 : memref<10000x128xf32, #tpu.memory_space<hbm>>) dst(%arg15 : memref<128x128xf32, #tpu.memory_space<vmem>>)
      %add3A_228 = arith.constant 1 : i32
      %add3A_229 = arith.addi %mul3A_191, %add3A_228 : i32
      %sub3A_230 = arith.constant 1 : i32
      %sub3A_231 = arith.subi %select_n3A, %sub3A_230 : i32
      %min3A_232 = arith.minsi %add3A_229, %sub3A_231 : i32
      %mul3A_233 = arith.constant 32 : i32
      %mul3A_234 = arith.muli %min3A_232, %mul3A_233 : i32
      %add3A_235 = arith.addi %add3A, %mul3A_234 : i32
      %mul3A_236 = arith.constant 128 : i32
      %mul3A_237 = arith.muli %add3A_235, %mul3A_236 : i32
      %dma_start3A_238 = arith.constant 0 : i32
      %dma_start3A_239 = tpu.memref_slice %arg6[%mul3A_237, %dma_start3A_238] : memref<160000x128xf32, #tpu.memory_space<hbm>> -> memref<128x128xf32, #tpu.memory_space<hbm>>
      %dma_start3A_240 = arith.constant 0 : i32
      %dma_start3A_241 = tpu.memref_slice %arg6[%mul3A_237, %dma_start3A_240] : memref<160000x128xf32, #tpu.memory_space<hbm>> -> memref<128x128xf32, #tpu.memory_space<hbm>>
      tpu.enqueue_dma source(%arg13 : memref<128x128xf32, #tpu.memory_space<vmem>>) target(%dma_start3A_241 : memref<128x128xf32, #tpu.memory_space<hbm>>) target_semaphore(%arg19 : memref<!tpu.dma_semaphore, #tpu.memory_space<semaphore_mem>>)
      %sub3A_242 = arith.constant 1 : i32
      %sub3A_243 = arith.subi %select_n3A, %sub3A_242 : i32
      %min3A_244 = arith.minsi %add3A_229, %sub3A_243 : i32
      %mul3A_245 = arith.constant 32 : i32
      %mul3A_246 = arith.muli %min3A_244, %mul3A_245 : i32
      %add3A_247 = arith.addi %add3A, %mul3A_246 : i32
      %mul3A_248 = arith.constant 128 : i32
      %mul3A_249 = arith.muli %add3A_247, %mul3A_248 : i32
      %dma_start3A_250 = arith.constant 0 : i32
      %dma_start3A_251 = tpu.memref_slice %arg7[%mul3A_249, %dma_start3A_250] : memref<160000x128xf32, #tpu.memory_space<hbm>> -> memref<128x128xf32, #tpu.memory_space<hbm>>
      %dma_start3A_252 = arith.constant 0 : i32
      %dma_start3A_253 = tpu.memref_slice %arg7[%mul3A_249, %dma_start3A_252] : memref<160000x128xf32, #tpu.memory_space<hbm>> -> memref<128x128xf32, #tpu.memory_space<hbm>>
      tpu.enqueue_dma source(%arg15 : memref<128x128xf32, #tpu.memory_space<vmem>>) target(%dma_start3A_253 : memref<128x128xf32, #tpu.memory_space<hbm>>) target_semaphore(%arg19 : memref<!tpu.dma_semaphore, #tpu.memory_space<semaphore_mem>>)
      %add3A_254 = arith.constant 2 : i32
      %add3A_255 = arith.addi %mul3A_191, %add3A_254 : i32
      %sub3A_256 = arith.constant 1 : i32
      %sub3A_257 = arith.subi %select_n3A, %sub3A_256 : i32
      %min3A_258 = arith.minsi %add3A_255, %sub3A_257 : i32
      %mul3A_259 = arith.constant 32 : i32
      %mul3A_260 = arith.muli %min3A_258, %mul3A_259 : i32
      %add3A_261 = arith.addi %add3A, %mul3A_260 : i32
      %mul3A_262 = arith.constant 128 : i32
      %mul3A_263 = arith.muli %add3A_261, %mul3A_262 : i32
      "tpu.region"() ({
        %run_scoped3A = tpu.sem_alloc : memref<!tpu.dma_semaphore, #tpu.memory_space<semaphore_mem>>
        %dma_start3A_352 = tpu.memref_slice %arg4[%mul3A_263] : memref<160000xi32, #tpu.memory_space<hbm>> -> memref<128xi32, #tpu.memory_space<hbm>>
        %dma_start3A_353 = tpu.memref_slice %arg4[%mul3A_263] : memref<160000xi32, #tpu.memory_space<hbm>> -> memref<128xi32, #tpu.memory_space<hbm>>
        tpu.enqueue_dma source(%dma_start3A_353 : memref<128xi32, #tpu.memory_space<hbm>>) target(%arg8 : memref<128xi32, #tpu.memory_space<vmem>>) target_semaphore(%run_scoped3A : memref<!tpu.dma_semaphore, #tpu.memory_space<semaphore_mem>>)
        %dma_wait3A_354 = tpu.memref_slice %arg4[%mul3A_263] : memref<160000xi32, #tpu.memory_space<hbm>> -> memref<128xi32, #tpu.memory_space<hbm>>
        %dma_wait3A_355 = tpu.memref_slice %arg4[%mul3A_263] : memref<160000xi32, #tpu.memory_space<hbm>> -> memref<128xi32, #tpu.memory_space<hbm>>
        tpu.wait_dma2 semaphore(%run_scoped3A : memref<!tpu.dma_semaphore, #tpu.memory_space<semaphore_mem>>) src(%dma_wait3A_355 : memref<128xi32, #tpu.memory_space<hbm>>) dst(%arg8 : memref<128xi32, #tpu.memory_space<vmem>>)
        tpu.yield
      }) : () -> ()
      %sub3A_264 = arith.constant 1 : i32
      %sub3A_265 = arith.subi %select_n3A, %sub3A_264 : i32
      %min3A_266 = arith.minsi %add3A_255, %sub3A_265 : i32
      %mul3A_267 = arith.constant 32 : i32
      %mul3A_268 = arith.muli %min3A_266, %mul3A_267 : i32
      %add3A_269 = arith.addi %add3A, %mul3A_268 : i32
      %mul3A_270 = arith.constant 128 : i32
      %mul3A_271 = arith.muli %add3A_269, %mul3A_270 : i32
      "tpu.region"() ({
        %run_scoped3A = tpu.sem_alloc : memref<!tpu.dma_semaphore, #tpu.memory_space<semaphore_mem>>
        %dma_start3A_352 = tpu.memref_slice %arg5[%mul3A_271] : memref<160000xi32, #tpu.memory_space<hbm>> -> memref<128xi32, #tpu.memory_space<hbm>>
        %dma_start3A_353 = tpu.memref_slice %arg5[%mul3A_271] : memref<160000xi32, #tpu.memory_space<hbm>> -> memref<128xi32, #tpu.memory_space<hbm>>
        tpu.enqueue_dma source(%dma_start3A_353 : memref<128xi32, #tpu.memory_space<hbm>>) target(%arg10 : memref<128xi32, #tpu.memory_space<vmem>>) target_semaphore(%run_scoped3A : memref<!tpu.dma_semaphore, #tpu.memory_space<semaphore_mem>>)
        %dma_wait3A_354 = tpu.memref_slice %arg5[%mul3A_271] : memref<160000xi32, #tpu.memory_space<hbm>> -> memref<128xi32, #tpu.memory_space<hbm>>
        %dma_wait3A_355 = tpu.memref_slice %arg5[%mul3A_271] : memref<160000xi32, #tpu.memory_space<hbm>> -> memref<128xi32, #tpu.memory_space<hbm>>
        tpu.wait_dma2 semaphore(%run_scoped3A : memref<!tpu.dma_semaphore, #tpu.memory_space<semaphore_mem>>) src(%dma_wait3A_355 : memref<128xi32, #tpu.memory_space<hbm>>) dst(%arg10 : memref<128xi32, #tpu.memory_space<vmem>>)
        tpu.yield
      }) : () -> ()
      %sub3A_272 = arith.constant 1 : i32
      %sub3A_273 = arith.subi %select_n3A, %sub3A_272 : i32
      %min3A_274 = arith.minsi %mul3A_191, %sub3A_273 : i32
      %mul3A_275 = arith.constant 32 : i32
      %mul3A_276 = arith.muli %min3A_274, %mul3A_275 : i32
      %add3A_277 = arith.addi %add3A, %mul3A_276 : i32
      %mul3A_278 = arith.constant 128 : i32
      %mul3A_279 = arith.muli %add3A_277, %mul3A_278 : i32
      %dma_wait3A_280 = arith.constant 0 : i32
      %dma_wait3A_281 = tpu.memref_slice %arg6[%mul3A_279, %dma_wait3A_280] : memref<160000x128xf32, #tpu.memory_space<hbm>> -> memref<128x128xf32, #tpu.memory_space<hbm>>
      %dma_wait3A_282 = arith.constant 0 : i32
      %dma_wait3A_283 = tpu.memref_slice %arg6[%mul3A_279, %dma_wait3A_282] : memref<160000x128xf32, #tpu.memory_space<hbm>> -> memref<128x128xf32, #tpu.memory_space<hbm>>
      tpu.wait_dma2 semaphore(%arg18 : memref<!tpu.dma_semaphore, #tpu.memory_space<semaphore_mem>>) src(%arg12 : memref<128x128xf32, #tpu.memory_space<vmem>>) dst(%dma_wait3A_283 : memref<128x128xf32, #tpu.memory_space<hbm>>)
      %sub3A_284 = arith.constant 1 : i32
      %sub3A_285 = arith.subi %select_n3A, %sub3A_284 : i32
      %min3A_286 = arith.minsi %mul3A_191, %sub3A_285 : i32
      %mul3A_287 = arith.constant 32 : i32
      %mul3A_288 = arith.muli %min3A_286, %mul3A_287 : i32
      %add3A_289 = arith.addi %add3A, %mul3A_288 : i32
      %mul3A_290 = arith.constant 128 : i32
      %mul3A_291 = arith.muli %add3A_289, %mul3A_290 : i32
      %dma_wait3A_292 = arith.constant 0 : i32
      %dma_wait3A_293 = tpu.memref_slice %arg7[%mul3A_291, %dma_wait3A_292] : memref<160000x128xf32, #tpu.memory_space<hbm>> -> memref<128x128xf32, #tpu.memory_space<hbm>>
      %dma_wait3A_294 = arith.constant 0 : i32
      %dma_wait3A_295 = tpu.memref_slice %arg7[%mul3A_291, %dma_wait3A_294] : memref<160000x128xf32, #tpu.memory_space<hbm>> -> memref<128x128xf32, #tpu.memory_space<hbm>>
      tpu.wait_dma2 semaphore(%arg18 : memref<!tpu.dma_semaphore, #tpu.memory_space<semaphore_mem>>) src(%arg14 : memref<128x128xf32, #tpu.memory_space<vmem>>) dst(%dma_wait3A_295 : memref<128x128xf32, #tpu.memory_space<hbm>>)
      %dma_start3A_296 = arith.constant 0 : i32
      %dma_start3A_297 = arith.constant 0 : i32
      %dma_start3A_298 = tpu.memref_slice %arg2[%dma_start3A_296, %dma_start3A_297] : memref<10000x128xf32, #tpu.memory_space<hbm>> -> memref<10000x128xf32, #tpu.memory_space<hbm>>
      tpu.enqueue_indirect_dma source(%dma_start3A_298 : memref<10000x128xf32, #tpu.memory_space<hbm>>) target(%arg12 : memref<128x128xf32, #tpu.memory_space<vmem>>) offsets(%arg8 : memref<128xi32, #tpu.memory_space<vmem>>) semaphore(%arg16 : memref<!tpu.dma_semaphore, #tpu.memory_space<semaphore_mem>>)
      %dma_start3A_299 = arith.constant 0 : i32
      %dma_start3A_300 = arith.constant 0 : i32
      %dma_start3A_301 = tpu.memref_slice %arg3[%dma_start3A_299, %dma_start3A_300] : memref<10000x128xf32, #tpu.memory_space<hbm>> -> memref<10000x128xf32, #tpu.memory_space<hbm>>
      tpu.enqueue_indirect_dma source(%dma_start3A_301 : memref<10000x128xf32, #tpu.memory_space<hbm>>) target(%arg14 : memref<128x128xf32, #tpu.memory_space<vmem>>) offsets(%arg10 : memref<128xi32, #tpu.memory_space<vmem>>) semaphore(%arg16 : memref<!tpu.dma_semaphore, #tpu.memory_space<semaphore_mem>>)
      %add3A_302 = arith.constant 3 : i32
      %add3A_303 = arith.addi %mul3A_191, %add3A_302 : i32
      %sub3A_304 = arith.constant 1 : i32
      %sub3A_305 = arith.subi %select_n3A, %sub3A_304 : i32
      %min3A_306 = arith.minsi %add3A_303, %sub3A_305 : i32
      %mul3A_307 = arith.constant 32 : i32
      %mul3A_308 = arith.muli %min3A_306, %mul3A_307 : i32
      %add3A_309 = arith.addi %add3A, %mul3A_308 : i32
      %mul3A_310 = arith.constant 128 : i32
      %mul3A_311 = arith.muli %add3A_309, %mul3A_310 : i32
      "tpu.region"() ({
        %run_scoped3A = tpu.sem_alloc : memref<!tpu.dma_semaphore, #tpu.memory_space<semaphore_mem>>
        %dma_start3A_352 = tpu.memref_slice %arg4[%mul3A_311] : memref<160000xi32, #tpu.memory_space<hbm>> -> memref<128xi32, #tpu.memory_space<hbm>>
        %dma_start3A_353 = tpu.memref_slice %arg4[%mul3A_311] : memref<160000xi32, #tpu.memory_space<hbm>> -> memref<128xi32, #tpu.memory_space<hbm>>
        tpu.enqueue_dma source(%dma_start3A_353 : memref<128xi32, #tpu.memory_space<hbm>>) target(%arg9 : memref<128xi32, #tpu.memory_space<vmem>>) target_semaphore(%run_scoped3A : memref<!tpu.dma_semaphore, #tpu.memory_space<semaphore_mem>>)
        %dma_wait3A_354 = tpu.memref_slice %arg4[%mul3A_311] : memref<160000xi32, #tpu.memory_space<hbm>> -> memref<128xi32, #tpu.memory_space<hbm>>
        %dma_wait3A_355 = tpu.memref_slice %arg4[%mul3A_311] : memref<160000xi32, #tpu.memory_space<hbm>> -> memref<128xi32, #tpu.memory_space<hbm>>
        tpu.wait_dma2 semaphore(%run_scoped3A : memref<!tpu.dma_semaphore, #tpu.memory_space<semaphore_mem>>) src(%dma_wait3A_355 : memref<128xi32, #tpu.memory_space<hbm>>) dst(%arg9 : memref<128xi32, #tpu.memory_space<vmem>>)
        tpu.yield
      }) : () -> ()
      %sub3A_312 = arith.constant 1 : i32
      %sub3A_313 = arith.subi %select_n3A, %sub3A_312 : i32
      %min3A_314 = arith.minsi %add3A_303, %sub3A_313 : i32
      %mul3A_315 = arith.constant 32 : i32
      %mul3A_316 = arith.muli %min3A_314, %mul3A_315 : i32
      %add3A_317 = arith.addi %add3A, %mul3A_316 : i32
      %mul3A_318 = arith.constant 128 : i32
      %mul3A_319 = arith.muli %add3A_317, %mul3A_318 : i32
      "tpu.region"() ({
        %run_scoped3A = tpu.sem_alloc : memref<!tpu.dma_semaphore, #tpu.memory_space<semaphore_mem>>
        %dma_start3A_352 = tpu.memref_slice %arg5[%mul3A_319] : memref<160000xi32, #tpu.memory_space<hbm>> -> memref<128xi32, #tpu.memory_space<hbm>>
        %dma_start3A_353 = tpu.memref_slice %arg5[%mul3A_319] : memref<160000xi32, #tpu.memory_space<hbm>> -> memref<128xi32, #tpu.memory_space<hbm>>
        tpu.enqueue_dma source(%dma_start3A_353 : memref<128xi32, #tpu.memory_space<hbm>>) target(%arg11 : memref<128xi32, #tpu.memory_space<vmem>>) target_semaphore(%run_scoped3A : memref<!tpu.dma_semaphore, #tpu.memory_space<semaphore_mem>>)
        %dma_wait3A_354 = tpu.memref_slice %arg5[%mul3A_319] : memref<160000xi32, #tpu.memory_space<hbm>> -> memref<128xi32, #tpu.memory_space<hbm>>
        %dma_wait3A_355 = tpu.memref_slice %arg5[%mul3A_319] : memref<160000xi32, #tpu.memory_space<hbm>> -> memref<128xi32, #tpu.memory_space<hbm>>
        tpu.wait_dma2 semaphore(%run_scoped3A : memref<!tpu.dma_semaphore, #tpu.memory_space<semaphore_mem>>) src(%dma_wait3A_355 : memref<128xi32, #tpu.memory_space<hbm>>) dst(%arg11 : memref<128xi32, #tpu.memory_space<vmem>>)
        tpu.yield
      }) : () -> ()
      %add3A_320 = arith.constant 1 : i32
      %add3A_321 = arith.addi %mul3A_191, %add3A_320 : i32
      %sub3A_322 = arith.constant 1 : i32
      %sub3A_323 = arith.subi %select_n3A, %sub3A_322 : i32
      %min3A_324 = arith.minsi %add3A_321, %sub3A_323 : i32
      %mul3A_325 = arith.constant 32 : i32
      %mul3A_326 = arith.muli %min3A_324, %mul3A_325 : i32
      %add3A_327 = arith.addi %add3A, %mul3A_326 : i32
      %mul3A_328 = arith.constant 128 : i32
      %mul3A_329 = arith.muli %add3A_327, %mul3A_328 : i32
      %dma_wait3A_330 = arith.constant 0 : i32
      %dma_wait3A_331 = tpu.memref_slice %arg6[%mul3A_329, %dma_wait3A_330] : memref<160000x128xf32, #tpu.memory_space<hbm>> -> memref<128x128xf32, #tpu.memory_space<hbm>>
      %dma_wait3A_332 = arith.constant 0 : i32
      %dma_wait3A_333 = tpu.memref_slice %arg6[%mul3A_329, %dma_wait3A_332] : memref<160000x128xf32, #tpu.memory_space<hbm>> -> memref<128x128xf32, #tpu.memory_space<hbm>>
      tpu.wait_dma2 semaphore(%arg19 : memref<!tpu.dma_semaphore, #tpu.memory_space<semaphore_mem>>) src(%arg13 : memref<128x128xf32, #tpu.memory_space<vmem>>) dst(%dma_wait3A_333 : memref<128x128xf32, #tpu.memory_space<hbm>>)
      %sub3A_334 = arith.constant 1 : i32
      %sub3A_335 = arith.subi %select_n3A, %sub3A_334 : i32
      %min3A_336 = arith.minsi %add3A_321, %sub3A_335 : i32
      %mul3A_337 = arith.constant 32 : i32
      %mul3A_338 = arith.muli %min3A_336, %mul3A_337 : i32
      %add3A_339 = arith.addi %add3A, %mul3A_338 : i32
      %mul3A_340 = arith.constant 128 : i32
      %mul3A_341 = arith.muli %add3A_339, %mul3A_340 : i32
      %dma_wait3A_342 = arith.constant 0 : i32
      %dma_wait3A_343 = tpu.memref_slice %arg7[%mul3A_341, %dma_wait3A_342] : memref<160000x128xf32, #tpu.memory_space<hbm>> -> memref<128x128xf32, #tpu.memory_space<hbm>>
      %dma_wait3A_344 = arith.constant 0 : i32
      %dma_wait3A_345 = tpu.memref_slice %arg7[%mul3A_341, %dma_wait3A_344] : memref<160000x128xf32, #tpu.memory_space<hbm>> -> memref<128x128xf32, #tpu.memory_space<hbm>>
      tpu.wait_dma2 semaphore(%arg19 : memref<!tpu.dma_semaphore, #tpu.memory_space<semaphore_mem>>) src(%arg15 : memref<128x128xf32, #tpu.memory_space<vmem>>) dst(%dma_wait3A_345 : memref<128x128xf32, #tpu.memory_space<hbm>>)
      %dma_start3A_346 = arith.constant 0 : i32
      %dma_start3A_347 = arith.constant 0 : i32
      %dma_start3A_348 = tpu.memref_slice %arg2[%dma_start3A_346, %dma_start3A_347] : memref<10000x128xf32, #tpu.memory_space<hbm>> -> memref<10000x128xf32, #tpu.memory_space<hbm>>
      tpu.enqueue_indirect_dma source(%dma_start3A_348 : memref<10000x128xf32, #tpu.memory_space<hbm>>) target(%arg13 : memref<128x128xf32, #tpu.memory_space<vmem>>) offsets(%arg9 : memref<128xi32, #tpu.memory_space<vmem>>) semaphore(%arg17 : memref<!tpu.dma_semaphore, #tpu.memory_space<semaphore_mem>>)
      %dma_start3A_349 = arith.constant 0 : i32
      %dma_start3A_350 = arith.constant 0 : i32
      %dma_start3A_351 = tpu.memref_slice %arg3[%dma_start3A_349, %dma_start3A_350] : memref<10000x128xf32, #tpu.memory_space<hbm>> -> memref<10000x128xf32, #tpu.memory_space<hbm>>
      tpu.enqueue_indirect_dma source(%dma_start3A_351 : memref<10000x128xf32, #tpu.memory_space<hbm>>) target(%arg15 : memref<128x128xf32, #tpu.memory_space<vmem>>) offsets(%arg11 : memref<128xi32, #tpu.memory_space<vmem>>) semaphore(%arg17 : memref<!tpu.dma_semaphore, #tpu.memory_space<semaphore_mem>>)
    }
    %scan3A_73 = arith.constant 19 : i32
    %dma_wait3A = arith.constant 0 : i32
    %dma_wait3A_74 = arith.constant 0 : i32
    %dma_wait3A_75 = tpu.memref_slice %arg2[%dma_wait3A, %dma_wait3A_74] : memref<10000x128xf32, #tpu.memory_space<hbm>> -> memref<10000x128xf32, #tpu.memory_space<hbm>>
    tpu.wait_indirect_dma semaphore(%arg16 : memref<!tpu.dma_semaphore, #tpu.memory_space<semaphore_mem>>) src(%dma_wait3A_75 : memref<10000x128xf32, #tpu.memory_space<hbm>>) dst(%arg12 : memref<128x128xf32, #tpu.memory_space<vmem>>)
    %dma_wait3A_76 = arith.constant 0 : i32
    %dma_wait3A_77 = arith.constant 0 : i32
    %dma_wait3A_78 = tpu.memref_slice %arg3[%dma_wait3A_76, %dma_wait3A_77] : memref<10000x128xf32, #tpu.memory_space<hbm>> -> memref<10000x128xf32, #tpu.memory_space<hbm>>
    tpu.wait_indirect_dma semaphore(%arg16 : memref<!tpu.dma_semaphore, #tpu.memory_space<semaphore_mem>>) src(%dma_wait3A_78 : memref<10000x128xf32, #tpu.memory_space<hbm>>) dst(%arg14 : memref<128x128xf32, #tpu.memory_space<vmem>>)
    %sub3A_79 = arith.constant 1 : i32
    %sub3A_80 = arith.subi %select_n3A, %sub3A_79 : i32
    %min3A_81 = arith.constant 38 : i32
    %min3A_82 = arith.minsi %min3A_81, %sub3A_80 : i32
    %mul3A_83 = arith.constant 32 : i32
    %mul3A_84 = arith.muli %min3A_82, %mul3A_83 : i32
    %add3A_85 = arith.addi %add3A, %mul3A_84 : i32
    %mul3A_86 = arith.constant 128 : i32
    %mul3A_87 = arith.muli %add3A_85, %mul3A_86 : i32
    %dma_start3A_88 = arith.constant 0 : i32
    %dma_start3A_89 = tpu.memref_slice %arg6[%mul3A_87, %dma_start3A_88] : memref<160000x128xf32, #tpu.memory_space<hbm>> -> memref<128x128xf32, #tpu.memory_space<hbm>>
    %dma_start3A_90 = arith.constant 0 : i32
    %dma_start3A_91 = tpu.memref_slice %arg6[%mul3A_87, %dma_start3A_90] : memref<160000x128xf32, #tpu.memory_space<hbm>> -> memref<128x128xf32, #tpu.memory_space<hbm>>
    tpu.enqueue_dma source(%arg12 : memref<128x128xf32, #tpu.memory_space<vmem>>) target(%dma_start3A_91 : memref<128x128xf32, #tpu.memory_space<hbm>>) target_semaphore(%arg18 : memref<!tpu.dma_semaphore, #tpu.memory_space<semaphore_mem>>)
    %sub3A_92 = arith.constant 1 : i32
    %sub3A_93 = arith.subi %select_n3A, %sub3A_92 : i32
    %min3A_94 = arith.constant 38 : i32
    %min3A_95 = arith.minsi %min3A_94, %sub3A_93 : i32
    %mul3A_96 = arith.constant 32 : i32
    %mul3A_97 = arith.muli %min3A_95, %mul3A_96 : i32
    %add3A_98 = arith.addi %add3A, %mul3A_97 : i32
    %mul3A_99 = arith.constant 128 : i32
    %mul3A_100 = arith.muli %add3A_98, %mul3A_99 : i32
    %dma_start3A_101 = arith.constant 0 : i32
    %dma_start3A_102 = tpu.memref_slice %arg7[%mul3A_100, %dma_start3A_101] : memref<160000x128xf32, #tpu.memory_space<hbm>> -> memref<128x128xf32, #tpu.memory_space<hbm>>
    %dma_start3A_103 = arith.constant 0 : i32
    %dma_start3A_104 = tpu.memref_slice %arg7[%mul3A_100, %dma_start3A_103] : memref<160000x128xf32, #tpu.memory_space<hbm>> -> memref<128x128xf32, #tpu.memory_space<hbm>>
    tpu.enqueue_dma source(%arg14 : memref<128x128xf32, #tpu.memory_space<vmem>>) target(%dma_start3A_104 : memref<128x128xf32, #tpu.memory_space<hbm>>) target_semaphore(%arg18 : memref<!tpu.dma_semaphore, #tpu.memory_space<semaphore_mem>>)
    %dma_wait3A_105 = arith.constant 0 : i32
    %dma_wait3A_106 = arith.constant 0 : i32
    %dma_wait3A_107 = tpu.memref_slice %arg2[%dma_wait3A_105, %dma_wait3A_106] : memref<10000x128xf32, #tpu.memory_space<hbm>> -> memref<10000x128xf32, #tpu.memory_space<hbm>>
    tpu.wait_indirect_dma semaphore(%arg17 : memref<!tpu.dma_semaphore, #tpu.memory_space<semaphore_mem>>) src(%dma_wait3A_107 : memref<10000x128xf32, #tpu.memory_space<hbm>>) dst(%arg13 : memref<128x128xf32, #tpu.memory_space<vmem>>)
    %dma_wait3A_108 = arith.constant 0 : i32
    %dma_wait3A_109 = arith.constant 0 : i32
    %dma_wait3A_110 = tpu.memref_slice %arg3[%dma_wait3A_108, %dma_wait3A_109] : memref<10000x128xf32, #tpu.memory_space<hbm>> -> memref<10000x128xf32, #tpu.memory_space<hbm>>
    tpu.wait_indirect_dma semaphore(%arg17 : memref<!tpu.dma_semaphore, #tpu.memory_space<semaphore_mem>>) src(%dma_wait3A_110 : memref<10000x128xf32, #tpu.memory_space<hbm>>) dst(%arg15 : memref<128x128xf32, #tpu.memory_space<vmem>>)
    %sub3A_111 = arith.constant 1 : i32
    %sub3A_112 = arith.subi %select_n3A, %sub3A_111 : i32
    %min3A_113 = arith.constant 39 : i32
    %min3A_114 = arith.minsi %min3A_113, %sub3A_112 : i32
    %mul3A_115 = arith.constant 32 : i32
    %mul3A_116 = arith.muli %min3A_114, %mul3A_115 : i32
    %add3A_117 = arith.addi %add3A, %mul3A_116 : i32
    %mul3A_118 = arith.constant 128 : i32
    %mul3A_119 = arith.muli %add3A_117, %mul3A_118 : i32
    %dma_start3A_120 = arith.constant 0 : i32
    %dma_start3A_121 = tpu.memref_slice %arg6[%mul3A_119, %dma_start3A_120] : memref<160000x128xf32, #tpu.memory_space<hbm>> -> memref<128x128xf32, #tpu.memory_space<hbm>>
    %dma_start3A_122 = arith.constant 0 : i32
    %dma_start3A_123 = tpu.memref_slice %arg6[%mul3A_119, %dma_start3A_122] : memref<160000x128xf32, #tpu.memory_space<hbm>> -> memref<128x128xf32, #tpu.memory_space<hbm>>
    tpu.enqueue_dma source(%arg13 : memref<128x128xf32, #tpu.memory_space<vmem>>) target(%dma_start3A_123 : memref<128x128xf32, #tpu.memory_space<hbm>>) target_semaphore(%arg19 : memref<!tpu.dma_semaphore, #tpu.memory_space<semaphore_mem>>)
    %sub3A_124 = arith.constant 1 : i32
    %sub3A_125 = arith.subi %select_n3A, %sub3A_124 : i32
    %min3A_126 = arith.constant 39 : i32
    %min3A_127 = arith.minsi %min3A_126, %sub3A_125 : i32
    %mul3A_128 = arith.constant 32 : i32
    %mul3A_129 = arith.muli %min3A_127, %mul3A_128 : i32
    %add3A_130 = arith.addi %add3A, %mul3A_129 : i32
    %mul3A_131 = arith.constant 128 : i32
    %mul3A_132 = arith.muli %add3A_130, %mul3A_131 : i32
    %dma_start3A_133 = arith.constant 0 : i32
    %dma_start3A_134 = tpu.memref_slice %arg7[%mul3A_132, %dma_start3A_133] : memref<160000x128xf32, #tpu.memory_space<hbm>> -> memref<128x128xf32, #tpu.memory_space<hbm>>
    %dma_start3A_135 = arith.constant 0 : i32
    %dma_start3A_136 = tpu.memref_slice %arg7[%mul3A_132, %dma_start3A_135] : memref<160000x128xf32, #tpu.memory_space<hbm>> -> memref<128x128xf32, #tpu.memory_space<hbm>>
    tpu.enqueue_dma source(%arg15 : memref<128x128xf32, #tpu.memory_space<vmem>>) target(%dma_start3A_136 : memref<128x128xf32, #tpu.memory_space<hbm>>) target_semaphore(%arg19 : memref<!tpu.dma_semaphore, #tpu.memory_space<semaphore_mem>>)
    %sub3A_137 = arith.constant 1 : i32
    %sub3A_138 = arith.subi %select_n3A, %sub3A_137 : i32
    %min3A_139 = arith.constant 38 : i32
    %min3A_140 = arith.minsi %min3A_139, %sub3A_138 : i32
    %mul3A_141 = arith.constant 32 : i32
    %mul3A_142 = arith.muli %min3A_140, %mul3A_141 : i32
    %add3A_143 = arith.addi %add3A, %mul3A_142 : i32
    %mul3A_144 = arith.constant 128 : i32
    %mul3A_145 = arith.muli %add3A_143, %mul3A_144 : i32
    %dma_wait3A_146 = arith.constant 0 : i32
    %dma_wait3A_147 = tpu.memref_slice %arg6[%mul3A_145, %dma_wait3A_146] : memref<160000x128xf32, #tpu.memory_space<hbm>> -> memref<128x128xf32, #tpu.memory_space<hbm>>
    %dma_wait3A_148 = arith.constant 0 : i32
    %dma_wait3A_149 = tpu.memref_slice %arg6[%mul3A_145, %dma_wait3A_148] : memref<160000x128xf32, #tpu.memory_space<hbm>> -> memref<128x128xf32, #tpu.memory_space<hbm>>
    tpu.wait_dma2 semaphore(%arg18 : memref<!tpu.dma_semaphore, #tpu.memory_space<semaphore_mem>>) src(%arg12 : memref<128x128xf32, #tpu.memory_space<vmem>>) dst(%dma_wait3A_149 : memref<128x128xf32, #tpu.memory_space<hbm>>)
    %sub3A_150 = arith.constant 1 : i32
    %sub3A_151 = arith.subi %select_n3A, %sub3A_150 : i32
    %min3A_152 = arith.constant 38 : i32
    %min3A_153 = arith.minsi %min3A_152, %sub3A_151 : i32
    %mul3A_154 = arith.constant 32 : i32
    %mul3A_155 = arith.muli %min3A_153, %mul3A_154 : i32
    %add3A_156 = arith.addi %add3A, %mul3A_155 : i32
    %mul3A_157 = arith.constant 128 : i32
    %mul3A_158 = arith.muli %add3A_156, %mul3A_157 : i32
    %dma_wait3A_159 = arith.constant 0 : i32
    %dma_wait3A_160 = tpu.memref_slice %arg7[%mul3A_158, %dma_wait3A_159] : memref<160000x128xf32, #tpu.memory_space<hbm>> -> memref<128x128xf32, #tpu.memory_space<hbm>>
    %dma_wait3A_161 = arith.constant 0 : i32
    %dma_wait3A_162 = tpu.memref_slice %arg7[%mul3A_158, %dma_wait3A_161] : memref<160000x128xf32, #tpu.memory_space<hbm>> -> memref<128x128xf32, #tpu.memory_space<hbm>>
    tpu.wait_dma2 semaphore(%arg18 : memref<!tpu.dma_semaphore, #tpu.memory_space<semaphore_mem>>) src(%arg14 : memref<128x128xf32, #tpu.memory_space<vmem>>) dst(%dma_wait3A_162 : memref<128x128xf32, #tpu.memory_space<hbm>>)
    %sub3A_163 = arith.constant 1 : i32
    %sub3A_164 = arith.subi %select_n3A, %sub3A_163 : i32
    %min3A_165 = arith.constant 39 : i32
    %min3A_166 = arith.minsi %min3A_165, %sub3A_164 : i32
    %mul3A_167 = arith.constant 32 : i32
    %mul3A_168 = arith.muli %min3A_166, %mul3A_167 : i32
    %add3A_169 = arith.addi %add3A, %mul3A_168 : i32
    %mul3A_170 = arith.constant 128 : i32
    %mul3A_171 = arith.muli %add3A_169, %mul3A_170 : i32
    %dma_wait3A_172 = arith.constant 0 : i32
    %dma_wait3A_173 = tpu.memref_slice %arg6[%mul3A_171, %dma_wait3A_172] : memref<160000x128xf32, #tpu.memory_space<hbm>> -> memref<128x128xf32, #tpu.memory_space<hbm>>
    %dma_wait3A_174 = arith.constant 0 : i32
    %dma_wait3A_175 = tpu.memref_slice %arg6[%mul3A_171, %dma_wait3A_174] : memref<160000x128xf32, #tpu.memory_space<hbm>> -> memref<128x128xf32, #tpu.memory_space<hbm>>
    tpu.wait_dma2 semaphore(%arg19 : memref<!tpu.dma_semaphore, #tpu.memory_space<semaphore_mem>>) src(%arg13 : memref<128x128xf32, #tpu.memory_space<vmem>>) dst(%dma_wait3A_175 : memref<128x128xf32, #tpu.memory_space<hbm>>)
    %sub3A_176 = arith.constant 1 : i32
    %sub3A_177 = arith.subi %select_n3A, %sub3A_176 : i32
    %min3A_178 = arith.constant 39 : i32
    %min3A_179 = arith.minsi %min3A_178, %sub3A_177 : i32
    %mul3A_180 = arith.constant 32 : i32
    %mul3A_181 = arith.muli %min3A_179, %mul3A_180 : i32
    %add3A_182 = arith.addi %add3A, %mul3A_181 : i32
    %mul3A_183 = arith.constant 128 : i32
    %mul3A_184 = arith.muli %add3A_182, %mul3A_183 : i32
    %dma_wait3A_185 = arith.constant 0 : i32
    %dma_wait3A_186 = tpu.memref_slice %arg7[%mul3A_184, %dma_wait3A_185] : memref<160000x128xf32, #tpu.memory_space<hbm>> -> memref<128x128xf32, #tpu.memory_space<hbm>>
    %dma_wait3A_187 = arith.constant 0 : i32
    %dma_wait3A_188 = tpu.memref_slice %arg7[%mul3A_184, %dma_wait3A_187] : memref<160000x128xf32, #tpu.memory_space<hbm>> -> memref<128x128xf32, #tpu.memory_space<hbm>>
    tpu.wait_dma2 semaphore(%arg19 : memref<!tpu.dma_semaphore, #tpu.memory_space<semaphore_mem>>) src(%arg15 : memref<128x128xf32, #tpu.memory_space<vmem>>) dst(%dma_wait3A_188 : memref<128x128xf32, #tpu.memory_space<hbm>>)
    return
  }
}

#map = affine_map<(d0, d1) -> (0, 0, 0)>
#map1 = affine_map<(d0, d1) -> (0)>
#map2 = affine_map<(d0, d1) -> (0, 0)>
module attributes {stable_mosaic.version = 14 : i64} {
  func.func @k(%arg0: i32, %arg1: i32, %arg2: memref<2x163840x80xf32, #tpu.memory_space<hbm>>, %arg3: memref<163840xi32, #tpu.memory_space<hbm>>, %arg4: memref<10112x80xf32, #tpu.memory_space<hbm>>, %arg5: memref<2x10112x80xf32, #tpu.memory_space<hbm>>, %arg6: memref<128xi32, #tpu.memory_space<vmem>>, %arg7: memref<128xi32, #tpu.memory_space<vmem>>, %arg8: memref<128x80xf32, #tpu.memory_space<vmem>>, %arg9: memref<128x80xf32, #tpu.memory_space<vmem>>, %arg10: memref<!tpu.dma_semaphore, #tpu.memory_space<semaphore_mem>>, %arg11: memref<!tpu.dma_semaphore, #tpu.memory_space<semaphore_mem>>, %arg12: memref<632x80xf32, #tpu.memory_space<vmem>>, %arg13: memref<10112x80xf32, #tpu.memory_space<vmem_shared>>) attributes {dimension_semantics = [#tpu.dimension_semantics<core_parallel>, #tpu.dimension_semantics<subcore_parallel>], iteration_bounds = array<i64: 2, 16>, scalar_prefetch = 0 : i64, scratch_operands = 8 : i64, tpu.core_type = #tpu.core_type<sc_vector_subcore>, window_params = [{transform_indices = #map}, {transform_indices = #map1}, {transform_indices = #map2}, {transform_indices = #map}]} {
    %mul3A = arith.constant 632 : i32
    %mul3A_0 = arith.muli %arg1, %mul3A : i32
    "tpu.region"() ({
      %run_scoped3A = tpu.sem_alloc : memref<!tpu.dma_semaphore, #tpu.memory_space<semaphore_mem>>
      %dma_start3A_68 = arith.constant 0 : i32
      %dma_start3A_69 = tpu.memref_slice %arg4[%mul3A_0, %dma_start3A_68] : memref<10112x80xf32, #tpu.memory_space<hbm>> -> memref<632x80xf32, #tpu.memory_space<hbm>>
      %dma_start3A_70 = arith.constant 0 : i32
      %dma_start3A_71 = tpu.memref_slice %arg4[%mul3A_0, %dma_start3A_70] : memref<10112x80xf32, #tpu.memory_space<hbm>> -> memref<632x80xf32, #tpu.memory_space<hbm>>
      tpu.enqueue_dma source(%dma_start3A_71 : memref<632x80xf32, #tpu.memory_space<hbm>>) target(%arg12 : memref<632x80xf32, #tpu.memory_space<vmem>>) target_semaphore(%run_scoped3A : memref<!tpu.dma_semaphore, #tpu.memory_space<semaphore_mem>>)
      %dma_wait3A_72 = arith.constant 0 : i32
      %dma_wait3A_73 = tpu.memref_slice %arg4[%mul3A_0, %dma_wait3A_72] : memref<10112x80xf32, #tpu.memory_space<hbm>> -> memref<632x80xf32, #tpu.memory_space<hbm>>
      %dma_wait3A_74 = arith.constant 0 : i32
      %dma_wait3A_75 = tpu.memref_slice %arg4[%mul3A_0, %dma_wait3A_74] : memref<10112x80xf32, #tpu.memory_space<hbm>> -> memref<632x80xf32, #tpu.memory_space<hbm>>
      tpu.wait_dma2 semaphore(%run_scoped3A : memref<!tpu.dma_semaphore, #tpu.memory_space<semaphore_mem>>) src(%dma_wait3A_75 : memref<632x80xf32, #tpu.memory_space<hbm>>) dst(%arg12 : memref<632x80xf32, #tpu.memory_space<vmem>>)
      tpu.yield
    }) : () -> ()
    "tpu.region"() ({
      %run_scoped3A = tpu.sem_alloc : memref<!tpu.dma_semaphore, #tpu.memory_space<semaphore_mem>>
      %dma_start3A_68 = arith.constant 0 : i32
      %dma_start3A_69 = tpu.memref_slice %arg13[%mul3A_0, %dma_start3A_68] : memref<10112x80xf32, #tpu.memory_space<vmem_shared>> -> memref<632x80xf32, #tpu.memory_space<vmem_shared>>
      %dma_start3A_70 = arith.constant 0 : i32
      %dma_start3A_71 = tpu.memref_slice %arg13[%mul3A_0, %dma_start3A_70] : memref<10112x80xf32, #tpu.memory_space<vmem_shared>> -> memref<632x80xf32, #tpu.memory_space<vmem_shared>>
      tpu.enqueue_dma source(%arg12 : memref<632x80xf32, #tpu.memory_space<vmem>>) target(%dma_start3A_71 : memref<632x80xf32, #tpu.memory_space<vmem_shared>>) target_semaphore(%run_scoped3A : memref<!tpu.dma_semaphore, #tpu.memory_space<semaphore_mem>>)
      %dma_wait3A_72 = arith.constant 0 : i32
      %dma_wait3A_73 = tpu.memref_slice %arg13[%mul3A_0, %dma_wait3A_72] : memref<10112x80xf32, #tpu.memory_space<vmem_shared>> -> memref<632x80xf32, #tpu.memory_space<vmem_shared>>
      %dma_wait3A_74 = arith.constant 0 : i32
      %dma_wait3A_75 = tpu.memref_slice %arg13[%mul3A_0, %dma_wait3A_74] : memref<10112x80xf32, #tpu.memory_space<vmem_shared>> -> memref<632x80xf32, #tpu.memory_space<vmem_shared>>
      tpu.wait_dma2 semaphore(%run_scoped3A : memref<!tpu.dma_semaphore, #tpu.memory_space<semaphore_mem>>) src(%arg12 : memref<632x80xf32, #tpu.memory_space<vmem>>) dst(%dma_wait3A_75 : memref<632x80xf32, #tpu.memory_space<vmem_shared>>)
      tpu.yield
    }) : () -> ()
    %barrier3A = arith.constant 0 : index
    tpu.barrier barrier_id(%barrier3A)
    %add3A = arith.constant 0 : i32
    %add3A_1 = arith.addi %arg1, %add3A : i32
    %mul3A_2 = arith.constant 128 : i32
    %mul3A_3 = arith.muli %add3A_1, %mul3A_2 : i32
    %dma_start3A = tpu.memref_slice %arg3[%mul3A_3] : memref<163840xi32, #tpu.memory_space<hbm>> -> memref<128xi32, #tpu.memory_space<hbm>>
    %dma_start3A_4 = tpu.memref_slice %arg3[%mul3A_3] : memref<163840xi32, #tpu.memory_space<hbm>> -> memref<128xi32, #tpu.memory_space<hbm>>
    tpu.enqueue_dma source(%dma_start3A_4 : memref<128xi32, #tpu.memory_space<hbm>>) target(%arg6 : memref<128xi32, #tpu.memory_space<vmem>>) target_semaphore(%arg10 : memref<!tpu.dma_semaphore, #tpu.memory_space<semaphore_mem>>)
    %add3A_5 = arith.constant 0 : i32
    %add3A_6 = arith.addi %arg1, %add3A_5 : i32
    %mul3A_7 = arith.constant 128 : i32
    %mul3A_8 = arith.muli %add3A_6, %mul3A_7 : i32
    %dma_start3A_9 = arith.constant 0 : i32
    %dma_start3A_10 = tpu.memref_slice %arg2[%arg0, %mul3A_8, %dma_start3A_9] : memref<2x163840x80xf32, #tpu.memory_space<hbm>> -> memref<1x128x80xf32, #tpu.memory_space<hbm>>
    %dma_start3A_11 = tpu.memref_squeeze %dma_start3A_10 : memref<1x128x80xf32, #tpu.memory_space<hbm>> -> memref<128x80xf32, #tpu.memory_space<hbm>>
    %dma_start3A_12 = arith.constant 0 : i32
    %dma_start3A_13 = tpu.memref_slice %arg2[%arg0, %mul3A_8, %dma_start3A_12] : memref<2x163840x80xf32, #tpu.memory_space<hbm>> -> memref<1x128x80xf32, #tpu.memory_space<hbm>>
    %dma_start3A_14 = tpu.memref_squeeze %dma_start3A_13 : memref<1x128x80xf32, #tpu.memory_space<hbm>> -> memref<128x80xf32, #tpu.memory_space<hbm>>
    tpu.enqueue_dma source(%dma_start3A_14 : memref<128x80xf32, #tpu.memory_space<hbm>>) target(%arg8 : memref<128x80xf32, #tpu.memory_space<vmem>>) target_semaphore(%arg10 : memref<!tpu.dma_semaphore, #tpu.memory_space<semaphore_mem>>)
    %add3A_15 = arith.constant 16 : i32
    %add3A_16 = arith.addi %arg1, %add3A_15 : i32
    %mul3A_17 = arith.constant 128 : i32
    %mul3A_18 = arith.muli %add3A_16, %mul3A_17 : i32
    %dma_start3A_19 = tpu.memref_slice %arg3[%mul3A_18] : memref<163840xi32, #tpu.memory_space<hbm>> -> memref<128xi32, #tpu.memory_space<hbm>>
    %dma_start3A_20 = tpu.memref_slice %arg3[%mul3A_18] : memref<163840xi32, #tpu.memory_space<hbm>> -> memref<128xi32, #tpu.memory_space<hbm>>
    tpu.enqueue_dma source(%dma_start3A_20 : memref<128xi32, #tpu.memory_space<hbm>>) target(%arg7 : memref<128xi32, #tpu.memory_space<vmem>>) target_semaphore(%arg11 : memref<!tpu.dma_semaphore, #tpu.memory_space<semaphore_mem>>)
    %add3A_21 = arith.constant 16 : i32
    %add3A_22 = arith.addi %arg1, %add3A_21 : i32
    %mul3A_23 = arith.constant 128 : i32
    %mul3A_24 = arith.muli %add3A_22, %mul3A_23 : i32
    %dma_start3A_25 = arith.constant 0 : i32
    %dma_start3A_26 = tpu.memref_slice %arg2[%arg0, %mul3A_24, %dma_start3A_25] : memref<2x163840x80xf32, #tpu.memory_space<hbm>> -> memref<1x128x80xf32, #tpu.memory_space<hbm>>
    %dma_start3A_27 = tpu.memref_squeeze %dma_start3A_26 : memref<1x128x80xf32, #tpu.memory_space<hbm>> -> memref<128x80xf32, #tpu.memory_space<hbm>>
    %dma_start3A_28 = arith.constant 0 : i32
    %dma_start3A_29 = tpu.memref_slice %arg2[%arg0, %mul3A_24, %dma_start3A_28] : memref<2x163840x80xf32, #tpu.memory_space<hbm>> -> memref<1x128x80xf32, #tpu.memory_space<hbm>>
    %dma_start3A_30 = tpu.memref_squeeze %dma_start3A_29 : memref<1x128x80xf32, #tpu.memory_space<hbm>> -> memref<128x80xf32, #tpu.memory_space<hbm>>
    tpu.enqueue_dma source(%dma_start3A_30 : memref<128x80xf32, #tpu.memory_space<hbm>>) target(%arg9 : memref<128x80xf32, #tpu.memory_space<vmem>>) target_semaphore(%arg11 : memref<!tpu.dma_semaphore, #tpu.memory_space<semaphore_mem>>)
    %scan3A = arith.constant 0 : i32
    %scan3A_31 = arith.constant 0 : i32
    %scan3A_32 = arith.constant 39 : i32
    %scan3A_33 = arith.addi %scan3A_31, %scan3A_32 : i32
    %scan3A_34 = arith.constant 1 : i32
    scf.for %scan3A_68 = %scan3A_31 to %scan3A_33 step %scan3A_34  : i32 {
      %mul3A_69 = arith.constant 2 : i32
      %mul3A_70 = arith.muli %mul3A_69, %scan3A_68 : i32
      %mul3A_71 = arith.constant 16 : i32
      %mul3A_72 = arith.muli %mul3A_70, %mul3A_71 : i32
      %add3A_73 = arith.addi %arg1, %mul3A_72 : i32
      %mul3A_74 = arith.constant 128 : i32
      %mul3A_75 = arith.muli %add3A_73, %mul3A_74 : i32
      %dma_wait3A_76 = tpu.memref_slice %arg3[%mul3A_75] : memref<163840xi32, #tpu.memory_space<hbm>> -> memref<128xi32, #tpu.memory_space<hbm>>
      %dma_wait3A_77 = tpu.memref_slice %arg3[%mul3A_75] : memref<163840xi32, #tpu.memory_space<hbm>> -> memref<128xi32, #tpu.memory_space<hbm>>
      tpu.wait_dma2 semaphore(%arg10 : memref<!tpu.dma_semaphore, #tpu.memory_space<semaphore_mem>>) src(%dma_wait3A_77 : memref<128xi32, #tpu.memory_space<hbm>>) dst(%arg6 : memref<128xi32, #tpu.memory_space<vmem>>)
      %mul3A_78 = arith.constant 16 : i32
      %mul3A_79 = arith.muli %mul3A_70, %mul3A_78 : i32
      %add3A_80 = arith.addi %arg1, %mul3A_79 : i32
      %mul3A_81 = arith.constant 128 : i32
      %mul3A_82 = arith.muli %add3A_80, %mul3A_81 : i32
      %dma_wait3A_83 = arith.constant 0 : i32
      %dma_wait3A_84 = tpu.memref_slice %arg2[%arg0, %mul3A_82, %dma_wait3A_83] : memref<2x163840x80xf32, #tpu.memory_space<hbm>> -> memref<1x128x80xf32, #tpu.memory_space<hbm>>
      %dma_wait3A_85 = tpu.memref_squeeze %dma_wait3A_84 : memref<1x128x80xf32, #tpu.memory_space<hbm>> -> memref<128x80xf32, #tpu.memory_space<hbm>>
      %dma_wait3A_86 = arith.constant 0 : i32
      %dma_wait3A_87 = tpu.memref_slice %arg2[%arg0, %mul3A_82, %dma_wait3A_86] : memref<2x163840x80xf32, #tpu.memory_space<hbm>> -> memref<1x128x80xf32, #tpu.memory_space<hbm>>
      %dma_wait3A_88 = tpu.memref_squeeze %dma_wait3A_87 : memref<1x128x80xf32, #tpu.memory_space<hbm>> -> memref<128x80xf32, #tpu.memory_space<hbm>>
      tpu.wait_dma2 semaphore(%arg10 : memref<!tpu.dma_semaphore, #tpu.memory_space<semaphore_mem>>) src(%dma_wait3A_88 : memref<128x80xf32, #tpu.memory_space<hbm>>) dst(%arg8 : memref<128x80xf32, #tpu.memory_space<vmem>>)
      "tpu.region"() ({
        %run_scoped3A = tpu.sem_alloc : memref<!tpu.dma_semaphore, #tpu.memory_space<semaphore_mem>>
        %dma_start3A_149 = arith.constant 0 : i32
        %dma_start3A_150 = arith.constant 0 : i32
        %dma_start3A_151 = tpu.memref_slice %arg13[%dma_start3A_149, %dma_start3A_150] : memref<10112x80xf32, #tpu.memory_space<vmem_shared>> -> memref<10112x80xf32, #tpu.memory_space<vmem_shared>>
        tpu.enqueue_indirect_dma source(%arg8 : memref<128x80xf32, #tpu.memory_space<vmem>>) target(%dma_start3A_151 : memref<10112x80xf32, #tpu.memory_space<vmem_shared>>) offsets(%arg6 : memref<128xi32, #tpu.memory_space<vmem>>) semaphore(%run_scoped3A : memref<!tpu.dma_semaphore, #tpu.memory_space<semaphore_mem>>) {add = true}
        %dma_wait3A_152 = arith.constant 0 : i32
        %dma_wait3A_153 = arith.constant 0 : i32
        %dma_wait3A_154 = tpu.memref_slice %arg13[%dma_wait3A_152, %dma_wait3A_153] : memref<10112x80xf32, #tpu.memory_space<vmem_shared>> -> memref<10112x80xf32, #tpu.memory_space<vmem_shared>>
        tpu.wait_indirect_dma semaphore(%run_scoped3A : memref<!tpu.dma_semaphore, #tpu.memory_space<semaphore_mem>>) src(%arg8 : memref<128x80xf32, #tpu.memory_space<vmem>>) dst(%dma_wait3A_154 : memref<10112x80xf32, #tpu.memory_space<vmem_shared>>)
        tpu.yield
      }) : () -> ()
      %add3A_89 = arith.constant 2 : i32
      %add3A_90 = arith.addi %mul3A_70, %add3A_89 : i32
      %mul3A_91 = arith.constant 16 : i32
      %mul3A_92 = arith.muli %add3A_90, %mul3A_91 : i32
      %add3A_93 = arith.addi %arg1, %mul3A_92 : i32
      %mul3A_94 = arith.constant 128 : i32
      %mul3A_95 = arith.muli %add3A_93, %mul3A_94 : i32
      %dma_start3A_96 = tpu.memref_slice %arg3[%mul3A_95] : memref<163840xi32, #tpu.memory_space<hbm>> -> memref<128xi32, #tpu.memory_space<hbm>>
      %dma_start3A_97 = tpu.memref_slice %arg3[%mul3A_95] : memref<163840xi32, #tpu.memory_space<hbm>> -> memref<128xi32, #tpu.memory_space<hbm>>
      tpu.enqueue_dma source(%dma_start3A_97 : memref<128xi32, #tpu.memory_space<hbm>>) target(%arg6 : memref<128xi32, #tpu.memory_space<vmem>>) target_semaphore(%arg10 : memref<!tpu.dma_semaphore, #tpu.memory_space<semaphore_mem>>)
      %mul3A_98 = arith.constant 16 : i32
      %mul3A_99 = arith.muli %add3A_90, %mul3A_98 : i32
      %add3A_100 = arith.addi %arg1, %mul3A_99 : i32
      %mul3A_101 = arith.constant 128 : i32
      %mul3A_102 = arith.muli %add3A_100, %mul3A_101 : i32
      %dma_start3A_103 = arith.constant 0 : i32
      %dma_start3A_104 = tpu.memref_slice %arg2[%arg0, %mul3A_102, %dma_start3A_103] : memref<2x163840x80xf32, #tpu.memory_space<hbm>> -> memref<1x128x80xf32, #tpu.memory_space<hbm>>
      %dma_start3A_105 = tpu.memref_squeeze %dma_start3A_104 : memref<1x128x80xf32, #tpu.memory_space<hbm>> -> memref<128x80xf32, #tpu.memory_space<hbm>>
      %dma_start3A_106 = arith.constant 0 : i32
      %dma_start3A_107 = tpu.memref_slice %arg2[%arg0, %mul3A_102, %dma_start3A_106] : memref<2x163840x80xf32, #tpu.memory_space<hbm>> -> memref<1x128x80xf32, #tpu.memory_space<hbm>>
      %dma_start3A_108 = tpu.memref_squeeze %dma_start3A_107 : memref<1x128x80xf32, #tpu.memory_space<hbm>> -> memref<128x80xf32, #tpu.memory_space<hbm>>
      tpu.enqueue_dma source(%dma_start3A_108 : memref<128x80xf32, #tpu.memory_space<hbm>>) target(%arg8 : memref<128x80xf32, #tpu.memory_space<vmem>>) target_semaphore(%arg10 : memref<!tpu.dma_semaphore, #tpu.memory_space<semaphore_mem>>)
      %add3A_109 = arith.constant 1 : i32
      %add3A_110 = arith.addi %mul3A_70, %add3A_109 : i32
      %mul3A_111 = arith.constant 16 : i32
      %mul3A_112 = arith.muli %add3A_110, %mul3A_111 : i32
      %add3A_113 = arith.addi %arg1, %mul3A_112 : i32
      %mul3A_114 = arith.constant 128 : i32
      %mul3A_115 = arith.muli %add3A_113, %mul3A_114 : i32
      %dma_wait3A_116 = tpu.memref_slice %arg3[%mul3A_115] : memref<163840xi32, #tpu.memory_space<hbm>> -> memref<128xi32, #tpu.memory_space<hbm>>
      %dma_wait3A_117 = tpu.memref_slice %arg3[%mul3A_115] : memref<163840xi32, #tpu.memory_space<hbm>> -> memref<128xi32, #tpu.memory_space<hbm>>
      tpu.wait_dma2 semaphore(%arg11 : memref<!tpu.dma_semaphore, #tpu.memory_space<semaphore_mem>>) src(%dma_wait3A_117 : memref<128xi32, #tpu.memory_space<hbm>>) dst(%arg7 : memref<128xi32, #tpu.memory_space<vmem>>)
      %mul3A_118 = arith.constant 16 : i32
      %mul3A_119 = arith.muli %add3A_110, %mul3A_118 : i32
      %add3A_120 = arith.addi %arg1, %mul3A_119 : i32
      %mul3A_121 = arith.constant 128 : i32
      %mul3A_122 = arith.muli %add3A_120, %mul3A_121 : i32
      %dma_wait3A_123 = arith.constant 0 : i32
      %dma_wait3A_124 = tpu.memref_slice %arg2[%arg0, %mul3A_122, %dma_wait3A_123] : memref<2x163840x80xf32, #tpu.memory_space<hbm>> -> memref<1x128x80xf32, #tpu.memory_space<hbm>>
      %dma_wait3A_125 = tpu.memref_squeeze %dma_wait3A_124 : memref<1x128x80xf32, #tpu.memory_space<hbm>> -> memref<128x80xf32, #tpu.memory_space<hbm>>
      %dma_wait3A_126 = arith.constant 0 : i32
      %dma_wait3A_127 = tpu.memref_slice %arg2[%arg0, %mul3A_122, %dma_wait3A_126] : memref<2x163840x80xf32, #tpu.memory_space<hbm>> -> memref<1x128x80xf32, #tpu.memory_space<hbm>>
      %dma_wait3A_128 = tpu.memref_squeeze %dma_wait3A_127 : memref<1x128x80xf32, #tpu.memory_space<hbm>> -> memref<128x80xf32, #tpu.memory_space<hbm>>
      tpu.wait_dma2 semaphore(%arg11 : memref<!tpu.dma_semaphore, #tpu.memory_space<semaphore_mem>>) src(%dma_wait3A_128 : memref<128x80xf32, #tpu.memory_space<hbm>>) dst(%arg9 : memref<128x80xf32, #tpu.memory_space<vmem>>)
      "tpu.region"() ({
        %run_scoped3A = tpu.sem_alloc : memref<!tpu.dma_semaphore, #tpu.memory_space<semaphore_mem>>
        %dma_start3A_149 = arith.constant 0 : i32
        %dma_start3A_150 = arith.constant 0 : i32
        %dma_start3A_151 = tpu.memref_slice %arg13[%dma_start3A_149, %dma_start3A_150] : memref<10112x80xf32, #tpu.memory_space<vmem_shared>> -> memref<10112x80xf32, #tpu.memory_space<vmem_shared>>
        tpu.enqueue_indirect_dma source(%arg9 : memref<128x80xf32, #tpu.memory_space<vmem>>) target(%dma_start3A_151 : memref<10112x80xf32, #tpu.memory_space<vmem_shared>>) offsets(%arg7 : memref<128xi32, #tpu.memory_space<vmem>>) semaphore(%run_scoped3A : memref<!tpu.dma_semaphore, #tpu.memory_space<semaphore_mem>>) {add = true}
        %dma_wait3A_152 = arith.constant 0 : i32
        %dma_wait3A_153 = arith.constant 0 : i32
        %dma_wait3A_154 = tpu.memref_slice %arg13[%dma_wait3A_152, %dma_wait3A_153] : memref<10112x80xf32, #tpu.memory_space<vmem_shared>> -> memref<10112x80xf32, #tpu.memory_space<vmem_shared>>
        tpu.wait_indirect_dma semaphore(%run_scoped3A : memref<!tpu.dma_semaphore, #tpu.memory_space<semaphore_mem>>) src(%arg9 : memref<128x80xf32, #tpu.memory_space<vmem>>) dst(%dma_wait3A_154 : memref<10112x80xf32, #tpu.memory_space<vmem_shared>>)
        tpu.yield
      }) : () -> ()
      %add3A_129 = arith.constant 3 : i32
      %add3A_130 = arith.addi %mul3A_70, %add3A_129 : i32
      %mul3A_131 = arith.constant 16 : i32
      %mul3A_132 = arith.muli %add3A_130, %mul3A_131 : i32
      %add3A_133 = arith.addi %arg1, %mul3A_132 : i32
      %mul3A_134 = arith.constant 128 : i32
      %mul3A_135 = arith.muli %add3A_133, %mul3A_134 : i32
      %dma_start3A_136 = tpu.memref_slice %arg3[%mul3A_135] : memref<163840xi32, #tpu.memory_space<hbm>> -> memref<128xi32, #tpu.memory_space<hbm>>
      %dma_start3A_137 = tpu.memref_slice %arg3[%mul3A_135] : memref<163840xi32, #tpu.memory_space<hbm>> -> memref<128xi32, #tpu.memory_space<hbm>>
      tpu.enqueue_dma source(%dma_start3A_137 : memref<128xi32, #tpu.memory_space<hbm>>) target(%arg7 : memref<128xi32, #tpu.memory_space<vmem>>) target_semaphore(%arg11 : memref<!tpu.dma_semaphore, #tpu.memory_space<semaphore_mem>>)
      %mul3A_138 = arith.constant 16 : i32
      %mul3A_139 = arith.muli %add3A_130, %mul3A_138 : i32
      %add3A_140 = arith.addi %arg1, %mul3A_139 : i32
      %mul3A_141 = arith.constant 128 : i32
      %mul3A_142 = arith.muli %add3A_140, %mul3A_141 : i32
      %dma_start3A_143 = arith.constant 0 : i32
      %dma_start3A_144 = tpu.memref_slice %arg2[%arg0, %mul3A_142, %dma_start3A_143] : memref<2x163840x80xf32, #tpu.memory_space<hbm>> -> memref<1x128x80xf32, #tpu.memory_space<hbm>>
      %dma_start3A_145 = tpu.memref_squeeze %dma_start3A_144 : memref<1x128x80xf32, #tpu.memory_space<hbm>> -> memref<128x80xf32, #tpu.memory_space<hbm>>
      %dma_start3A_146 = arith.constant 0 : i32
      %dma_start3A_147 = tpu.memref_slice %arg2[%arg0, %mul3A_142, %dma_start3A_146] : memref<2x163840x80xf32, #tpu.memory_space<hbm>> -> memref<1x128x80xf32, #tpu.memory_space<hbm>>
      %dma_start3A_148 = tpu.memref_squeeze %dma_start3A_147 : memref<1x128x80xf32, #tpu.memory_space<hbm>> -> memref<128x80xf32, #tpu.memory_space<hbm>>
      tpu.enqueue_dma source(%dma_start3A_148 : memref<128x80xf32, #tpu.memory_space<hbm>>) target(%arg9 : memref<128x80xf32, #tpu.memory_space<vmem>>) target_semaphore(%arg11 : memref<!tpu.dma_semaphore, #tpu.memory_space<semaphore_mem>>)
    }
    %scan3A_35 = arith.constant 39 : i32
    %add3A_36 = arith.constant 1248 : i32
    %add3A_37 = arith.addi %arg1, %add3A_36 : i32
    %mul3A_38 = arith.constant 128 : i32
    %mul3A_39 = arith.muli %add3A_37, %mul3A_38 : i32
    %dma_wait3A = tpu.memref_slice %arg3[%mul3A_39] : memref<163840xi32, #tpu.memory_space<hbm>> -> memref<128xi32, #tpu.memory_space<hbm>>
    %dma_wait3A_40 = tpu.memref_slice %arg3[%mul3A_39] : memref<163840xi32, #tpu.memory_space<hbm>> -> memref<128xi32, #tpu.memory_space<hbm>>
    tpu.wait_dma2 semaphore(%arg10 : memref<!tpu.dma_semaphore, #tpu.memory_space<semaphore_mem>>) src(%dma_wait3A_40 : memref<128xi32, #tpu.memory_space<hbm>>) dst(%arg6 : memref<128xi32, #tpu.memory_space<vmem>>)
    %add3A_41 = arith.constant 1248 : i32
    %add3A_42 = arith.addi %arg1, %add3A_41 : i32
    %mul3A_43 = arith.constant 128 : i32
    %mul3A_44 = arith.muli %add3A_42, %mul3A_43 : i32
    %dma_wait3A_45 = arith.constant 0 : i32
    %dma_wait3A_46 = tpu.memref_slice %arg2[%arg0, %mul3A_44, %dma_wait3A_45] : memref<2x163840x80xf32, #tpu.memory_space<hbm>> -> memref<1x128x80xf32, #tpu.memory_space<hbm>>
    %dma_wait3A_47 = tpu.memref_squeeze %dma_wait3A_46 : memref<1x128x80xf32, #tpu.memory_space<hbm>> -> memref<128x80xf32, #tpu.memory_space<hbm>>
    %dma_wait3A_48 = arith.constant 0 : i32
    %dma_wait3A_49 = tpu.memref_slice %arg2[%arg0, %mul3A_44, %dma_wait3A_48] : memref<2x163840x80xf32, #tpu.memory_space<hbm>> -> memref<1x128x80xf32, #tpu.memory_space<hbm>>
    %dma_wait3A_50 = tpu.memref_squeeze %dma_wait3A_49 : memref<1x128x80xf32, #tpu.memory_space<hbm>> -> memref<128x80xf32, #tpu.memory_space<hbm>>
    tpu.wait_dma2 semaphore(%arg10 : memref<!tpu.dma_semaphore, #tpu.memory_space<semaphore_mem>>) src(%dma_wait3A_50 : memref<128x80xf32, #tpu.memory_space<hbm>>) dst(%arg8 : memref<128x80xf32, #tpu.memory_space<vmem>>)
    "tpu.region"() ({
      %run_scoped3A = tpu.sem_alloc : memref<!tpu.dma_semaphore, #tpu.memory_space<semaphore_mem>>
      %dma_start3A_68 = arith.constant 0 : i32
      %dma_start3A_69 = arith.constant 0 : i32
      %dma_start3A_70 = tpu.memref_slice %arg13[%dma_start3A_68, %dma_start3A_69] : memref<10112x80xf32, #tpu.memory_space<vmem_shared>> -> memref<10112x80xf32, #tpu.memory_space<vmem_shared>>
      tpu.enqueue_indirect_dma source(%arg8 : memref<128x80xf32, #tpu.memory_space<vmem>>) target(%dma_start3A_70 : memref<10112x80xf32, #tpu.memory_space<vmem_shared>>) offsets(%arg6 : memref<128xi32, #tpu.memory_space<vmem>>) semaphore(%run_scoped3A : memref<!tpu.dma_semaphore, #tpu.memory_space<semaphore_mem>>) {add = true}
      %dma_wait3A_71 = arith.constant 0 : i32
      %dma_wait3A_72 = arith.constant 0 : i32
      %dma_wait3A_73 = tpu.memref_slice %arg13[%dma_wait3A_71, %dma_wait3A_72] : memref<10112x80xf32, #tpu.memory_space<vmem_shared>> -> memref<10112x80xf32, #tpu.memory_space<vmem_shared>>
      tpu.wait_indirect_dma semaphore(%run_scoped3A : memref<!tpu.dma_semaphore, #tpu.memory_space<semaphore_mem>>) src(%arg8 : memref<128x80xf32, #tpu.memory_space<vmem>>) dst(%dma_wait3A_73 : memref<10112x80xf32, #tpu.memory_space<vmem_shared>>)
      tpu.yield
    }) : () -> ()
    %add3A_51 = arith.constant 1264 : i32
    %add3A_52 = arith.addi %arg1, %add3A_51 : i32
    %mul3A_53 = arith.constant 128 : i32
    %mul3A_54 = arith.muli %add3A_52, %mul3A_53 : i32
    %dma_wait3A_55 = tpu.memref_slice %arg3[%mul3A_54] : memref<163840xi32, #tpu.memory_space<hbm>> -> memref<128xi32, #tpu.memory_space<hbm>>
    %dma_wait3A_56 = tpu.memref_slice %arg3[%mul3A_54] : memref<163840xi32, #tpu.memory_space<hbm>> -> memref<128xi32, #tpu.memory_space<hbm>>
    tpu.wait_dma2 semaphore(%arg11 : memref<!tpu.dma_semaphore, #tpu.memory_space<semaphore_mem>>) src(%dma_wait3A_56 : memref<128xi32, #tpu.memory_space<hbm>>) dst(%arg7 : memref<128xi32, #tpu.memory_space<vmem>>)
    %add3A_57 = arith.constant 1264 : i32
    %add3A_58 = arith.addi %arg1, %add3A_57 : i32
    %mul3A_59 = arith.constant 128 : i32
    %mul3A_60 = arith.muli %add3A_58, %mul3A_59 : i32
    %dma_wait3A_61 = arith.constant 0 : i32
    %dma_wait3A_62 = tpu.memref_slice %arg2[%arg0, %mul3A_60, %dma_wait3A_61] : memref<2x163840x80xf32, #tpu.memory_space<hbm>> -> memref<1x128x80xf32, #tpu.memory_space<hbm>>
    %dma_wait3A_63 = tpu.memref_squeeze %dma_wait3A_62 : memref<1x128x80xf32, #tpu.memory_space<hbm>> -> memref<128x80xf32, #tpu.memory_space<hbm>>
    %dma_wait3A_64 = arith.constant 0 : i32
    %dma_wait3A_65 = tpu.memref_slice %arg2[%arg0, %mul3A_60, %dma_wait3A_64] : memref<2x163840x80xf32, #tpu.memory_space<hbm>> -> memref<1x128x80xf32, #tpu.memory_space<hbm>>
    %dma_wait3A_66 = tpu.memref_squeeze %dma_wait3A_65 : memref<1x128x80xf32, #tpu.memory_space<hbm>> -> memref<128x80xf32, #tpu.memory_space<hbm>>
    tpu.wait_dma2 semaphore(%arg11 : memref<!tpu.dma_semaphore, #tpu.memory_space<semaphore_mem>>) src(%dma_wait3A_66 : memref<128x80xf32, #tpu.memory_space<hbm>>) dst(%arg9 : memref<128x80xf32, #tpu.memory_space<vmem>>)
    "tpu.region"() ({
      %run_scoped3A = tpu.sem_alloc : memref<!tpu.dma_semaphore, #tpu.memory_space<semaphore_mem>>
      %dma_start3A_68 = arith.constant 0 : i32
      %dma_start3A_69 = arith.constant 0 : i32
      %dma_start3A_70 = tpu.memref_slice %arg13[%dma_start3A_68, %dma_start3A_69] : memref<10112x80xf32, #tpu.memory_space<vmem_shared>> -> memref<10112x80xf32, #tpu.memory_space<vmem_shared>>
      tpu.enqueue_indirect_dma source(%arg9 : memref<128x80xf32, #tpu.memory_space<vmem>>) target(%dma_start3A_70 : memref<10112x80xf32, #tpu.memory_space<vmem_shared>>) offsets(%arg7 : memref<128xi32, #tpu.memory_space<vmem>>) semaphore(%run_scoped3A : memref<!tpu.dma_semaphore, #tpu.memory_space<semaphore_mem>>) {add = true}
      %dma_wait3A_71 = arith.constant 0 : i32
      %dma_wait3A_72 = arith.constant 0 : i32
      %dma_wait3A_73 = tpu.memref_slice %arg13[%dma_wait3A_71, %dma_wait3A_72] : memref<10112x80xf32, #tpu.memory_space<vmem_shared>> -> memref<10112x80xf32, #tpu.memory_space<vmem_shared>>
      tpu.wait_indirect_dma semaphore(%run_scoped3A : memref<!tpu.dma_semaphore, #tpu.memory_space<semaphore_mem>>) src(%arg9 : memref<128x80xf32, #tpu.memory_space<vmem>>) dst(%dma_wait3A_73 : memref<10112x80xf32, #tpu.memory_space<vmem_shared>>)
      tpu.yield
    }) : () -> ()
    %barrier3A_67 = arith.constant 0 : index
    tpu.barrier barrier_id(%barrier3A_67)
    "tpu.region"() ({
      %run_scoped3A = tpu.sem_alloc : memref<!tpu.dma_semaphore, #tpu.memory_space<semaphore_mem>>
      %dma_start3A_68 = arith.constant 0 : i32
      %dma_start3A_69 = tpu.memref_slice %arg13[%mul3A_0, %dma_start3A_68] : memref<10112x80xf32, #tpu.memory_space<vmem_shared>> -> memref<632x80xf32, #tpu.memory_space<vmem_shared>>
      %dma_start3A_70 = arith.constant 0 : i32
      %dma_start3A_71 = tpu.memref_slice %arg13[%mul3A_0, %dma_start3A_70] : memref<10112x80xf32, #tpu.memory_space<vmem_shared>> -> memref<632x80xf32, #tpu.memory_space<vmem_shared>>
      tpu.enqueue_dma source(%dma_start3A_71 : memref<632x80xf32, #tpu.memory_space<vmem_shared>>) target(%arg12 : memref<632x80xf32, #tpu.memory_space<vmem>>) target_semaphore(%run_scoped3A : memref<!tpu.dma_semaphore, #tpu.memory_space<semaphore_mem>>)
      %dma_wait3A_72 = arith.constant 0 : i32
      %dma_wait3A_73 = tpu.memref_slice %arg13[%mul3A_0, %dma_wait3A_72] : memref<10112x80xf32, #tpu.memory_space<vmem_shared>> -> memref<632x80xf32, #tpu.memory_space<vmem_shared>>
      %dma_wait3A_74 = arith.constant 0 : i32
      %dma_wait3A_75 = tpu.memref_slice %arg13[%mul3A_0, %dma_wait3A_74] : memref<10112x80xf32, #tpu.memory_space<vmem_shared>> -> memref<632x80xf32, #tpu.memory_space<vmem_shared>>
      tpu.wait_dma2 semaphore(%run_scoped3A : memref<!tpu.dma_semaphore, #tpu.memory_space<semaphore_mem>>) src(%dma_wait3A_75 : memref<632x80xf32, #tpu.memory_space<vmem_shared>>) dst(%arg12 : memref<632x80xf32, #tpu.memory_space<vmem>>)
      tpu.yield
    }) : () -> ()
    "tpu.region"() ({
      %run_scoped3A = tpu.sem_alloc : memref<!tpu.dma_semaphore, #tpu.memory_space<semaphore_mem>>
      %dma_start3A_68 = arith.constant 0 : i32
      %dma_start3A_69 = tpu.memref_slice %arg5[%arg0, %mul3A_0, %dma_start3A_68] : memref<2x10112x80xf32, #tpu.memory_space<hbm>> -> memref<1x632x80xf32, #tpu.memory_space<hbm>>
      %dma_start3A_70 = tpu.memref_squeeze %dma_start3A_69 : memref<1x632x80xf32, #tpu.memory_space<hbm>> -> memref<632x80xf32, #tpu.memory_space<hbm>>
      %dma_start3A_71 = arith.constant 0 : i32
      %dma_start3A_72 = tpu.memref_slice %arg5[%arg0, %mul3A_0, %dma_start3A_71] : memref<2x10112x80xf32, #tpu.memory_space<hbm>> -> memref<1x632x80xf32, #tpu.memory_space<hbm>>
      %dma_start3A_73 = tpu.memref_squeeze %dma_start3A_72 : memref<1x632x80xf32, #tpu.memory_space<hbm>> -> memref<632x80xf32, #tpu.memory_space<hbm>>
      tpu.enqueue_dma source(%arg12 : memref<632x80xf32, #tpu.memory_space<vmem>>) target(%dma_start3A_73 : memref<632x80xf32, #tpu.memory_space<hbm>>) target_semaphore(%run_scoped3A : memref<!tpu.dma_semaphore, #tpu.memory_space<semaphore_mem>>)
      %dma_wait3A_74 = arith.constant 0 : i32
      %dma_wait3A_75 = tpu.memref_slice %arg5[%arg0, %mul3A_0, %dma_wait3A_74] : memref<2x10112x80xf32, #tpu.memory_space<hbm>> -> memref<1x632x80xf32, #tpu.memory_space<hbm>>
      %dma_wait3A_76 = tpu.memref_squeeze %dma_wait3A_75 : memref<1x632x80xf32, #tpu.memory_space<hbm>> -> memref<632x80xf32, #tpu.memory_space<hbm>>
      %dma_wait3A_77 = arith.constant 0 : i32
      %dma_wait3A_78 = tpu.memref_slice %arg5[%arg0, %mul3A_0, %dma_wait3A_77] : memref<2x10112x80xf32, #tpu.memory_space<hbm>> -> memref<1x632x80xf32, #tpu.memory_space<hbm>>
      %dma_wait3A_79 = tpu.memref_squeeze %dma_wait3A_78 : memref<1x632x80xf32, #tpu.memory_space<hbm>> -> memref<632x80xf32, #tpu.memory_space<hbm>>
      tpu.wait_dma2 semaphore(%run_scoped3A : memref<!tpu.dma_semaphore, #tpu.memory_space<semaphore_mem>>) src(%arg12 : memref<632x80xf32, #tpu.memory_space<vmem>>) dst(%dma_wait3A_79 : memref<632x80xf32, #tpu.memory_space<hbm>>)
      tpu.yield
    }) : () -> ()
    return
  }
}

#map = affine_map<(d0, d1) -> (0, 0)>
#map1 = affine_map<(d0, d1) -> (0)>
module attributes {stable_mosaic.version = 14 : i64} {
  func.func @k(%arg0: i32, %arg1: i32, %arg2: memref<10000x128xf32, #tpu.memory_space<hbm>>, %arg3: memref<10000x128xf32, #tpu.memory_space<hbm>>, %arg4: memref<160000xi32, #tpu.memory_space<hbm>>, %arg5: memref<160000xi32, #tpu.memory_space<hbm>>, %arg6: memref<160000x128xf32, #tpu.memory_space<hbm>>, %arg7: memref<160000x128xf32, #tpu.memory_space<hbm>>, %arg8: memref<128xi32, #tpu.memory_space<vmem>>, %arg9: memref<128xi32, #tpu.memory_space<vmem>>, %arg10: memref<128xi32, #tpu.memory_space<vmem>>, %arg11: memref<128xi32, #tpu.memory_space<vmem>>, %arg12: memref<128x128xf32, #tpu.memory_space<vmem>>, %arg13: memref<128x128xf32, #tpu.memory_space<vmem>>, %arg14: memref<128x128xf32, #tpu.memory_space<vmem>>, %arg15: memref<128x128xf32, #tpu.memory_space<vmem>>, %arg16: memref<!tpu.dma_semaphore, #tpu.memory_space<semaphore_mem>>, %arg17: memref<!tpu.dma_semaphore, #tpu.memory_space<semaphore_mem>>, %arg18: memref<!tpu.dma_semaphore, #tpu.memory_space<semaphore_mem>>, %arg19: memref<!tpu.dma_semaphore, #tpu.memory_space<semaphore_mem>>) attributes {dimension_semantics = [#tpu.dimension_semantics<core_parallel>, #tpu.dimension_semantics<subcore_parallel>], iteration_bounds = array<i64: 2, 16>, scalar_prefetch = 0 : i64, scratch_operands = 12 : i64, tpu.core_type = #tpu.core_type<sc_vector_subcore>, window_params = [{transform_indices = #map}, {transform_indices = #map}, {transform_indices = #map1}, {transform_indices = #map1}, {transform_indices = #map}, {transform_indices = #map}]} {
    %mul3A = arith.constant 2 : i32
    %mul3A_0 = arith.muli %arg1, %mul3A : i32
    %add3A = arith.addi %mul3A_0, %arg0 : i32
    %sub3A = arith.constant 1250 : i32
    %sub3A_1 = arith.subi %sub3A, %add3A : i32
    %add3A_2 = arith.constant 32 : i32
    %add3A_3 = arith.addi %sub3A_1, %add3A_2 : i32
    %sub3A_4 = arith.constant 1 : i32
    %sub3A_5 = arith.subi %add3A_3, %sub3A_4 : i32
    %jit3A = arith.constant 32 : i32
    %div3A = arith.divsi %sub3A_5, %jit3A : i32
    %sign3A = arith.constant 0 : i32
    %sign3A_6 = arith.cmpi sgt, %sub3A_5, %sign3A : i32
    %sign3A_7 = arith.extui %sign3A_6 : i1 to i32
    %sign3A_8 = arith.constant 0 : i32
    %sign3A_9 = arith.cmpi slt, %sub3A_5, %sign3A_8 : i32
    %sign3A_10 = arith.extui %sign3A_9 : i1 to i32
    %sign3A_11 = arith.subi %sign3A_7, %sign3A_10 : i32
    %sign3A_12 = arith.constant 0 : i32
    %sign3A_13 = arith.cmpi sgt, %jit3A, %sign3A_12 : i32
    %sign3A_14 = arith.extui %sign3A_13 : i1 to i32
    %sign3A_15 = arith.constant 0 : i32
    %sign3A_16 = arith.cmpi slt, %jit3A, %sign3A_15 : i32
    %sign3A_17 = arith.extui %sign3A_16 : i1 to i32
    %sign3A_18 = arith.subi %sign3A_14, %sign3A_17 : i32
    %ne3A = arith.cmpi ne, %sign3A_11, %sign3A_18 : i32
    %rem3A = arith.remsi %sub3A_5, %jit3A : i32
    %ne3A_19 = arith.constant 0 : i32
    %ne3A_20 = arith.cmpi ne, %rem3A, %ne3A_19 : i32
    %and3A = arith.andi %ne3A, %ne3A_20 : i1
    %sub3A_21 = arith.constant 1 : i32
    %sub3A_22 = arith.subi %div3A, %sub3A_21 : i32
    %select_n3A = arith.select %and3A, %sub3A_22, %div3A : i32
    %sub3A_23 = arith.constant 1 : i32
    %sub3A_24 = arith.subi %select_n3A, %sub3A_23 : i32
    %min3A = arith.constant 0 : i32
    %min3A_25 = arith.minsi %min3A, %sub3A_24 : i32
    %mul3A_26 = arith.constant 32 : i32
    %mul3A_27 = arith.muli %min3A_25, %mul3A_26 : i32
    %add3A_28 = arith.addi %add3A, %mul3A_27 : i32
    %mul3A_29 = arith.constant 128 : i32
    %mul3A_30 = arith.muli %add3A_28, %mul3A_29 : i32
    "tpu.region"() ({
      %run_scoped3A = tpu.sem_alloc : memref<!tpu.dma_semaphore, #tpu.memory_space<semaphore_mem>>
      %dma_start3A_189 = tpu.memref_slice %arg4[%mul3A_30] : memref<160000xi32, #tpu.memory_space<hbm>> -> memref<128xi32, #tpu.memory_space<hbm>>
      %dma_start3A_190 = tpu.memref_slice %arg4[%mul3A_30] : memref<160000xi32, #tpu.memory_space<hbm>> -> memref<128xi32, #tpu.memory_space<hbm>>
      tpu.enqueue_dma source(%dma_start3A_190 : memref<128xi32, #tpu.memory_space<hbm>>) target(%arg8 : memref<128xi32, #tpu.memory_space<vmem>>) target_semaphore(%run_scoped3A : memref<!tpu.dma_semaphore, #tpu.memory_space<semaphore_mem>>)
      %dma_wait3A_191 = tpu.memref_slice %arg4[%mul3A_30] : memref<160000xi32, #tpu.memory_space<hbm>> -> memref<128xi32, #tpu.memory_space<hbm>>
      %dma_wait3A_192 = tpu.memref_slice %arg4[%mul3A_30] : memref<160000xi32, #tpu.memory_space<hbm>> -> memref<128xi32, #tpu.memory_space<hbm>>
      tpu.wait_dma2 semaphore(%run_scoped3A : memref<!tpu.dma_semaphore, #tpu.memory_space<semaphore_mem>>) src(%dma_wait3A_192 : memref<128xi32, #tpu.memory_space<hbm>>) dst(%arg8 : memref<128xi32, #tpu.memory_space<vmem>>)
      tpu.yield
    }) : () -> ()
    %sub3A_31 = arith.constant 1 : i32
    %sub3A_32 = arith.subi %select_n3A, %sub3A_31 : i32
    %min3A_33 = arith.constant 0 : i32
    %min3A_34 = arith.minsi %min3A_33, %sub3A_32 : i32
    %mul3A_35 = arith.constant 32 : i32
    %mul3A_36 = arith.muli %min3A_34, %mul3A_35 : i32
    %add3A_37 = arith.addi %add3A, %mul3A_36 : i32
    %mul3A_38 = arith.constant 128 : i32
    %mul3A_39 = arith.muli %add3A_37, %mul3A_38 : i32
    "tpu.region"() ({
      %run_scoped3A = tpu.sem_alloc : memref<!tpu.dma_semaphore, #tpu.memory_space<semaphore_mem>>
      %dma_start3A_189 = tpu.memref_slice %arg5[%mul3A_39] : memref<160000xi32, #tpu.memory_space<hbm>> -> memref<128xi32, #tpu.memory_space<hbm>>
      %dma_start3A_190 = tpu.memref_slice %arg5[%mul3A_39] : memref<160000xi32, #tpu.memory_space<hbm>> -> memref<128xi32, #tpu.memory_space<hbm>>
      tpu.enqueue_dma source(%dma_start3A_190 : memref<128xi32, #tpu.memory_space<hbm>>) target(%arg10 : memref<128xi32, #tpu.memory_space<vmem>>) target_semaphore(%run_scoped3A : memref<!tpu.dma_semaphore, #tpu.memory_space<semaphore_mem>>)
      %dma_wait3A_191 = tpu.memref_slice %arg5[%mul3A_39] : memref<160000xi32, #tpu.memory_space<hbm>> -> memref<128xi32, #tpu.memory_space<hbm>>
      %dma_wait3A_192 = tpu.memref_slice %arg5[%mul3A_39] : memref<160000xi32, #tpu.memory_space<hbm>> -> memref<128xi32, #tpu.memory_space<hbm>>
      tpu.wait_dma2 semaphore(%run_scoped3A : memref<!tpu.dma_semaphore, #tpu.memory_space<semaphore_mem>>) src(%dma_wait3A_192 : memref<128xi32, #tpu.memory_space<hbm>>) dst(%arg10 : memref<128xi32, #tpu.memory_space<vmem>>)
      tpu.yield
    }) : () -> ()
    %dma_start3A = arith.constant 0 : i32
    %dma_start3A_40 = arith.constant 0 : i32
    %dma_start3A_41 = tpu.memref_slice %arg2[%dma_start3A, %dma_start3A_40] : memref<10000x128xf32, #tpu.memory_space<hbm>> -> memref<10000x128xf32, #tpu.memory_space<hbm>>
    tpu.enqueue_indirect_dma source(%dma_start3A_41 : memref<10000x128xf32, #tpu.memory_space<hbm>>) target(%arg12 : memref<128x128xf32, #tpu.memory_space<vmem>>) offsets(%arg8 : memref<128xi32, #tpu.memory_space<vmem>>) semaphore(%arg16 : memref<!tpu.dma_semaphore, #tpu.memory_space<semaphore_mem>>)
    %dma_start3A_42 = arith.constant 0 : i32
    %dma_start3A_43 = arith.constant 0 : i32
    %dma_start3A_44 = tpu.memref_slice %arg3[%dma_start3A_42, %dma_start3A_43] : memref<10000x128xf32, #tpu.memory_space<hbm>> -> memref<10000x128xf32, #tpu.memory_space<hbm>>
    tpu.enqueue_indirect_dma source(%dma_start3A_44 : memref<10000x128xf32, #tpu.memory_space<hbm>>) target(%arg14 : memref<128x128xf32, #tpu.memory_space<vmem>>) offsets(%arg10 : memref<128xi32, #tpu.memory_space<vmem>>) semaphore(%arg16 : memref<!tpu.dma_semaphore, #tpu.memory_space<semaphore_mem>>)
    %sub3A_45 = arith.constant 1 : i32
    %sub3A_46 = arith.subi %select_n3A, %sub3A_45 : i32
    %min3A_47 = arith.constant 1 : i32
    %min3A_48 = arith.minsi %min3A_47, %sub3A_46 : i32
    %mul3A_49 = arith.constant 32 : i32
    %mul3A_50 = arith.muli %min3A_48, %mul3A_49 : i32
    %add3A_51 = arith.addi %add3A, %mul3A_50 : i32
    %mul3A_52 = arith.constant 128 : i32
    %mul3A_53 = arith.muli %add3A_51, %mul3A_52 : i32
    "tpu.region"() ({
      %run_scoped3A = tpu.sem_alloc : memref<!tpu.dma_semaphore, #tpu.memory_space<semaphore_mem>>
      %dma_start3A_189 = tpu.memref_slice %arg4[%mul3A_53] : memref<160000xi32, #tpu.memory_space<hbm>> -> memref<128xi32, #tpu.memory_space<hbm>>
      %dma_start3A_190 = tpu.memref_slice %arg4[%mul3A_53] : memref<160000xi32, #tpu.memory_space<hbm>> -> memref<128xi32, #tpu.memory_space<hbm>>
      tpu.enqueue_dma source(%dma_start3A_190 : memref<128xi32, #tpu.memory_space<hbm>>) target(%arg9 : memref<128xi32, #tpu.memory_space<vmem>>) target_semaphore(%run_scoped3A : memref<!tpu.dma_semaphore, #tpu.memory_space<semaphore_mem>>)
      %dma_wait3A_191 = tpu.memref_slice %arg4[%mul3A_53] : memref<160000xi32, #tpu.memory_space<hbm>> -> memref<128xi32, #tpu.memory_space<hbm>>
      %dma_wait3A_192 = tpu.memref_slice %arg4[%mul3A_53] : memref<160000xi32, #tpu.memory_space<hbm>> -> memref<128xi32, #tpu.memory_space<hbm>>
      tpu.wait_dma2 semaphore(%run_scoped3A : memref<!tpu.dma_semaphore, #tpu.memory_space<semaphore_mem>>) src(%dma_wait3A_192 : memref<128xi32, #tpu.memory_space<hbm>>) dst(%arg9 : memref<128xi32, #tpu.memory_space<vmem>>)
      tpu.yield
    }) : () -> ()
    %sub3A_54 = arith.constant 1 : i32
    %sub3A_55 = arith.subi %select_n3A, %sub3A_54 : i32
    %min3A_56 = arith.constant 1 : i32
    %min3A_57 = arith.minsi %min3A_56, %sub3A_55 : i32
    %mul3A_58 = arith.constant 32 : i32
    %mul3A_59 = arith.muli %min3A_57, %mul3A_58 : i32
    %add3A_60 = arith.addi %add3A, %mul3A_59 : i32
    %mul3A_61 = arith.constant 128 : i32
    %mul3A_62 = arith.muli %add3A_60, %mul3A_61 : i32
    "tpu.region"() ({
      %run_scoped3A = tpu.sem_alloc : memref<!tpu.dma_semaphore, #tpu.memory_space<semaphore_mem>>
      %dma_start3A_189 = tpu.memref_slice %arg5[%mul3A_62] : memref<160000xi32, #tpu.memory_space<hbm>> -> memref<128xi32, #tpu.memory_space<hbm>>
      %dma_start3A_190 = tpu.memref_slice %arg5[%mul3A_62] : memref<160000xi32, #tpu.memory_space<hbm>> -> memref<128xi32, #tpu.memory_space<hbm>>
      tpu.enqueue_dma source(%dma_start3A_190 : memref<128xi32, #tpu.memory_space<hbm>>) target(%arg11 : memref<128xi32, #tpu.memory_space<vmem>>) target_semaphore(%run_scoped3A : memref<!tpu.dma_semaphore, #tpu.memory_space<semaphore_mem>>)
      %dma_wait3A_191 = tpu.memref_slice %arg5[%mul3A_62] : memref<160000xi32, #tpu.memory_space<hbm>> -> memref<128xi32, #tpu.memory_space<hbm>>
      %dma_wait3A_192 = tpu.memref_slice %arg5[%mul3A_62] : memref<160000xi32, #tpu.memory_space<hbm>> -> memref<128xi32, #tpu.memory_space<hbm>>
      tpu.wait_dma2 semaphore(%run_scoped3A : memref<!tpu.dma_semaphore, #tpu.memory_space<semaphore_mem>>) src(%dma_wait3A_192 : memref<128xi32, #tpu.memory_space<hbm>>) dst(%arg11 : memref<128xi32, #tpu.memory_space<vmem>>)
      tpu.yield
    }) : () -> ()
    %dma_start3A_63 = arith.constant 0 : i32
    %dma_start3A_64 = arith.constant 0 : i32
    %dma_start3A_65 = tpu.memref_slice %arg2[%dma_start3A_63, %dma_start3A_64] : memref<10000x128xf32, #tpu.memory_space<hbm>> -> memref<10000x128xf32, #tpu.memory_space<hbm>>
    tpu.enqueue_indirect_dma source(%dma_start3A_65 : memref<10000x128xf32, #tpu.memory_space<hbm>>) target(%arg13 : memref<128x128xf32, #tpu.memory_space<vmem>>) offsets(%arg9 : memref<128xi32, #tpu.memory_space<vmem>>) semaphore(%arg17 : memref<!tpu.dma_semaphore, #tpu.memory_space<semaphore_mem>>)
    %dma_start3A_66 = arith.constant 0 : i32
    %dma_start3A_67 = arith.constant 0 : i32
    %dma_start3A_68 = tpu.memref_slice %arg3[%dma_start3A_66, %dma_start3A_67] : memref<10000x128xf32, #tpu.memory_space<hbm>> -> memref<10000x128xf32, #tpu.memory_space<hbm>>
    tpu.enqueue_indirect_dma source(%dma_start3A_68 : memref<10000x128xf32, #tpu.memory_space<hbm>>) target(%arg15 : memref<128x128xf32, #tpu.memory_space<vmem>>) offsets(%arg11 : memref<128xi32, #tpu.memory_space<vmem>>) semaphore(%arg17 : memref<!tpu.dma_semaphore, #tpu.memory_space<semaphore_mem>>)
    %scan3A = arith.constant 0 : i32
    %scan3A_69 = arith.constant 0 : i32
    %scan3A_70 = arith.constant 19 : i32
    %scan3A_71 = arith.addi %scan3A_69, %scan3A_70 : i32
    %scan3A_72 = arith.constant 1 : i32
    scf.for %scan3A_189 = %scan3A_69 to %scan3A_71 step %scan3A_72  : i32 {
      %mul3A_190 = arith.constant 2 : i32
      %mul3A_191 = arith.muli %mul3A_190, %scan3A_189 : i32
      %dma_wait3A_192 = arith.constant 0 : i32
      %dma_wait3A_193 = arith.constant 0 : i32
      %dma_wait3A_194 = tpu.memref_slice %arg2[%dma_wait3A_192, %dma_wait3A_193] : memref<10000x128xf32, #tpu.memory_space<hbm>> -> memref<10000x128xf32, #tpu.memory_space<hbm>>
      tpu.wait_indirect_dma semaphore(%arg16 : memref<!tpu.dma_semaphore, #tpu.memory_space<semaphore_mem>>) src(%dma_wait3A_194 : memref<10000x128xf32, #tpu.memory_space<hbm>>) dst(%arg12 : memref<128x128xf32, #tpu.memory_space<vmem>>)
      %dma_wait3A_195 = arith.constant 0 : i32
      %dma_wait3A_196 = arith.constant 0 : i32
      %dma_wait3A_197 = tpu.memref_slice %arg3[%dma_wait3A_195, %dma_wait3A_196] : memref<10000x128xf32, #tpu.memory_space<hbm>> -> memref<10000x128xf32, #tpu.memory_space<hbm>>
      tpu.wait_indirect_dma semaphore(%arg16 : memref<!tpu.dma_semaphore, #tpu.memory_space<semaphore_mem>>) src(%dma_wait3A_197 : memref<10000x128xf32, #tpu.memory_space<hbm>>) dst(%arg14 : memref<128x128xf32, #tpu.memory_space<vmem>>)
      %sub3A_198 = arith.constant 1 : i32
      %sub3A_199 = arith.subi %select_n3A, %sub3A_198 : i32
      %min3A_200 = arith.minsi %mul3A_191, %sub3A_199 : i32
      %mul3A_201 = arith.constant 32 : i32
      %mul3A_202 = arith.muli %min3A_200, %mul3A_201 : i32
      %add3A_203 = arith.addi %add3A, %mul3A_202 : i32
      %mul3A_204 = arith.constant 128 : i32
      %mul3A_205 = arith.muli %add3A_203, %mul3A_204 : i32
      %dma_start3A_206 = arith.constant 0 : i32
      %dma_start3A_207 = tpu.memref_slice %arg6[%mul3A_205, %dma_start3A_206] : memref<160000x128xf32, #tpu.memory_space<hbm>> -> memref<128x128xf32, #tpu.memory_space<hbm>>
      %dma_start3A_208 = arith.constant 0 : i32
      %dma_start3A_209 = tpu.memref_slice %arg6[%mul3A_205, %dma_start3A_208] : memref<160000x128xf32, #tpu.memory_space<hbm>> -> memref<128x128xf32, #tpu.memory_space<hbm>>
      tpu.enqueue_dma source(%arg12 : memref<128x128xf32, #tpu.memory_space<vmem>>) target(%dma_start3A_209 : memref<128x128xf32, #tpu.memory_space<hbm>>) target_semaphore(%arg18 : memref<!tpu.dma_semaphore, #tpu.memory_space<semaphore_mem>>)
      %sub3A_210 = arith.constant 1 : i32
      %sub3A_211 = arith.subi %select_n3A, %sub3A_210 : i32
      %min3A_212 = arith.minsi %mul3A_191, %sub3A_211 : i32
      %mul3A_213 = arith.constant 32 : i32
      %mul3A_214 = arith.muli %min3A_212, %mul3A_213 : i32
      %add3A_215 = arith.addi %add3A, %mul3A_214 : i32
      %mul3A_216 = arith.constant 128 : i32
      %mul3A_217 = arith.muli %add3A_215, %mul3A_216 : i32
      %dma_start3A_218 = arith.constant 0 : i32
      %dma_start3A_219 = tpu.memref_slice %arg7[%mul3A_217, %dma_start3A_218] : memref<160000x128xf32, #tpu.memory_space<hbm>> -> memref<128x128xf32, #tpu.memory_space<hbm>>
      %dma_start3A_220 = arith.constant 0 : i32
      %dma_start3A_221 = tpu.memref_slice %arg7[%mul3A_217, %dma_start3A_220] : memref<160000x128xf32, #tpu.memory_space<hbm>> -> memref<128x128xf32, #tpu.memory_space<hbm>>
      tpu.enqueue_dma source(%arg14 : memref<128x128xf32, #tpu.memory_space<vmem>>) target(%dma_start3A_221 : memref<128x128xf32, #tpu.memory_space<hbm>>) target_semaphore(%arg18 : memref<!tpu.dma_semaphore, #tpu.memory_space<semaphore_mem>>)
      %dma_wait3A_222 = arith.constant 0 : i32
      %dma_wait3A_223 = arith.constant 0 : i32
      %dma_wait3A_224 = tpu.memref_slice %arg2[%dma_wait3A_222, %dma_wait3A_223] : memref<10000x128xf32, #tpu.memory_space<hbm>> -> memref<10000x128xf32, #tpu.memory_space<hbm>>
      tpu.wait_indirect_dma semaphore(%arg17 : memref<!tpu.dma_semaphore, #tpu.memory_space<semaphore_mem>>) src(%dma_wait3A_224 : memref<10000x128xf32, #tpu.memory_space<hbm>>) dst(%arg13 : memref<128x128xf32, #tpu.memory_space<vmem>>)
      %dma_wait3A_225 = arith.constant 0 : i32
      %dma_wait3A_226 = arith.constant 0 : i32
      %dma_wait3A_227 = tpu.memref_slice %arg3[%dma_wait3A_225, %dma_wait3A_226] : memref<10000x128xf32, #tpu.memory_space<hbm>> -> memref<10000x128xf32, #tpu.memory_space<hbm>>
      tpu.wait_indirect_dma semaphore(%arg17 : memref<!tpu.dma_semaphore, #tpu.memory_space<semaphore_mem>>) src(%dma_wait3A_227 : memref<10000x128xf32, #tpu.memory_space<hbm>>) dst(%arg15 : memref<128x128xf32, #tpu.memory_space<vmem>>)
      %add3A_228 = arith.constant 1 : i32
      %add3A_229 = arith.addi %mul3A_191, %add3A_228 : i32
      %sub3A_230 = arith.constant 1 : i32
      %sub3A_231 = arith.subi %select_n3A, %sub3A_230 : i32
      %min3A_232 = arith.minsi %add3A_229, %sub3A_231 : i32
      %mul3A_233 = arith.constant 32 : i32
      %mul3A_234 = arith.muli %min3A_232, %mul3A_233 : i32
      %add3A_235 = arith.addi %add3A, %mul3A_234 : i32
      %mul3A_236 = arith.constant 128 : i32
      %mul3A_237 = arith.muli %add3A_235, %mul3A_236 : i32
      %dma_start3A_238 = arith.constant 0 : i32
      %dma_start3A_239 = tpu.memref_slice %arg6[%mul3A_237, %dma_start3A_238] : memref<160000x128xf32, #tpu.memory_space<hbm>> -> memref<128x128xf32, #tpu.memory_space<hbm>>
      %dma_start3A_240 = arith.constant 0 : i32
      %dma_start3A_241 = tpu.memref_slice %arg6[%mul3A_237, %dma_start3A_240] : memref<160000x128xf32, #tpu.memory_space<hbm>> -> memref<128x128xf32, #tpu.memory_space<hbm>>
      tpu.enqueue_dma source(%arg13 : memref<128x128xf32, #tpu.memory_space<vmem>>) target(%dma_start3A_241 : memref<128x128xf32, #tpu.memory_space<hbm>>) target_semaphore(%arg19 : memref<!tpu.dma_semaphore, #tpu.memory_space<semaphore_mem>>)
      %sub3A_242 = arith.constant 1 : i32
      %sub3A_243 = arith.subi %select_n3A, %sub3A_242 : i32
      %min3A_244 = arith.minsi %add3A_229, %sub3A_243 : i32
      %mul3A_245 = arith.constant 32 : i32
      %mul3A_246 = arith.muli %min3A_244, %mul3A_245 : i32
      %add3A_247 = arith.addi %add3A, %mul3A_246 : i32
      %mul3A_248 = arith.constant 128 : i32
      %mul3A_249 = arith.muli %add3A_247, %mul3A_248 : i32
      %dma_start3A_250 = arith.constant 0 : i32
      %dma_start3A_251 = tpu.memref_slice %arg7[%mul3A_249, %dma_start3A_250] : memref<160000x128xf32, #tpu.memory_space<hbm>> -> memref<128x128xf32, #tpu.memory_space<hbm>>
      %dma_start3A_252 = arith.constant 0 : i32
      %dma_start3A_253 = tpu.memref_slice %arg7[%mul3A_249, %dma_start3A_252] : memref<160000x128xf32, #tpu.memory_space<hbm>> -> memref<128x128xf32, #tpu.memory_space<hbm>>
      tpu.enqueue_dma source(%arg15 : memref<128x128xf32, #tpu.memory_space<vmem>>) target(%dma_start3A_253 : memref<128x128xf32, #tpu.memory_space<hbm>>) target_semaphore(%arg19 : memref<!tpu.dma_semaphore, #tpu.memory_space<semaphore_mem>>)
      %add3A_254 = arith.constant 2 : i32
      %add3A_255 = arith.addi %mul3A_191, %add3A_254 : i32
      %sub3A_256 = arith.constant 1 : i32
      %sub3A_257 = arith.subi %select_n3A, %sub3A_256 : i32
      %min3A_258 = arith.minsi %add3A_255, %sub3A_257 : i32
      %mul3A_259 = arith.constant 32 : i32
      %mul3A_260 = arith.muli %min3A_258, %mul3A_259 : i32
      %add3A_261 = arith.addi %add3A, %mul3A_260 : i32
      %mul3A_262 = arith.constant 128 : i32
      %mul3A_263 = arith.muli %add3A_261, %mul3A_262 : i32
      "tpu.region"() ({
        %run_scoped3A = tpu.sem_alloc : memref<!tpu.dma_semaphore, #tpu.memory_space<semaphore_mem>>
        %dma_start3A_352 = tpu.memref_slice %arg4[%mul3A_263] : memref<160000xi32, #tpu.memory_space<hbm>> -> memref<128xi32, #tpu.memory_space<hbm>>
        %dma_start3A_353 = tpu.memref_slice %arg4[%mul3A_263] : memref<160000xi32, #tpu.memory_space<hbm>> -> memref<128xi32, #tpu.memory_space<hbm>>
        tpu.enqueue_dma source(%dma_start3A_353 : memref<128xi32, #tpu.memory_space<hbm>>) target(%arg8 : memref<128xi32, #tpu.memory_space<vmem>>) target_semaphore(%run_scoped3A : memref<!tpu.dma_semaphore, #tpu.memory_space<semaphore_mem>>)
        %dma_wait3A_354 = tpu.memref_slice %arg4[%mul3A_263] : memref<160000xi32, #tpu.memory_space<hbm>> -> memref<128xi32, #tpu.memory_space<hbm>>
        %dma_wait3A_355 = tpu.memref_slice %arg4[%mul3A_263] : memref<160000xi32, #tpu.memory_space<hbm>> -> memref<128xi32, #tpu.memory_space<hbm>>
        tpu.wait_dma2 semaphore(%run_scoped3A : memref<!tpu.dma_semaphore, #tpu.memory_space<semaphore_mem>>) src(%dma_wait3A_355 : memref<128xi32, #tpu.memory_space<hbm>>) dst(%arg8 : memref<128xi32, #tpu.memory_space<vmem>>)
        tpu.yield
      }) : () -> ()
      %sub3A_264 = arith.constant 1 : i32
      %sub3A_265 = arith.subi %select_n3A, %sub3A_264 : i32
      %min3A_266 = arith.minsi %add3A_255, %sub3A_265 : i32
      %mul3A_267 = arith.constant 32 : i32
      %mul3A_268 = arith.muli %min3A_266, %mul3A_267 : i32
      %add3A_269 = arith.addi %add3A, %mul3A_268 : i32
      %mul3A_270 = arith.constant 128 : i32
      %mul3A_271 = arith.muli %add3A_269, %mul3A_270 : i32
      "tpu.region"() ({
        %run_scoped3A = tpu.sem_alloc : memref<!tpu.dma_semaphore, #tpu.memory_space<semaphore_mem>>
        %dma_start3A_352 = tpu.memref_slice %arg5[%mul3A_271] : memref<160000xi32, #tpu.memory_space<hbm>> -> memref<128xi32, #tpu.memory_space<hbm>>
        %dma_start3A_353 = tpu.memref_slice %arg5[%mul3A_271] : memref<160000xi32, #tpu.memory_space<hbm>> -> memref<128xi32, #tpu.memory_space<hbm>>
        tpu.enqueue_dma source(%dma_start3A_353 : memref<128xi32, #tpu.memory_space<hbm>>) target(%arg10 : memref<128xi32, #tpu.memory_space<vmem>>) target_semaphore(%run_scoped3A : memref<!tpu.dma_semaphore, #tpu.memory_space<semaphore_mem>>)
        %dma_wait3A_354 = tpu.memref_slice %arg5[%mul3A_271] : memref<160000xi32, #tpu.memory_space<hbm>> -> memref<128xi32, #tpu.memory_space<hbm>>
        %dma_wait3A_355 = tpu.memref_slice %arg5[%mul3A_271] : memref<160000xi32, #tpu.memory_space<hbm>> -> memref<128xi32, #tpu.memory_space<hbm>>
        tpu.wait_dma2 semaphore(%run_scoped3A : memref<!tpu.dma_semaphore, #tpu.memory_space<semaphore_mem>>) src(%dma_wait3A_355 : memref<128xi32, #tpu.memory_space<hbm>>) dst(%arg10 : memref<128xi32, #tpu.memory_space<vmem>>)
        tpu.yield
      }) : () -> ()
      %sub3A_272 = arith.constant 1 : i32
      %sub3A_273 = arith.subi %select_n3A, %sub3A_272 : i32
      %min3A_274 = arith.minsi %mul3A_191, %sub3A_273 : i32
      %mul3A_275 = arith.constant 32 : i32
      %mul3A_276 = arith.muli %min3A_274, %mul3A_275 : i32
      %add3A_277 = arith.addi %add3A, %mul3A_276 : i32
      %mul3A_278 = arith.constant 128 : i32
      %mul3A_279 = arith.muli %add3A_277, %mul3A_278 : i32
      %dma_wait3A_280 = arith.constant 0 : i32
      %dma_wait3A_281 = tpu.memref_slice %arg6[%mul3A_279, %dma_wait3A_280] : memref<160000x128xf32, #tpu.memory_space<hbm>> -> memref<128x128xf32, #tpu.memory_space<hbm>>
      %dma_wait3A_282 = arith.constant 0 : i32
      %dma_wait3A_283 = tpu.memref_slice %arg6[%mul3A_279, %dma_wait3A_282] : memref<160000x128xf32, #tpu.memory_space<hbm>> -> memref<128x128xf32, #tpu.memory_space<hbm>>
      tpu.wait_dma2 semaphore(%arg18 : memref<!tpu.dma_semaphore, #tpu.memory_space<semaphore_mem>>) src(%arg12 : memref<128x128xf32, #tpu.memory_space<vmem>>) dst(%dma_wait3A_283 : memref<128x128xf32, #tpu.memory_space<hbm>>)
      %sub3A_284 = arith.constant 1 : i32
      %sub3A_285 = arith.subi %select_n3A, %sub3A_284 : i32
      %min3A_286 = arith.minsi %mul3A_191, %sub3A_285 : i32
      %mul3A_287 = arith.constant 32 : i32
      %mul3A_288 = arith.muli %min3A_286, %mul3A_287 : i32
      %add3A_289 = arith.addi %add3A, %mul3A_288 : i32
      %mul3A_290 = arith.constant 128 : i32
      %mul3A_291 = arith.muli %add3A_289, %mul3A_290 : i32
      %dma_wait3A_292 = arith.constant 0 : i32
      %dma_wait3A_293 = tpu.memref_slice %arg7[%mul3A_291, %dma_wait3A_292] : memref<160000x128xf32, #tpu.memory_space<hbm>> -> memref<128x128xf32, #tpu.memory_space<hbm>>
      %dma_wait3A_294 = arith.constant 0 : i32
      %dma_wait3A_295 = tpu.memref_slice %arg7[%mul3A_291, %dma_wait3A_294] : memref<160000x128xf32, #tpu.memory_space<hbm>> -> memref<128x128xf32, #tpu.memory_space<hbm>>
      tpu.wait_dma2 semaphore(%arg18 : memref<!tpu.dma_semaphore, #tpu.memory_space<semaphore_mem>>) src(%arg14 : memref<128x128xf32, #tpu.memory_space<vmem>>) dst(%dma_wait3A_295 : memref<128x128xf32, #tpu.memory_space<hbm>>)
      %dma_start3A_296 = arith.constant 0 : i32
      %dma_start3A_297 = arith.constant 0 : i32
      %dma_start3A_298 = tpu.memref_slice %arg2[%dma_start3A_296, %dma_start3A_297] : memref<10000x128xf32, #tpu.memory_space<hbm>> -> memref<10000x128xf32, #tpu.memory_space<hbm>>
      tpu.enqueue_indirect_dma source(%dma_start3A_298 : memref<10000x128xf32, #tpu.memory_space<hbm>>) target(%arg12 : memref<128x128xf32, #tpu.memory_space<vmem>>) offsets(%arg8 : memref<128xi32, #tpu.memory_space<vmem>>) semaphore(%arg16 : memref<!tpu.dma_semaphore, #tpu.memory_space<semaphore_mem>>)
      %dma_start3A_299 = arith.constant 0 : i32
      %dma_start3A_300 = arith.constant 0 : i32
      %dma_start3A_301 = tpu.memref_slice %arg3[%dma_start3A_299, %dma_start3A_300] : memref<10000x128xf32, #tpu.memory_space<hbm>> -> memref<10000x128xf32, #tpu.memory_space<hbm>>
      tpu.enqueue_indirect_dma source(%dma_start3A_301 : memref<10000x128xf32, #tpu.memory_space<hbm>>) target(%arg14 : memref<128x128xf32, #tpu.memory_space<vmem>>) offsets(%arg10 : memref<128xi32, #tpu.memory_space<vmem>>) semaphore(%arg16 : memref<!tpu.dma_semaphore, #tpu.memory_space<semaphore_mem>>)
      %add3A_302 = arith.constant 3 : i32
      %add3A_303 = arith.addi %mul3A_191, %add3A_302 : i32
      %sub3A_304 = arith.constant 1 : i32
      %sub3A_305 = arith.subi %select_n3A, %sub3A_304 : i32
      %min3A_306 = arith.minsi %add3A_303, %sub3A_305 : i32
      %mul3A_307 = arith.constant 32 : i32
      %mul3A_308 = arith.muli %min3A_306, %mul3A_307 : i32
      %add3A_309 = arith.addi %add3A, %mul3A_308 : i32
      %mul3A_310 = arith.constant 128 : i32
      %mul3A_311 = arith.muli %add3A_309, %mul3A_310 : i32
      "tpu.region"() ({
        %run_scoped3A = tpu.sem_alloc : memref<!tpu.dma_semaphore, #tpu.memory_space<semaphore_mem>>
        %dma_start3A_352 = tpu.memref_slice %arg4[%mul3A_311] : memref<160000xi32, #tpu.memory_space<hbm>> -> memref<128xi32, #tpu.memory_space<hbm>>
        %dma_start3A_353 = tpu.memref_slice %arg4[%mul3A_311] : memref<160000xi32, #tpu.memory_space<hbm>> -> memref<128xi32, #tpu.memory_space<hbm>>
        tpu.enqueue_dma source(%dma_start3A_353 : memref<128xi32, #tpu.memory_space<hbm>>) target(%arg9 : memref<128xi32, #tpu.memory_space<vmem>>) target_semaphore(%run_scoped3A : memref<!tpu.dma_semaphore, #tpu.memory_space<semaphore_mem>>)
        %dma_wait3A_354 = tpu.memref_slice %arg4[%mul3A_311] : memref<160000xi32, #tpu.memory_space<hbm>> -> memref<128xi32, #tpu.memory_space<hbm>>
        %dma_wait3A_355 = tpu.memref_slice %arg4[%mul3A_311] : memref<160000xi32, #tpu.memory_space<hbm>> -> memref<128xi32, #tpu.memory_space<hbm>>
        tpu.wait_dma2 semaphore(%run_scoped3A : memref<!tpu.dma_semaphore, #tpu.memory_space<semaphore_mem>>) src(%dma_wait3A_355 : memref<128xi32, #tpu.memory_space<hbm>>) dst(%arg9 : memref<128xi32, #tpu.memory_space<vmem>>)
        tpu.yield
      }) : () -> ()
      %sub3A_312 = arith.constant 1 : i32
      %sub3A_313 = arith.subi %select_n3A, %sub3A_312 : i32
      %min3A_314 = arith.minsi %add3A_303, %sub3A_313 : i32
      %mul3A_315 = arith.constant 32 : i32
      %mul3A_316 = arith.muli %min3A_314, %mul3A_315 : i32
      %add3A_317 = arith.addi %add3A, %mul3A_316 : i32
      %mul3A_318 = arith.constant 128 : i32
      %mul3A_319 = arith.muli %add3A_317, %mul3A_318 : i32
      "tpu.region"() ({
        %run_scoped3A = tpu.sem_alloc : memref<!tpu.dma_semaphore, #tpu.memory_space<semaphore_mem>>
        %dma_start3A_352 = tpu.memref_slice %arg5[%mul3A_319] : memref<160000xi32, #tpu.memory_space<hbm>> -> memref<128xi32, #tpu.memory_space<hbm>>
        %dma_start3A_353 = tpu.memref_slice %arg5[%mul3A_319] : memref<160000xi32, #tpu.memory_space<hbm>> -> memref<128xi32, #tpu.memory_space<hbm>>
        tpu.enqueue_dma source(%dma_start3A_353 : memref<128xi32, #tpu.memory_space<hbm>>) target(%arg11 : memref<128xi32, #tpu.memory_space<vmem>>) target_semaphore(%run_scoped3A : memref<!tpu.dma_semaphore, #tpu.memory_space<semaphore_mem>>)
        %dma_wait3A_354 = tpu.memref_slice %arg5[%mul3A_319] : memref<160000xi32, #tpu.memory_space<hbm>> -> memref<128xi32, #tpu.memory_space<hbm>>
        %dma_wait3A_355 = tpu.memref_slice %arg5[%mul3A_319] : memref<160000xi32, #tpu.memory_space<hbm>> -> memref<128xi32, #tpu.memory_space<hbm>>
        tpu.wait_dma2 semaphore(%run_scoped3A : memref<!tpu.dma_semaphore, #tpu.memory_space<semaphore_mem>>) src(%dma_wait3A_355 : memref<128xi32, #tpu.memory_space<hbm>>) dst(%arg11 : memref<128xi32, #tpu.memory_space<vmem>>)
        tpu.yield
      }) : () -> ()
      %add3A_320 = arith.constant 1 : i32
      %add3A_321 = arith.addi %mul3A_191, %add3A_320 : i32
      %sub3A_322 = arith.constant 1 : i32
      %sub3A_323 = arith.subi %select_n3A, %sub3A_322 : i32
      %min3A_324 = arith.minsi %add3A_321, %sub3A_323 : i32
      %mul3A_325 = arith.constant 32 : i32
      %mul3A_326 = arith.muli %min3A_324, %mul3A_325 : i32
      %add3A_327 = arith.addi %add3A, %mul3A_326 : i32
      %mul3A_328 = arith.constant 128 : i32
      %mul3A_329 = arith.muli %add3A_327, %mul3A_328 : i32
      %dma_wait3A_330 = arith.constant 0 : i32
      %dma_wait3A_331 = tpu.memref_slice %arg6[%mul3A_329, %dma_wait3A_330] : memref<160000x128xf32, #tpu.memory_space<hbm>> -> memref<128x128xf32, #tpu.memory_space<hbm>>
      %dma_wait3A_332 = arith.constant 0 : i32
      %dma_wait3A_333 = tpu.memref_slice %arg6[%mul3A_329, %dma_wait3A_332] : memref<160000x128xf32, #tpu.memory_space<hbm>> -> memref<128x128xf32, #tpu.memory_space<hbm>>
      tpu.wait_dma2 semaphore(%arg19 : memref<!tpu.dma_semaphore, #tpu.memory_space<semaphore_mem>>) src(%arg13 : memref<128x128xf32, #tpu.memory_space<vmem>>) dst(%dma_wait3A_333 : memref<128x128xf32, #tpu.memory_space<hbm>>)
      %sub3A_334 = arith.constant 1 : i32
      %sub3A_335 = arith.subi %select_n3A, %sub3A_334 : i32
      %min3A_336 = arith.minsi %add3A_321, %sub3A_335 : i32
      %mul3A_337 = arith.constant 32 : i32
      %mul3A_338 = arith.muli %min3A_336, %mul3A_337 : i32
      %add3A_339 = arith.addi %add3A, %mul3A_338 : i32
      %mul3A_340 = arith.constant 128 : i32
      %mul3A_341 = arith.muli %add3A_339, %mul3A_340 : i32
      %dma_wait3A_342 = arith.constant 0 : i32
      %dma_wait3A_343 = tpu.memref_slice %arg7[%mul3A_341, %dma_wait3A_342] : memref<160000x128xf32, #tpu.memory_space<hbm>> -> memref<128x128xf32, #tpu.memory_space<hbm>>
      %dma_wait3A_344 = arith.constant 0 : i32
      %dma_wait3A_345 = tpu.memref_slice %arg7[%mul3A_341, %dma_wait3A_344] : memref<160000x128xf32, #tpu.memory_space<hbm>> -> memref<128x128xf32, #tpu.memory_space<hbm>>
      tpu.wait_dma2 semaphore(%arg19 : memref<!tpu.dma_semaphore, #tpu.memory_space<semaphore_mem>>) src(%arg15 : memref<128x128xf32, #tpu.memory_space<vmem>>) dst(%dma_wait3A_345 : memref<128x128xf32, #tpu.memory_space<hbm>>)
      %dma_start3A_346 = arith.constant 0 : i32
      %dma_start3A_347 = arith.constant 0 : i32
      %dma_start3A_348 = tpu.memref_slice %arg2[%dma_start3A_346, %dma_start3A_347] : memref<10000x128xf32, #tpu.memory_space<hbm>> -> memref<10000x128xf32, #tpu.memory_space<hbm>>
      tpu.enqueue_indirect_dma source(%dma_start3A_348 : memref<10000x128xf32, #tpu.memory_space<hbm>>) target(%arg13 : memref<128x128xf32, #tpu.memory_space<vmem>>) offsets(%arg9 : memref<128xi32, #tpu.memory_space<vmem>>) semaphore(%arg17 : memref<!tpu.dma_semaphore, #tpu.memory_space<semaphore_mem>>)
      %dma_start3A_349 = arith.constant 0 : i32
      %dma_start3A_350 = arith.constant 0 : i32
      %dma_start3A_351 = tpu.memref_slice %arg3[%dma_start3A_349, %dma_start3A_350] : memref<10000x128xf32, #tpu.memory_space<hbm>> -> memref<10000x128xf32, #tpu.memory_space<hbm>>
      tpu.enqueue_indirect_dma source(%dma_start3A_351 : memref<10000x128xf32, #tpu.memory_space<hbm>>) target(%arg15 : memref<128x128xf32, #tpu.memory_space<vmem>>) offsets(%arg11 : memref<128xi32, #tpu.memory_space<vmem>>) semaphore(%arg17 : memref<!tpu.dma_semaphore, #tpu.memory_space<semaphore_mem>>)
    }
    %scan3A_73 = arith.constant 19 : i32
    %dma_wait3A = arith.constant 0 : i32
    %dma_wait3A_74 = arith.constant 0 : i32
    %dma_wait3A_75 = tpu.memref_slice %arg2[%dma_wait3A, %dma_wait3A_74] : memref<10000x128xf32, #tpu.memory_space<hbm>> -> memref<10000x128xf32, #tpu.memory_space<hbm>>
    tpu.wait_indirect_dma semaphore(%arg16 : memref<!tpu.dma_semaphore, #tpu.memory_space<semaphore_mem>>) src(%dma_wait3A_75 : memref<10000x128xf32, #tpu.memory_space<hbm>>) dst(%arg12 : memref<128x128xf32, #tpu.memory_space<vmem>>)
    %dma_wait3A_76 = arith.constant 0 : i32
    %dma_wait3A_77 = arith.constant 0 : i32
    %dma_wait3A_78 = tpu.memref_slice %arg3[%dma_wait3A_76, %dma_wait3A_77] : memref<10000x128xf32, #tpu.memory_space<hbm>> -> memref<10000x128xf32, #tpu.memory_space<hbm>>
    tpu.wait_indirect_dma semaphore(%arg16 : memref<!tpu.dma_semaphore, #tpu.memory_space<semaphore_mem>>) src(%dma_wait3A_78 : memref<10000x128xf32, #tpu.memory_space<hbm>>) dst(%arg14 : memref<128x128xf32, #tpu.memory_space<vmem>>)
    %sub3A_79 = arith.constant 1 : i32
    %sub3A_80 = arith.subi %select_n3A, %sub3A_79 : i32
    %min3A_81 = arith.constant 38 : i32
    %min3A_82 = arith.minsi %min3A_81, %sub3A_80 : i32
    %mul3A_83 = arith.constant 32 : i32
    %mul3A_84 = arith.muli %min3A_82, %mul3A_83 : i32
    %add3A_85 = arith.addi %add3A, %mul3A_84 : i32
    %mul3A_86 = arith.constant 128 : i32
    %mul3A_87 = arith.muli %add3A_85, %mul3A_86 : i32
    %dma_start3A_88 = arith.constant 0 : i32
    %dma_start3A_89 = tpu.memref_slice %arg6[%mul3A_87, %dma_start3A_88] : memref<160000x128xf32, #tpu.memory_space<hbm>> -> memref<128x128xf32, #tpu.memory_space<hbm>>
    %dma_start3A_90 = arith.constant 0 : i32
    %dma_start3A_91 = tpu.memref_slice %arg6[%mul3A_87, %dma_start3A_90] : memref<160000x128xf32, #tpu.memory_space<hbm>> -> memref<128x128xf32, #tpu.memory_space<hbm>>
    tpu.enqueue_dma source(%arg12 : memref<128x128xf32, #tpu.memory_space<vmem>>) target(%dma_start3A_91 : memref<128x128xf32, #tpu.memory_space<hbm>>) target_semaphore(%arg18 : memref<!tpu.dma_semaphore, #tpu.memory_space<semaphore_mem>>)
    %sub3A_92 = arith.constant 1 : i32
    %sub3A_93 = arith.subi %select_n3A, %sub3A_92 : i32
    %min3A_94 = arith.constant 38 : i32
    %min3A_95 = arith.minsi %min3A_94, %sub3A_93 : i32
    %mul3A_96 = arith.constant 32 : i32
    %mul3A_97 = arith.muli %min3A_95, %mul3A_96 : i32
    %add3A_98 = arith.addi %add3A, %mul3A_97 : i32
    %mul3A_99 = arith.constant 128 : i32
    %mul3A_100 = arith.muli %add3A_98, %mul3A_99 : i32
    %dma_start3A_101 = arith.constant 0 : i32
    %dma_start3A_102 = tpu.memref_slice %arg7[%mul3A_100, %dma_start3A_101] : memref<160000x128xf32, #tpu.memory_space<hbm>> -> memref<128x128xf32, #tpu.memory_space<hbm>>
    %dma_start3A_103 = arith.constant 0 : i32
    %dma_start3A_104 = tpu.memref_slice %arg7[%mul3A_100, %dma_start3A_103] : memref<160000x128xf32, #tpu.memory_space<hbm>> -> memref<128x128xf32, #tpu.memory_space<hbm>>
    tpu.enqueue_dma source(%arg14 : memref<128x128xf32, #tpu.memory_space<vmem>>) target(%dma_start3A_104 : memref<128x128xf32, #tpu.memory_space<hbm>>) target_semaphore(%arg18 : memref<!tpu.dma_semaphore, #tpu.memory_space<semaphore_mem>>)
    %dma_wait3A_105 = arith.constant 0 : i32
    %dma_wait3A_106 = arith.constant 0 : i32
    %dma_wait3A_107 = tpu.memref_slice %arg2[%dma_wait3A_105, %dma_wait3A_106] : memref<10000x128xf32, #tpu.memory_space<hbm>> -> memref<10000x128xf32, #tpu.memory_space<hbm>>
    tpu.wait_indirect_dma semaphore(%arg17 : memref<!tpu.dma_semaphore, #tpu.memory_space<semaphore_mem>>) src(%dma_wait3A_107 : memref<10000x128xf32, #tpu.memory_space<hbm>>) dst(%arg13 : memref<128x128xf32, #tpu.memory_space<vmem>>)
    %dma_wait3A_108 = arith.constant 0 : i32
    %dma_wait3A_109 = arith.constant 0 : i32
    %dma_wait3A_110 = tpu.memref_slice %arg3[%dma_wait3A_108, %dma_wait3A_109] : memref<10000x128xf32, #tpu.memory_space<hbm>> -> memref<10000x128xf32, #tpu.memory_space<hbm>>
    tpu.wait_indirect_dma semaphore(%arg17 : memref<!tpu.dma_semaphore, #tpu.memory_space<semaphore_mem>>) src(%dma_wait3A_110 : memref<10000x128xf32, #tpu.memory_space<hbm>>) dst(%arg15 : memref<128x128xf32, #tpu.memory_space<vmem>>)
    %sub3A_111 = arith.constant 1 : i32
    %sub3A_112 = arith.subi %select_n3A, %sub3A_111 : i32
    %min3A_113 = arith.constant 39 : i32
    %min3A_114 = arith.minsi %min3A_113, %sub3A_112 : i32
    %mul3A_115 = arith.constant 32 : i32
    %mul3A_116 = arith.muli %min3A_114, %mul3A_115 : i32
    %add3A_117 = arith.addi %add3A, %mul3A_116 : i32
    %mul3A_118 = arith.constant 128 : i32
    %mul3A_119 = arith.muli %add3A_117, %mul3A_118 : i32
    %dma_start3A_120 = arith.constant 0 : i32
    %dma_start3A_121 = tpu.memref_slice %arg6[%mul3A_119, %dma_start3A_120] : memref<160000x128xf32, #tpu.memory_space<hbm>> -> memref<128x128xf32, #tpu.memory_space<hbm>>
    %dma_start3A_122 = arith.constant 0 : i32
    %dma_start3A_123 = tpu.memref_slice %arg6[%mul3A_119, %dma_start3A_122] : memref<160000x128xf32, #tpu.memory_space<hbm>> -> memref<128x128xf32, #tpu.memory_space<hbm>>
    tpu.enqueue_dma source(%arg13 : memref<128x128xf32, #tpu.memory_space<vmem>>) target(%dma_start3A_123 : memref<128x128xf32, #tpu.memory_space<hbm>>) target_semaphore(%arg19 : memref<!tpu.dma_semaphore, #tpu.memory_space<semaphore_mem>>)
    %sub3A_124 = arith.constant 1 : i32
    %sub3A_125 = arith.subi %select_n3A, %sub3A_124 : i32
    %min3A_126 = arith.constant 39 : i32
    %min3A_127 = arith.minsi %min3A_126, %sub3A_125 : i32
    %mul3A_128 = arith.constant 32 : i32
    %mul3A_129 = arith.muli %min3A_127, %mul3A_128 : i32
    %add3A_130 = arith.addi %add3A, %mul3A_129 : i32
    %mul3A_131 = arith.constant 128 : i32
    %mul3A_132 = arith.muli %add3A_130, %mul3A_131 : i32
    %dma_start3A_133 = arith.constant 0 : i32
    %dma_start3A_134 = tpu.memref_slice %arg7[%mul3A_132, %dma_start3A_133] : memref<160000x128xf32, #tpu.memory_space<hbm>> -> memref<128x128xf32, #tpu.memory_space<hbm>>
    %dma_start3A_135 = arith.constant 0 : i32
    %dma_start3A_136 = tpu.memref_slice %arg7[%mul3A_132, %dma_start3A_135] : memref<160000x128xf32, #tpu.memory_space<hbm>> -> memref<128x128xf32, #tpu.memory_space<hbm>>
    tpu.enqueue_dma source(%arg15 : memref<128x128xf32, #tpu.memory_space<vmem>>) target(%dma_start3A_136 : memref<128x128xf32, #tpu.memory_space<hbm>>) target_semaphore(%arg19 : memref<!tpu.dma_semaphore, #tpu.memory_space<semaphore_mem>>)
    %sub3A_137 = arith.constant 1 : i32
    %sub3A_138 = arith.subi %select_n3A, %sub3A_137 : i32
    %min3A_139 = arith.constant 38 : i32
    %min3A_140 = arith.minsi %min3A_139, %sub3A_138 : i32
    %mul3A_141 = arith.constant 32 : i32
    %mul3A_142 = arith.muli %min3A_140, %mul3A_141 : i32
    %add3A_143 = arith.addi %add3A, %mul3A_142 : i32
    %mul3A_144 = arith.constant 128 : i32
    %mul3A_145 = arith.muli %add3A_143, %mul3A_144 : i32
    %dma_wait3A_146 = arith.constant 0 : i32
    %dma_wait3A_147 = tpu.memref_slice %arg6[%mul3A_145, %dma_wait3A_146] : memref<160000x128xf32, #tpu.memory_space<hbm>> -> memref<128x128xf32, #tpu.memory_space<hbm>>
    %dma_wait3A_148 = arith.constant 0 : i32
    %dma_wait3A_149 = tpu.memref_slice %arg6[%mul3A_145, %dma_wait3A_148] : memref<160000x128xf32, #tpu.memory_space<hbm>> -> memref<128x128xf32, #tpu.memory_space<hbm>>
    tpu.wait_dma2 semaphore(%arg18 : memref<!tpu.dma_semaphore, #tpu.memory_space<semaphore_mem>>) src(%arg12 : memref<128x128xf32, #tpu.memory_space<vmem>>) dst(%dma_wait3A_149 : memref<128x128xf32, #tpu.memory_space<hbm>>)
    %sub3A_150 = arith.constant 1 : i32
    %sub3A_151 = arith.subi %select_n3A, %sub3A_150 : i32
    %min3A_152 = arith.constant 38 : i32
    %min3A_153 = arith.minsi %min3A_152, %sub3A_151 : i32
    %mul3A_154 = arith.constant 32 : i32
    %mul3A_155 = arith.muli %min3A_153, %mul3A_154 : i32
    %add3A_156 = arith.addi %add3A, %mul3A_155 : i32
    %mul3A_157 = arith.constant 128 : i32
    %mul3A_158 = arith.muli %add3A_156, %mul3A_157 : i32
    %dma_wait3A_159 = arith.constant 0 : i32
    %dma_wait3A_160 = tpu.memref_slice %arg7[%mul3A_158, %dma_wait3A_159] : memref<160000x128xf32, #tpu.memory_space<hbm>> -> memref<128x128xf32, #tpu.memory_space<hbm>>
    %dma_wait3A_161 = arith.constant 0 : i32
    %dma_wait3A_162 = tpu.memref_slice %arg7[%mul3A_158, %dma_wait3A_161] : memref<160000x128xf32, #tpu.memory_space<hbm>> -> memref<128x128xf32, #tpu.memory_space<hbm>>
    tpu.wait_dma2 semaphore(%arg18 : memref<!tpu.dma_semaphore, #tpu.memory_space<semaphore_mem>>) src(%arg14 : memref<128x128xf32, #tpu.memory_space<vmem>>) dst(%dma_wait3A_162 : memref<128x128xf32, #tpu.memory_space<hbm>>)
    %sub3A_163 = arith.constant 1 : i32
    %sub3A_164 = arith.subi %select_n3A, %sub3A_163 : i32
    %min3A_165 = arith.constant 39 : i32
    %min3A_166 = arith.minsi %min3A_165, %sub3A_164 : i32
    %mul3A_167 = arith.constant 32 : i32
    %mul3A_168 = arith.muli %min3A_166, %mul3A_167 : i32
    %add3A_169 = arith.addi %add3A, %mul3A_168 : i32
    %mul3A_170 = arith.constant 128 : i32
    %mul3A_171 = arith.muli %add3A_169, %mul3A_170 : i32
    %dma_wait3A_172 = arith.constant 0 : i32
    %dma_wait3A_173 = tpu.memref_slice %arg6[%mul3A_171, %dma_wait3A_172] : memref<160000x128xf32, #tpu.memory_space<hbm>> -> memref<128x128xf32, #tpu.memory_space<hbm>>
    %dma_wait3A_174 = arith.constant 0 : i32
    %dma_wait3A_175 = tpu.memref_slice %arg6[%mul3A_171, %dma_wait3A_174] : memref<160000x128xf32, #tpu.memory_space<hbm>> -> memref<128x128xf32, #tpu.memory_space<hbm>>
    tpu.wait_dma2 semaphore(%arg19 : memref<!tpu.dma_semaphore, #tpu.memory_space<semaphore_mem>>) src(%arg13 : memref<128x128xf32, #tpu.memory_space<vmem>>) dst(%dma_wait3A_175 : memref<128x128xf32, #tpu.memory_space<hbm>>)
    %sub3A_176 = arith.constant 1 : i32
    %sub3A_177 = arith.subi %select_n3A, %sub3A_176 : i32
    %min3A_178 = arith.constant 39 : i32
    %min3A_179 = arith.minsi %min3A_178, %sub3A_177 : i32
    %mul3A_180 = arith.constant 32 : i32
    %mul3A_181 = arith.muli %min3A_179, %mul3A_180 : i32
    %add3A_182 = arith.addi %add3A, %mul3A_181 : i32
    %mul3A_183 = arith.constant 128 : i32
    %mul3A_184 = arith.muli %add3A_182, %mul3A_183 : i32
    %dma_wait3A_185 = arith.constant 0 : i32
    %dma_wait3A_186 = tpu.memref_slice %arg7[%mul3A_184, %dma_wait3A_185] : memref<160000x128xf32, #tpu.memory_space<hbm>> -> memref<128x128xf32, #tpu.memory_space<hbm>>
    %dma_wait3A_187 = arith.constant 0 : i32
    %dma_wait3A_188 = tpu.memref_slice %arg7[%mul3A_184, %dma_wait3A_187] : memref<160000x128xf32, #tpu.memory_space<hbm>> -> memref<128x128xf32, #tpu.memory_space<hbm>>
    tpu.wait_dma2 semaphore(%arg19 : memref<!tpu.dma_semaphore, #tpu.memory_space<semaphore_mem>>) src(%arg15 : memref<128x128xf32, #tpu.memory_space<vmem>>) dst(%dma_wait3A_188 : memref<128x128xf32, #tpu.memory_space<hbm>>)
    return
  }
}

#map = affine_map<(d0, d1) -> (0, 0, 0)>
#map1 = affine_map<(d0, d1) -> (0)>
#map2 = affine_map<(d0, d1) -> (0, 0)>
module attributes {stable_mosaic.version = 14 : i64} {
  func.func @k(%arg0: i32, %arg1: i32, %arg2: memref<2x163840x80xf32, #tpu.memory_space<hbm>>, %arg3: memref<163840xi32, #tpu.memory_space<hbm>>, %arg4: memref<10112x80xf32, #tpu.memory_space<hbm>>, %arg5: memref<2x10112x80xf32, #tpu.memory_space<hbm>>, %arg6: memref<128xi32, #tpu.memory_space<vmem>>, %arg7: memref<128xi32, #tpu.memory_space<vmem>>, %arg8: memref<128x80xf32, #tpu.memory_space<vmem>>, %arg9: memref<128x80xf32, #tpu.memory_space<vmem>>, %arg10: memref<!tpu.dma_semaphore, #tpu.memory_space<semaphore_mem>>, %arg11: memref<!tpu.dma_semaphore, #tpu.memory_space<semaphore_mem>>, %arg12: memref<632x80xf32, #tpu.memory_space<vmem>>, %arg13: memref<10112x80xf32, #tpu.memory_space<vmem_shared>>) attributes {dimension_semantics = [#tpu.dimension_semantics<core_parallel>, #tpu.dimension_semantics<subcore_parallel>], iteration_bounds = array<i64: 2, 16>, scalar_prefetch = 0 : i64, scratch_operands = 8 : i64, tpu.core_type = #tpu.core_type<sc_vector_subcore>, window_params = [{transform_indices = #map}, {transform_indices = #map1}, {transform_indices = #map2}, {transform_indices = #map}]} {
    %mul3A = arith.constant 632 : i32
    %mul3A_0 = arith.muli %arg1, %mul3A : i32
    "tpu.region"() ({
      %run_scoped3A = tpu.sem_alloc : memref<!tpu.dma_semaphore, #tpu.memory_space<semaphore_mem>>
      %dma_start3A_68 = arith.constant 0 : i32
      %dma_start3A_69 = tpu.memref_slice %arg4[%mul3A_0, %dma_start3A_68] : memref<10112x80xf32, #tpu.memory_space<hbm>> -> memref<632x80xf32, #tpu.memory_space<hbm>>
      %dma_start3A_70 = arith.constant 0 : i32
      %dma_start3A_71 = tpu.memref_slice %arg4[%mul3A_0, %dma_start3A_70] : memref<10112x80xf32, #tpu.memory_space<hbm>> -> memref<632x80xf32, #tpu.memory_space<hbm>>
      tpu.enqueue_dma source(%dma_start3A_71 : memref<632x80xf32, #tpu.memory_space<hbm>>) target(%arg12 : memref<632x80xf32, #tpu.memory_space<vmem>>) target_semaphore(%run_scoped3A : memref<!tpu.dma_semaphore, #tpu.memory_space<semaphore_mem>>)
      %dma_wait3A_72 = arith.constant 0 : i32
      %dma_wait3A_73 = tpu.memref_slice %arg4[%mul3A_0, %dma_wait3A_72] : memref<10112x80xf32, #tpu.memory_space<hbm>> -> memref<632x80xf32, #tpu.memory_space<hbm>>
      %dma_wait3A_74 = arith.constant 0 : i32
      %dma_wait3A_75 = tpu.memref_slice %arg4[%mul3A_0, %dma_wait3A_74] : memref<10112x80xf32, #tpu.memory_space<hbm>> -> memref<632x80xf32, #tpu.memory_space<hbm>>
      tpu.wait_dma2 semaphore(%run_scoped3A : memref<!tpu.dma_semaphore, #tpu.memory_space<semaphore_mem>>) src(%dma_wait3A_75 : memref<632x80xf32, #tpu.memory_space<hbm>>) dst(%arg12 : memref<632x80xf32, #tpu.memory_space<vmem>>)
      tpu.yield
    }) : () -> ()
    "tpu.region"() ({
      %run_scoped3A = tpu.sem_alloc : memref<!tpu.dma_semaphore, #tpu.memory_space<semaphore_mem>>
      %dma_start3A_68 = arith.constant 0 : i32
      %dma_start3A_69 = tpu.memref_slice %arg13[%mul3A_0, %dma_start3A_68] : memref<10112x80xf32, #tpu.memory_space<vmem_shared>> -> memref<632x80xf32, #tpu.memory_space<vmem_shared>>
      %dma_start3A_70 = arith.constant 0 : i32
      %dma_start3A_71 = tpu.memref_slice %arg13[%mul3A_0, %dma_start3A_70] : memref<10112x80xf32, #tpu.memory_space<vmem_shared>> -> memref<632x80xf32, #tpu.memory_space<vmem_shared>>
      tpu.enqueue_dma source(%arg12 : memref<632x80xf32, #tpu.memory_space<vmem>>) target(%dma_start3A_71 : memref<632x80xf32, #tpu.memory_space<vmem_shared>>) target_semaphore(%run_scoped3A : memref<!tpu.dma_semaphore, #tpu.memory_space<semaphore_mem>>)
      %dma_wait3A_72 = arith.constant 0 : i32
      %dma_wait3A_73 = tpu.memref_slice %arg13[%mul3A_0, %dma_wait3A_72] : memref<10112x80xf32, #tpu.memory_space<vmem_shared>> -> memref<632x80xf32, #tpu.memory_space<vmem_shared>>
      %dma_wait3A_74 = arith.constant 0 : i32
      %dma_wait3A_75 = tpu.memref_slice %arg13[%mul3A_0, %dma_wait3A_74] : memref<10112x80xf32, #tpu.memory_space<vmem_shared>> -> memref<632x80xf32, #tpu.memory_space<vmem_shared>>
      tpu.wait_dma2 semaphore(%run_scoped3A : memref<!tpu.dma_semaphore, #tpu.memory_space<semaphore_mem>>) src(%arg12 : memref<632x80xf32, #tpu.memory_space<vmem>>) dst(%dma_wait3A_75 : memref<632x80xf32, #tpu.memory_space<vmem_shared>>)
      tpu.yield
    }) : () -> ()
    %barrier3A = arith.constant 0 : index
    tpu.barrier barrier_id(%barrier3A)
    %add3A = arith.constant 0 : i32
    %add3A_1 = arith.addi %arg1, %add3A : i32
    %mul3A_2 = arith.constant 128 : i32
    %mul3A_3 = arith.muli %add3A_1, %mul3A_2 : i32
    %dma_start3A = tpu.memref_slice %arg3[%mul3A_3] : memref<163840xi32, #tpu.memory_space<hbm>> -> memref<128xi32, #tpu.memory_space<hbm>>
    %dma_start3A_4 = tpu.memref_slice %arg3[%mul3A_3] : memref<163840xi32, #tpu.memory_space<hbm>> -> memref<128xi32, #tpu.memory_space<hbm>>
    tpu.enqueue_dma source(%dma_start3A_4 : memref<128xi32, #tpu.memory_space<hbm>>) target(%arg6 : memref<128xi32, #tpu.memory_space<vmem>>) target_semaphore(%arg10 : memref<!tpu.dma_semaphore, #tpu.memory_space<semaphore_mem>>)
    %add3A_5 = arith.constant 0 : i32
    %add3A_6 = arith.addi %arg1, %add3A_5 : i32
    %mul3A_7 = arith.constant 128 : i32
    %mul3A_8 = arith.muli %add3A_6, %mul3A_7 : i32
    %dma_start3A_9 = arith.constant 0 : i32
    %dma_start3A_10 = tpu.memref_slice %arg2[%arg0, %mul3A_8, %dma_start3A_9] : memref<2x163840x80xf32, #tpu.memory_space<hbm>> -> memref<1x128x80xf32, #tpu.memory_space<hbm>>
    %dma_start3A_11 = tpu.memref_squeeze %dma_start3A_10 : memref<1x128x80xf32, #tpu.memory_space<hbm>> -> memref<128x80xf32, #tpu.memory_space<hbm>>
    %dma_start3A_12 = arith.constant 0 : i32
    %dma_start3A_13 = tpu.memref_slice %arg2[%arg0, %mul3A_8, %dma_start3A_12] : memref<2x163840x80xf32, #tpu.memory_space<hbm>> -> memref<1x128x80xf32, #tpu.memory_space<hbm>>
    %dma_start3A_14 = tpu.memref_squeeze %dma_start3A_13 : memref<1x128x80xf32, #tpu.memory_space<hbm>> -> memref<128x80xf32, #tpu.memory_space<hbm>>
    tpu.enqueue_dma source(%dma_start3A_14 : memref<128x80xf32, #tpu.memory_space<hbm>>) target(%arg8 : memref<128x80xf32, #tpu.memory_space<vmem>>) target_semaphore(%arg10 : memref<!tpu.dma_semaphore, #tpu.memory_space<semaphore_mem>>)
    %add3A_15 = arith.constant 16 : i32
    %add3A_16 = arith.addi %arg1, %add3A_15 : i32
    %mul3A_17 = arith.constant 128 : i32
    %mul3A_18 = arith.muli %add3A_16, %mul3A_17 : i32
    %dma_start3A_19 = tpu.memref_slice %arg3[%mul3A_18] : memref<163840xi32, #tpu.memory_space<hbm>> -> memref<128xi32, #tpu.memory_space<hbm>>
    %dma_start3A_20 = tpu.memref_slice %arg3[%mul3A_18] : memref<163840xi32, #tpu.memory_space<hbm>> -> memref<128xi32, #tpu.memory_space<hbm>>
    tpu.enqueue_dma source(%dma_start3A_20 : memref<128xi32, #tpu.memory_space<hbm>>) target(%arg7 : memref<128xi32, #tpu.memory_space<vmem>>) target_semaphore(%arg11 : memref<!tpu.dma_semaphore, #tpu.memory_space<semaphore_mem>>)
    %add3A_21 = arith.constant 16 : i32
    %add3A_22 = arith.addi %arg1, %add3A_21 : i32
    %mul3A_23 = arith.constant 128 : i32
    %mul3A_24 = arith.muli %add3A_22, %mul3A_23 : i32
    %dma_start3A_25 = arith.constant 0 : i32
    %dma_start3A_26 = tpu.memref_slice %arg2[%arg0, %mul3A_24, %dma_start3A_25] : memref<2x163840x80xf32, #tpu.memory_space<hbm>> -> memref<1x128x80xf32, #tpu.memory_space<hbm>>
    %dma_start3A_27 = tpu.memref_squeeze %dma_start3A_26 : memref<1x128x80xf32, #tpu.memory_space<hbm>> -> memref<128x80xf32, #tpu.memory_space<hbm>>
    %dma_start3A_28 = arith.constant 0 : i32
    %dma_start3A_29 = tpu.memref_slice %arg2[%arg0, %mul3A_24, %dma_start3A_28] : memref<2x163840x80xf32, #tpu.memory_space<hbm>> -> memref<1x128x80xf32, #tpu.memory_space<hbm>>
    %dma_start3A_30 = tpu.memref_squeeze %dma_start3A_29 : memref<1x128x80xf32, #tpu.memory_space<hbm>> -> memref<128x80xf32, #tpu.memory_space<hbm>>
    tpu.enqueue_dma source(%dma_start3A_30 : memref<128x80xf32, #tpu.memory_space<hbm>>) target(%arg9 : memref<128x80xf32, #tpu.memory_space<vmem>>) target_semaphore(%arg11 : memref<!tpu.dma_semaphore, #tpu.memory_space<semaphore_mem>>)
    %scan3A = arith.constant 0 : i32
    %scan3A_31 = arith.constant 0 : i32
    %scan3A_32 = arith.constant 39 : i32
    %scan3A_33 = arith.addi %scan3A_31, %scan3A_32 : i32
    %scan3A_34 = arith.constant 1 : i32
    scf.for %scan3A_68 = %scan3A_31 to %scan3A_33 step %scan3A_34  : i32 {
      %mul3A_69 = arith.constant 2 : i32
      %mul3A_70 = arith.muli %mul3A_69, %scan3A_68 : i32
      %mul3A_71 = arith.constant 16 : i32
      %mul3A_72 = arith.muli %mul3A_70, %mul3A_71 : i32
      %add3A_73 = arith.addi %arg1, %mul3A_72 : i32
      %mul3A_74 = arith.constant 128 : i32
      %mul3A_75 = arith.muli %add3A_73, %mul3A_74 : i32
      %dma_wait3A_76 = tpu.memref_slice %arg3[%mul3A_75] : memref<163840xi32, #tpu.memory_space<hbm>> -> memref<128xi32, #tpu.memory_space<hbm>>
      %dma_wait3A_77 = tpu.memref_slice %arg3[%mul3A_75] : memref<163840xi32, #tpu.memory_space<hbm>> -> memref<128xi32, #tpu.memory_space<hbm>>
      tpu.wait_dma2 semaphore(%arg10 : memref<!tpu.dma_semaphore, #tpu.memory_space<semaphore_mem>>) src(%dma_wait3A_77 : memref<128xi32, #tpu.memory_space<hbm>>) dst(%arg6 : memref<128xi32, #tpu.memory_space<vmem>>)
      %mul3A_78 = arith.constant 16 : i32
      %mul3A_79 = arith.muli %mul3A_70, %mul3A_78 : i32
      %add3A_80 = arith.addi %arg1, %mul3A_79 : i32
      %mul3A_81 = arith.constant 128 : i32
      %mul3A_82 = arith.muli %add3A_80, %mul3A_81 : i32
      %dma_wait3A_83 = arith.constant 0 : i32
      %dma_wait3A_84 = tpu.memref_slice %arg2[%arg0, %mul3A_82, %dma_wait3A_83] : memref<2x163840x80xf32, #tpu.memory_space<hbm>> -> memref<1x128x80xf32, #tpu.memory_space<hbm>>
      %dma_wait3A_85 = tpu.memref_squeeze %dma_wait3A_84 : memref<1x128x80xf32, #tpu.memory_space<hbm>> -> memref<128x80xf32, #tpu.memory_space<hbm>>
      %dma_wait3A_86 = arith.constant 0 : i32
      %dma_wait3A_87 = tpu.memref_slice %arg2[%arg0, %mul3A_82, %dma_wait3A_86] : memref<2x163840x80xf32, #tpu.memory_space<hbm>> -> memref<1x128x80xf32, #tpu.memory_space<hbm>>
      %dma_wait3A_88 = tpu.memref_squeeze %dma_wait3A_87 : memref<1x128x80xf32, #tpu.memory_space<hbm>> -> memref<128x80xf32, #tpu.memory_space<hbm>>
      tpu.wait_dma2 semaphore(%arg10 : memref<!tpu.dma_semaphore, #tpu.memory_space<semaphore_mem>>) src(%dma_wait3A_88 : memref<128x80xf32, #tpu.memory_space<hbm>>) dst(%arg8 : memref<128x80xf32, #tpu.memory_space<vmem>>)
      "tpu.region"() ({
        %run_scoped3A = tpu.sem_alloc : memref<!tpu.dma_semaphore, #tpu.memory_space<semaphore_mem>>
        %dma_start3A_149 = arith.constant 0 : i32
        %dma_start3A_150 = arith.constant 0 : i32
        %dma_start3A_151 = tpu.memref_slice %arg13[%dma_start3A_149, %dma_start3A_150] : memref<10112x80xf32, #tpu.memory_space<vmem_shared>> -> memref<10112x80xf32, #tpu.memory_space<vmem_shared>>
        tpu.enqueue_indirect_dma source(%arg8 : memref<128x80xf32, #tpu.memory_space<vmem>>) target(%dma_start3A_151 : memref<10112x80xf32, #tpu.memory_space<vmem_shared>>) offsets(%arg6 : memref<128xi32, #tpu.memory_space<vmem>>) semaphore(%run_scoped3A : memref<!tpu.dma_semaphore, #tpu.memory_space<semaphore_mem>>) {add = true}
        %dma_wait3A_152 = arith.constant 0 : i32
        %dma_wait3A_153 = arith.constant 0 : i32
        %dma_wait3A_154 = tpu.memref_slice %arg13[%dma_wait3A_152, %dma_wait3A_153] : memref<10112x80xf32, #tpu.memory_space<vmem_shared>> -> memref<10112x80xf32, #tpu.memory_space<vmem_shared>>
        tpu.wait_indirect_dma semaphore(%run_scoped3A : memref<!tpu.dma_semaphore, #tpu.memory_space<semaphore_mem>>) src(%arg8 : memref<128x80xf32, #tpu.memory_space<vmem>>) dst(%dma_wait3A_154 : memref<10112x80xf32, #tpu.memory_space<vmem_shared>>)
        tpu.yield
      }) : () -> ()
      %add3A_89 = arith.constant 2 : i32
      %add3A_90 = arith.addi %mul3A_70, %add3A_89 : i32
      %mul3A_91 = arith.constant 16 : i32
      %mul3A_92 = arith.muli %add3A_90, %mul3A_91 : i32
      %add3A_93 = arith.addi %arg1, %mul3A_92 : i32
      %mul3A_94 = arith.constant 128 : i32
      %mul3A_95 = arith.muli %add3A_93, %mul3A_94 : i32
      %dma_start3A_96 = tpu.memref_slice %arg3[%mul3A_95] : memref<163840xi32, #tpu.memory_space<hbm>> -> memref<128xi32, #tpu.memory_space<hbm>>
      %dma_start3A_97 = tpu.memref_slice %arg3[%mul3A_95] : memref<163840xi32, #tpu.memory_space<hbm>> -> memref<128xi32, #tpu.memory_space<hbm>>
      tpu.enqueue_dma source(%dma_start3A_97 : memref<128xi32, #tpu.memory_space<hbm>>) target(%arg6 : memref<128xi32, #tpu.memory_space<vmem>>) target_semaphore(%arg10 : memref<!tpu.dma_semaphore, #tpu.memory_space<semaphore_mem>>)
      %mul3A_98 = arith.constant 16 : i32
      %mul3A_99 = arith.muli %add3A_90, %mul3A_98 : i32
      %add3A_100 = arith.addi %arg1, %mul3A_99 : i32
      %mul3A_101 = arith.constant 128 : i32
      %mul3A_102 = arith.muli %add3A_100, %mul3A_101 : i32
      %dma_start3A_103 = arith.constant 0 : i32
      %dma_start3A_104 = tpu.memref_slice %arg2[%arg0, %mul3A_102, %dma_start3A_103] : memref<2x163840x80xf32, #tpu.memory_space<hbm>> -> memref<1x128x80xf32, #tpu.memory_space<hbm>>
      %dma_start3A_105 = tpu.memref_squeeze %dma_start3A_104 : memref<1x128x80xf32, #tpu.memory_space<hbm>> -> memref<128x80xf32, #tpu.memory_space<hbm>>
      %dma_start3A_106 = arith.constant 0 : i32
      %dma_start3A_107 = tpu.memref_slice %arg2[%arg0, %mul3A_102, %dma_start3A_106] : memref<2x163840x80xf32, #tpu.memory_space<hbm>> -> memref<1x128x80xf32, #tpu.memory_space<hbm>>
      %dma_start3A_108 = tpu.memref_squeeze %dma_start3A_107 : memref<1x128x80xf32, #tpu.memory_space<hbm>> -> memref<128x80xf32, #tpu.memory_space<hbm>>
      tpu.enqueue_dma source(%dma_start3A_108 : memref<128x80xf32, #tpu.memory_space<hbm>>) target(%arg8 : memref<128x80xf32, #tpu.memory_space<vmem>>) target_semaphore(%arg10 : memref<!tpu.dma_semaphore, #tpu.memory_space<semaphore_mem>>)
      %add3A_109 = arith.constant 1 : i32
      %add3A_110 = arith.addi %mul3A_70, %add3A_109 : i32
      %mul3A_111 = arith.constant 16 : i32
      %mul3A_112 = arith.muli %add3A_110, %mul3A_111 : i32
      %add3A_113 = arith.addi %arg1, %mul3A_112 : i32
      %mul3A_114 = arith.constant 128 : i32
      %mul3A_115 = arith.muli %add3A_113, %mul3A_114 : i32
      %dma_wait3A_116 = tpu.memref_slice %arg3[%mul3A_115] : memref<163840xi32, #tpu.memory_space<hbm>> -> memref<128xi32, #tpu.memory_space<hbm>>
      %dma_wait3A_117 = tpu.memref_slice %arg3[%mul3A_115] : memref<163840xi32, #tpu.memory_space<hbm>> -> memref<128xi32, #tpu.memory_space<hbm>>
      tpu.wait_dma2 semaphore(%arg11 : memref<!tpu.dma_semaphore, #tpu.memory_space<semaphore_mem>>) src(%dma_wait3A_117 : memref<128xi32, #tpu.memory_space<hbm>>) dst(%arg7 : memref<128xi32, #tpu.memory_space<vmem>>)
      %mul3A_118 = arith.constant 16 : i32
      %mul3A_119 = arith.muli %add3A_110, %mul3A_118 : i32
      %add3A_120 = arith.addi %arg1, %mul3A_119 : i32
      %mul3A_121 = arith.constant 128 : i32
      %mul3A_122 = arith.muli %add3A_120, %mul3A_121 : i32
      %dma_wait3A_123 = arith.constant 0 : i32
      %dma_wait3A_124 = tpu.memref_slice %arg2[%arg0, %mul3A_122, %dma_wait3A_123] : memref<2x163840x80xf32, #tpu.memory_space<hbm>> -> memref<1x128x80xf32, #tpu.memory_space<hbm>>
      %dma_wait3A_125 = tpu.memref_squeeze %dma_wait3A_124 : memref<1x128x80xf32, #tpu.memory_space<hbm>> -> memref<128x80xf32, #tpu.memory_space<hbm>>
      %dma_wait3A_126 = arith.constant 0 : i32
      %dma_wait3A_127 = tpu.memref_slice %arg2[%arg0, %mul3A_122, %dma_wait3A_126] : memref<2x163840x80xf32, #tpu.memory_space<hbm>> -> memref<1x128x80xf32, #tpu.memory_space<hbm>>
      %dma_wait3A_128 = tpu.memref_squeeze %dma_wait3A_127 : memref<1x128x80xf32, #tpu.memory_space<hbm>> -> memref<128x80xf32, #tpu.memory_space<hbm>>
      tpu.wait_dma2 semaphore(%arg11 : memref<!tpu.dma_semaphore, #tpu.memory_space<semaphore_mem>>) src(%dma_wait3A_128 : memref<128x80xf32, #tpu.memory_space<hbm>>) dst(%arg9 : memref<128x80xf32, #tpu.memory_space<vmem>>)
      "tpu.region"() ({
        %run_scoped3A = tpu.sem_alloc : memref<!tpu.dma_semaphore, #tpu.memory_space<semaphore_mem>>
        %dma_start3A_149 = arith.constant 0 : i32
        %dma_start3A_150 = arith.constant 0 : i32
        %dma_start3A_151 = tpu.memref_slice %arg13[%dma_start3A_149, %dma_start3A_150] : memref<10112x80xf32, #tpu.memory_space<vmem_shared>> -> memref<10112x80xf32, #tpu.memory_space<vmem_shared>>
        tpu.enqueue_indirect_dma source(%arg9 : memref<128x80xf32, #tpu.memory_space<vmem>>) target(%dma_start3A_151 : memref<10112x80xf32, #tpu.memory_space<vmem_shared>>) offsets(%arg7 : memref<128xi32, #tpu.memory_space<vmem>>) semaphore(%run_scoped3A : memref<!tpu.dma_semaphore, #tpu.memory_space<semaphore_mem>>) {add = true}
        %dma_wait3A_152 = arith.constant 0 : i32
        %dma_wait3A_153 = arith.constant 0 : i32
        %dma_wait3A_154 = tpu.memref_slice %arg13[%dma_wait3A_152, %dma_wait3A_153] : memref<10112x80xf32, #tpu.memory_space<vmem_shared>> -> memref<10112x80xf32, #tpu.memory_space<vmem_shared>>
        tpu.wait_indirect_dma semaphore(%run_scoped3A : memref<!tpu.dma_semaphore, #tpu.memory_space<semaphore_mem>>) src(%arg9 : memref<128x80xf32, #tpu.memory_space<vmem>>) dst(%dma_wait3A_154 : memref<10112x80xf32, #tpu.memory_space<vmem_shared>>)
        tpu.yield
      }) : () -> ()
      %add3A_129 = arith.constant 3 : i32
      %add3A_130 = arith.addi %mul3A_70, %add3A_129 : i32
      %mul3A_131 = arith.constant 16 : i32
      %mul3A_132 = arith.muli %add3A_130, %mul3A_131 : i32
      %add3A_133 = arith.addi %arg1, %mul3A_132 : i32
      %mul3A_134 = arith.constant 128 : i32
      %mul3A_135 = arith.muli %add3A_133, %mul3A_134 : i32
      %dma_start3A_136 = tpu.memref_slice %arg3[%mul3A_135] : memref<163840xi32, #tpu.memory_space<hbm>> -> memref<128xi32, #tpu.memory_space<hbm>>
      %dma_start3A_137 = tpu.memref_slice %arg3[%mul3A_135] : memref<163840xi32, #tpu.memory_space<hbm>> -> memref<128xi32, #tpu.memory_space<hbm>>
      tpu.enqueue_dma source(%dma_start3A_137 : memref<128xi32, #tpu.memory_space<hbm>>) target(%arg7 : memref<128xi32, #tpu.memory_space<vmem>>) target_semaphore(%arg11 : memref<!tpu.dma_semaphore, #tpu.memory_space<semaphore_mem>>)
      %mul3A_138 = arith.constant 16 : i32
      %mul3A_139 = arith.muli %add3A_130, %mul3A_138 : i32
      %add3A_140 = arith.addi %arg1, %mul3A_139 : i32
      %mul3A_141 = arith.constant 128 : i32
      %mul3A_142 = arith.muli %add3A_140, %mul3A_141 : i32
      %dma_start3A_143 = arith.constant 0 : i32
      %dma_start3A_144 = tpu.memref_slice %arg2[%arg0, %mul3A_142, %dma_start3A_143] : memref<2x163840x80xf32, #tpu.memory_space<hbm>> -> memref<1x128x80xf32, #tpu.memory_space<hbm>>
      %dma_start3A_145 = tpu.memref_squeeze %dma_start3A_144 : memref<1x128x80xf32, #tpu.memory_space<hbm>> -> memref<128x80xf32, #tpu.memory_space<hbm>>
      %dma_start3A_146 = arith.constant 0 : i32
      %dma_start3A_147 = tpu.memref_slice %arg2[%arg0, %mul3A_142, %dma_start3A_146] : memref<2x163840x80xf32, #tpu.memory_space<hbm>> -> memref<1x128x80xf32, #tpu.memory_space<hbm>>
      %dma_start3A_148 = tpu.memref_squeeze %dma_start3A_147 : memref<1x128x80xf32, #tpu.memory_space<hbm>> -> memref<128x80xf32, #tpu.memory_space<hbm>>
      tpu.enqueue_dma source(%dma_start3A_148 : memref<128x80xf32, #tpu.memory_space<hbm>>) target(%arg9 : memref<128x80xf32, #tpu.memory_space<vmem>>) target_semaphore(%arg11 : memref<!tpu.dma_semaphore, #tpu.memory_space<semaphore_mem>>)
    }
    %scan3A_35 = arith.constant 39 : i32
    %add3A_36 = arith.constant 1248 : i32
    %add3A_37 = arith.addi %arg1, %add3A_36 : i32
    %mul3A_38 = arith.constant 128 : i32
    %mul3A_39 = arith.muli %add3A_37, %mul3A_38 : i32
    %dma_wait3A = tpu.memref_slice %arg3[%mul3A_39] : memref<163840xi32, #tpu.memory_space<hbm>> -> memref<128xi32, #tpu.memory_space<hbm>>
    %dma_wait3A_40 = tpu.memref_slice %arg3[%mul3A_39] : memref<163840xi32, #tpu.memory_space<hbm>> -> memref<128xi32, #tpu.memory_space<hbm>>
    tpu.wait_dma2 semaphore(%arg10 : memref<!tpu.dma_semaphore, #tpu.memory_space<semaphore_mem>>) src(%dma_wait3A_40 : memref<128xi32, #tpu.memory_space<hbm>>) dst(%arg6 : memref<128xi32, #tpu.memory_space<vmem>>)
    %add3A_41 = arith.constant 1248 : i32
    %add3A_42 = arith.addi %arg1, %add3A_41 : i32
    %mul3A_43 = arith.constant 128 : i32
    %mul3A_44 = arith.muli %add3A_42, %mul3A_43 : i32
    %dma_wait3A_45 = arith.constant 0 : i32
    %dma_wait3A_46 = tpu.memref_slice %arg2[%arg0, %mul3A_44, %dma_wait3A_45] : memref<2x163840x80xf32, #tpu.memory_space<hbm>> -> memref<1x128x80xf32, #tpu.memory_space<hbm>>
    %dma_wait3A_47 = tpu.memref_squeeze %dma_wait3A_46 : memref<1x128x80xf32, #tpu.memory_space<hbm>> -> memref<128x80xf32, #tpu.memory_space<hbm>>
    %dma_wait3A_48 = arith.constant 0 : i32
    %dma_wait3A_49 = tpu.memref_slice %arg2[%arg0, %mul3A_44, %dma_wait3A_48] : memref<2x163840x80xf32, #tpu.memory_space<hbm>> -> memref<1x128x80xf32, #tpu.memory_space<hbm>>
    %dma_wait3A_50 = tpu.memref_squeeze %dma_wait3A_49 : memref<1x128x80xf32, #tpu.memory_space<hbm>> -> memref<128x80xf32, #tpu.memory_space<hbm>>
    tpu.wait_dma2 semaphore(%arg10 : memref<!tpu.dma_semaphore, #tpu.memory_space<semaphore_mem>>) src(%dma_wait3A_50 : memref<128x80xf32, #tpu.memory_space<hbm>>) dst(%arg8 : memref<128x80xf32, #tpu.memory_space<vmem>>)
    "tpu.region"() ({
      %run_scoped3A = tpu.sem_alloc : memref<!tpu.dma_semaphore, #tpu.memory_space<semaphore_mem>>
      %dma_start3A_68 = arith.constant 0 : i32
      %dma_start3A_69 = arith.constant 0 : i32
      %dma_start3A_70 = tpu.memref_slice %arg13[%dma_start3A_68, %dma_start3A_69] : memref<10112x80xf32, #tpu.memory_space<vmem_shared>> -> memref<10112x80xf32, #tpu.memory_space<vmem_shared>>
      tpu.enqueue_indirect_dma source(%arg8 : memref<128x80xf32, #tpu.memory_space<vmem>>) target(%dma_start3A_70 : memref<10112x80xf32, #tpu.memory_space<vmem_shared>>) offsets(%arg6 : memref<128xi32, #tpu.memory_space<vmem>>) semaphore(%run_scoped3A : memref<!tpu.dma_semaphore, #tpu.memory_space<semaphore_mem>>) {add = true}
      %dma_wait3A_71 = arith.constant 0 : i32
      %dma_wait3A_72 = arith.constant 0 : i32
      %dma_wait3A_73 = tpu.memref_slice %arg13[%dma_wait3A_71, %dma_wait3A_72] : memref<10112x80xf32, #tpu.memory_space<vmem_shared>> -> memref<10112x80xf32, #tpu.memory_space<vmem_shared>>
      tpu.wait_indirect_dma semaphore(%run_scoped3A : memref<!tpu.dma_semaphore, #tpu.memory_space<semaphore_mem>>) src(%arg8 : memref<128x80xf32, #tpu.memory_space<vmem>>) dst(%dma_wait3A_73 : memref<10112x80xf32, #tpu.memory_space<vmem_shared>>)
      tpu.yield
    }) : () -> ()
    %add3A_51 = arith.constant 1264 : i32
    %add3A_52 = arith.addi %arg1, %add3A_51 : i32
    %mul3A_53 = arith.constant 128 : i32
    %mul3A_54 = arith.muli %add3A_52, %mul3A_53 : i32
    %dma_wait3A_55 = tpu.memref_slice %arg3[%mul3A_54] : memref<163840xi32, #tpu.memory_space<hbm>> -> memref<128xi32, #tpu.memory_space<hbm>>
    %dma_wait3A_56 = tpu.memref_slice %arg3[%mul3A_54] : memref<163840xi32, #tpu.memory_space<hbm>> -> memref<128xi32, #tpu.memory_space<hbm>>
    tpu.wait_dma2 semaphore(%arg11 : memref<!tpu.dma_semaphore, #tpu.memory_space<semaphore_mem>>) src(%dma_wait3A_56 : memref<128xi32, #tpu.memory_space<hbm>>) dst(%arg7 : memref<128xi32, #tpu.memory_space<vmem>>)
    %add3A_57 = arith.constant 1264 : i32
    %add3A_58 = arith.addi %arg1, %add3A_57 : i32
    %mul3A_59 = arith.constant 128 : i32
    %mul3A_60 = arith.muli %add3A_58, %mul3A_59 : i32
    %dma_wait3A_61 = arith.constant 0 : i32
    %dma_wait3A_62 = tpu.memref_slice %arg2[%arg0, %mul3A_60, %dma_wait3A_61] : memref<2x163840x80xf32, #tpu.memory_space<hbm>> -> memref<1x128x80xf32, #tpu.memory_space<hbm>>
    %dma_wait3A_63 = tpu.memref_squeeze %dma_wait3A_62 : memref<1x128x80xf32, #tpu.memory_space<hbm>> -> memref<128x80xf32, #tpu.memory_space<hbm>>
    %dma_wait3A_64 = arith.constant 0 : i32
    %dma_wait3A_65 = tpu.memref_slice %arg2[%arg0, %mul3A_60, %dma_wait3A_64] : memref<2x163840x80xf32, #tpu.memory_space<hbm>> -> memref<1x128x80xf32, #tpu.memory_space<hbm>>
    %dma_wait3A_66 = tpu.memref_squeeze %dma_wait3A_65 : memref<1x128x80xf32, #tpu.memory_space<hbm>> -> memref<128x80xf32, #tpu.memory_space<hbm>>
    tpu.wait_dma2 semaphore(%arg11 : memref<!tpu.dma_semaphore, #tpu.memory_space<semaphore_mem>>) src(%dma_wait3A_66 : memref<128x80xf32, #tpu.memory_space<hbm>>) dst(%arg9 : memref<128x80xf32, #tpu.memory_space<vmem>>)
    "tpu.region"() ({
      %run_scoped3A = tpu.sem_alloc : memref<!tpu.dma_semaphore, #tpu.memory_space<semaphore_mem>>
      %dma_start3A_68 = arith.constant 0 : i32
      %dma_start3A_69 = arith.constant 0 : i32
      %dma_start3A_70 = tpu.memref_slice %arg13[%dma_start3A_68, %dma_start3A_69] : memref<10112x80xf32, #tpu.memory_space<vmem_shared>> -> memref<10112x80xf32, #tpu.memory_space<vmem_shared>>
      tpu.enqueue_indirect_dma source(%arg9 : memref<128x80xf32, #tpu.memory_space<vmem>>) target(%dma_start3A_70 : memref<10112x80xf32, #tpu.memory_space<vmem_shared>>) offsets(%arg7 : memref<128xi32, #tpu.memory_space<vmem>>) semaphore(%run_scoped3A : memref<!tpu.dma_semaphore, #tpu.memory_space<semaphore_mem>>) {add = true}
      %dma_wait3A_71 = arith.constant 0 : i32
      %dma_wait3A_72 = arith.constant 0 : i32
      %dma_wait3A_73 = tpu.memref_slice %arg13[%dma_wait3A_71, %dma_wait3A_72] : memref<10112x80xf32, #tpu.memory_space<vmem_shared>> -> memref<10112x80xf32, #tpu.memory_space<vmem_shared>>
      tpu.wait_indirect_dma semaphore(%run_scoped3A : memref<!tpu.dma_semaphore, #tpu.memory_space<semaphore_mem>>) src(%arg9 : memref<128x80xf32, #tpu.memory_space<vmem>>) dst(%dma_wait3A_73 : memref<10112x80xf32, #tpu.memory_space<vmem_shared>>)
      tpu.yield
    }) : () -> ()
    %barrier3A_67 = arith.constant 0 : index
    tpu.barrier barrier_id(%barrier3A_67)
    "tpu.region"() ({
      %run_scoped3A = tpu.sem_alloc : memref<!tpu.dma_semaphore, #tpu.memory_space<semaphore_mem>>
      %dma_start3A_68 = arith.constant 0 : i32
      %dma_start3A_69 = tpu.memref_slice %arg13[%mul3A_0, %dma_start3A_68] : memref<10112x80xf32, #tpu.memory_space<vmem_shared>> -> memref<632x80xf32, #tpu.memory_space<vmem_shared>>
      %dma_start3A_70 = arith.constant 0 : i32
      %dma_start3A_71 = tpu.memref_slice %arg13[%mul3A_0, %dma_start3A_70] : memref<10112x80xf32, #tpu.memory_space<vmem_shared>> -> memref<632x80xf32, #tpu.memory_space<vmem_shared>>
      tpu.enqueue_dma source(%dma_start3A_71 : memref<632x80xf32, #tpu.memory_space<vmem_shared>>) target(%arg12 : memref<632x80xf32, #tpu.memory_space<vmem>>) target_semaphore(%run_scoped3A : memref<!tpu.dma_semaphore, #tpu.memory_space<semaphore_mem>>)
      %dma_wait3A_72 = arith.constant 0 : i32
      %dma_wait3A_73 = tpu.memref_slice %arg13[%mul3A_0, %dma_wait3A_72] : memref<10112x80xf32, #tpu.memory_space<vmem_shared>> -> memref<632x80xf32, #tpu.memory_space<vmem_shared>>
      %dma_wait3A_74 = arith.constant 0 : i32
      %dma_wait3A_75 = tpu.memref_slice %arg13[%mul3A_0, %dma_wait3A_74] : memref<10112x80xf32, #tpu.memory_space<vmem_shared>> -> memref<632x80xf32, #tpu.memory_space<vmem_shared>>
      tpu.wait_dma2 semaphore(%run_scoped3A : memref<!tpu.dma_semaphore, #tpu.memory_space<semaphore_mem>>) src(%dma_wait3A_75 : memref<632x80xf32, #tpu.memory_space<vmem_shared>>) dst(%arg12 : memref<632x80xf32, #tpu.memory_space<vmem>>)
      tpu.yield
    }) : () -> ()
    "tpu.region"() ({
      %run_scoped3A = tpu.sem_alloc : memref<!tpu.dma_semaphore, #tpu.memory_space<semaphore_mem>>
      %dma_start3A_68 = arith.constant 0 : i32
      %dma_start3A_69 = tpu.memref_slice %arg5[%arg0, %mul3A_0, %dma_start3A_68] : memref<2x10112x80xf32, #tpu.memory_space<hbm>> -> memref<1x632x80xf32, #tpu.memory_space<hbm>>
      %dma_start3A_70 = tpu.memref_squeeze %dma_start3A_69 : memref<1x632x80xf32, #tpu.memory_space<hbm>> -> memref<632x80xf32, #tpu.memory_space<hbm>>
      %dma_start3A_71 = arith.constant 0 : i32
      %dma_start3A_72 = tpu.memref_slice %arg5[%arg0, %mul3A_0, %dma_start3A_71] : memref<2x10112x80xf32, #tpu.memory_space<hbm>> -> memref<1x632x80xf32, #tpu.memory_space<hbm>>
      %dma_start3A_73 = tpu.memref_squeeze %dma_start3A_72 : memref<1x632x80xf32, #tpu.memory_space<hbm>> -> memref<632x80xf32, #tpu.memory_space<hbm>>
      tpu.enqueue_dma source(%arg12 : memref<632x80xf32, #tpu.memory_space<vmem>>) target(%dma_start3A_73 : memref<632x80xf32, #tpu.memory_space<hbm>>) target_semaphore(%run_scoped3A : memref<!tpu.dma_semaphore, #tpu.memory_space<semaphore_mem>>)
      %dma_wait3A_74 = arith.constant 0 : i32
      %dma_wait3A_75 = tpu.memref_slice %arg5[%arg0, %mul3A_0, %dma_wait3A_74] : memref<2x10112x80xf32, #tpu.memory_space<hbm>> -> memref<1x632x80xf32, #tpu.memory_space<hbm>>
      %dma_wait3A_76 = tpu.memref_squeeze %dma_wait3A_75 : memref<1x632x80xf32, #tpu.memory_space<hbm>> -> memref<632x80xf32, #tpu.memory_space<hbm>>
      %dma_wait3A_77 = arith.constant 0 : i32
      %dma_wait3A_78 = tpu.memref_slice %arg5[%arg0, %mul3A_0, %dma_wait3A_77] : memref<2x10112x80xf32, #tpu.memory_space<hbm>> -> memref<1x632x80xf32, #tpu.memory_space<hbm>>
      %dma_wait3A_79 = tpu.memref_squeeze %dma_wait3A_78 : memref<1x632x80xf32, #tpu.memory_space<hbm>> -> memref<632x80xf32, #tpu.memory_space<hbm>>
      tpu.wait_dma2 semaphore(%run_scoped3A : memref<!tpu.dma_semaphore, #tpu.memory_space<semaphore_mem>>) src(%arg12 : memref<632x80xf32, #tpu.memory_space<vmem>>) dst(%dma_wait3A_79 : memref<632x80xf32, #tpu.memory_space<hbm>>)
      tpu.yield
    }) : () -> ()
    return
  }
}

module attributes {stable_mosaic.version = 14 : i64} {
  func.func @body(%arg0: i32, %arg1: memref<5000x128xf32, #tpu.memory_space<vmem>>, %arg2: memref<128x128xf32, #tpu.memory_space<vmem>>, %arg3: memref<1x128xf32, #tpu.memory_space<vmem>>, %arg4: memref<128x128xf32, #tpu.memory_space<vmem>>, %arg5: memref<1x128xf32, #tpu.memory_space<vmem>>, %arg6: memref<5000x128xf32, #tpu.memory_space<vmem>>, %arg7: memref<5000x128xf32, #tpu.memory_space<vmem>>) attributes {dimension_semantics = [#tpu.dimension_semantics<arbitrary>], iteration_bounds = array<i64: 2>, scalar_prefetch = 0 : i64, scratch_operands = 0 : i64, tpu.core_type = #tpu.core_type<tc>, window_params = [{transform_indices = @transform_0, window_bounds = array<i64: 5000, 128>}, {pipeline_mode = #tpu.pipeline_mode<synchronous>, transform_indices = @transform_1, window_bounds = array<i64: 128, 128>}, {pipeline_mode = #tpu.pipeline_mode<synchronous>, transform_indices = @transform_2, window_bounds = array<i64: 1, 128>}, {pipeline_mode = #tpu.pipeline_mode<synchronous>, transform_indices = @transform_3, window_bounds = array<i64: 128, 128>}, {pipeline_mode = #tpu.pipeline_mode<synchronous>, transform_indices = @transform_4, window_bounds = array<i64: 1, 128>}, {transform_indices = @transform_5, window_bounds = array<i64: 5000, 128>}, {transform_indices = @transform_6, window_bounds = array<i64: 5000, 128>}]} {
    %get3A = arith.constant 0 : index
    %get3A_0 = arith.constant 0 : index
    %get3A_1 = vector.load %arg1[%get3A, %get3A_0] : memref<5000x128xf32, #tpu.memory_space<vmem>>, vector<5000x128xf32>
    %get3A_2 = arith.constant 0 : index
    %get3A_3 = arith.constant 0 : index
    %get3A_4 = vector.load %arg2[%get3A_2, %get3A_3] : memref<128x128xf32, #tpu.memory_space<vmem>>, vector<128x128xf32>
    %dot_general3A = arith.constant dense<0.000000e+00> : vector<5000x128xf32>
    %dot_general3A_5 = tpu.matmul %get3A_1, %get3A_4, %dot_general3A {dimension_numbers = #tpu.dot_dimension_numbers<[1], [0], [0], [1], [0, 0, 1, 1], [], []>, transpose_lhs_hint = false} : vector<5000x128xf32>, vector<128x128xf32>, vector<5000x128xf32> -> vector<5000x128xf32>
    %get3A_6 = arith.constant 0 : index
    %get3A_7 = arith.constant 0 : index
    %get3A_8 = vector.load %arg3[%get3A_6, %get3A_7] : memref<1x128xf32, #tpu.memory_space<vmem>>, vector<1x128xf32>
    %add3A = vector.broadcast %get3A_8 : vector<1x128xf32> to vector<5000x128xf32>
    %add3A_9 = arith.addf %dot_general3A_5, %add3A : vector<5000x128xf32>
    %swap3A = arith.constant 0 : index
    %swap3A_10 = arith.constant 0 : index
    %swap3A_11 = vector.load %arg6[%swap3A, %swap3A_10] : memref<5000x128xf32, #tpu.memory_space<vmem>>, vector<5000x128xf32>
    tpu.vector_store %arg6[%swap3A, %swap3A_10], %add3A_9 {strides = array<i32>} : memref<5000x128xf32, #tpu.memory_space<vmem>>, vector<5000x128xf32>,
    %get3A_12 = arith.constant 0 : index
    %get3A_13 = arith.constant 0 : index
    %get3A_14 = vector.load %arg4[%get3A_12, %get3A_13] : memref<128x128xf32, #tpu.memory_space<vmem>>, vector<128x128xf32>
    %dot_general3A_15 = arith.constant dense<0.000000e+00> : vector<5000x128xf32>
    %dot_general3A_16 = tpu.matmul %get3A_1, %get3A_14, %dot_general3A_15 {dimension_numbers = #tpu.dot_dimension_numbers<[1], [0], [0], [1], [0, 0, 1, 1], [], []>, transpose_lhs_hint = false} : vector<5000x128xf32>, vector<128x128xf32>, vector<5000x128xf32> -> vector<5000x128xf32>
    %get3A_17 = arith.constant 0 : index
    %get3A_18 = arith.constant 0 : index
    %get3A_19 = vector.load %arg5[%get3A_17, %get3A_18] : memref<1x128xf32, #tpu.memory_space<vmem>>, vector<1x128xf32>
    %add3A_20 = vector.broadcast %get3A_19 : vector<1x128xf32> to vector<5000x128xf32>
    %add3A_21 = arith.addf %dot_general3A_16, %add3A_20 : vector<5000x128xf32>
    %swap3A_22 = arith.constant 0 : index
    %swap3A_23 = arith.constant 0 : index
    %swap3A_24 = vector.load %arg7[%swap3A_22, %swap3A_23] : memref<5000x128xf32, #tpu.memory_space<vmem>>, vector<5000x128xf32>
    tpu.vector_store %arg7[%swap3A_22, %swap3A_23], %add3A_21 {strides = array<i32>} : memref<5000x128xf32, #tpu.memory_space<vmem>>, vector<5000x128xf32>,
    return
  }
  func.func @transform_0(%arg0: i32) -> (i32, i32) {
    %c0_i32 = arith.constant 0 : i32
    %c0_i32_0 = arith.constant 0 : i32
    return %arg0, %c0_i32 : i32, i32
  }
  func.func @transform_1(%arg0: i32) -> (i32, i32) {
    %c0_i32 = arith.constant 0 : i32
    %c0_i32_0 = arith.constant 0 : i32
    %c0_i32_1 = arith.constant 0 : i32
    return %c0_i32, %c0_i32_0 : i32, i32
  }
  func.func @transform_2(%arg0: i32) -> (i32, i32) {
    %c0_i32 = arith.constant 0 : i32
    %c0_i32_0 = arith.constant 0 : i32
    %c0_i32_1 = arith.constant 0 : i32
    return %c0_i32, %c0_i32_0 : i32, i32
  }
  func.func @transform_3(%arg0: i32) -> (i32, i32) {
    %c0_i32 = arith.constant 0 : i32
    %c0_i32_0 = arith.constant 0 : i32
    %c0_i32_1 = arith.constant 0 : i32
    return %c0_i32, %c0_i32_0 : i32, i32
  }
  func.func @transform_4(%arg0: i32) -> (i32, i32) {
    %c0_i32 = arith.constant 0 : i32
    %c0_i32_0 = arith.constant 0 : i32
    %c0_i32_1 = arith.constant 0 : i32
    return %c0_i32, %c0_i32_0 : i32, i32
  }
  func.func @transform_5(%arg0: i32) -> (i32, i32) {
    %c0_i32 = arith.constant 0 : i32
    %c0_i32_0 = arith.constant 0 : i32
    return %arg0, %c0_i32 : i32, i32
  }
  func.func @transform_6(%arg0: i32) -> (i32, i32) {
    %c0_i32 = arith.constant 0 : i32
    %c0_i32_0 = arith.constant 0 : i32
    return %arg0, %c0_i32 : i32, i32
  }
}

module attributes {stable_mosaic.version = 14 : i64} {
  func.func @body(%arg0: i32, %arg1: memref<5000x128xf32, #tpu.memory_space<vmem>>, %arg2: memref<128x128xf32, #tpu.memory_space<vmem>>, %arg3: memref<1x128xf32, #tpu.memory_space<vmem>>, %arg4: memref<128x128xf32, #tpu.memory_space<vmem>>, %arg5: memref<1x128xf32, #tpu.memory_space<vmem>>, %arg6: memref<5000x128xf32, #tpu.memory_space<vmem>>) attributes {dimension_semantics = [#tpu.dimension_semantics<arbitrary>], iteration_bounds = array<i64: 2>, scalar_prefetch = 0 : i64, scratch_operands = 0 : i64, tpu.core_type = #tpu.core_type<tc>, window_params = [{transform_indices = @transform_0, window_bounds = array<i64: 5000, 128>}, {pipeline_mode = #tpu.pipeline_mode<synchronous>, transform_indices = @transform_1, window_bounds = array<i64: 128, 128>}, {pipeline_mode = #tpu.pipeline_mode<synchronous>, transform_indices = @transform_2, window_bounds = array<i64: 1, 128>}, {pipeline_mode = #tpu.pipeline_mode<synchronous>, transform_indices = @transform_3, window_bounds = array<i64: 128, 128>}, {pipeline_mode = #tpu.pipeline_mode<synchronous>, transform_indices = @transform_4, window_bounds = array<i64: 1, 128>}, {transform_indices = @transform_5, window_bounds = array<i64: 5000, 128>}]} {
    %get3A = arith.constant 0 : index
    %get3A_0 = arith.constant 0 : index
    %get3A_1 = vector.load %arg1[%get3A, %get3A_0] : memref<5000x128xf32, #tpu.memory_space<vmem>>, vector<5000x128xf32>
    %get3A_2 = arith.constant 0 : index
    %get3A_3 = arith.constant 0 : index
    %get3A_4 = vector.load %arg2[%get3A_2, %get3A_3] : memref<128x128xf32, #tpu.memory_space<vmem>>, vector<128x128xf32>
    %dot_general3A = arith.constant dense<0.000000e+00> : vector<5000x128xf32>
    %dot_general3A_5 = tpu.matmul %get3A_1, %get3A_4, %dot_general3A {dimension_numbers = #tpu.dot_dimension_numbers<[1], [0], [0], [1], [0, 0, 1, 1], [], []>, transpose_lhs_hint = false} : vector<5000x128xf32>, vector<128x128xf32>, vector<5000x128xf32> -> vector<5000x128xf32>
    %get3A_6 = arith.constant 0 : index
    %get3A_7 = arith.constant 0 : index
    %get3A_8 = vector.load %arg3[%get3A_6, %get3A_7] : memref<1x128xf32, #tpu.memory_space<vmem>>, vector<1x128xf32>
    %add3A = vector.broadcast %get3A_8 : vector<1x128xf32> to vector<5000x128xf32>
    %add3A_9 = arith.addf %dot_general3A_5, %add3A : vector<5000x128xf32>
    %max3A = arith.constant 0.000000e+00 : f32
    %max3A_10 = vector.broadcast %max3A : f32 to vector<5000x128xf32>
    %max3A_11 = arith.maximumf %add3A_9, %max3A_10 : vector<5000x128xf32>
    %get3A_12 = arith.constant 0 : index
    %get3A_13 = arith.constant 0 : index
    %get3A_14 = vector.load %arg4[%get3A_12, %get3A_13] : memref<128x128xf32, #tpu.memory_space<vmem>>, vector<128x128xf32>
    %dot_general3A_15 = arith.constant dense<0.000000e+00> : vector<5000x128xf32>
    %dot_general3A_16 = tpu.matmul %max3A_11, %get3A_14, %dot_general3A_15 {dimension_numbers = #tpu.dot_dimension_numbers<[1], [0], [0], [1], [0, 0, 1, 1], [], []>, transpose_lhs_hint = false} : vector<5000x128xf32>, vector<128x128xf32>, vector<5000x128xf32> -> vector<5000x128xf32>
    %get3A_17 = arith.constant 0 : index
    %get3A_18 = arith.constant 0 : index
    %get3A_19 = vector.load %arg5[%get3A_17, %get3A_18] : memref<1x128xf32, #tpu.memory_space<vmem>>, vector<1x128xf32>
    %add3A_20 = vector.broadcast %get3A_19 : vector<1x128xf32> to vector<5000x128xf32>
    %add3A_21 = arith.addf %dot_general3A_16, %add3A_20 : vector<5000x128xf32>
    %swap3A = arith.constant 0 : index
    %swap3A_22 = arith.constant 0 : index
    %swap3A_23 = vector.load %arg6[%swap3A, %swap3A_22] : memref<5000x128xf32, #tpu.memory_space<vmem>>, vector<5000x128xf32>
    tpu.vector_store %arg6[%swap3A, %swap3A_22], %add3A_21 {strides = array<i32>} : memref<5000x128xf32, #tpu.memory_space<vmem>>, vector<5000x128xf32>,
    return
  }
  func.func @transform_0(%arg0: i32) -> (i32, i32) {
    %c0_i32 = arith.constant 0 : i32
    %c0_i32_0 = arith.constant 0 : i32
    return %arg0, %c0_i32 : i32, i32
  }
  func.func @transform_1(%arg0: i32) -> (i32, i32) {
    %c0_i32 = arith.constant 0 : i32
    %c0_i32_0 = arith.constant 0 : i32
    %c0_i32_1 = arith.constant 0 : i32
    return %c0_i32, %c0_i32_0 : i32, i32
  }
  func.func @transform_2(%arg0: i32) -> (i32, i32) {
    %c0_i32 = arith.constant 0 : i32
    %c0_i32_0 = arith.constant 0 : i32
    %c0_i32_1 = arith.constant 0 : i32
    return %c0_i32, %c0_i32_0 : i32, i32
  }
  func.func @transform_3(%arg0: i32) -> (i32, i32) {
    %c0_i32 = arith.constant 0 : i32
    %c0_i32_0 = arith.constant 0 : i32
    %c0_i32_1 = arith.constant 0 : i32
    return %c0_i32, %c0_i32_0 : i32, i32
  }
  func.func @transform_4(%arg0: i32) -> (i32, i32) {
    %c0_i32 = arith.constant 0 : i32
    %c0_i32_0 = arith.constant 0 : i32
    %c0_i32_1 = arith.constant 0 : i32
    return %c0_i32, %c0_i32_0 : i32, i32
  }
  func.func @transform_5(%arg0: i32) -> (i32, i32) {
    %c0_i32 = arith.constant 0 : i32
    %c0_i32_0 = arith.constant 0 : i32
    return %arg0, %c0_i32 : i32, i32
  }
}

module attributes {stable_mosaic.version = 14 : i64} {
  func.func @body(%arg0: i32, %arg1: memref<5000x128xf32, #tpu.memory_space<vmem>>, %arg2: memref<128x128xf32, #tpu.memory_space<vmem>>, %arg3: memref<1x128xf32, #tpu.memory_space<vmem>>, %arg4: memref<5000x128xf32, #tpu.memory_space<vmem>>) attributes {dimension_semantics = [#tpu.dimension_semantics<arbitrary>], iteration_bounds = array<i64: 2>, scalar_prefetch = 0 : i64, scratch_operands = 0 : i64, tpu.core_type = #tpu.core_type<tc>, window_params = [{transform_indices = @transform_0, window_bounds = array<i64: 5000, 128>}, {pipeline_mode = #tpu.pipeline_mode<synchronous>, transform_indices = @transform_1, window_bounds = array<i64: 128, 128>}, {pipeline_mode = #tpu.pipeline_mode<synchronous>, transform_indices = @transform_2, window_bounds = array<i64: 1, 128>}, {transform_indices = @transform_3, window_bounds = array<i64: 5000, 128>}]} {
    %get3A = arith.constant 0 : index
    %get3A_0 = arith.constant 0 : index
    %get3A_1 = vector.load %arg1[%get3A, %get3A_0] : memref<5000x128xf32, #tpu.memory_space<vmem>>, vector<5000x128xf32>
    %get3A_2 = arith.constant 0 : index
    %get3A_3 = arith.constant 0 : index
    %get3A_4 = vector.load %arg2[%get3A_2, %get3A_3] : memref<128x128xf32, #tpu.memory_space<vmem>>, vector<128x128xf32>
    %dot_general3A = arith.constant dense<0.000000e+00> : vector<5000x128xf32>
    %dot_general3A_5 = tpu.matmul %get3A_1, %get3A_4, %dot_general3A {dimension_numbers = #tpu.dot_dimension_numbers<[1], [0], [0], [1], [0, 0, 1, 1], [], []>, transpose_lhs_hint = false} : vector<5000x128xf32>, vector<128x128xf32>, vector<5000x128xf32> -> vector<5000x128xf32>
    %get3A_6 = arith.constant 0 : index
    %get3A_7 = arith.constant 0 : index
    %get3A_8 = vector.load %arg3[%get3A_6, %get3A_7] : memref<1x128xf32, #tpu.memory_space<vmem>>, vector<1x128xf32>
    %add3A = vector.broadcast %get3A_8 : vector<1x128xf32> to vector<5000x128xf32>
    %add3A_9 = arith.addf %dot_general3A_5, %add3A : vector<5000x128xf32>
    %max3A = arith.constant 0.000000e+00 : f32
    %max3A_10 = vector.broadcast %max3A : f32 to vector<5000x128xf32>
    %max3A_11 = arith.maximumf %add3A_9, %max3A_10 : vector<5000x128xf32>
    %swap3A = arith.constant 0 : index
    %swap3A_12 = arith.constant 0 : index
    %swap3A_13 = vector.load %arg4[%swap3A, %swap3A_12] : memref<5000x128xf32, #tpu.memory_space<vmem>>, vector<5000x128xf32>
    tpu.vector_store %arg4[%swap3A, %swap3A_12], %max3A_11 {strides = array<i32>} : memref<5000x128xf32, #tpu.memory_space<vmem>>, vector<5000x128xf32>,
    return
  }
  func.func @transform_0(%arg0: i32) -> (i32, i32) {
    %c0_i32 = arith.constant 0 : i32
    %c0_i32_0 = arith.constant 0 : i32
    return %arg0, %c0_i32 : i32, i32
  }
  func.func @transform_1(%arg0: i32) -> (i32, i32) {
    %c0_i32 = arith.constant 0 : i32
    %c0_i32_0 = arith.constant 0 : i32
    %c0_i32_1 = arith.constant 0 : i32
    return %c0_i32, %c0_i32_0 : i32, i32
  }
  func.func @transform_2(%arg0: i32) -> (i32, i32) {
    %c0_i32 = arith.constant 0 : i32
    %c0_i32_0 = arith.constant 0 : i32
    %c0_i32_1 = arith.constant 0 : i32
    return %c0_i32, %c0_i32_0 : i32, i32
  }
  func.func @transform_3(%arg0: i32) -> (i32, i32) {
    %c0_i32 = arith.constant 0 : i32
    %c0_i32_0 = arith.constant 0 : i32
    return %arg0, %c0_i32 : i32, i32
  }
}

module attributes {stable_mosaic.version = 14 : i64} {
  func.func @body(%arg0: i32, %arg1: memref<50x128x128xf32, #tpu.memory_space<vmem>>, %arg2: memref<50x128x128xf32, #tpu.memory_space<vmem>>, %arg3: memref<1x128xf32, #tpu.memory_space<vmem>>, %arg4: memref<1x50x128xf32, #tpu.memory_space<vmem>>, %arg5: memref<1x1x128xf32, #tpu.memory_space<vmem>>) attributes {dimension_semantics = [#tpu.dimension_semantics<arbitrary>], iteration_bounds = array<i64: 25>, scalar_prefetch = 0 : i64, scratch_operands = 0 : i64, tpu.core_type = #tpu.core_type<tc>, window_params = [{transform_indices = @transform_0, window_bounds = array<i64: 50, 128, 128>}, {transform_indices = @transform_1, window_bounds = array<i64: 50, 128, 128>}, {pipeline_mode = #tpu.pipeline_mode<synchronous>, transform_indices = @transform_2, window_bounds = array<i64: 1, 128>}, {transform_indices = @transform_3, window_bounds = array<i64: 1, 50, 128>}, {transform_indices = @transform_4, window_bounds = array<i64: 1, 1, 128>}]} {
    %get3A = arith.constant 0 : index
    %get3A_0 = arith.constant 0 : index
    %get3A_1 = arith.constant 0 : index
    %get3A_2 = vector.load %arg1[%get3A, %get3A_0, %get3A_1] : memref<50x128x128xf32, #tpu.memory_space<vmem>>, vector<50x128x128xf32>
    %get3A_3 = arith.constant 0 : index
    %get3A_4 = arith.constant 0 : index
    %get3A_5 = arith.constant 0 : index
    %get3A_6 = vector.load %arg2[%get3A_3, %get3A_4, %get3A_5] : memref<50x128x128xf32, #tpu.memory_space<vmem>>, vector<50x128x128xf32>
    %add3A = arith.addf %get3A_2, %get3A_6 : vector<50x128x128xf32>
    %gt3A = arith.constant 0.000000e+00 : f32
    %gt3A_7 = vector.broadcast %gt3A : f32 to vector<50x128x128xf32>
    %gt3A_8 = arith.cmpf ogt, %add3A, %gt3A_7 : vector<50x128x128xf32>
    %mul3A = arith.constant 2.000000e-01 : f32
    %mul3A_9 = vector.broadcast %mul3A : f32 to vector<50x128x128xf32>
    %mul3A_10 = arith.mulf %mul3A_9, %add3A : vector<50x128x128xf32>
    %select_n3A = arith.select %gt3A_8, %add3A, %mul3A_10 : vector<50x128x128xi1>, vector<50x128x128xf32>
    %get3A_11 = arith.constant 0 : index
    %get3A_12 = arith.constant 0 : index
    %get3A_13 = vector.load %arg3[%get3A_11, %get3A_12] : memref<1x128xf32, #tpu.memory_space<vmem>>, vector<1x128xf32>
    %get3A_14 = vector.shape_cast %get3A_13 : vector<1x128xf32> to vector<128xf32>
    %dot_general3A = arith.constant dense<0.000000e+00> : vector<50x128xf32>
    %dot_general3A_15 = tpu.matmul %select_n3A, %get3A_14, %dot_general3A {dimension_numbers = #tpu.dot_dimension_numbers<[2], [0], [0, 1], [], [0, 0, 0, 1], [], []>, transpose_lhs_hint = false} : vector<50x128x128xf32>, vector<128xf32>, vector<50x128xf32> -> vector<50x128xf32>
    %broadcast_in_dim3A = vector.shape_cast %dot_general3A_15 : vector<50x128xf32> to vector<1x50x128xf32>
    %swap3A = arith.constant 0 : index
    %swap3A_16 = arith.constant 0 : index
    %swap3A_17 = arith.constant 0 : index
    %swap3A_18 = vector.load %arg4[%swap3A, %swap3A_16, %swap3A_17] : memref<1x50x128xf32, #tpu.memory_space<vmem>>, vector<1x50x128xf32>
    tpu.vector_store %arg4[%swap3A, %swap3A_16, %swap3A_17], %broadcast_in_dim3A {strides = array<i32>} : memref<1x50x128xf32, #tpu.memory_space<vmem>>, vector<1x50x128xf32>,
    %reduce_max3A = vector.shape_cast %dot_general3A_15 : vector<50x128xf32> to vector<1x50x128xf32>
    %reduce_max3A_19 = arith.constant dense<0xFF800000> : vector<1xf32>
    %reduce_max3A_20 = vector.multi_reduction <maximumf>, %reduce_max3A, %reduce_max3A_19 [1, 2] : vector<1x50x128xf32> to vector<1xf32>
    %reduce_max3A_21 = vector.shape_cast %reduce_max3A_20 : vector<1xf32> to vector<1x1x1xf32>
    %reduce_max3A_22 = vector.extract %reduce_max3A_21[0, 0, 0] : f32 from vector<1x1x1xf32>
    %broadcast_in_dim3A_23 = vector.broadcast %reduce_max3A_22 : f32 to vector<1x1x128xf32>
    %swap3A_24 = arith.constant 0 : index
    %swap3A_25 = arith.constant 0 : index
    %swap3A_26 = arith.constant 0 : index
    %swap3A_27 = vector.load %arg5[%swap3A_24, %swap3A_25, %swap3A_26] : memref<1x1x128xf32, #tpu.memory_space<vmem>>, vector<1x1x128xf32>
    tpu.vector_store %arg5[%swap3A_24, %swap3A_25, %swap3A_26], %broadcast_in_dim3A_23 {strides = array<i32>} : memref<1x1x128xf32, #tpu.memory_space<vmem>>, vector<1x1x128xf32>,
    return
  }
  func.func @transform_0(%arg0: i32) -> (i32, i32, i32) {
    %c0_i32 = arith.constant 0 : i32
    %c0_i32_0 = arith.constant 0 : i32
    %c0_i32_1 = arith.constant 0 : i32
    return %arg0, %c0_i32, %c0_i32_0 : i32, i32, i32
  }
  func.func @transform_1(%arg0: i32) -> (i32, i32, i32) {
    %c0_i32 = arith.constant 0 : i32
    %c0_i32_0 = arith.constant 0 : i32
    %c0_i32_1 = arith.constant 0 : i32
    return %arg0, %c0_i32, %c0_i32_0 : i32, i32, i32
  }
  func.func @transform_2(%arg0: i32) -> (i32, i32) {
    %c0_i32 = arith.constant 0 : i32
    %c0_i32_0 = arith.constant 0 : i32
    %c0_i32_1 = arith.constant 0 : i32
    return %c0_i32, %c0_i32_0 : i32, i32
  }
  func.func @transform_3(%arg0: i32) -> (i32, i32, i32) {
    %c0_i32 = arith.constant 0 : i32
    %c0_i32_0 = arith.constant 0 : i32
    %c0_i32_1 = arith.constant 0 : i32
    return %arg0, %c0_i32, %c0_i32_0 : i32, i32, i32
  }
  func.func @transform_4(%arg0: i32) -> (i32, i32, i32) {
    %c0_i32 = arith.constant 0 : i32
    %c0_i32_0 = arith.constant 0 : i32
    %c0_i32_1 = arith.constant 0 : i32
    return %arg0, %c0_i32, %c0_i32_0 : i32, i32, i32
  }
}

module attributes {stable_mosaic.version = 14 : i64} {
  func.func @body(%arg0: i32, %arg1: memref<1x50x128xf32, #tpu.memory_space<vmem>>, %arg2: memref<25x1x128xf32, #tpu.memory_space<vmem>>, %arg3: memref<50x128x128xf32, #tpu.memory_space<vmem>>, %arg4: memref<2x50x128x80xf32, #tpu.memory_space<vmem>>) attributes {dimension_semantics = [#tpu.dimension_semantics<arbitrary>], iteration_bounds = array<i64: 25>, scalar_prefetch = 0 : i64, scratch_operands = 0 : i64, tpu.core_type = #tpu.core_type<tc>, window_params = [{transform_indices = @transform_0, window_bounds = array<i64: 1, 50, 128>}, {pipeline_mode = #tpu.pipeline_mode<synchronous>, transform_indices = @transform_1, window_bounds = array<i64: 25, 1, 128>}, {transform_indices = @transform_2, window_bounds = array<i64: 50, 128, 128>}, {transform_indices = @transform_3, window_bounds = array<i64: 2, 50, 128, 80>}]} {
    %get3A = arith.constant 0 : index
    %get3A_0 = arith.constant 0 : index
    %get3A_1 = arith.constant 0 : index
    %get3A_2 = vector.load %arg2[%get3A, %get3A_0, %get3A_1] : memref<25x1x128xf32, #tpu.memory_space<vmem>>, vector<25x1x128xf32>
    %reduce_max3A = vector.shape_cast %get3A_2 : vector<25x1x128xf32> to vector<1x25x1x128xf32>
    %reduce_max3A_3 = arith.constant dense<0xFF800000> : vector<1xf32>
    %reduce_max3A_4 = vector.multi_reduction <maximumf>, %reduce_max3A, %reduce_max3A_3 [1, 2, 3] : vector<1x25x1x128xf32> to vector<1xf32>
    %reduce_max3A_5 = vector.shape_cast %reduce_max3A_4 : vector<1xf32> to vector<1x1x1x1xf32>
    %reduce_max3A_6 = vector.extract %reduce_max3A_5[0, 0, 0, 0] : f32 from vector<1x1x1x1xf32>
    %get3A_7 = arith.constant 0 : index
    %get3A_8 = arith.constant 0 : index
    %get3A_9 = arith.constant 0 : index
    %get3A_10 = vector.load %arg1[%get3A_7, %get3A_8, %get3A_9] : memref<1x50x128xf32, #tpu.memory_space<vmem>>, vector<1x50x128xf32>
    %get3A_11 = vector.shape_cast %get3A_10 : vector<1x50x128xf32> to vector<50x128xf32>
    %sub3A = vector.broadcast %reduce_max3A_6 : f32 to vector<50x128xf32>
    %sub3A_12 = arith.subf %get3A_11, %sub3A : vector<50x128xf32>
    %exp3A = math.exp %sub3A_12 : vector<50x128xf32>
    %get3A_13 = arith.constant 0 : index
    %get3A_14 = arith.constant 0 : index
    %get3A_15 = arith.constant 0 : index
    %get3A_16 = vector.load %arg3[%get3A_13, %get3A_14, %get3A_15] : memref<50x128x128xf32, #tpu.memory_space<vmem>>, vector<50x128x128xf32>
    %broadcast_in_dim3A = vector.shape_cast %exp3A : vector<50x128xf32> to vector<50x128x1xf32>
    %mul3A = vector.broadcast %broadcast_in_dim3A : vector<50x128x1xf32> to vector<50x128x128xf32>
    %mul3A_17 = arith.mulf %get3A_16, %mul3A : vector<50x128x128xf32>
    %broadcast_in_dim3A_18 = arith.constant 0.000000e+00 : f32
    %broadcast_in_dim3A_19 = vector.broadcast %broadcast_in_dim3A_18 : f32 to vector<50x128x16xf32>
    %iota3A = tpu.iota {dimensions = array<i32: 2>} : vector<50x128x16xi32>
    %eq3A = arith.constant 0 : i32
    %eq3A_20 = vector.broadcast %eq3A : i32 to vector<50x128x16xi32>
    %eq3A_21 = arith.cmpi eq, %iota3A, %eq3A_20 : vector<50x128x16xi32>
    %jit3A = arith.constant 0.000000e+00 : f32
    %broadcast_in_dim3A_22 = vector.shape_cast %broadcast_in_dim3A : vector<50x128x1xf32> to vector<50x128x1xf32>
    %broadcast_in_dim3A_23 = vector.broadcast %broadcast_in_dim3A_22 : vector<50x128x1xf32> to vector<50x128x16xf32>
    %broadcast_in_dim3A_24 = vector.broadcast %jit3A : f32 to vector<50x128x16xf32>
    %select_n3A = arith.select %eq3A_21, %broadcast_in_dim3A_23, %broadcast_in_dim3A_24 : vector<50x128x16xi1>, vector<50x128x16xf32>
    %slice3A = vector.extract_strided_slice %mul3A_17 {offsets = [0, 0, 0], sizes = [50, 128, 64], strides = [1, 1, 1]} : vector<50x128x128xf32> to vector<50x128x64xf32>
    %concatenate3A = tpu.concatenate %slice3A, %broadcast_in_dim3A_19 in 2 : vector<50x128x64xf32>, vector<50x128x16xf32> -> vector<50x128x80xf32>
    %swap3A = arith.constant 0 : index
    %swap3A_25 = arith.constant 0 : index
    %swap3A_26 = arith.constant 0 : index
    %swap3A_27 = arith.constant 0 : index
    %swap3A_28 = vector.load %arg4[%swap3A, %swap3A_25, %swap3A_26, %swap3A_27] : memref<2x50x128x80xf32, #tpu.memory_space<vmem>>, vector<1x50x128x80xf32>
    %swap3A_29 = vector.shape_cast %swap3A_28 : vector<1x50x128x80xf32> to vector<50x128x80xf32>
    %swap3A_30 = vector.shape_cast %concatenate3A : vector<50x128x80xf32> to vector<1x50x128x80xf32>
    tpu.vector_store %arg4[%swap3A, %swap3A_25, %swap3A_26, %swap3A_27], %swap3A_30 {strides = array<i32>} : memref<2x50x128x80xf32, #tpu.memory_space<vmem>>, vector<1x50x128x80xf32>,
    %slice3A_31 = vector.extract_strided_slice %mul3A_17 {offsets = [0, 0, 64], sizes = [50, 128, 64], strides = [1, 1, 1]} : vector<50x128x128xf32> to vector<50x128x64xf32>
    %concatenate3A_32 = tpu.concatenate %slice3A_31, %select_n3A in 2 : vector<50x128x64xf32>, vector<50x128x16xf32> -> vector<50x128x80xf32>
    %swap3A_33 = arith.constant 1 : index
    %swap3A_34 = arith.constant 0 : index
    %swap3A_35 = arith.constant 0 : index
    %swap3A_36 = arith.constant 0 : index
    %swap3A_37 = vector.load %arg4[%swap3A_33, %swap3A_34, %swap3A_35, %swap3A_36] : memref<2x50x128x80xf32, #tpu.memory_space<vmem>>, vector<1x50x128x80xf32>
    %swap3A_38 = vector.shape_cast %swap3A_37 : vector<1x50x128x80xf32> to vector<50x128x80xf32>
    %swap3A_39 = vector.shape_cast %concatenate3A_32 : vector<50x128x80xf32> to vector<1x50x128x80xf32>
    tpu.vector_store %arg4[%swap3A_33, %swap3A_34, %swap3A_35, %swap3A_36], %swap3A_39 {strides = array<i32>} : memref<2x50x128x80xf32, #tpu.memory_space<vmem>>, vector<1x50x128x80xf32>,
    return
  }
  func.func @transform_0(%arg0: i32) -> (i32, i32, i32) {
    %c0_i32 = arith.constant 0 : i32
    %c0_i32_0 = arith.constant 0 : i32
    %c0_i32_1 = arith.constant 0 : i32
    return %arg0, %c0_i32, %c0_i32_0 : i32, i32, i32
  }
  func.func @transform_1(%arg0: i32) -> (i32, i32, i32) {
    %c0_i32 = arith.constant 0 : i32
    %c0_i32_0 = arith.constant 0 : i32
    %c0_i32_1 = arith.constant 0 : i32
    %c0_i32_2 = arith.constant 0 : i32
    return %c0_i32, %c0_i32_0, %c0_i32_1 : i32, i32, i32
  }
  func.func @transform_2(%arg0: i32) -> (i32, i32, i32) {
    %c0_i32 = arith.constant 0 : i32
    %c0_i32_0 = arith.constant 0 : i32
    %c0_i32_1 = arith.constant 0 : i32
    return %arg0, %c0_i32, %c0_i32_0 : i32, i32, i32
  }
  func.func @transform_3(%arg0: i32) -> (i32, i32, i32, i32) {
    %c0_i32 = arith.constant 0 : i32
    %c0_i32_0 = arith.constant 0 : i32
    %c0_i32_1 = arith.constant 0 : i32
    %c0_i32_2 = arith.constant 0 : i32
    return %c0_i32, %arg0, %c0_i32_0, %c0_i32_1 : i32, i32, i32, i32
  }
}

module attributes {stable_mosaic.version = 14 : i64} {
  func.func @body(%arg0: i32, %arg1: memref<2x5000x80xf32, #tpu.memory_space<vmem>>, %arg2: memref<1x128xf32, #tpu.memory_space<vmem>>, %arg3: memref<128x128xf32, #tpu.memory_space<vmem>>, %arg4: memref<1x128xf32, #tpu.memory_space<vmem>>, %arg5: memref<5000x128xf32, #tpu.memory_space<vmem>>) attributes {dimension_semantics = [#tpu.dimension_semantics<arbitrary>], iteration_bounds = array<i64: 2>, scalar_prefetch = 0 : i64, scratch_operands = 0 : i64, tpu.core_type = #tpu.core_type<tc>, window_params = [{transform_indices = @transform_0, window_bounds = array<i64: 2, 5000, 80>}, {pipeline_mode = #tpu.pipeline_mode<synchronous>, transform_indices = @transform_1, window_bounds = array<i64: 1, 128>}, {pipeline_mode = #tpu.pipeline_mode<synchronous>, transform_indices = @transform_2, window_bounds = array<i64: 128, 128>}, {pipeline_mode = #tpu.pipeline_mode<synchronous>, transform_indices = @transform_3, window_bounds = array<i64: 1, 128>}, {transform_indices = @transform_4, window_bounds = array<i64: 5000, 128>}]} {
    %get3A = arith.constant 0 : index
    %get3A_0 = arith.constant 0 : index
    %get3A_1 = arith.constant 0 : index
    %get3A_2 = vector.load %arg1[%get3A, %get3A_0, %get3A_1] : memref<2x5000x80xf32, #tpu.memory_space<vmem>>, vector<1x5000x80xf32>
    %get3A_3 = vector.shape_cast %get3A_2 : vector<1x5000x80xf32> to vector<5000x80xf32>
    %get3A_4 = arith.constant 1 : index
    %get3A_5 = arith.constant 0 : index
    %get3A_6 = arith.constant 0 : index
    %get3A_7 = vector.load %arg1[%get3A_4, %get3A_5, %get3A_6] : memref<2x5000x80xf32, #tpu.memory_space<vmem>>, vector<1x5000x80xf32>
    %get3A_8 = vector.shape_cast %get3A_7 : vector<1x5000x80xf32> to vector<5000x80xf32>
    %slice3A = vector.extract_strided_slice %get3A_3 {offsets = [0, 0], sizes = [5000, 64], strides = [1, 1]} : vector<5000x80xf32> to vector<5000x64xf32>
    %slice3A_9 = vector.extract_strided_slice %get3A_8 {offsets = [0, 0], sizes = [5000, 64], strides = [1, 1]} : vector<5000x80xf32> to vector<5000x64xf32>
    %concatenate3A = tpu.concatenate %slice3A, %slice3A_9 in 1 : vector<5000x64xf32>, vector<5000x64xf32> -> vector<5000x128xf32>
    %slice3A_10 = vector.extract_strided_slice %get3A_8 {offsets = [0, 64], sizes = [5000, 1], strides = [1, 1]} : vector<5000x80xf32> to vector<5000x1xf32>
    %add3A = arith.constant 1.000000e-16 : f32
    %add3A_11 = vector.broadcast %add3A : f32 to vector<5000x1xf32>
    %add3A_12 = arith.addf %slice3A_10, %add3A_11 : vector<5000x1xf32>
    %div3A = vector.broadcast %add3A_12 : vector<5000x1xf32> to vector<5000x128xf32>
    %div3A_13 = arith.divf %concatenate3A, %div3A : vector<5000x128xf32>
    %get3A_14 = arith.constant 0 : index
    %get3A_15 = arith.constant 0 : index
    %get3A_16 = vector.load %arg2[%get3A_14, %get3A_15] : memref<1x128xf32, #tpu.memory_space<vmem>>, vector<1x128xf32>
    %add3A_17 = vector.broadcast %get3A_16 : vector<1x128xf32> to vector<5000x128xf32>
    %add3A_18 = arith.addf %div3A_13, %add3A_17 : vector<5000x128xf32>
    %max3A = arith.constant 0.000000e+00 : f32
    %max3A_19 = vector.broadcast %max3A : f32 to vector<5000x128xf32>
    %max3A_20 = arith.maximumf %add3A_18, %max3A_19 : vector<5000x128xf32>
    %get3A_21 = arith.constant 0 : index
    %get3A_22 = arith.constant 0 : index
    %get3A_23 = vector.load %arg3[%get3A_21, %get3A_22] : memref<128x128xf32, #tpu.memory_space<vmem>>, vector<128x128xf32>
    %dot_general3A = arith.constant dense<0.000000e+00> : vector<5000x128xf32>
    %dot_general3A_24 = tpu.matmul %max3A_20, %get3A_23, %dot_general3A {dimension_numbers = #tpu.dot_dimension_numbers<[1], [0], [0], [1], [0, 0, 1, 1], [], []>, transpose_lhs_hint = false} : vector<5000x128xf32>, vector<128x128xf32>, vector<5000x128xf32> -> vector<5000x128xf32>
    %get3A_25 = arith.constant 0 : index
    %get3A_26 = arith.constant 0 : index
    %get3A_27 = vector.load %arg4[%get3A_25, %get3A_26] : memref<1x128xf32, #tpu.memory_space<vmem>>, vector<1x128xf32>
    %add3A_28 = vector.broadcast %get3A_27 : vector<1x128xf32> to vector<5000x128xf32>
    %add3A_29 = arith.addf %dot_general3A_24, %add3A_28 : vector<5000x128xf32>
    %swap3A = arith.constant 0 : index
    %swap3A_30 = arith.constant 0 : index
    %swap3A_31 = vector.load %arg5[%swap3A, %swap3A_30] : memref<5000x128xf32, #tpu.memory_space<vmem>>, vector<5000x128xf32>
    tpu.vector_store %arg5[%swap3A, %swap3A_30], %add3A_29 {strides = array<i32>} : memref<5000x128xf32, #tpu.memory_space<vmem>>, vector<5000x128xf32>,
    return
  }
  func.func @transform_0(%arg0: i32) -> (i32, i32, i32) {
    %c0_i32 = arith.constant 0 : i32
    %c0_i32_0 = arith.constant 0 : i32
    %c0_i32_1 = arith.constant 0 : i32
    return %c0_i32, %arg0, %c0_i32_0 : i32, i32, i32
  }
  func.func @transform_1(%arg0: i32) -> (i32, i32) {
    %c0_i32 = arith.constant 0 : i32
    %c0_i32_0 = arith.constant 0 : i32
    %c0_i32_1 = arith.constant 0 : i32
    return %c0_i32, %c0_i32_0 : i32, i32
  }
  func.func @transform_2(%arg0: i32) -> (i32, i32) {
    %c0_i32 = arith.constant 0 : i32
    %c0_i32_0 = arith.constant 0 : i32
    %c0_i32_1 = arith.constant 0 : i32
    return %c0_i32, %c0_i32_0 : i32, i32
  }
  func.func @transform_3(%arg0: i32) -> (i32, i32) {
    %c0_i32 = arith.constant 0 : i32
    %c0_i32_0 = arith.constant 0 : i32
    %c0_i32_1 = arith.constant 0 : i32
    return %c0_i32, %c0_i32_0 : i32, i32
  }
  func.func @transform_4(%arg0: i32) -> (i32, i32) {
    %c0_i32 = arith.constant 0 : i32
    %c0_i32_0 = arith.constant 0 : i32
    return %arg0, %c0_i32 : i32, i32
  }
}

</mosaic_0001>

<sc_bundles>
// kernel: kernel.21.cloned.1.call-start
scs
__scs_entry_jumppad:
0x0: {  	(pc) =	sbr.rel $0x88, $3  }
0x1: {  	(tag) =	ssettag $0x0;
	lr =	simm.s32 $0x1  }
0x2: {  	[smem:$0x3F82] =	sst lr;
	_ =	strace $0xD0000000  }
0x3: {  	_ = 	snop  }
0x4: {  	_ = 	snop  }
0x5: {  	_ = 	snop  }
0x6: {  	_ = 	snop  }
0x7: {  	_ = 	snop  }
__scs_overlays_trampoline_lowered:
0x8: {  	[smem:$0x3F91] =	sst s0  }
0x9: {  	[smem:$0x3F92] =	sst s1  }
0xa: {  	[smem:$0x3F93] =	sst s2  }
0xb: {  	[smem:$0x3F94] =	sst s3  }
0xc: {  	[smem:$0x3F95] =	sst s4  }
0xd: {  	[smem:$0x3F96] =	sst s5  }
0xe: {  	[smem:$0x3F97] =	sst s6  }
0xf: {  	[smem:$0x3F98] =	sst s7  }
0x10: {  	[smem:$0x3F99] =	sst s8  }
0x11: {  	[smem:$0x3F9A] =	sst s9;
	s0 =	simm.s32 @!p0 $0x0  }
0x12: {  	s1 =	sld [smem:$0x3F80];
	s0 =	simm.s32 @p0 $0x1  }
0x13: {  	[smem:$0x3F9B] =	sst s0;
	s0 =	simm.s32 @!p1 $0x0  }
0x14: {  	s2 =	sld [smem:$0x3F7F];
	s0 =	simm.s32 @p1 $0x1  }
0x15: {  	[smem:$0x3F9C] =	sst s0;
	s0 =	simm.s32 @!p2 $0x0  }
0x16: {  	s3 =	sld [smem:$0x3FDB];
	s0 =	simm.s32 @p2 $0x1  }
0x17: {  	s4 =	simm.s32 $0x1BF5;
	[smem:$0x3F9E] =	sst s0  }
0x18: {  	s0 =	sld [smem:$0x3F81];
	_ =	swait.ge [sflag:s4], $0x0  }
0x19: {  	s7 =	sld [smem:$0x3F82]  }
0x1a: {  	s8 =	sadd.s32 $0xFFFFE003, lr  }
0x1b: {  	s9 =	sadd.s32 $0xFFFFFEF7, lr;
	s5 =	simm.s32 $0xFFFFFFFF;
	p2 =	slt.u32 s8, $0xFFFFF086  }
0x1c: {  	p1 =	slt.u32 s9, $0xF7A;
	s5 =	simm.s32 @!p2 $0x0  }
0x1d: {  	s5 =	simm.s32 @p1 $0x1;
	p0 =	seq.s32 s7, s2  }
0x1e: {  	s7 =	smul.u32 @!p0 $0xF7A, s2;
	p2 =	seq.s32 @!p0 s5, $0x0  }
0x1f: {  	s9 =	smul.u32 $0xF7A, s1;
	s8 =	simm.s32 @!p0 $0x1BF5;
	p2 =	por !p2, p0  }
0x20: {  	[sflag:s8] =	ssyncset.s32 @!p0 $0xFFFFF086;
	s6 =	sadd.s32 @!p0 s3, s7;
	s7 =	simm.s32 @!p0 $0x108  }
0x21: {  	s3 =	sadd.s32 s3, s9;
	s6 =	sadd.s32 @!p0 $0x88, s6;
	s7 =	simm.s32 @p2 $0x1082  }
0x22: {  	[simem:s7], [sflag:s8] =	dma.local @!p0 [hbm:s6], $0xF7A  }
0x23: {  	s9 =	sor.u32 $0xD0000000, s2;
	s6 =	simm.s32 $0x108;
	_ =	swait.ge @!p0 [sflag:s8], $0x0  }
0x24: {  	s3 =	sadd.s32 $0x88, s3;
	s6 =	simm.s32 @!p1 $0x1082;
	[sflag:s4] =	ssyncset.s32 $0xFFFFF086  }
0x25: {  	[simem:s6], [sflag:s4] =	dma.local [hbm:s3], $0xF7A  }
0x26: {  	[smem:$0x3F82] =	sst s1;
	(tag) =	ssettag s2;
	_ =	strace s9  }
0x27: {  	s1 =	sld [smem:$0x3F92]  }
0x28: {  	s2 =	sld [smem:$0x3F93]  }
0x29: {  	s4 =	sld [smem:$0x3F95]  }
0x2a: {  	p0 =	seq.s32 s5, $0x0;
	s5 =	sld [smem:$0x3F96]  }
0x2b: {  	s6 =	sld [smem:$0x3F97]  }
0x2c: {  	s7 =	sld [smem:$0x3F98]  }
0x2d: {  	s3 =	simm.s32 $0x108;
	s8 =	sld [smem:$0x3F99]  }
0x2e: {  	s3 =	simm.s32 @!p0 $0x1082;
	s9 =	sld [smem:$0x3F9A]  }
0x2f: {  	lr =	sadd.s32 s0, s3;
	s0 =	sld [smem:$0x3F91]  }
0x30: {  	s3 =	sld [smem:$0x3F94]  }
0x31: {  	[smem:$0x3F9D] =	sst s10  }
0x32: {  	s10 =	sld [smem:$0x3F9B];
	_ =	sdelay $0x3  }
0x33: {  	p0 =	seq.s32 s10, $0x1;
	s10 =	sld [smem:$0x3F9D];
	_ =	sdelay $0x3  }
0x34: {  	[smem:$0x3F9D] =	sst s10  }
0x35: {  	s10 =	sld [smem:$0x3F9C];
	_ =	sdelay $0x3  }
0x36: {  	p1 =	seq.s32 s10, $0x1;
	s10 =	sld [smem:$0x3F9D];
	_ =	sdelay $0x3  }
0x37: {  	[smem:$0x3F9D] =	sst s10  }
0x38: {  	s10 =	sld [smem:$0x3F9E]  }
0x39: {  	_ = 	snop;
	(pc) =	sbr.ind lr, $3  }
0x3a: {  	_ = 	snop  }
0x3b: {  	_ = 	snop  }
0x3c: {  	p2 =	seq.s32 s10, $0x1;
	s10 =	sld [smem:$0x3F9D]  }
0x3d: {  	_ =	shalt  }
0x3e: {  	_ =	shalt  }
0x3f: {  	_ =	shalt  }
0x40: {  	_ =	shalt  }
0x41: {  	_ =	shalt  }
0x42: {  	_ =	shalt  }
0x43: {  	_ =	shalt  }
0x44: {  	_ =	shalt  }
0x45: {  	_ =	shalt  }
0x46: {  	_ =	shalt  }
0x47: {  	_ =	shalt  }
0x48: {  	_ =	shalt  }
0x49: {  	_ =	shalt  }
0x4a: {  	_ =	shalt  }
0x4b: {  	_ =	shalt  }
0x4c: {  	_ =	shalt  }
0x4d: {  	_ =	shalt  }
0x4e: {  	_ =	shalt  }
0x4f: {  	_ =	shalt  }
0x50: {  	_ =	shalt  }
0x51: {  	_ =	shalt  }
0x52: {  	_ =	shalt  }
0x53: {  	_ =	shalt  }
0x54: {  	_ =	shalt  }
0x55: {  	_ =	shalt  }
0x56: {  	_ =	shalt  }
0x57: {  	_ =	shalt  }
0x58: {  	_ =	shalt  }
0x59: {  	_ =	shalt  }
0x5a: {  	_ =	shalt  }
0x5b: {  	_ =	shalt  }
0x5c: {  	_ =	shalt  }
0x5d: {  	_ =	shalt  }
0x5e: {  	_ =	shalt  }
0x5f: {  	_ =	shalt  }
0x60: {  	_ =	shalt  }
0x61: {  	_ =	shalt  }
0x62: {  	_ =	shalt  }
0x63: {  	_ =	shalt  }
0x64: {  	_ =	shalt  }
0x65: {  	_ =	shalt  }
0x66: {  	_ =	shalt  }
0x67: {  	_ =	shalt  }
0x68: {  	_ =	shalt  }
0x69: {  	_ =	shalt  }
0x6a: {  	_ =	shalt  }
0x6b: {  	_ =	shalt  }
0x6c: {  	_ =	shalt  }
0x6d: {  	_ =	shalt  }
0x6e: {  	_ =	shalt  }
0x6f: {  	_ =	shalt  }
0x70: {  	_ =	shalt  }
0x71: {  	_ =	shalt  }
0x72: {  	_ =	shalt  }
0x73: {  	_ =	shalt  }
0x74: {  	_ =	shalt  }
0x75: {  	_ =	shalt  }
0x76: {  	_ =	shalt  }
0x77: {  	_ =	shalt  }
0x78: {  	_ =	shalt  }
0x79: {  	_ =	shalt  }
0x7a: {  	_ =	shalt  }
0x7b: {  	_ =	shalt  }
0x7c: {  	_ =	shalt  }
0x7d: {  	_ =	shalt  }
0x7e: {  	_ =	shalt  }
0x7f: {  	_ =	shalt  }
0x80: {  	_ =	shalt  }
0x81: {  	_ =	shalt  }
0x82: {  	_ =	shalt  }
0x83: {  	_ =	shalt  }
0x84: {  	_ =	shalt  }
0x85: {  	_ =	shalt  }
0x86: {  	_ =	shalt  }
0x87: {  	_ =	shalt  }
.Lfunc_end0:
.L_simem_size_0:
called_computation_lowered:
.L_overlay_start_0:
0x88: {  	s2 =	sld [smem:$0x3FD9]  }
0x89: {  	s3 =	sld [smem:$0x3FFE];
	_ =	sdelay $0x1  }
0x8a: {  	s1 =	srdreg.scid  }
0x8b: {  	s0 =	sand.u32 $0x1, s1  }
0x8c: {  	s16 =	sshll.u32 s0, $0xA;
	s2 =	sadd.s32 s3, s2  }
0x8d: {  	s2 =	sadd.s32 s2, s16  }
0x8e: {  	[smem:$0x3FA9] =	sst s2  }
0x8f: {  	_ = 	snop  }
0x90: {  	(tm) =	ssettm $0x1  }
0x91: {  	s17 =	sld [smem:$0x3FFB];
	_ =	sdelay $0x3  }
0x92: {  	_ =	strace s17  }
0x93: {  	s2 =	sld [smem:$0x3FFC];
	_ =	sdelay $0x3  }
0x94: {  	_ =	strace s2  }
0x95: {  	s2 =	sld [smem:$0x3FFD];
	_ =	sdelay $0x3  }
0x96: {  	_ =	strace s2  }
0x97: {  	_ =	strace $0x8FFFFFFF  }
0x98: {  	s18 =	sld [smem:$0x3FDB];
	_ =	sdelay $0x1  }
0x99: {  	s19 =	simm.s32 $_scs_section_size  }
0x9a: {  	s4 =	simm.s32 $_size__tile_overlayer_lowered;
	s5 =	simm.s32 $_tile_overlayer_lowered  }
0x9b: {  	s22 =	simm.s32 $0x1BFF;
	s21 =	sshll.u32 s5, $0x1;
	s2 =	sadd.s32 s19, s18  }
0x9c: {  	s6 =	simm.s32 $0x0;
	s20 =	sshll.u32 s4, $0x1;
	s4 =	sadd.s32 s21, s2  }
0x9d: {  	[timem:s6], [sflag:s22] =	dma.local [hbm:s4], s20  }
0x9e: {  	_ =	swait.ge [sflag:s22], s20  }
0x9f: {  	s3 =	ssub.s32 $0x0, s20;
	[sflag:s22] =	ssyncset.done $0x0  }
0xa0: {  	[sflag:s22] =	ssyncadd.s32 s3;
	_ =	sdelay $0x1  }
0xa1: {  	s23 =	simm.s32 $0x1B8B  }
0xa2: {  	_ =	swait.ge [sflag:s23], $0x1  }
0xa3: {  	[sflag:s23] =	ssyncset.done $0x0  }
0xa4: {  	s25 =	simm.s32 $0x1B8E;
	s24 =	sld [smem:$0x3FFE];
	[sflag:s23] =	ssyncadd.s32 $0xFFFFFFFF  }
0xa5: {  	s26 =	simm.s32 $execute0_lowered;
	[smem:$0x3FD2] =	sst s25  }
0xa6: {  	s4 =	sshll.u32 s26, $0x1;
	_ =	strace $0x80000046;
	[dreg:$0x1] =	wrdreg $0xFFFFFFFF  }
0xa7: {  	s28 =	simm.s32 $_size_execute0_lowered;
	s2 =	sadd.s32 s2, s4;
	[dreg:$0x0] =	wrdreg $0x0  }
0xa8: {  	s4 =	sshll.u32 s28, $0x1;
	[dreg:$0x2] =	wrdreg s2  }
0xa9: {  	[dreg:$0x3] =	wrdreg s4  }
0xaa: {  	[dreg:$0x4] =	wrdreg $0xC0  }
0xab: {  	_ =	task [dreg:s6], $0x5FFFF  }
0xac: {  	[dreg:$0x1] =	wrdreg $0xFFFFFFFF  }
0xad: {  	[dreg:$0x0] =	wrdreg $0x60  }
0xae: {  	[dreg:$0x2] =	wrdreg s24  }
0xaf: {  	[dreg:$0x3] =	wrdreg $0x9  }
0xb0: {  	_ =	task.clear_ibuf [dreg:s6], $0x4FFFF;
	_ =	strace $0x90000046  }
0xb1: {  	s29 =	simm.s32 $0x9;
	_ =	strace $0x80000048  }
0xb2: {  	_ =	swait.ge [sflag:s29], $0x1  }
0xb3: {  	[sflag:s29] =	ssyncadd.s32 $0xFFFFFFFF  }
0xb4: {  	_ =	strace $0x90000048  }
0xb5: {  	_ =	sfence  }
0xb6: {  	s30 =	sld [smem:$0x0];
	_ =	sdelay $0x2  }
0xb7: {  	s31 =	sshll.u32 s1, $0xD;
	s1 =	sshrl.u32 s1, $0x2  }
0xb8: {  	s3 =	sand.u32 $0x4000, s31;
	s1 =	sadd.s32 s1, s30  }
0xb9: {  	s0 =	sor.u32 s3, s0;
	s1 =	sshll.u32 s1, $0x11  }
0xba: {  	s0 =	sor.u32 s1, s0  }
0xbb: {  	s0 =	sadd.s32 $0x8F2B, s0  }
0xbc: {  	[sflag:s0] =	ssyncadd.remote.s32 $0x1  }
0xbd: {  	_ =	sfence.sel $0xFFFF  }
0xbe: {  	[dreg:$0x0] =	wrdreg $0xFFFFFFFF;
	(pc) =	sbr.abs _section_cstart, $3  }
0xbf: {  	[dreg:$0x1] =	wrdreg $0xFFFFFFFF  }
0xc0: {  	_ =	task.clear_ibuf [dreg:s6], $0x2FFFF;
	_ =	strace $0x9FFFFFFF  }
0xc1: {  	(tm) =	ssettm $0x7FFFFFFF  }
tec
execute0_lowered:
.L_overlay_start_1:
0x0: {  	(tag) =	ssettag $0x1  }
0x1: {  	s0 =	rddreg [dreg:$0x0];
	s1 =	simm.s32 $0x0  }
0x2: {  	s2 =	srdreg.scid;
	s14 =	stileid.u32;
	s28 =	simm.s32 $0x4200  }
0x3: {  	s29 =	simm.s32 $0xC200;
	s30 =	simm.s32 $0x1;
	s31 =	simm.s32 $0x2  }
0x4: {  	[smem:$0x7FF] =	sst s1;
	s3 =	sadd.s32 $0x10C00, s0;
	s4 =	sadd.s32 $0x37E00, s0  }
0x5: {  	s2 =	sand.u32 $0x1, s2;
	s7 =	sshll.u32 s14, $0x1;
	s5 =	sadd.s32 $0xBC00, s0  }
0x6: {  	s6 =	sadd.s32 $0x6C00, s0;
	s8 =	sadd.s32 $0x86200, s0;
	s23 =	sshll.u32 s14, $0x8  }
0x7: {  	s25 =	sshll.u32 s14, $0xF;
	_ =	strace $0x80000047;
	s10 =	sor.u32 s2, s7  }
0x8: {  	s7 =	sadd.s32 $0x2F7200, s0;
	s9 =	ssub.s32 $0x2, s2;
	s24 =	sshll.u32 s2, $0x7  }
0x9: {  	s2 =	sshll.u32 s2, $0xE;
	s11 =	ssub.s32 $0x501, s10;
	s15 =	sshrl.u32 s9, $0x1  }
0xa: {  	s16 =	sshll.u32 s10, $0x4;
	s17 =	sshll.u32 s10, $0x7;
	s19 =	sshll.u32 s10, $0xE  }
0xb: {  	s10 =	sshll.u32 s10, $0xB;
	s26 =	sor.u32 s24, s23;
	s2 =	sor.u32 s2, s25  }
0xc: {  	s23 =	simm.s32 $0x80;
	s11 =	sshrl.u32 s11, $0x5;
	s0 =	ssub.s32 s9, s15  }
0xd: {  	s12 =	sadd.s32 s5, s16;
	s13 =	sor.u32 $0x200, s16;
	[dreg:$0x2] =	wrdreg s17  }
0xe: {  	s9 =	sadd.s32 $0xFFFFFFFF, s11;
	[dreg:$0x3] =	wrdreg s12;
	s11 =	sadd.s32 s6, s16  }
0xf: {  	s24 =	simm.s32 $0x200;
	s18 =	sadd.s32 s5, s13;
	[dreg:$0x4] =	wrdreg s11  }
0x10: {  	s10 =	sor.u32 $0x260000, s10;
	s13 =	sadd.s32 s6, s13;
	[dreg:$0x5] =	wrdreg s18  }
0x11: {  	s25 =	simm.s32 $0x8200;
	s21 =	sadd.s32 s7, s10;
	[dreg:$0x6] =	wrdreg s13  }
0x12: {  	s10 =	sadd.s32 s8, s10;
	s20 =	sshll.u32 s9, $0x13;
	[dreg:$0x7] =	wrdreg s21  }
0x13: {  	[dreg:$0x8] =	wrdreg s10;
	s18 =	smax.u32 s0, $0x1;
	s21 =	simm.s32 $0x5  }
0x14: {  	s0 =	simm.s32 $0x3;
	s10 =	simm.s32 $0x0;
	s11 =	sor.u32 s19, s20  }
0x15: {  	s19 =	sor.u32 $0x2000, s26;
	s20 =	sshrl.u32 s2, $0x3;
	s22 =	sshrl.u32 s11, $0x3  }
0x16: {  	s26 =	simm.s32 $0x180;
	s2 =	simm.s32 $0x4;
	s11 =	sadd.s32 s7, s22  }
0x17: {  	s17 =	sadd.s32 s8, s22;
	s22 =	simm.s32 $0x100;
	[dreg:$0x9] =	wrdreg s11  }
.LBB2_1:
0x18: {  	s11 =	rddreg [dreg:$0x3]  }
0x19: {  	[tilespmem:s1], [sflag:$0x5] =	stream.linear.gather [hbm4b:s11+s1], $0x80, $0x38;
	[tilespmem:$0x10200] =	vst v63  }
0x1a: {  	_ =	swait.ge [sflag:s21], $0x80  }
0x1b: {  	[sflag:s21] =	ssyncset.done $0x0  }
0x1c: {  	s15 =	rddreg [dreg:$0x4];
	[sflag:s21] =	ssyncadd.s32 $0xFFFFFF80  }
0x1d: {  	[tilespmem:s22], [sflag:$0x5] =	stream.linear.gather [hbm4b:s15+s1], $0x80, $0x38;
	[tilespmem:$0x10200] =	vst v63  }
0x1e: {  	_ =	swait.ge [sflag:s21], $0x80  }
0x1f: {  	[sflag:s21] =	ssyncset.done $0x0  }
0x20: {  	[sflag:s21] =	ssyncadd.s32 $0xFFFFFF80  }
0x21: {  	[tilespmem:s24], [sflag:$0x1] =	stream.indirect.gather [hbm4b:s3+s23], $0x80, s1, s23, $0xb8;
	[tilespmem:$0x10200] =	vst v63  }
0x22: {  	_ = 	snop  }
0x23: {  	[tilespmem:s25], [sflag:$0x1] =	stream.indirect.gather [hbm4b:s4+s23], $0x80, s22, s23, $0xb8;
	[tilespmem:$0x10200] =	vst v63  }
0x24: {  	s16 =	rddreg [dreg:$0x5]  }
0x25: {  	[tilespmem:s23], [sflag:$0x5] =	stream.linear.gather [hbm4b:s16+s1], $0x80, $0x38;
	[tilespmem:$0x10200] =	vst v63  }
0x26: {  	_ =	swait.ge [sflag:s21], $0x80  }
0x27: {  	[sflag:s21] =	ssyncset.done $0x0  }
0x28: {  	s12 =	rddreg [dreg:$0x6];
	[sflag:s21] =	ssyncadd.s32 $0xFFFFFF80  }
0x29: {  	[tilespmem:s26], [sflag:$0x5] =	stream.linear.gather [hbm4b:s12+s1], $0x80, $0x38;
	[tilespmem:$0x10200] =	vst v63  }
0x2a: {  	_ =	swait.ge [sflag:s21], $0x80  }
0x2b: {  	[sflag:s21] =	ssyncset.done $0x0  }
0x2c: {  	[sflag:s21] =	ssyncadd.s32 $0xFFFFFF80  }
0x2d: {  	[tilespmem:s28], [sflag:$0x2] =	stream.indirect.gather [hbm4b:s3+s23], $0x80, s23, s23, $0xb8;
	[tilespmem:$0x10200] =	vst v63  }
0x2e: {  	_ = 	snop  }
0x2f: {  	[tilespmem:s29], [sflag:$0x2] =	stream.indirect.gather [hbm4b:s4+s23], $0x80, s26, s23, $0xb8;
	[tilespmem:$0x10200] =	vst v63  }
0x30: {  	_ =	swait.ge [sflag:s30], $0x4000  }
0x31: {  	[sflag:s30] =	ssyncset.done $0x0  }
0x32: {  	[sflag:s30] =	ssyncadd.s32 $0xFFFFC000  }
0x33: {  	_ =	swait.ge [sflag:s30], $0x4000  }
0x34: {  	[sflag:s30] =	ssyncset.done $0x0  }
0x35: {  	s13 =	sadd.s32 s20, s7;
	[sflag:s30] =	ssyncadd.s32 $0xFFFFC000  }
0x36: {  	[hbm4b:s13+s1] =	stream.linear.scatter [tilespmem:s24], [sflag:$0x3], $0x4000, $0x38;
	[tilespmem:$0x10200] =	vst v63  }
0x37: {  	s14 =	sadd.s32 s20, s8  }
0x38: {  	[hbm4b:s14+s1] =	stream.linear.scatter [tilespmem:s25], [sflag:$0x3], $0x4000, $0x38;
	[tilespmem:$0x10200] =	vst v63  }
0x39: {  	_ =	swait.ge [sflag:s31], $0x4000  }
0x3a: {  	[sflag:s31] =	ssyncset.done $0x0  }
0x3b: {  	[sflag:s31] =	ssyncadd.s32 $0xFFFFC000  }
0x3c: {  	_ =	swait.ge [sflag:s31], $0x4000  }
0x3d: {  	s15 =	sor.u32 $0x10000, s20;
	[sflag:s31] =	ssyncset.done $0x0  }
0x3e: {  	s12 =	sadd.s32 s7, s15;
	[sflag:s31] =	ssyncadd.s32 $0xFFFFC000  }
0x3f: {  	[hbm4b:s12+s1] =	stream.linear.scatter [tilespmem:s28], [sflag:$0x4], $0x4000, $0x38;
	[tilespmem:$0x10200] =	vst v63  }
0x40: {  	s11 =	sadd.s32 s8, s15;
	s16 =	sshrl.u32 s19, $0x3  }
0x41: {  	[hbm4b:s11+s1] =	stream.linear.scatter [tilespmem:s29], [sflag:$0x4], $0x4000, $0x38;
	[tilespmem:$0x10200] =	vst v63  }
0x42: {  	s13 =	sadd.s32 s5, s16  }
0x43: {  	[tilespmem:s1], [sflag:$0x5] =	stream.linear.gather [hbm4b:s13+s1], $0x80, $0x38;
	[tilespmem:$0x10200] =	vst v63  }
0x44: {  	_ =	swait.ge [sflag:s21], $0x80  }
0x45: {  	[sflag:s21] =	ssyncset.done $0x0  }
0x46: {  	s14 =	sadd.s32 s6, s16;
	[sflag:s21] =	ssyncadd.s32 $0xFFFFFF80  }
0x47: {  	[tilespmem:s22], [sflag:$0x5] =	stream.linear.gather [hbm4b:s14+s1], $0x80, $0x38;
	[tilespmem:$0x10200] =	vst v63  }
0x48: {  	_ =	swait.ge [sflag:s21], $0x80  }
0x49: {  	[sflag:s21] =	ssyncset.done $0x0  }
0x4a: {  	[sflag:s21] =	ssyncadd.s32 $0xFFFFFF80  }
0x4b: {  	_ =	swait.ge [sflag:s0], $0x4000  }
0x4c: {  	[sflag:s0] =	ssyncset.done $0x0  }
0x4d: {  	p0 =	sgt.s32 s9, $0x3;
	s11 =	smov.u32 s9;
	[sflag:s0] =	ssyncadd.s32 $0xFFFFC000  }
0x4e: {  	s11 =	smov.u32 @p0 s0;
	_ =	swait.ge [sflag:s0], $0x4000  }
0x4f: {  	s11 =	sshll.u32 s11, $0xC;
	[sflag:s0] =	ssyncset.done $0x0;
	s15 =	rddreg [dreg:$0x2]  }
0x50: {  	[sflag:s0] =	ssyncadd.s32 $0xFFFFC000;
	s11 =	sor.u32 s15, s11  }
0x51: {  	[tilespmem:s24], [sflag:$0x1] =	stream.indirect.gather [hbm4b:s3+s23], $0x80, s1, s23, $0xb8;
	[tilespmem:$0x10200] =	vst v63  }
0x52: {  	s11 =	sshrl.u32 s11, $0x3  }
0x53: {  	[tilespmem:s25], [sflag:$0x1] =	stream.indirect.gather [hbm4b:s4+s23], $0x80, s22, s23, $0xb8;
	[tilespmem:$0x10200] =	vst v63  }
0x54: {  	s16 =	sadd.s32 s5, s11  }
0x55: {  	[tilespmem:s23], [sflag:$0x5] =	stream.linear.gather [hbm4b:s16+s1], $0x80, $0x38;
	[tilespmem:$0x10200] =	vst v63  }
0x56: {  	_ =	swait.ge [sflag:s21], $0x80  }
0x57: {  	[sflag:s21] =	ssyncset.done $0x0  }
0x58: {  	s11 =	sadd.s32 s6, s11;
	[sflag:s21] =	ssyncadd.s32 $0xFFFFFF80  }
0x59: {  	[tilespmem:s26], [sflag:$0x5] =	stream.linear.gather [hbm4b:s11+s1], $0x80, $0x38;
	[tilespmem:$0x10200] =	vst v63  }
0x5a: {  	_ =	swait.ge [sflag:s21], $0x80  }
0x5b: {  	[sflag:s21] =	ssyncset.done $0x0  }
0x5c: {  	[sflag:s21] =	ssyncadd.s32 $0xFFFFFF80  }
0x5d: {  	_ =	swait.ge [sflag:s2], $0x4000  }
0x5e: {  	[sflag:s2] =	ssyncset.done $0x0  }
0x5f: {  	[sflag:s2] =	ssyncadd.s32 $0xFFFFC000  }
0x60: {  	_ =	swait.ge [sflag:s2], $0x4000  }
0x61: {  	s12 =	sadd.s32 $0x2000, s19;
	[sflag:s2] =	ssyncset.done $0x0  }
0x62: {  	s13 =	sadd.s32 $0x20000, s20;
	s11 =	simm.s32 $0x5;
	[sflag:s2] =	ssyncadd.s32 $0xFFFFC000  }
.LBB2_2:
0x63: {  	[tilespmem:s28], [sflag:$0x2] =	stream.indirect.gather [hbm4b:s3+s23], $0x80, s23, s23, $0xb8;
	[tilespmem:$0x10200] =	vst v63  }
0x64: {  	_ = 	snop  }
0x65: {  	[tilespmem:s29], [sflag:$0x2] =	stream.indirect.gather [hbm4b:s4+s23], $0x80, s26, s23, $0xb8;
	[tilespmem:$0x10200] =	vst v63  }
0x66: {  	_ =	swait.ge [sflag:s30], $0x4000  }
0x67: {  	[sflag:s30] =	ssyncset.done $0x0  }
0x68: {  	[sflag:s30] =	ssyncadd.s32 $0xFFFFC000  }
0x69: {  	_ =	swait.ge [sflag:s30], $0x4000  }
0x6a: {  	[sflag:s30] =	ssyncset.done $0x0  }
0x6b: {  	s15 =	sadd.s32 s13, s7;
	[sflag:s30] =	ssyncadd.s32 $0xFFFFC000  }
0x6c: {  	[hbm4b:s15+s1] =	stream.linear.scatter [tilespmem:s24], [sflag:$0x3], $0x4000, $0x38;
	[tilespmem:$0x10200] =	vst v63  }
0x6d: {  	s16 =	sadd.s32 s13, s8  }
0x6e: {  	[hbm4b:s16+s1] =	stream.linear.scatter [tilespmem:s25], [sflag:$0x3], $0x4000, $0x38;
	[tilespmem:$0x10200] =	vst v63  }
0x6f: {  	_ =	swait.ge [sflag:s31], $0x4000  }
0x70: {  	[sflag:s31] =	ssyncset.done $0x0  }
0x71: {  	[sflag:s31] =	ssyncadd.s32 $0xFFFFC000  }
0x72: {  	_ =	swait.ge [sflag:s31], $0x4000  }
0x73: {  	s15 =	sor.u32 $0x10000, s13;
	[sflag:s31] =	ssyncset.done $0x0  }
0x74: {  	s16 =	sadd.s32 s7, s15;
	[sflag:s31] =	ssyncadd.s32 $0xFFFFC000  }
0x75: {  	[hbm4b:s16+s1] =	stream.linear.scatter [tilespmem:s28], [sflag:$0x4], $0x4000, $0x38;
	[tilespmem:$0x10200] =	vst v63  }
0x76: {  	s15 =	sadd.s32 s8, s15;
	s16 =	sshrl.u32 s12, $0x3  }
0x77: {  	[hbm4b:s15+s1] =	stream.linear.scatter [tilespmem:s29], [sflag:$0x4], $0x4000, $0x38;
	[tilespmem:$0x10200] =	vst v63  }
0x78: {  	s15 =	sadd.s32 s5, s16  }
0x79: {  	[tilespmem:s1], [sflag:$0x5] =	stream.linear.gather [hbm4b:s15+s1], $0x80, $0x38;
	[tilespmem:$0x10200] =	vst v63  }
0x7a: {  	_ =	swait.ge [sflag:s21], $0x80  }
0x7b: {  	[sflag:s21] =	ssyncset.done $0x0  }
0x7c: {  	s16 =	sadd.s32 s6, s16;
	[sflag:s21] =	ssyncadd.s32 $0xFFFFFF80  }
0x7d: {  	[tilespmem:s22], [sflag:$0x5] =	stream.linear.gather [hbm4b:s16+s1], $0x80, $0x38;
	[tilespmem:$0x10200] =	vst v63  }
0x7e: {  	_ =	swait.ge [sflag:s21], $0x80  }
0x7f: {  	[sflag:s21] =	ssyncset.done $0x0  }
0x80: {  	[sflag:s21] =	ssyncadd.s32 $0xFFFFFF80  }
0x81: {  	_ =	swait.ge [sflag:s0], $0x4000  }
0x82: {  	s14 =	smov.u32 s11;
	[sflag:s0] =	ssyncset.done $0x0  }
0x83: {  	p1 =	slt.s32 s14, s9;
	s15 =	smov.u32 s9;
	[sflag:s0] =	ssyncadd.s32 $0xFFFFC000  }
0x84: {  	s15 =	smov.u32 @p1 s14;
	_ =	swait.ge [sflag:s0], $0x4000  }
0x85: {  	s15 =	sshll.u32 s15, $0xC;
	[sflag:s0] =	ssyncset.done $0x0;
	s16 =	rddreg [dreg:$0x2]  }
0x86: {  	[sflag:s0] =	ssyncadd.s32 $0xFFFFC000;
	s14 =	sor.u32 s16, s15  }
0x87: {  	[tilespmem:s24], [sflag:$0x1] =	stream.indirect.gather [hbm4b:s3+s23], $0x80, s1, s23, $0xb8;
	[tilespmem:$0x10200] =	vst v63  }
0x88: {  	s14 =	sshrl.u32 s14, $0x3  }
0x89: {  	[tilespmem:s25], [sflag:$0x1] =	stream.indirect.gather [hbm4b:s4+s23], $0x80, s22, s23, $0xb8;
	[tilespmem:$0x10200] =	vst v63  }
0x8a: {  	s16 =	sadd.s32 s5, s14  }
0x8b: {  	[tilespmem:s23], [sflag:$0x5] =	stream.linear.gather [hbm4b:s16+s1], $0x80, $0x38;
	[tilespmem:$0x10200] =	vst v63  }
0x8c: {  	_ =	swait.ge [sflag:s21], $0x80  }
0x8d: {  	[sflag:s21] =	ssyncset.done $0x0  }
0x8e: {  	s14 =	sadd.s32 s6, s14;
	[sflag:s21] =	ssyncadd.s32 $0xFFFFFF80  }
0x8f: {  	[tilespmem:s26], [sflag:$0x5] =	stream.linear.gather [hbm4b:s14+s1], $0x80, $0x38;
	[tilespmem:$0x10200] =	vst v63  }
0x90: {  	_ =	swait.ge [sflag:s21], $0x80  }
0x91: {  	[sflag:s21] =	ssyncset.done $0x0  }
0x92: {  	[sflag:s21] =	ssyncadd.s32 $0xFFFFFF80  }
0x93: {  	p0 =	sne.s32 s11, $0x27;
	_ =	swait.ge [sflag:s2], $0x4000  }
.Ltmp0:
0x94: {  	[sflag:s2] =	ssyncset.done $0x0;
	(pc) =	sbr.rel @p0 .LBB2_2-.Ltmp0, $4  }
0x95: {  	[sflag:s2] =	ssyncadd.s32 $0xFFFFC000  }
0x96: {  	_ =	swait.ge [sflag:s2], $0x4000  }
0x97: {  	s11 =	sadd.s32 $0x2, s11;
	[sflag:s2] =	ssyncset.done $0x0  }
0x98: {  	s13 =	sadd.s32 $0x20000, s13;
	s12 =	sadd.s32 $0x2000, s12;
	[sflag:s2] =	ssyncadd.s32 $0xFFFFC000  }
0x99: {  	[tilespmem:s28], [sflag:$0x2] =	stream.indirect.gather [hbm4b:s3+s23], $0x80, s23, s23, $0xb8;
	[tilespmem:$0x10200] =	vst v63  }
0x9a: {  	_ = 	snop  }
0x9b: {  	[tilespmem:s29], [sflag:$0x2] =	stream.indirect.gather [hbm4b:s4+s23], $0x80, s26, s23, $0xb8;
	[tilespmem:$0x10200] =	vst v63  }
0x9c: {  	_ =	swait.ge [sflag:s30], $0x4000  }
0x9d: {  	[sflag:s30] =	ssyncset.done $0x0  }
0x9e: {  	[sflag:s30] =	ssyncadd.s32 $0xFFFFC000  }
0x9f: {  	_ =	swait.ge [sflag:s30], $0x4000  }
0xa0: {  	[sflag:s30] =	ssyncset.done $0x0  }
0xa1: {  	s11 =	rddreg [dreg:$0x7];
	[sflag:s30] =	ssyncadd.s32 $0xFFFFC000  }
0xa2: {  	[hbm4b:s11+s1] =	stream.linear.scatter [tilespmem:s24], [sflag:$0x3], $0x4000, $0x38;
	[tilespmem:$0x10200] =	vst v63  }
0xa3: {  	s15 =	rddreg [dreg:$0x8]  }
0xa4: {  	[hbm4b:s15+s1] =	stream.linear.scatter [tilespmem:s25], [sflag:$0x3], $0x4000, $0x38;
	[tilespmem:$0x10200] =	vst v63  }
0xa5: {  	_ =	swait.ge [sflag:s31], $0x4000  }
0xa6: {  	[sflag:s31] =	ssyncset.done $0x0  }
0xa7: {  	[sflag:s31] =	ssyncadd.s32 $0xFFFFC000  }
0xa8: {  	_ =	swait.ge [sflag:s31], $0x4000  }
0xa9: {  	[sflag:s31] =	ssyncset.done $0x0  }
0xaa: {  	s16 =	rddreg [dreg:$0x9];
	[sflag:s31] =	ssyncadd.s32 $0xFFFFC000  }
0xab: {  	[hbm4b:s16+s1] =	stream.linear.scatter [tilespmem:s28], [sflag:$0x4], $0x4000, $0x38;
	[tilespmem:$0x10200] =	vst v63  }
0xac: {  	_ = 	snop  }
0xad: {  	[hbm4b:s17+s1] =	stream.linear.scatter [tilespmem:s29], [sflag:$0x4], $0x4000, $0x38;
	[tilespmem:$0x10200] =	vst v63  }
0xae: {  	_ =	swait.ge [sflag:s0], $0x4000  }
0xaf: {  	[sflag:s0] =	ssyncset.done $0x0  }
0xb0: {  	[sflag:s0] =	ssyncadd.s32 $0xFFFFC000  }
0xb1: {  	_ =	swait.ge [sflag:s0], $0x4000  }
0xb2: {  	[sflag:s0] =	ssyncset.done $0x0  }
0xb3: {  	s10 =	sadd.s32 $0x1, s10;
	[sflag:s0] =	ssyncadd.s32 $0xFFFFC000  }
0xb4: {  	p0 =	sne.s32 s10, s18;
	_ =	swait.ge [sflag:s2], $0x4000  }
.Ltmp1:
0xb5: {  	[sflag:s2] =	ssyncset.done $0x0;
	(pc) =	sbr.rel @p0 .LBB2_1-.Ltmp1, $4  }
0xb6: {  	[sflag:s2] =	ssyncadd.s32 $0xFFFFC000  }
0xb7: {  	_ =	swait.ge [sflag:s2], $0x4000  }
0xb8: {  	[sflag:s2] =	ssyncset.done $0x0  }
0xb9: {  	[sflag:s2] =	ssyncadd.s32 $0xFFFFC000  }
0xba: {  	_ =	sfence.sel $0x180000  }
0xbb: {  	[bflag:$0x0] =	sbarrier.arrive $0xFFFF  }
0xbc: {  	_ =	strace $0x90000047  }
0xbd: {  	s0 =	stileid.u32;
	[bflag:$0x2] =	sbarrier.arrive $0xFFFF  }
0xbe: {  	p0 =	sne.s32 s0, $0x0;
	s0 =	rddreg [dreg:$0x1]  }
0xbf: {  	s0 =	sadd.s32 @!p0 $0x100000, s0  }
0xc0: {  	[sflag:s0] =	ssyncadd.tile.s32 @!p0 $0x1;
	_ =	shalt  }
.Lfunc_end2:
_tile_overlayer_lowered:
.L_overlay_start_2:
0xc1: {  	(tag) =	ssettag $0x2  }
0xc2: {  	s0 =	rddreg [dreg:$0x0];
	s2 =	stileid.u32  }
0xc3: {  	s1 =	rddreg [dreg:$0x1];
	p0 =	sne.s32 s2, $0x0  }
0xc4: {  	s3 =	rddreg [dreg:$0x2];
	[bflag:$0x3] =	sbarrier.arrive $0xFFFF;
	s2 =	simm.s32 @!p0 $0x1C05  }
0xc5: {  	[timem:s3], [sflag:s2] =	dma.local @!p0 [hbm:s0], s1  }
0xc6: {  	s0 =	simm.s32 @!p0 $0x5  }
0xc7: {  	_ =	swait.ge @!p0 [sflag:s0], s1  }
0xc8: {  	s1 =	ssub.s32 @!p0 $0x0, s1;
	[sflag:s0] =	ssyncset.done @!p0 $0x0  }
0xc9: {  	[sflag:s0] =	ssyncadd.s32 @!p0 s1  }
0xca: {  	[bflag:$0x3] =	sbarrier.arrive $0xFFFF  }
0xcb: {  	_ =	shalt  }

// kernel: kernel.24.cloned.1.call-start
scs
__scs_entry_jumppad:
0x0: {  	(pc) =	sbr.rel $0x88, $3  }
0x1: {  	(tag) =	ssettag $0x0;
	lr =	simm.s32 $0x1  }
0x2: {  	[smem:$0x3F82] =	sst lr;
	_ =	strace $0xD0000000  }
0x3: {  	_ = 	snop  }
0x4: {  	_ = 	snop  }
0x5: {  	_ = 	snop  }
0x6: {  	_ = 	snop  }
0x7: {  	_ = 	snop  }
__scs_overlays_trampoline_lowered:
0x8: {  	[smem:$0x3F91] =	sst s0  }
0x9: {  	[smem:$0x3F92] =	sst s1  }
0xa: {  	[smem:$0x3F93] =	sst s2  }
0xb: {  	[smem:$0x3F94] =	sst s3  }
0xc: {  	[smem:$0x3F95] =	sst s4  }
0xd: {  	[smem:$0x3F96] =	sst s5  }
0xe: {  	[smem:$0x3F97] =	sst s6  }
0xf: {  	[smem:$0x3F98] =	sst s7  }
0x10: {  	[smem:$0x3F99] =	sst s8  }
0x11: {  	[smem:$0x3F9A] =	sst s9;
	s0 =	simm.s32 @!p0 $0x0  }
0x12: {  	s1 =	sld [smem:$0x3F80];
	s0 =	simm.s32 @p0 $0x1  }
0x13: {  	[smem:$0x3F9B] =	sst s0;
	s0 =	simm.s32 @!p1 $0x0  }
0x14: {  	s2 =	sld [smem:$0x3F7F];
	s0 =	simm.s32 @p1 $0x1  }
0x15: {  	[smem:$0x3F9C] =	sst s0;
	s0 =	simm.s32 @!p2 $0x0  }
0x16: {  	s3 =	sld [smem:$0x3FDB];
	s0 =	simm.s32 @p2 $0x1  }
0x17: {  	s4 =	simm.s32 $0x1BF5;
	[smem:$0x3F9E] =	sst s0  }
0x18: {  	s0 =	sld [smem:$0x3F81];
	_ =	swait.ge [sflag:s4], $0x0  }
0x19: {  	s7 =	sld [smem:$0x3F82]  }
0x1a: {  	s8 =	sadd.s32 $0xFFFFE003, lr  }
0x1b: {  	s9 =	sadd.s32 $0xFFFFFEF7, lr;
	s5 =	simm.s32 $0xFFFFFFFF;
	p2 =	slt.u32 s8, $0xFFFFF086  }
0x1c: {  	p1 =	slt.u32 s9, $0xF7A;
	s5 =	simm.s32 @!p2 $0x0  }
0x1d: {  	s5 =	simm.s32 @p1 $0x1;
	p0 =	seq.s32 s7, s2  }
0x1e: {  	s7 =	smul.u32 @!p0 $0xF7A, s2;
	p2 =	seq.s32 @!p0 s5, $0x0  }
0x1f: {  	s9 =	smul.u32 $0xF7A, s1;
	s8 =	simm.s32 @!p0 $0x1BF5;
	p2 =	por !p2, p0  }
0x20: {  	[sflag:s8] =	ssyncset.s32 @!p0 $0xFFFFF086;
	s6 =	sadd.s32 @!p0 s3, s7;
	s7 =	simm.s32 @!p0 $0x108  }
0x21: {  	s3 =	sadd.s32 s3, s9;
	s6 =	sadd.s32 @!p0 $0x88, s6;
	s7 =	simm.s32 @p2 $0x1082  }
0x22: {  	[simem:s7], [sflag:s8] =	dma.local @!p0 [hbm:s6], $0xF7A  }
0x23: {  	s9 =	sor.u32 $0xD0000000, s2;
	s6 =	simm.s32 $0x108;
	_ =	swait.ge @!p0 [sflag:s8], $0x0  }
0x24: {  	s3 =	sadd.s32 $0x88, s3;
	s6 =	simm.s32 @!p1 $0x1082;
	[sflag:s4] =	ssyncset.s32 $0xFFFFF086  }
0x25: {  	[simem:s6], [sflag:s4] =	dma.local [hbm:s3], $0xF7A  }
0x26: {  	[smem:$0x3F82] =	sst s1;
	(tag) =	ssettag s2;
	_ =	strace s9  }
0x27: {  	s1 =	sld [smem:$0x3F92]  }
0x28: {  	s2 =	sld [smem:$0x3F93]  }
0x29: {  	s4 =	sld [smem:$0x3F95]  }
0x2a: {  	p0 =	seq.s32 s5, $0x0;
	s5 =	sld [smem:$0x3F96]  }
0x2b: {  	s6 =	sld [smem:$0x3F97]  }
0x2c: {  	s7 =	sld [smem:$0x3F98]  }
0x2d: {  	s3 =	simm.s32 $0x108;
	s8 =	sld [smem:$0x3F99]  }
0x2e: {  	s3 =	simm.s32 @!p0 $0x1082;
	s9 =	sld [smem:$0x3F9A]  }
0x2f: {  	lr =	sadd.s32 s0, s3;
	s0 =	sld [smem:$0x3F91]  }
0x30: {  	s3 =	sld [smem:$0x3F94]  }
0x31: {  	[smem:$0x3F9D] =	sst s10  }
0x32: {  	s10 =	sld [smem:$0x3F9B];
	_ =	sdelay $0x3  }
0x33: {  	p0 =	seq.s32 s10, $0x1;
	s10 =	sld [smem:$0x3F9D];
	_ =	sdelay $0x3  }
0x34: {  	[smem:$0x3F9D] =	sst s10  }
0x35: {  	s10 =	sld [smem:$0x3F9C];
	_ =	sdelay $0x3  }
0x36: {  	p1 =	seq.s32 s10, $0x1;
	s10 =	sld [smem:$0x3F9D];
	_ =	sdelay $0x3  }
0x37: {  	[smem:$0x3F9D] =	sst s10  }
0x38: {  	s10 =	sld [smem:$0x3F9E]  }
0x39: {  	_ = 	snop;
	(pc) =	sbr.ind lr, $3  }
0x3a: {  	_ = 	snop  }
0x3b: {  	_ = 	snop  }
0x3c: {  	p2 =	seq.s32 s10, $0x1;
	s10 =	sld [smem:$0x3F9D]  }
0x3d: {  	_ =	shalt  }
0x3e: {  	_ =	shalt  }
0x3f: {  	_ =	shalt  }
0x40: {  	_ =	shalt  }
0x41: {  	_ =	shalt  }
0x42: {  	_ =	shalt  }
0x43: {  	_ =	shalt  }
0x44: {  	_ =	shalt  }
0x45: {  	_ =	shalt  }
0x46: {  	_ =	shalt  }
0x47: {  	_ =	shalt  }
0x48: {  	_ =	shalt  }
0x49: {  	_ =	shalt  }
0x4a: {  	_ =	shalt  }
0x4b: {  	_ =	shalt  }
0x4c: {  	_ =	shalt  }
0x4d: {  	_ =	shalt  }
0x4e: {  	_ =	shalt  }
0x4f: {  	_ =	shalt  }
0x50: {  	_ =	shalt  }
0x51: {  	_ =	shalt  }
0x52: {  	_ =	shalt  }
0x53: {  	_ =	shalt  }
0x54: {  	_ =	shalt  }
0x55: {  	_ =	shalt  }
0x56: {  	_ =	shalt  }
0x57: {  	_ =	shalt  }
0x58: {  	_ =	shalt  }
0x59: {  	_ =	shalt  }
0x5a: {  	_ =	shalt  }
0x5b: {  	_ =	shalt  }
0x5c: {  	_ =	shalt  }
0x5d: {  	_ =	shalt  }
0x5e: {  	_ =	shalt  }
0x5f: {  	_ =	shalt  }
0x60: {  	_ =	shalt  }
0x61: {  	_ =	shalt  }
0x62: {  	_ =	shalt  }
0x63: {  	_ =	shalt  }
0x64: {  	_ =	shalt  }
0x65: {  	_ =	shalt  }
0x66: {  	_ =	shalt  }
0x67: {  	_ =	shalt  }
0x68: {  	_ =	shalt  }
0x69: {  	_ =	shalt  }
0x6a: {  	_ =	shalt  }
0x6b: {  	_ =	shalt  }
0x6c: {  	_ =	shalt  }
0x6d: {  	_ =	shalt  }
0x6e: {  	_ =	shalt  }
0x6f: {  	_ =	shalt  }
0x70: {  	_ =	shalt  }
0x71: {  	_ =	shalt  }
0x72: {  	_ =	shalt  }
0x73: {  	_ =	shalt  }
0x74: {  	_ =	shalt  }
0x75: {  	_ =	shalt  }
0x76: {  	_ =	shalt  }
0x77: {  	_ =	shalt  }
0x78: {  	_ =	shalt  }
0x79: {  	_ =	shalt  }
0x7a: {  	_ =	shalt  }
0x7b: {  	_ =	shalt  }
0x7c: {  	_ =	shalt  }
0x7d: {  	_ =	shalt  }
0x7e: {  	_ =	shalt  }
0x7f: {  	_ =	shalt  }
0x80: {  	_ =	shalt  }
0x81: {  	_ =	shalt  }
0x82: {  	_ =	shalt  }
0x83: {  	_ =	shalt  }
0x84: {  	_ =	shalt  }
0x85: {  	_ =	shalt  }
0x86: {  	_ =	shalt  }
0x87: {  	_ =	shalt  }
.Lfunc_end0:
.L_simem_size_0:
called_computation.1_lowered:
.L_overlay_start_0:
0x88: {  	s2 =	sld [smem:$0x3FD9]  }
0x89: {  	s3 =	sld [smem:$0x3FFE];
	_ =	sdelay $0x1  }
0x8a: {  	s1 =	srdreg.scid  }
0x8b: {  	s0 =	sand.u32 $0x1, s1  }
0x8c: {  	s17 =	sshll.u32 s0, $0xA;
	s2 =	sadd.s32 s3, s2  }
0x8d: {  	s2 =	sadd.s32 s2, s17  }
0x8e: {  	[smem:$0x3FA9] =	sst s2  }
0x8f: {  	_ = 	snop  }
0x90: {  	(tm) =	ssettm $0x1  }
0x91: {  	s18 =	sld [smem:$0x3FFB];
	_ =	sdelay $0x3  }
0x92: {  	_ =	strace s18  }
0x93: {  	s2 =	sld [smem:$0x3FFC];
	_ =	sdelay $0x3  }
0x94: {  	_ =	strace s2  }
0x95: {  	s2 =	sld [smem:$0x3FFD];
	_ =	sdelay $0x3  }
0x96: {  	_ =	strace s2  }
0x97: {  	_ =	strace $0x8FFFFFFF  }
0x98: {  	s19 =	sld [smem:$0x3FDB];
	_ =	sdelay $0x1  }
0x99: {  	s20 =	simm.s32 $_scs_section_size  }
0x9a: {  	s4 =	simm.s32 $_size__tile_overlayer_lowered;
	s5 =	simm.s32 $_tile_overlayer_lowered  }
0x9b: {  	s6 =	simm.s32 $0x1BFF;
	s21 =	sshll.u32 s5, $0x1;
	s3 =	sadd.s32 s20, s19  }
0x9c: {  	s22 =	simm.s32 $0x0;
	s4 =	sshll.u32 s4, $0x1;
	s5 =	sadd.s32 s21, s3  }
0x9d: {  	[timem:s22], [sflag:s6] =	dma.local [hbm:s5], s4  }
0x9e: {  	_ =	swait.ge [sflag:s6], s4  }
0x9f: {  	s4 =	ssub.s32 $0x0, s4;
	[sflag:s6] =	ssyncset.done $0x0  }
0xa0: {  	[sflag:s6] =	ssyncadd.s32 s4;
	_ =	sdelay $0x1  }
0xa1: {  	s23 =	simm.s32 $0x1B8B  }
0xa2: {  	_ =	swait.ge [sflag:s23], $0x1  }
0xa3: {  	[sflag:s23] =	ssyncset.done $0x0  }
0xa4: {  	[sflag:s23] =	ssyncadd.s32 $0xFFFFFFFF  }
0xa5: {  	s4 =	sld [smem:$0x0]  }
0xa6: {  	s5 =	sand.u32 $0xFFFFFFFE, s1  }
0xa7: {  	p0 =	sne.s32 s1, s5  }
0xa8: {  	s5 =	sshll.u32 @p0 s5, $0xE  }
0xa9: {  	s5 =	sadd.s32 @p0 $0x11B8D, s5;
	s6 =	sshll.u32 @p0 s4, $0x11  }
0xaa: {  	s5 =	sor.u32 @p0 s6, s5  }
0xab: {  	[sflag:s5] =	ssyncadd.remote.s32 @p0 $0x1;
	_ =	sdelay $0x1  }
0xac: {  	s5 =	simm.s32 @p0 $0x1B8D  }
0xad: {  	_ =	swait.eq @p0 [sflag:s5], $0x1  }
0xae: {  	[sflag:s5] =	ssyncadd.s32 @p0 $0xFFFFFFFF  }
0xaf: {  	s6 =	sshll.u32 @!p0 s1, $0xE  }
0xb0: {  	s6 =	sor.u32 @!p0 $0x4000, s6;
	s5 =	simm.s32 @!p0 $0x1B8D  }
0xb1: {  	s4 =	sshll.u32 @!p0 s4, $0x11;
	s6 =	sadd.s32 @!p0 $0x11B8D, s6;
	_ =	swait.eq @!p0 [sflag:s5], $0x1  }
0xb2: {  	s4 =	sor.u32 @!p0 s4, s6;
	[sflag:s5] =	ssyncadd.s32 @!p0 $0xFFFFFFFF  }
0xb3: {  	s25 =	simm.s32 $0x1B8E;
	s24 =	sld [smem:$0x3FFE];
	[sflag:s4] =	ssyncadd.remote.s32 @!p0 $0x1  }
0xb4: {  	s26 =	simm.s32 $execute0_lowered;
	[smem:$0x3FD2] =	sst s25  }
0xb5: {  	s5 =	sshll.u32 s26, $0x1;
	_ =	strace $0x8000004C;
	[dreg:$0x1] =	wrdreg $0xFFFFFFFF  }
0xb6: {  	s28 =	simm.s32 $_size_execute0_lowered;
	s3 =	sadd.s32 s3, s5;
	[dreg:$0x0] =	wrdreg $0x0  }
0xb7: {  	s5 =	sshll.u32 s28, $0x1;
	[dreg:$0x2] =	wrdreg s3  }
0xb8: {  	[dreg:$0x3] =	wrdreg s5  }
0xb9: {  	[dreg:$0x4] =	wrdreg $0xC0  }
0xba: {  	_ =	task [dreg:s22], $0x5FFFF  }
0xbb: {  	[dreg:$0x1] =	wrdreg $0xFFFFFFFF  }
0xbc: {  	[dreg:$0x0] =	wrdreg $0x60  }
0xbd: {  	[dreg:$0x2] =	wrdreg s24  }
0xbe: {  	[dreg:$0x3] =	wrdreg $0x116800  }
0xbf: {  	[dreg:$0x4] =	wrdreg $0x9  }
0xc0: {  	_ =	task.clear_ibuf [dreg:s22], $0x5FFFF;
	_ =	strace $0x9000004C  }
0xc1: {  	s29 =	simm.s32 $0x9;
	_ =	strace $0x8000004E  }
0xc2: {  	_ =	swait.ge [sflag:s29], $0x1  }
0xc3: {  	[sflag:s29] =	ssyncadd.s32 $0xFFFFFFFF  }
0xc4: {  	_ =	strace $0x9000004E  }
0xc5: {  	_ =	sfence  }
0xc6: {  	s30 =	sld [smem:$0x0];
	_ =	sdelay $0x2  }
0xc7: {  	s31 =	sshll.u32 s1, $0xD;
	s1 =	sshrl.u32 s1, $0x2  }
0xc8: {  	s4 =	sand.u32 $0x4000, s31;
	s1 =	sadd.s32 s1, s30  }
0xc9: {  	s0 =	sor.u32 s4, s0;
	s1 =	sshll.u32 s1, $0x11  }
0xca: {  	s0 =	sor.u32 s1, s0  }
0xcb: {  	s0 =	sadd.s32 $0x8F2B, s0  }
0xcc: {  	[sflag:s0] =	ssyncadd.remote.s32 $0x1  }
0xcd: {  	_ =	sfence.sel $0xFFFF  }
0xce: {  	[dreg:$0x0] =	wrdreg $0xFFFFFFFF;
	(pc) =	sbr.abs _section_cstart, $3  }
0xcf: {  	[dreg:$0x1] =	wrdreg $0xFFFFFFFF  }
0xd0: {  	_ =	task.clear_ibuf [dreg:s22], $0x2FFFF;
	_ =	strace $0x9FFFFFFF  }
0xd1: {  	(tm) =	ssettm $0x7FFFFFFF  }
tec
execute0_lowered:
.L_overlay_start_1:
0x0: {  	(tag) =	ssettag $0x1  }
0x1: {  	s5 =	rddreg [dreg:$0x0]  }
0x2: {  	s2 =	rddreg [dreg:$0x1]  }
0x3: {  	s0 =	rddreg [dreg:$0x2]  }
0x4: {  	s1 =	stileid.u32;
	s4 =	srdreg.scid  }
0x5: {  	s3 =	simm.s32 $0x0;
	s17 =	simm.s32 $0x3;
	s18 =	simm.s32 $0x100  }
0x6: {  	s19 =	simm.s32 $0x80;
	s20 =	simm.s32 $0x2900;
	s21 =	simm.s32 $0x1  }
0x7: {  	s22 =	simm.s32 $0x2;
	s23 =	simm.s32 $0x0;
	s6 =	smul.u32 $0xC580, s1  }
0x8: {  	s7 =	sand.u32 $0x1, s4;
	[smem:$0x7FF] =	sst s3;
	s4 =	sadd.s32 $0x86200, s5  }
0x9: {  	s10 =	sadd.s32 $0xA7B400, s5;
	s26 =	smul.u32 $0x2800, s1;
	s13 =	sshll.u32 s1, $0x7  }
0xa: {  	s29 =	sshll.u32 s1, $0x4;
	s8 =	smul.u32 $0xC5800, s7;
	_ =	strace $0x8000004D  }
0xb: {  	s24 =	ssub.s32 $0x2, s7;
	s12 =	smul.u32 $0xC80000, s7;
	s28 =	sor.u32 $0x800, s13  }
0xc: {  	s7 =	sadd.s32 s10, s29;
	s9 =	sshrl.u32 s6, $0x3;
	s25 =	sshrl.u32 s24, $0x1  }
0xd: {  	s13 =	smul.u32 $0x50, s28;
	s8 =	sadd.s32 s6, s8;
	s9 =	sadd.s32 s9, s5  }
0xe: {  	s14 =	ssub.s32 s24, s25;
	s15 =	sor.u32 s26, s12;
	s6 =	sadd.s32 s6, s2  }
0xf: {  	s8 =	sshrl.u32 s8, $0x3;
	s12 =	sor.u32 s12, s13;
	s31 =	sadd.s32 $0x78000, s15  }
0x10: {  	s13 =	sadd.s32 $0x300, s7;
	s11 =	sadd.s32 s8, s5;
	s5 =	sadd.s32 $0x6C00, s9  }
0x11: {  	s8 =	sshrl.u32 s15, $0x3;
	s9 =	sshrl.u32 s28, $0x3;
	s30 =	sshrl.u32 s12, $0x3  }
0x12: {  	s16 =	sshrl.u32 s31, $0x3;
	s12 =	smax.u32 s14, $0x1;
	s15 =	sadd.s32 $0x50000, s15  }
0x13: {  	s8 =	sadd.s32 s4, s8;
	s9 =	sadd.s32 s10, s9;
	s10 =	sadd.s32 s4, s30  }
0x14: {  	s11 =	sadd.s32 $0x1F800, s11;
	s14 =	sadd.s32 s16, s4;
	s16 =	simm.s32 $0x5100  }
.LBB2_1:
0x15: {  	[tilespmem:s16], [sflag:$0x3] =	stream.linear.gather [hbm4b:s5+s3], $0xC580, $0x38;
	[tilespmem:$0x1DC00] =	vst v63  }
0x16: {  	_ =	swait.ge [sflag:s17], $0xC580  }
0x17: {  	[sflag:s17] =	ssyncset.done $0x0  }
0x18: {  	[sflag:s17] =	ssyncadd.s32 $0xFFFF3A80  }
0x19: {  	[spmem:s6] =	stream.linear.scatter [tilespmem:s16], [sflag:$0x3], $0xC580, $0x38;
	[tilespmem:$0x1DC00] =	vst v63  }
0x1a: {  	_ =	swait.ge [sflag:s17], $0xC580  }
0x1b: {  	[sflag:s17] =	ssyncset.done $0x0  }
0x1c: {  	[sflag:s17] =	ssyncadd.s32 $0xFFFF3A80  }
0x1d: {  	[bflag:$0x0] =	sbarrier.arrive $0xFFFF  }
0x1e: {  	[tilespmem:s3], [sflag:$0x1] =	stream.linear.gather [hbm4b:s7+s3], $0x80, $0x38;
	[tilespmem:$0x1DC00] =	vst v63  }
0x1f: {  	_ = 	snop  }
0x20: {  	[tilespmem:s18], [sflag:$0x1] =	stream.linear.gather [hbm4b:s8+s3], $0x2800, $0x38;
	[tilespmem:$0x1DC00] =	vst v63  }
0x21: {  	_ = 	snop  }
0x22: {  	[tilespmem:s19], [sflag:$0x2] =	stream.linear.gather [hbm4b:s9+s3], $0x80, $0x38;
	[tilespmem:$0x1DC00] =	vst v63  }
0x23: {  	_ = 	snop  }
0x24: {  	[tilespmem:s20], [sflag:$0x2] =	stream.linear.gather [hbm4b:s10+s3], $0x2800, $0x38;
	[tilespmem:$0x1DC00] =	vst v63  }
0x25: {  	_ =	swait.ge [sflag:s21], $0x80  }
0x26: {  	[sflag:s21] =	ssyncset.done $0x0  }
0x27: {  	[sflag:s21] =	ssyncadd.s32 $0xFFFFFF80  }
0x28: {  	_ =	swait.ge [sflag:s21], $0x2800  }
0x29: {  	[sflag:s21] =	ssyncset.done $0x0  }
0x2a: {  	[sflag:s21] =	ssyncadd.s32 $0xFFFFD800  }
0x2b: {  	[spmem:s2] =	stream.indirect.scatter.add.f32 [tilespmem:s18], [sflag:$0x3], $0x50, s3, s19, $0xb8;
	[tilespmem:$0x1DC00] =	vst v63  }
0x2c: {  	_ =	swait.ge [sflag:s17], $0x2800  }
0x2d: {  	[sflag:s17] =	ssyncset.done $0x0  }
0x2e: {  	s24 =	sadd.s32 $0xFFFFFF00, s13;
	s25 =	sshrl.u32 s15, $0x3;
	[sflag:s17] =	ssyncadd.s32 $0xFFFFD800  }
0x2f: {  	[tilespmem:s3], [sflag:$0x1] =	stream.linear.gather [hbm4b:s24+s3], $0x80, $0x38;
	[tilespmem:$0x1DC00] =	vst v63  }
0x30: {  	s31 =	sadd.s32 s4, s25  }
0x31: {  	[tilespmem:s18], [sflag:$0x1] =	stream.linear.gather [hbm4b:s31+s3], $0x2800, $0x38;
	[tilespmem:$0x1DC00] =	vst v63  }
0x32: {  	_ =	swait.ge [sflag:s22], $0x80  }
0x33: {  	[sflag:s22] =	ssyncset.done $0x0  }
0x34: {  	[sflag:s22] =	ssyncadd.s32 $0xFFFFFF80  }
0x35: {  	_ =	swait.ge [sflag:s22], $0x2800  }
0x36: {  	[sflag:s22] =	ssyncset.done $0x0  }
0x37: {  	[sflag:s22] =	ssyncadd.s32 $0xFFFFD800  }
0x38: {  	[spmem:s2] =	stream.indirect.scatter.add.f32 [tilespmem:s20], [sflag:$0x3], $0x50, s19, s19, $0xb8;
	[tilespmem:$0x1DC00] =	vst v63  }
0x39: {  	_ =	swait.ge [sflag:s17], $0x2800  }
0x3a: {  	s28 =	sadd.s32 $0x0, s14;
	s26 =	sadd.s32 $0x50000, s15;
	[sflag:s17] =	ssyncset.done $0x0  }
0x3b: {  	s25 =	sadd.s32 $0x200, s13;
	s24 =	simm.s32 $0xA000;
	[sflag:s17] =	ssyncadd.s32 $0xFFFFD800  }
0x3c: {  	[tilespmem:s19], [sflag:$0x2] =	stream.linear.gather [hbm4b:s13+s3], $0x80, $0x38;
	[tilespmem:$0x1DC00] =	vst v63  }
.LBB2_2:
0x3d: {  	[tilespmem:s20], [sflag:$0x2] =	stream.linear.gather [hbm4b:s28+s3], $0x2800, $0x38;
	[tilespmem:$0x1DC00] =	vst v63  }
0x3e: {  	s28 =	smov.u32 s24  }
0x3f: {  	p0 =	sne.s32 s24, $0x17C000;
	s24 =	sadd.s32 $0xA000, s24;
	_ =	swait.ge [sflag:s21], $0x80  }
0x40: {  	[sflag:s21] =	ssyncset.done $0x0  }
0x41: {  	[sflag:s21] =	ssyncadd.s32 $0xFFFFFF80  }
0x42: {  	_ =	swait.ge [sflag:s21], $0x2800  }
0x43: {  	[sflag:s21] =	ssyncset.done $0x0  }
0x44: {  	[sflag:s21] =	ssyncadd.s32 $0xFFFFD800  }
0x45: {  	[spmem:s2] =	stream.indirect.scatter.add.f32 [tilespmem:s18], [sflag:$0x3], $0x50, s3, s19, $0xb8;
	[tilespmem:$0x1DC00] =	vst v63  }
0x46: {  	_ =	swait.ge [sflag:s17], $0x2800  }
0x47: {  	[sflag:s17] =	ssyncset.done $0x0  }
0x48: {  	s29 =	sadd.s32 $0xFFFFFF00, s25;
	s30 =	sshrl.u32 s26, $0x3;
	[sflag:s17] =	ssyncadd.s32 $0xFFFFD800  }
0x49: {  	[tilespmem:s3], [sflag:$0x1] =	stream.linear.gather [hbm4b:s29+s3], $0x80, $0x38;
	[tilespmem:$0x1DC00] =	vst v63  }
0x4a: {  	s29 =	sadd.s32 s4, s30  }
0x4b: {  	[tilespmem:s18], [sflag:$0x1] =	stream.linear.gather [hbm4b:s29+s3], $0x2800, $0x38;
	[tilespmem:$0x1DC00] =	vst v63  }
0x4c: {  	_ =	swait.ge [sflag:s22], $0x80  }
0x4d: {  	[sflag:s22] =	ssyncset.done $0x0  }
0x4e: {  	[sflag:s22] =	ssyncadd.s32 $0xFFFFFF80  }
0x4f: {  	_ =	swait.ge [sflag:s22], $0x2800  }
0x50: {  	[sflag:s22] =	ssyncset.done $0x0  }
0x51: {  	[sflag:s22] =	ssyncadd.s32 $0xFFFFD800  }
0x52: {  	[spmem:s2] =	stream.indirect.scatter.add.f32 [tilespmem:s20], [sflag:$0x3], $0x50, s19, s19, $0xb8;
	[tilespmem:$0x1DC00] =	vst v63  }
.Ltmp0:
0x53: {  	_ =	swait.ge [sflag:s17], $0x2800;
	(pc) =	sbr.rel @p0 .LBB2_2-.Ltmp0, $4  }
0x54: {  	[sflag:s17] =	ssyncset.done $0x0  }
0x55: {  	[sflag:s17] =	ssyncadd.s32 $0xFFFFD800  }
0x56: {  	[tilespmem:s19], [sflag:$0x2] =	stream.linear.gather [hbm4b:s25+s3], $0x80, $0x38;
	[tilespmem:$0x1DC00] =	vst v63  }
0x57: {  	s26 =	sadd.s32 $0x50000, s26;
	s28 =	sadd.s32 s28, s14;
	s25 =	sadd.s32 $0x200, s25  }
0x58: {  	[tilespmem:s20], [sflag:$0x2] =	stream.linear.gather [hbm4b:s28+s3], $0x2800, $0x38;
	[tilespmem:$0x1DC00] =	vst v63  }
0x59: {  	_ =	swait.ge [sflag:s21], $0x80  }
0x5a: {  	[sflag:s21] =	ssyncset.done $0x0  }
0x5b: {  	[sflag:s21] =	ssyncadd.s32 $0xFFFFFF80  }
0x5c: {  	_ =	swait.ge [sflag:s21], $0x2800  }
0x5d: {  	[sflag:s21] =	ssyncset.done $0x0  }
0x5e: {  	[sflag:s21] =	ssyncadd.s32 $0xFFFFD800  }
0x5f: {  	[spmem:s2] =	stream.indirect.scatter.add.f32 [tilespmem:s18], [sflag:$0x3], $0x50, s3, s19, $0xb8;
	[tilespmem:$0x1DC00] =	vst v63  }
0x60: {  	_ =	swait.ge [sflag:s17], $0x2800  }
0x61: {  	[sflag:s17] =	ssyncset.done $0x0  }
0x62: {  	[sflag:s17] =	ssyncadd.s32 $0xFFFFD800  }
0x63: {  	_ =	swait.ge [sflag:s22], $0x80  }
0x64: {  	[sflag:s22] =	ssyncset.done $0x0  }
0x65: {  	[sflag:s22] =	ssyncadd.s32 $0xFFFFFF80  }
0x66: {  	_ =	swait.ge [sflag:s22], $0x2800  }
0x67: {  	[sflag:s22] =	ssyncset.done $0x0  }
0x68: {  	[sflag:s22] =	ssyncadd.s32 $0xFFFFD800  }
0x69: {  	[spmem:s2] =	stream.indirect.scatter.add.f32 [tilespmem:s20], [sflag:$0x3], $0x50, s19, s19, $0xb8;
	[tilespmem:$0x1DC00] =	vst v63  }
0x6a: {  	_ =	swait.ge [sflag:s17], $0x2800  }
0x6b: {  	[sflag:s17] =	ssyncset.done $0x0  }
0x6c: {  	[sflag:s17] =	ssyncadd.s32 $0xFFFFD800  }
0x6d: {  	[bflag:$0x0] =	sbarrier.arrive $0xFFFF  }
0x6e: {  	[tilespmem:s16], [sflag:$0x3] =	stream.linear.gather [spmem:s6], $0xC580, $0x38;
	[tilespmem:$0x1DC00] =	vst v63  }
0x6f: {  	s23 =	sadd.s32 $0x1, s23;
	_ =	swait.ge [sflag:s17], $0xC580  }
0x70: {  	p0 =	sne.s32 s23, s12;
	[sflag:s17] =	ssyncset.done $0x0  }
.Ltmp1:
0x71: {  	[sflag:s17] =	ssyncadd.s32 $0xFFFF3A80;
	(pc) =	sbr.rel @p0 .LBB2_1-.Ltmp1, $4  }
0x72: {  	[hbm4b:s11+s3] =	stream.linear.scatter [tilespmem:s16], [sflag:$0x3], $0xC580, $0x38;
	[tilespmem:$0x1DC00] =	vst v63  }
0x73: {  	_ =	swait.ge [sflag:s17], $0xC580  }
0x74: {  	[sflag:s17] =	ssyncset.done $0x0  }
0x75: {  	[sflag:s17] =	ssyncadd.s32 $0xFFFF3A80  }
0x76: {  	_ =	sfence.sel $0x180000  }
0x77: {  	[bflag:$0x0] =	sbarrier.arrive $0xFFFF  }
0x78: {  	p0 =	sne.s32 s1, $0x0;
	_ =	strace $0x9000004D  }
0x79: {  	s0 =	sadd.s32 @!p0 $0x100000, s0;
	[bflag:$0x2] =	sbarrier.arrive $0xFFFF  }
0x7a: {  	[sflag:s0] =	ssyncadd.tile.s32 @!p0 $0x1;
	_ =	shalt  }
.Lfunc_end2:
_tile_overlayer_lowered:
.L_overlay_start_2:
0x7b: {  	(tag) =	ssettag $0x2  }
0x7c: {  	s0 =	rddreg [dreg:$0x0];
	s2 =	stileid.u32  }
0x7d: {  	s1 =	rddreg [dreg:$0x1];
	p0 =	sne.s32 s2, $0x0  }
0x7e: {  	s3 =	rddreg [dreg:$0x2];
	[bflag:$0x3] =	sbarrier.arrive $0xFFFF;
	s2 =	simm.s32 @!p0 $0x1C03  }
0x7f: {  	[timem:s3], [sflag:s2] =	dma.local @!p0 [hbm:s0], s1  }
0x80: {  	s0 =	simm.s32 @!p0 $0x3  }
0x81: {  	_ =	swait.ge @!p0 [sflag:s0], s1  }
0x82: {  	s1 =	ssub.s32 @!p0 $0x0, s1;
	[sflag:s0] =	ssyncset.done @!p0 $0x0  }
0x83: {  	[sflag:s0] =	ssyncadd.s32 @!p0 s1  }
0x84: {  	[bflag:$0x3] =	sbarrier.arrive $0xFFFF  }
0x85: {  	_ =	shalt  }

// kernel: kernel.27.cloned.1.call-start
scs
__scs_entry_jumppad:
0x0: {  	(pc) =	sbr.rel $0x88, $3  }
0x1: {  	(tag) =	ssettag $0x0;
	lr =	simm.s32 $0x1  }
0x2: {  	[smem:$0x3F82] =	sst lr;
	_ =	strace $0xD0000000  }
0x3: {  	_ = 	snop  }
0x4: {  	_ = 	snop  }
0x5: {  	_ = 	snop  }
0x6: {  	_ = 	snop  }
0x7: {  	_ = 	snop  }
__scs_overlays_trampoline_lowered:
0x8: {  	[smem:$0x3F91] =	sst s0  }
0x9: {  	[smem:$0x3F92] =	sst s1  }
0xa: {  	[smem:$0x3F93] =	sst s2  }
0xb: {  	[smem:$0x3F94] =	sst s3  }
0xc: {  	[smem:$0x3F95] =	sst s4  }
0xd: {  	[smem:$0x3F96] =	sst s5  }
0xe: {  	[smem:$0x3F97] =	sst s6  }
0xf: {  	[smem:$0x3F98] =	sst s7  }
0x10: {  	[smem:$0x3F99] =	sst s8  }
0x11: {  	[smem:$0x3F9A] =	sst s9;
	s0 =	simm.s32 @!p0 $0x0  }
0x12: {  	s1 =	sld [smem:$0x3F80];
	s0 =	simm.s32 @p0 $0x1  }
0x13: {  	[smem:$0x3F9B] =	sst s0;
	s0 =	simm.s32 @!p1 $0x0  }
0x14: {  	s2 =	sld [smem:$0x3F7F];
	s0 =	simm.s32 @p1 $0x1  }
0x15: {  	[smem:$0x3F9C] =	sst s0;
	s0 =	simm.s32 @!p2 $0x0  }
0x16: {  	s3 =	sld [smem:$0x3FDB];
	s0 =	simm.s32 @p2 $0x1  }
0x17: {  	s4 =	simm.s32 $0x1BF5;
	[smem:$0x3F9E] =	sst s0  }
0x18: {  	s0 =	sld [smem:$0x3F81];
	_ =	swait.ge [sflag:s4], $0x0  }
0x19: {  	s7 =	sld [smem:$0x3F82]  }
0x1a: {  	s8 =	sadd.s32 $0xFFFFE003, lr  }
0x1b: {  	s9 =	sadd.s32 $0xFFFFFEF7, lr;
	s5 =	simm.s32 $0xFFFFFFFF;
	p2 =	slt.u32 s8, $0xFFFFF086  }
0x1c: {  	p1 =	slt.u32 s9, $0xF7A;
	s5 =	simm.s32 @!p2 $0x0  }
0x1d: {  	s5 =	simm.s32 @p1 $0x1;
	p0 =	seq.s32 s7, s2  }
0x1e: {  	s7 =	smul.u32 @!p0 $0xF7A, s2;
	p2 =	seq.s32 @!p0 s5, $0x0  }
0x1f: {  	s9 =	smul.u32 $0xF7A, s1;
	s8 =	simm.s32 @!p0 $0x1BF5;
	p2 =	por !p2, p0  }
0x20: {  	[sflag:s8] =	ssyncset.s32 @!p0 $0xFFFFF086;
	s6 =	sadd.s32 @!p0 s3, s7;
	s7 =	simm.s32 @!p0 $0x108  }
0x21: {  	s3 =	sadd.s32 s3, s9;
	s6 =	sadd.s32 @!p0 $0x88, s6;
	s7 =	simm.s32 @p2 $0x1082  }
0x22: {  	[simem:s7], [sflag:s8] =	dma.local @!p0 [hbm:s6], $0xF7A  }
0x23: {  	s9 =	sor.u32 $0xD0000000, s2;
	s6 =	simm.s32 $0x108;
	_ =	swait.ge @!p0 [sflag:s8], $0x0  }
0x24: {  	s3 =	sadd.s32 $0x88, s3;
	s6 =	simm.s32 @!p1 $0x1082;
	[sflag:s4] =	ssyncset.s32 $0xFFFFF086  }
0x25: {  	[simem:s6], [sflag:s4] =	dma.local [hbm:s3], $0xF7A  }
0x26: {  	[smem:$0x3F82] =	sst s1;
	(tag) =	ssettag s2;
	_ =	strace s9  }
0x27: {  	s1 =	sld [smem:$0x3F92]  }
0x28: {  	s2 =	sld [smem:$0x3F93]  }
0x29: {  	s4 =	sld [smem:$0x3F95]  }
0x2a: {  	p0 =	seq.s32 s5, $0x0;
	s5 =	sld [smem:$0x3F96]  }
0x2b: {  	s6 =	sld [smem:$0x3F97]  }
0x2c: {  	s7 =	sld [smem:$0x3F98]  }
0x2d: {  	s3 =	simm.s32 $0x108;
	s8 =	sld [smem:$0x3F99]  }
0x2e: {  	s3 =	simm.s32 @!p0 $0x1082;
	s9 =	sld [smem:$0x3F9A]  }
0x2f: {  	lr =	sadd.s32 s0, s3;
	s0 =	sld [smem:$0x3F91]  }
0x30: {  	s3 =	sld [smem:$0x3F94]  }
0x31: {  	[smem:$0x3F9D] =	sst s10  }
0x32: {  	s10 =	sld [smem:$0x3F9B];
	_ =	sdelay $0x3  }
0x33: {  	p0 =	seq.s32 s10, $0x1;
	s10 =	sld [smem:$0x3F9D];
	_ =	sdelay $0x3  }
0x34: {  	[smem:$0x3F9D] =	sst s10  }
0x35: {  	s10 =	sld [smem:$0x3F9C];
	_ =	sdelay $0x3  }
0x36: {  	p1 =	seq.s32 s10, $0x1;
	s10 =	sld [smem:$0x3F9D];
	_ =	sdelay $0x3  }
0x37: {  	[smem:$0x3F9D] =	sst s10  }
0x38: {  	s10 =	sld [smem:$0x3F9E]  }
0x39: {  	_ = 	snop;
	(pc) =	sbr.ind lr, $3  }
0x3a: {  	_ = 	snop  }
0x3b: {  	_ = 	snop  }
0x3c: {  	p2 =	seq.s32 s10, $0x1;
	s10 =	sld [smem:$0x3F9D]  }
0x3d: {  	_ =	shalt  }
0x3e: {  	_ =	shalt  }
0x3f: {  	_ =	shalt  }
0x40: {  	_ =	shalt  }
0x41: {  	_ =	shalt  }
0x42: {  	_ =	shalt  }
0x43: {  	_ =	shalt  }
0x44: {  	_ =	shalt  }
0x45: {  	_ =	shalt  }
0x46: {  	_ =	shalt  }
0x47: {  	_ =	shalt  }
0x48: {  	_ =	shalt  }
0x49: {  	_ =	shalt  }
0x4a: {  	_ =	shalt  }
0x4b: {  	_ =	shalt  }
0x4c: {  	_ =	shalt  }
0x4d: {  	_ =	shalt  }
0x4e: {  	_ =	shalt  }
0x4f: {  	_ =	shalt  }
0x50: {  	_ =	shalt  }
0x51: {  	_ =	shalt  }
0x52: {  	_ =	shalt  }
0x53: {  	_ =	shalt  }
0x54: {  	_ =	shalt  }
0x55: {  	_ =	shalt  }
0x56: {  	_ =	shalt  }
0x57: {  	_ =	shalt  }
0x58: {  	_ =	shalt  }
0x59: {  	_ =	shalt  }
0x5a: {  	_ =	shalt  }
0x5b: {  	_ =	shalt  }
0x5c: {  	_ =	shalt  }
0x5d: {  	_ =	shalt  }
0x5e: {  	_ =	shalt  }
0x5f: {  	_ =	shalt  }
0x60: {  	_ =	shalt  }
0x61: {  	_ =	shalt  }
0x62: {  	_ =	shalt  }
0x63: {  	_ =	shalt  }
0x64: {  	_ =	shalt  }
0x65: {  	_ =	shalt  }
0x66: {  	_ =	shalt  }
0x67: {  	_ =	shalt  }
0x68: {  	_ =	shalt  }
0x69: {  	_ =	shalt  }
0x6a: {  	_ =	shalt  }
0x6b: {  	_ =	shalt  }
0x6c: {  	_ =	shalt  }
0x6d: {  	_ =	shalt  }
0x6e: {  	_ =	shalt  }
0x6f: {  	_ =	shalt  }
0x70: {  	_ =	shalt  }
0x71: {  	_ =	shalt  }
0x72: {  	_ =	shalt  }
0x73: {  	_ =	shalt  }
0x74: {  	_ =	shalt  }
0x75: {  	_ =	shalt  }
0x76: {  	_ =	shalt  }
0x77: {  	_ =	shalt  }
0x78: {  	_ =	shalt  }
0x79: {  	_ =	shalt  }
0x7a: {  	_ =	shalt  }
0x7b: {  	_ =	shalt  }
0x7c: {  	_ =	shalt  }
0x7d: {  	_ =	shalt  }
0x7e: {  	_ =	shalt  }
0x7f: {  	_ =	shalt  }
0x80: {  	_ =	shalt  }
0x81: {  	_ =	shalt  }
0x82: {  	_ =	shalt  }
0x83: {  	_ =	shalt  }
0x84: {  	_ =	shalt  }
0x85: {  	_ =	shalt  }
0x86: {  	_ =	shalt  }
0x87: {  	_ =	shalt  }
.Lfunc_end0:
.L_simem_size_0:
called_computation.2_lowered:
.L_overlay_start_0:
0x88: {  	s2 =	sld [smem:$0x3FD9]  }
0x89: {  	s3 =	sld [smem:$0x3FFE];
	_ =	sdelay $0x1  }
0x8a: {  	s1 =	srdreg.scid  }
0x8b: {  	s0 =	sand.u32 $0x1, s1  }
0x8c: {  	s17 =	sshll.u32 s0, $0xA;
	s2 =	sadd.s32 s3, s2  }
0x8d: {  	s2 =	sadd.s32 s2, s17  }
0x8e: {  	[smem:$0x3FA9] =	sst s2  }
0x8f: {  	_ = 	snop  }
0x90: {  	(tm) =	ssettm $0x1  }
0x91: {  	s18 =	sld [smem:$0x3FFB];
	_ =	sdelay $0x3  }
0x92: {  	_ =	strace s18  }
0x93: {  	s2 =	sld [smem:$0x3FFC];
	_ =	sdelay $0x3  }
0x94: {  	_ =	strace s2  }
0x95: {  	s2 =	sld [smem:$0x3FFD];
	_ =	sdelay $0x3  }
0x96: {  	_ =	strace s2  }
0x97: {  	_ =	strace $0x8FFFFFFF  }
0x98: {  	s19 =	sld [smem:$0x3FDB];
	_ =	sdelay $0x1  }
0x99: {  	s20 =	simm.s32 $_scs_section_size  }
0x9a: {  	s4 =	simm.s32 $_size__tile_overlayer_lowered;
	s5 =	simm.s32 $_tile_overlayer_lowered  }
0x9b: {  	s6 =	simm.s32 $0x1BFF;
	s21 =	sshll.u32 s5, $0x1;
	s3 =	sadd.s32 s20, s19  }
0x9c: {  	s22 =	simm.s32 $0x0;
	s4 =	sshll.u32 s4, $0x1;
	s5 =	sadd.s32 s21, s3  }
0x9d: {  	[timem:s22], [sflag:s6] =	dma.local [hbm:s5], s4  }
0x9e: {  	_ =	swait.ge [sflag:s6], s4  }
0x9f: {  	s4 =	ssub.s32 $0x0, s4;
	[sflag:s6] =	ssyncset.done $0x0  }
0xa0: {  	[sflag:s6] =	ssyncadd.s32 s4;
	_ =	sdelay $0x1  }
0xa1: {  	s23 =	simm.s32 $0x1B8B  }
0xa2: {  	_ =	swait.ge [sflag:s23], $0x1  }
0xa3: {  	[sflag:s23] =	ssyncset.done $0x0  }
0xa4: {  	[sflag:s23] =	ssyncadd.s32 $0xFFFFFFFF  }
0xa5: {  	s4 =	sld [smem:$0x0]  }
0xa6: {  	s5 =	sand.u32 $0xFFFFFFFE, s1  }
0xa7: {  	p0 =	sne.s32 s1, s5  }
0xa8: {  	s5 =	sshll.u32 @p0 s5, $0xE  }
0xa9: {  	s5 =	sadd.s32 @p0 $0x11B8D, s5;
	s6 =	sshll.u32 @p0 s4, $0x11  }
0xaa: {  	s5 =	sor.u32 @p0 s6, s5  }
0xab: {  	[sflag:s5] =	ssyncadd.remote.s32 @p0 $0x1;
	_ =	sdelay $0x1  }
0xac: {  	s5 =	simm.s32 @p0 $0x1B8D  }
0xad: {  	_ =	swait.eq @p0 [sflag:s5], $0x1  }
0xae: {  	[sflag:s5] =	ssyncadd.s32 @p0 $0xFFFFFFFF  }
0xaf: {  	s6 =	sshll.u32 @!p0 s1, $0xE  }
0xb0: {  	s6 =	sor.u32 @!p0 $0x4000, s6;
	s5 =	simm.s32 @!p0 $0x1B8D  }
0xb1: {  	s4 =	sshll.u32 @!p0 s4, $0x11;
	s6 =	sadd.s32 @!p0 $0x11B8D, s6;
	_ =	swait.eq @!p0 [sflag:s5], $0x1  }
0xb2: {  	s4 =	sor.u32 @!p0 s4, s6;
	[sflag:s5] =	ssyncadd.s32 @!p0 $0xFFFFFFFF  }
0xb3: {  	s25 =	simm.s32 $0x1B8E;
	s24 =	sld [smem:$0x3FFE];
	[sflag:s4] =	ssyncadd.remote.s32 @!p0 $0x1  }
0xb4: {  	s26 =	simm.s32 $execute0_lowered;
	[smem:$0x3FD2] =	sst s25  }
0xb5: {  	s5 =	sshll.u32 s26, $0x1;
	_ =	strace $0x80000049;
	[dreg:$0x1] =	wrdreg $0xFFFFFFFF  }
0xb6: {  	s28 =	simm.s32 $_size_execute0_lowered;
	s3 =	sadd.s32 s3, s5;
	[dreg:$0x0] =	wrdreg $0x0  }
0xb7: {  	s5 =	sshll.u32 s28, $0x1;
	[dreg:$0x2] =	wrdreg s3  }
0xb8: {  	[dreg:$0x3] =	wrdreg s5  }
0xb9: {  	[dreg:$0x4] =	wrdreg $0xC0  }
0xba: {  	_ =	task [dreg:s22], $0x5FFFF  }
0xbb: {  	[dreg:$0x1] =	wrdreg $0xFFFFFFFF  }
0xbc: {  	[dreg:$0x0] =	wrdreg $0x60  }
0xbd: {  	[dreg:$0x2] =	wrdreg s24  }
0xbe: {  	[dreg:$0x3] =	wrdreg $0xA  }
0xbf: {  	_ =	task.clear_ibuf [dreg:s22], $0x4FFFF;
	_ =	strace $0x90000049  }
0xc0: {  	s29 =	simm.s32 $0xA;
	_ =	strace $0x8000004B  }
0xc1: {  	_ =	swait.ge [sflag:s29], $0x1  }
0xc2: {  	[sflag:s29] =	ssyncadd.s32 $0xFFFFFFFF  }
0xc3: {  	_ =	strace $0x9000004B  }
0xc4: {  	_ =	sfence  }
0xc5: {  	s30 =	sld [smem:$0x0];
	_ =	sdelay $0x2  }
0xc6: {  	s31 =	sshll.u32 s1, $0xD;
	s1 =	sshrl.u32 s1, $0x2  }
0xc7: {  	s4 =	sand.u32 $0x4000, s31;
	s1 =	sadd.s32 s1, s30  }
0xc8: {  	s0 =	sor.u32 s4, s0;
	s1 =	sshll.u32 s1, $0x11  }
0xc9: {  	s0 =	sor.u32 s1, s0  }
0xca: {  	s0 =	sadd.s32 $0x8F2B, s0  }
0xcb: {  	[sflag:s0] =	ssyncadd.remote.s32 $0x1  }
0xcc: {  	_ =	sfence.sel $0xFFFF  }
0xcd: {  	[dreg:$0x0] =	wrdreg $0xFFFFFFFF;
	(pc) =	sbr.abs _section_cstart, $3  }
0xce: {  	[dreg:$0x1] =	wrdreg $0xFFFFFFFF  }
0xcf: {  	_ =	task.clear_ibuf [dreg:s22], $0x2FFFF;
	_ =	strace $0x9FFFFFFF  }
0xd0: {  	(tm) =	ssettm $0x7FFFFFFF  }
0xd1: {  	_ =	shalt  }
tec
execute0_lowered:
.L_overlay_start_1:
0x0: {  	(tag) =	ssettag $0x1  }
0x1: {  	s0 =	rddreg [dreg:$0x0];
	s1 =	simm.s32 $0x0  }
0x2: {  	s2 =	srdreg.scid;
	s14 =	stileid.u32;
	s28 =	simm.s32 $0x4200  }
0x3: {  	s29 =	simm.s32 $0xC200;
	s30 =	simm.s32 $0x1;
	s31 =	simm.s32 $0x2  }
0x4: {  	[smem:$0x7FF] =	sst s1;
	s3 =	sadd.s32 $0x5F000, s0;
	s4 =	sadd.s32 $0x568200, s0  }
0x5: {  	s2 =	sand.u32 $0x1, s2;
	s7 =	sshll.u32 s14, $0x1;
	s5 =	sadd.s32 $0x594400, s0  }
0x6: {  	s6 =	sadd.s32 $0x58F400, s0;
	s8 =	sadd.s32 $0x599400, s0;
	s23 =	sshll.u32 s14, $0x8  }
0x7: {  	s25 =	sshll.u32 s14, $0xF;
	_ =	strace $0x8000004A;
	s10 =	sor.u32 s2, s7  }
0x8: {  	s7 =	sadd.s32 $0x80A400, s0;
	s9 =	ssub.s32 $0x2, s2;
	s24 =	sshll.u32 s2, $0x7  }
0x9: {  	s2 =	sshll.u32 s2, $0xE;
	s11 =	ssub.s32 $0x501, s10;
	s15 =	sshrl.u32 s9, $0x1  }
0xa: {  	s16 =	sshll.u32 s10, $0x4;
	s17 =	sshll.u32 s10, $0x7;
	s19 =	sshll.u32 s10, $0xE  }
0xb: {  	s10 =	sshll.u32 s10, $0xB;
	s26 =	sor.u32 s24, s23;
	s2 =	sor.u32 s2, s25  }
0xc: {  	s23 =	simm.s32 $0x80;
	s11 =	sshrl.u32 s11, $0x5;
	s0 =	ssub.s32 s9, s15  }
0xd: {  	s12 =	sadd.s32 s5, s16;
	s13 =	sor.u32 $0x200, s16;
	[dreg:$0x2] =	wrdreg s17  }
0xe: {  	s9 =	sadd.s32 $0xFFFFFFFF, s11;
	[dreg:$0x3] =	wrdreg s12;
	s11 =	sadd.s32 s6, s16  }
0xf: {  	s24 =	simm.s32 $0x200;
	s18 =	sadd.s32 s5, s13;
	[dreg:$0x4] =	wrdreg s11  }
0x10: {  	s10 =	sor.u32 $0x260000, s10;
	s13 =	sadd.s32 s6, s13;
	[dreg:$0x5] =	wrdreg s18  }
0x11: {  	s25 =	simm.s32 $0x8200;
	s21 =	sadd.s32 s7, s10;
	[dreg:$0x6] =	wrdreg s13  }
0x12: {  	s10 =	sadd.s32 s8, s10;
	s20 =	sshll.u32 s9, $0x13;
	[dreg:$0x7] =	wrdreg s21  }
0x13: {  	[dreg:$0x8] =	wrdreg s10;
	s18 =	smax.u32 s0, $0x1;
	s21 =	simm.s32 $0x5  }
0x14: {  	s0 =	simm.s32 $0x3;
	s10 =	simm.s32 $0x0;
	s11 =	sor.u32 s19, s20  }
0x15: {  	s19 =	sor.u32 $0x2000, s26;
	s20 =	sshrl.u32 s2, $0x3;
	s22 =	sshrl.u32 s11, $0x3  }
0x16: {  	s26 =	simm.s32 $0x180;
	s2 =	simm.s32 $0x4;
	s11 =	sadd.s32 s7, s22  }
0x17: {  	s17 =	sadd.s32 s8, s22;
	s22 =	simm.s32 $0x100;
	[dreg:$0x9] =	wrdreg s11  }
.LBB2_1:
0x18: {  	s11 =	rddreg [dreg:$0x3]  }
0x19: {  	[tilespmem:s1], [sflag:$0x5] =	stream.linear.gather [hbm4b:s11+s1], $0x80, $0x38;
	[tilespmem:$0x10200] =	vst v63  }
0x1a: {  	_ =	swait.ge [sflag:s21], $0x80  }
0x1b: {  	[sflag:s21] =	ssyncset.done $0x0  }
0x1c: {  	s15 =	rddreg [dreg:$0x4];
	[sflag:s21] =	ssyncadd.s32 $0xFFFFFF80  }
0x1d: {  	[tilespmem:s22], [sflag:$0x5] =	stream.linear.gather [hbm4b:s15+s1], $0x80, $0x38;
	[tilespmem:$0x10200] =	vst v63  }
0x1e: {  	_ =	swait.ge [sflag:s21], $0x80  }
0x1f: {  	[sflag:s21] =	ssyncset.done $0x0  }
0x20: {  	[sflag:s21] =	ssyncadd.s32 $0xFFFFFF80  }
0x21: {  	[tilespmem:s24], [sflag:$0x1] =	stream.indirect.gather [hbm4b:s3+s23], $0x80, s1, s23, $0xb8;
	[tilespmem:$0x10200] =	vst v63  }
0x22: {  	_ = 	snop  }
0x23: {  	[tilespmem:s25], [sflag:$0x1] =	stream.indirect.gather [hbm4b:s4+s23], $0x80, s22, s23, $0xb8;
	[tilespmem:$0x10200] =	vst v63  }
0x24: {  	s16 =	rddreg [dreg:$0x5]  }
0x25: {  	[tilespmem:s23], [sflag:$0x5] =	stream.linear.gather [hbm4b:s16+s1], $0x80, $0x38;
	[tilespmem:$0x10200] =	vst v63  }
0x26: {  	_ =	swait.ge [sflag:s21], $0x80  }
0x27: {  	[sflag:s21] =	ssyncset.done $0x0  }
0x28: {  	s12 =	rddreg [dreg:$0x6];
	[sflag:s21] =	ssyncadd.s32 $0xFFFFFF80  }
0x29: {  	[tilespmem:s26], [sflag:$0x5] =	stream.linear.gather [hbm4b:s12+s1], $0x80, $0x38;
	[tilespmem:$0x10200] =	vst v63  }
0x2a: {  	_ =	swait.ge [sflag:s21], $0x80  }
0x2b: {  	[sflag:s21] =	ssyncset.done $0x0  }
0x2c: {  	[sflag:s21] =	ssyncadd.s32 $0xFFFFFF80  }
0x2d: {  	[tilespmem:s28], [sflag:$0x2] =	stream.indirect.gather [hbm4b:s3+s23], $0x80, s23, s23, $0xb8;
	[tilespmem:$0x10200] =	vst v63  }
0x2e: {  	_ = 	snop  }
0x2f: {  	[tilespmem:s29], [sflag:$0x2] =	stream.indirect.gather [hbm4b:s4+s23], $0x80, s26, s23, $0xb8;
	[tilespmem:$0x10200] =	vst v63  }
0x30: {  	_ =	swait.ge [sflag:s30], $0x4000  }
0x31: {  	[sflag:s30] =	ssyncset.done $0x0  }
0x32: {  	[sflag:s30] =	ssyncadd.s32 $0xFFFFC000  }
0x33: {  	_ =	swait.ge [sflag:s30], $0x4000  }
0x34: {  	[sflag:s30] =	ssyncset.done $0x0  }
0x35: {  	s13 =	sadd.s32 s20, s7;
	[sflag:s30] =	ssyncadd.s32 $0xFFFFC000  }
0x36: {  	[hbm4b:s13+s1] =	stream.linear.scatter [tilespmem:s24], [sflag:$0x3], $0x4000, $0x38;
	[tilespmem:$0x10200] =	vst v63  }
0x37: {  	s14 =	sadd.s32 s20, s8  }
0x38: {  	[hbm4b:s14+s1] =	stream.linear.scatter [tilespmem:s25], [sflag:$0x3], $0x4000, $0x38;
	[tilespmem:$0x10200] =	vst v63  }
0x39: {  	_ =	swait.ge [sflag:s31], $0x4000  }
0x3a: {  	[sflag:s31] =	ssyncset.done $0x0  }
0x3b: {  	[sflag:s31] =	ssyncadd.s32 $0xFFFFC000  }
0x3c: {  	_ =	swait.ge [sflag:s31], $0x4000  }
0x3d: {  	s15 =	sor.u32 $0x10000, s20;
	[sflag:s31] =	ssyncset.done $0x0  }
0x3e: {  	s12 =	sadd.s32 s7, s15;
	[sflag:s31] =	ssyncadd.s32 $0xFFFFC000  }
0x3f: {  	[hbm4b:s12+s1] =	stream.linear.scatter [tilespmem:s28], [sflag:$0x4], $0x4000, $0x38;
	[tilespmem:$0x10200] =	vst v63  }
0x40: {  	s11 =	sadd.s32 s8, s15;
	s16 =	sshrl.u32 s19, $0x3  }
0x41: {  	[hbm4b:s11+s1] =	stream.linear.scatter [tilespmem:s29], [sflag:$0x4], $0x4000, $0x38;
	[tilespmem:$0x10200] =	vst v63  }
0x42: {  	s13 =	sadd.s32 s5, s16  }
0x43: {  	[tilespmem:s1], [sflag:$0x5] =	stream.linear.gather [hbm4b:s13+s1], $0x80, $0x38;
	[tilespmem:$0x10200] =	vst v63  }
0x44: {  	_ =	swait.ge [sflag:s21], $0x80  }
0x45: {  	[sflag:s21] =	ssyncset.done $0x0  }
0x46: {  	s14 =	sadd.s32 s6, s16;
	[sflag:s21] =	ssyncadd.s32 $0xFFFFFF80  }
0x47: {  	[tilespmem:s22], [sflag:$0x5] =	stream.linear.gather [hbm4b:s14+s1], $0x80, $0x38;
	[tilespmem:$0x10200] =	vst v63  }
0x48: {  	_ =	swait.ge [sflag:s21], $0x80  }
0x49: {  	[sflag:s21] =	ssyncset.done $0x0  }
0x4a: {  	[sflag:s21] =	ssyncadd.s32 $0xFFFFFF80  }
0x4b: {  	_ =	swait.ge [sflag:s0], $0x4000  }
0x4c: {  	[sflag:s0] =	ssyncset.done $0x0  }
0x4d: {  	p0 =	sgt.s32 s9, $0x3;
	s11 =	smov.u32 s9;
	[sflag:s0] =	ssyncadd.s32 $0xFFFFC000  }
0x4e: {  	s11 =	smov.u32 @p0 s0;
	_ =	swait.ge [sflag:s0], $0x4000  }
0x4f: {  	s11 =	sshll.u32 s11, $0xC;
	[sflag:s0] =	ssyncset.done $0x0;
	s15 =	rddreg [dreg:$0x2]  }
0x50: {  	[sflag:s0] =	ssyncadd.s32 $0xFFFFC000;
	s11 =	sor.u32 s15, s11  }
0x51: {  	[tilespmem:s24], [sflag:$0x1] =	stream.indirect.gather [hbm4b:s3+s23], $0x80, s1, s23, $0xb8;
	[tilespmem:$0x10200] =	vst v63  }
0x52: {  	s11 =	sshrl.u32 s11, $0x3  }
0x53: {  	[tilespmem:s25], [sflag:$0x1] =	stream.indirect.gather [hbm4b:s4+s23], $0x80, s22, s23, $0xb8;
	[tilespmem:$0x10200] =	vst v63  }
0x54: {  	s16 =	sadd.s32 s5, s11  }
0x55: {  	[tilespmem:s23], [sflag:$0x5] =	stream.linear.gather [hbm4b:s16+s1], $0x80, $0x38;
	[tilespmem:$0x10200] =	vst v63  }
0x56: {  	_ =	swait.ge [sflag:s21], $0x80  }
0x57: {  	[sflag:s21] =	ssyncset.done $0x0  }
0x58: {  	s11 =	sadd.s32 s6, s11;
	[sflag:s21] =	ssyncadd.s32 $0xFFFFFF80  }
0x59: {  	[tilespmem:s26], [sflag:$0x5] =	stream.linear.gather [hbm4b:s11+s1], $0x80, $0x38;
	[tilespmem:$0x10200] =	vst v63  }
0x5a: {  	_ =	swait.ge [sflag:s21], $0x80  }
0x5b: {  	[sflag:s21] =	ssyncset.done $0x0  }
0x5c: {  	[sflag:s21] =	ssyncadd.s32 $0xFFFFFF80  }
0x5d: {  	_ =	swait.ge [sflag:s2], $0x4000  }
0x5e: {  	[sflag:s2] =	ssyncset.done $0x0  }
0x5f: {  	[sflag:s2] =	ssyncadd.s32 $0xFFFFC000  }
0x60: {  	_ =	swait.ge [sflag:s2], $0x4000  }
0x61: {  	s12 =	sadd.s32 $0x2000, s19;
	[sflag:s2] =	ssyncset.done $0x0  }
0x62: {  	s13 =	sadd.s32 $0x20000, s20;
	s11 =	simm.s32 $0x5;
	[sflag:s2] =	ssyncadd.s32 $0xFFFFC000  }
.LBB2_2:
0x63: {  	[tilespmem:s28], [sflag:$0x2] =	stream.indirect.gather [hbm4b:s3+s23], $0x80, s23, s23, $0xb8;
	[tilespmem:$0x10200] =	vst v63  }
0x64: {  	_ = 	snop  }
0x65: {  	[tilespmem:s29], [sflag:$0x2] =	stream.indirect.gather [hbm4b:s4+s23], $0x80, s26, s23, $0xb8;
	[tilespmem:$0x10200] =	vst v63  }
0x66: {  	_ =	swait.ge [sflag:s30], $0x4000  }
0x67: {  	[sflag:s30] =	ssyncset.done $0x0  }
0x68: {  	[sflag:s30] =	ssyncadd.s32 $0xFFFFC000  }
0x69: {  	_ =	swait.ge [sflag:s30], $0x4000  }
0x6a: {  	[sflag:s30] =	ssyncset.done $0x0  }
0x6b: {  	s15 =	sadd.s32 s13, s7;
	[sflag:s30] =	ssyncadd.s32 $0xFFFFC000  }
0x6c: {  	[hbm4b:s15+s1] =	stream.linear.scatter [tilespmem:s24], [sflag:$0x3], $0x4000, $0x38;
	[tilespmem:$0x10200] =	vst v63  }
0x6d: {  	s16 =	sadd.s32 s13, s8  }
0x6e: {  	[hbm4b:s16+s1] =	stream.linear.scatter [tilespmem:s25], [sflag:$0x3], $0x4000, $0x38;
	[tilespmem:$0x10200] =	vst v63  }
0x6f: {  	_ =	swait.ge [sflag:s31], $0x4000  }
0x70: {  	[sflag:s31] =	ssyncset.done $0x0  }
0x71: {  	[sflag:s31] =	ssyncadd.s32 $0xFFFFC000  }
0x72: {  	_ =	swait.ge [sflag:s31], $0x4000  }
0x73: {  	s15 =	sor.u32 $0x10000, s13;
	[sflag:s31] =	ssyncset.done $0x0  }
0x74: {  	s16 =	sadd.s32 s7, s15;
	[sflag:s31] =	ssyncadd.s32 $0xFFFFC000  }
0x75: {  	[hbm4b:s16+s1] =	stream.linear.scatter [tilespmem:s28], [sflag:$0x4], $0x4000, $0x38;
	[tilespmem:$0x10200] =	vst v63  }
0x76: {  	s15 =	sadd.s32 s8, s15;
	s16 =	sshrl.u32 s12, $0x3  }
0x77: {  	[hbm4b:s15+s1] =	stream.linear.scatter [tilespmem:s29], [sflag:$0x4], $0x4000, $0x38;
	[tilespmem:$0x10200] =	vst v63  }
0x78: {  	s15 =	sadd.s32 s5, s16  }
0x79: {  	[tilespmem:s1], [sflag:$0x5] =	stream.linear.gather [hbm4b:s15+s1], $0x80, $0x38;
	[tilespmem:$0x10200] =	vst v63  }
0x7a: {  	_ =	swait.ge [sflag:s21], $0x80  }
0x7b: {  	[sflag:s21] =	ssyncset.done $0x0  }
0x7c: {  	s16 =	sadd.s32 s6, s16;
	[sflag:s21] =	ssyncadd.s32 $0xFFFFFF80  }
0x7d: {  	[tilespmem:s22], [sflag:$0x5] =	stream.linear.gather [hbm4b:s16+s1], $0x80, $0x38;
	[tilespmem:$0x10200] =	vst v63  }
0x7e: {  	_ =	swait.ge [sflag:s21], $0x80  }
0x7f: {  	[sflag:s21] =	ssyncset.done $0x0  }
0x80: {  	[sflag:s21] =	ssyncadd.s32 $0xFFFFFF80  }
0x81: {  	_ =	swait.ge [sflag:s0], $0x4000  }
0x82: {  	s14 =	smov.u32 s11;
	[sflag:s0] =	ssyncset.done $0x0  }
0x83: {  	p1 =	slt.s32 s14, s9;
	s15 =	smov.u32 s9;
	[sflag:s0] =	ssyncadd.s32 $0xFFFFC000  }
0x84: {  	s15 =	smov.u32 @p1 s14;
	_ =	swait.ge [sflag:s0], $0x4000  }
0x85: {  	s15 =	sshll.u32 s15, $0xC;
	[sflag:s0] =	ssyncset.done $0x0;
	s16 =	rddreg [dreg:$0x2]  }
0x86: {  	[sflag:s0] =	ssyncadd.s32 $0xFFFFC000;
	s14 =	sor.u32 s16, s15  }
0x87: {  	[tilespmem:s24], [sflag:$0x1] =	stream.indirect.gather [hbm4b:s3+s23], $0x80, s1, s23, $0xb8;
	[tilespmem:$0x10200] =	vst v63  }
0x88: {  	s14 =	sshrl.u32 s14, $0x3  }
0x89: {  	[tilespmem:s25], [sflag:$0x1] =	stream.indirect.gather [hbm4b:s4+s23], $0x80, s22, s23, $0xb8;
	[tilespmem:$0x10200] =	vst v63  }
0x8a: {  	s16 =	sadd.s32 s5, s14  }
0x8b: {  	[tilespmem:s23], [sflag:$0x5] =	stream.linear.gather [hbm4b:s16+s1], $0x80, $0x38;
	[tilespmem:$0x10200] =	vst v63  }
0x8c: {  	_ =	swait.ge [sflag:s21], $0x80  }
0x8d: {  	[sflag:s21] =	ssyncset.done $0x0  }
0x8e: {  	s14 =	sadd.s32 s6, s14;
	[sflag:s21] =	ssyncadd.s32 $0xFFFFFF80  }
0x8f: {  	[tilespmem:s26], [sflag:$0x5] =	stream.linear.gather [hbm4b:s14+s1], $0x80, $0x38;
	[tilespmem:$0x10200] =	vst v63  }
0x90: {  	_ =	swait.ge [sflag:s21], $0x80  }
0x91: {  	[sflag:s21] =	ssyncset.done $0x0  }
0x92: {  	[sflag:s21] =	ssyncadd.s32 $0xFFFFFF80  }
0x93: {  	p0 =	sne.s32 s11, $0x27;
	_ =	swait.ge [sflag:s2], $0x4000  }
.Ltmp0:
0x94: {  	[sflag:s2] =	ssyncset.done $0x0;
	(pc) =	sbr.rel @p0 .LBB2_2-.Ltmp0, $4  }
0x95: {  	[sflag:s2] =	ssyncadd.s32 $0xFFFFC000  }
0x96: {  	_ =	swait.ge [sflag:s2], $0x4000  }
0x97: {  	s11 =	sadd.s32 $0x2, s11;
	[sflag:s2] =	ssyncset.done $0x0  }
0x98: {  	s13 =	sadd.s32 $0x20000, s13;
	s12 =	sadd.s32 $0x2000, s12;
	[sflag:s2] =	ssyncadd.s32 $0xFFFFC000  }
0x99: {  	[tilespmem:s28], [sflag:$0x2] =	stream.indirect.gather [hbm4b:s3+s23], $0x80, s23, s23, $0xb8;
	[tilespmem:$0x10200] =	vst v63  }
0x9a: {  	_ = 	snop  }
0x9b: {  	[tilespmem:s29], [sflag:$0x2] =	stream.indirect.gather [hbm4b:s4+s23], $0x80, s26, s23, $0xb8;
	[tilespmem:$0x10200] =	vst v63  }
0x9c: {  	_ =	swait.ge [sflag:s30], $0x4000  }
0x9d: {  	[sflag:s30] =	ssyncset.done $0x0  }
0x9e: {  	[sflag:s30] =	ssyncadd.s32 $0xFFFFC000  }
0x9f: {  	_ =	swait.ge [sflag:s30], $0x4000  }
0xa0: {  	[sflag:s30] =	ssyncset.done $0x0  }
0xa1: {  	s11 =	rddreg [dreg:$0x7];
	[sflag:s30] =	ssyncadd.s32 $0xFFFFC000  }
0xa2: {  	[hbm4b:s11+s1] =	stream.linear.scatter [tilespmem:s24], [sflag:$0x3], $0x4000, $0x38;
	[tilespmem:$0x10200] =	vst v63  }
0xa3: {  	s15 =	rddreg [dreg:$0x8]  }
0xa4: {  	[hbm4b:s15+s1] =	stream.linear.scatter [tilespmem:s25], [sflag:$0x3], $0x4000, $0x38;
	[tilespmem:$0x10200] =	vst v63  }
0xa5: {  	_ =	swait.ge [sflag:s31], $0x4000  }
0xa6: {  	[sflag:s31] =	ssyncset.done $0x0  }
0xa7: {  	[sflag:s31] =	ssyncadd.s32 $0xFFFFC000  }
0xa8: {  	_ =	swait.ge [sflag:s31], $0x4000  }
0xa9: {  	[sflag:s31] =	ssyncset.done $0x0  }
0xaa: {  	s16 =	rddreg [dreg:$0x9];
	[sflag:s31] =	ssyncadd.s32 $0xFFFFC000  }
0xab: {  	[hbm4b:s16+s1] =	stream.linear.scatter [tilespmem:s28], [sflag:$0x4], $0x4000, $0x38;
	[tilespmem:$0x10200] =	vst v63  }
0xac: {  	_ = 	snop  }
0xad: {  	[hbm4b:s17+s1] =	stream.linear.scatter [tilespmem:s29], [sflag:$0x4], $0x4000, $0x38;
	[tilespmem:$0x10200] =	vst v63  }
0xae: {  	_ =	swait.ge [sflag:s0], $0x4000  }
0xaf: {  	[sflag:s0] =	ssyncset.done $0x0  }
0xb0: {  	[sflag:s0] =	ssyncadd.s32 $0xFFFFC000  }
0xb1: {  	_ =	swait.ge [sflag:s0], $0x4000  }
0xb2: {  	[sflag:s0] =	ssyncset.done $0x0  }
0xb3: {  	s10 =	sadd.s32 $0x1, s10;
	[sflag:s0] =	ssyncadd.s32 $0xFFFFC000  }
0xb4: {  	p0 =	sne.s32 s10, s18;
	_ =	swait.ge [sflag:s2], $0x4000  }
.Ltmp1:
0xb5: {  	[sflag:s2] =	ssyncset.done $0x0;
	(pc) =	sbr.rel @p0 .LBB2_1-.Ltmp1, $4  }
0xb6: {  	[sflag:s2] =	ssyncadd.s32 $0xFFFFC000  }
0xb7: {  	_ =	swait.ge [sflag:s2], $0x4000  }
0xb8: {  	[sflag:s2] =	ssyncset.done $0x0  }
0xb9: {  	[sflag:s2] =	ssyncadd.s32 $0xFFFFC000  }
0xba: {  	_ =	sfence.sel $0x180000  }
0xbb: {  	[bflag:$0x0] =	sbarrier.arrive $0xFFFF  }
0xbc: {  	_ =	strace $0x9000004A  }
0xbd: {  	s0 =	stileid.u32;
	[bflag:$0x2] =	sbarrier.arrive $0xFFFF  }
0xbe: {  	p0 =	sne.s32 s0, $0x0;
	s0 =	rddreg [dreg:$0x1]  }
0xbf: {  	s0 =	sadd.s32 @!p0 $0x100000, s0  }
0xc0: {  	[sflag:s0] =	ssyncadd.tile.s32 @!p0 $0x1;
	_ =	shalt  }
.Lfunc_end2:
_tile_overlayer_lowered:
.L_overlay_start_2:
0xc1: {  	(tag) =	ssettag $0x2  }
0xc2: {  	s0 =	rddreg [dreg:$0x0];
	s2 =	stileid.u32  }
0xc3: {  	s1 =	rddreg [dreg:$0x1];
	p0 =	sne.s32 s2, $0x0  }
0xc4: {  	s3 =	rddreg [dreg:$0x2];
	[bflag:$0x3] =	sbarrier.arrive $0xFFFF;
	s2 =	simm.s32 @!p0 $0x1C05  }
0xc5: {  	[timem:s3], [sflag:s2] =	dma.local @!p0 [hbm:s0], s1  }
0xc6: {  	s0 =	simm.s32 @!p0 $0x5  }
0xc7: {  	_ =	swait.ge @!p0 [sflag:s0], s1  }
0xc8: {  	s1 =	ssub.s32 @!p0 $0x0, s1;
	[sflag:s0] =	ssyncset.done @!p0 $0x0  }
0xc9: {  	[sflag:s0] =	ssyncadd.s32 @!p0 s1  }
0xca: {  	[bflag:$0x3] =	sbarrier.arrive $0xFFFF  }
0xcb: {  	_ =	shalt  }

// kernel: kernel.30.cloned.1.call-start
scs
__scs_entry_jumppad:
0x0: {  	(pc) =	sbr.rel $0x88, $3  }
0x1: {  	(tag) =	ssettag $0x0;
	lr =	simm.s32 $0x1  }
0x2: {  	[smem:$0x3F82] =	sst lr;
	_ =	strace $0xD0000000  }
0x3: {  	_ = 	snop  }
0x4: {  	_ = 	snop  }
0x5: {  	_ = 	snop  }
0x6: {  	_ = 	snop  }
0x7: {  	_ = 	snop  }
__scs_overlays_trampoline_lowered:
0x8: {  	[smem:$0x3F91] =	sst s0  }
0x9: {  	[smem:$0x3F92] =	sst s1  }
0xa: {  	[smem:$0x3F93] =	sst s2  }
0xb: {  	[smem:$0x3F94] =	sst s3  }
0xc: {  	[smem:$0x3F95] =	sst s4  }
0xd: {  	[smem:$0x3F96] =	sst s5  }
0xe: {  	[smem:$0x3F97] =	sst s6  }
0xf: {  	[smem:$0x3F98] =	sst s7  }
0x10: {  	[smem:$0x3F99] =	sst s8  }
0x11: {  	[smem:$0x3F9A] =	sst s9;
	s0 =	simm.s32 @!p0 $0x0  }
0x12: {  	s1 =	sld [smem:$0x3F80];
	s0 =	simm.s32 @p0 $0x1  }
0x13: {  	[smem:$0x3F9B] =	sst s0;
	s0 =	simm.s32 @!p1 $0x0  }
0x14: {  	s2 =	sld [smem:$0x3F7F];
	s0 =	simm.s32 @p1 $0x1  }
0x15: {  	[smem:$0x3F9C] =	sst s0;
	s0 =	simm.s32 @!p2 $0x0  }
0x16: {  	s3 =	sld [smem:$0x3FDB];
	s0 =	simm.s32 @p2 $0x1  }
0x17: {  	s4 =	simm.s32 $0x1BF5;
	[smem:$0x3F9E] =	sst s0  }
0x18: {  	s0 =	sld [smem:$0x3F81];
	_ =	swait.ge [sflag:s4], $0x0  }
0x19: {  	s7 =	sld [smem:$0x3F82]  }
0x1a: {  	s8 =	sadd.s32 $0xFFFFE003, lr  }
0x1b: {  	s9 =	sadd.s32 $0xFFFFFEF7, lr;
	s5 =	simm.s32 $0xFFFFFFFF;
	p2 =	slt.u32 s8, $0xFFFFF086  }
0x1c: {  	p1 =	slt.u32 s9, $0xF7A;
	s5 =	simm.s32 @!p2 $0x0  }
0x1d: {  	s5 =	simm.s32 @p1 $0x1;
	p0 =	seq.s32 s7, s2  }
0x1e: {  	s7 =	smul.u32 @!p0 $0xF7A, s2;
	p2 =	seq.s32 @!p0 s5, $0x0  }
0x1f: {  	s9 =	smul.u32 $0xF7A, s1;
	s8 =	simm.s32 @!p0 $0x1BF5;
	p2 =	por !p2, p0  }
0x20: {  	[sflag:s8] =	ssyncset.s32 @!p0 $0xFFFFF086;
	s6 =	sadd.s32 @!p0 s3, s7;
	s7 =	simm.s32 @!p0 $0x108  }
0x21: {  	s3 =	sadd.s32 s3, s9;
	s6 =	sadd.s32 @!p0 $0x88, s6;
	s7 =	simm.s32 @p2 $0x1082  }
0x22: {  	[simem:s7], [sflag:s8] =	dma.local @!p0 [hbm:s6], $0xF7A  }
0x23: {  	s9 =	sor.u32 $0xD0000000, s2;
	s6 =	simm.s32 $0x108;
	_ =	swait.ge @!p0 [sflag:s8], $0x0  }
0x24: {  	s3 =	sadd.s32 $0x88, s3;
	s6 =	simm.s32 @!p1 $0x1082;
	[sflag:s4] =	ssyncset.s32 $0xFFFFF086  }
0x25: {  	[simem:s6], [sflag:s4] =	dma.local [hbm:s3], $0xF7A  }
0x26: {  	[smem:$0x3F82] =	sst s1;
	(tag) =	ssettag s2;
	_ =	strace s9  }
0x27: {  	s1 =	sld [smem:$0x3F92]  }
0x28: {  	s2 =	sld [smem:$0x3F93]  }
0x29: {  	s4 =	sld [smem:$0x3F95]  }
0x2a: {  	p0 =	seq.s32 s5, $0x0;
	s5 =	sld [smem:$0x3F96]  }
0x2b: {  	s6 =	sld [smem:$0x3F97]  }
0x2c: {  	s7 =	sld [smem:$0x3F98]  }
0x2d: {  	s3 =	simm.s32 $0x108;
	s8 =	sld [smem:$0x3F99]  }
0x2e: {  	s3 =	simm.s32 @!p0 $0x1082;
	s9 =	sld [smem:$0x3F9A]  }
0x2f: {  	lr =	sadd.s32 s0, s3;
	s0 =	sld [smem:$0x3F91]  }
0x30: {  	s3 =	sld [smem:$0x3F94]  }
0x31: {  	[smem:$0x3F9D] =	sst s10  }
0x32: {  	s10 =	sld [smem:$0x3F9B];
	_ =	sdelay $0x3  }
0x33: {  	p0 =	seq.s32 s10, $0x1;
	s10 =	sld [smem:$0x3F9D];
	_ =	sdelay $0x3  }
0x34: {  	[smem:$0x3F9D] =	sst s10  }
0x35: {  	s10 =	sld [smem:$0x3F9C];
	_ =	sdelay $0x3  }
0x36: {  	p1 =	seq.s32 s10, $0x1;
	s10 =	sld [smem:$0x3F9D];
	_ =	sdelay $0x3  }
0x37: {  	[smem:$0x3F9D] =	sst s10  }
0x38: {  	s10 =	sld [smem:$0x3F9E]  }
0x39: {  	_ = 	snop;
	(pc) =	sbr.ind lr, $3  }
0x3a: {  	_ = 	snop  }
0x3b: {  	_ = 	snop  }
0x3c: {  	p2 =	seq.s32 s10, $0x1;
	s10 =	sld [smem:$0x3F9D]  }
0x3d: {  	_ =	shalt  }
0x3e: {  	_ =	shalt  }
0x3f: {  	_ =	shalt  }
0x40: {  	_ =	shalt  }
0x41: {  	_ =	shalt  }
0x42: {  	_ =	shalt  }
0x43: {  	_ =	shalt  }
0x44: {  	_ =	shalt  }
0x45: {  	_ =	shalt  }
0x46: {  	_ =	shalt  }
0x47: {  	_ =	shalt  }
0x48: {  	_ =	shalt  }
0x49: {  	_ =	shalt  }
0x4a: {  	_ =	shalt  }
0x4b: {  	_ =	shalt  }
0x4c: {  	_ =	shalt  }
0x4d: {  	_ =	shalt  }
0x4e: {  	_ =	shalt  }
0x4f: {  	_ =	shalt  }
0x50: {  	_ =	shalt  }
0x51: {  	_ =	shalt  }
0x52: {  	_ =	shalt  }
0x53: {  	_ =	shalt  }
0x54: {  	_ =	shalt  }
0x55: {  	_ =	shalt  }
0x56: {  	_ =	shalt  }
0x57: {  	_ =	shalt  }
0x58: {  	_ =	shalt  }
0x59: {  	_ =	shalt  }
0x5a: {  	_ =	shalt  }
0x5b: {  	_ =	shalt  }
0x5c: {  	_ =	shalt  }
0x5d: {  	_ =	shalt  }
0x5e: {  	_ =	shalt  }
0x5f: {  	_ =	shalt  }
0x60: {  	_ =	shalt  }
0x61: {  	_ =	shalt  }
0x62: {  	_ =	shalt  }
0x63: {  	_ =	shalt  }
0x64: {  	_ =	shalt  }
0x65: {  	_ =	shalt  }
0x66: {  	_ =	shalt  }
0x67: {  	_ =	shalt  }
0x68: {  	_ =	shalt  }
0x69: {  	_ =	shalt  }
0x6a: {  	_ =	shalt  }
0x6b: {  	_ =	shalt  }
0x6c: {  	_ =	shalt  }
0x6d: {  	_ =	shalt  }
0x6e: {  	_ =	shalt  }
0x6f: {  	_ =	shalt  }
0x70: {  	_ =	shalt  }
0x71: {  	_ =	shalt  }
0x72: {  	_ =	shalt  }
0x73: {  	_ =	shalt  }
0x74: {  	_ =	shalt  }
0x75: {  	_ =	shalt  }
0x76: {  	_ =	shalt  }
0x77: {  	_ =	shalt  }
0x78: {  	_ =	shalt  }
0x79: {  	_ =	shalt  }
0x7a: {  	_ =	shalt  }
0x7b: {  	_ =	shalt  }
0x7c: {  	_ =	shalt  }
0x7d: {  	_ =	shalt  }
0x7e: {  	_ =	shalt  }
0x7f: {  	_ =	shalt  }
0x80: {  	_ =	shalt  }
0x81: {  	_ =	shalt  }
0x82: {  	_ =	shalt  }
0x83: {  	_ =	shalt  }
0x84: {  	_ =	shalt  }
0x85: {  	_ =	shalt  }
0x86: {  	_ =	shalt  }
0x87: {  	_ =	shalt  }
.Lfunc_end0:
.L_simem_size_0:
called_computation.3_lowered:
.L_overlay_start_0:
0x88: {  	s2 =	sld [smem:$0x3FD9]  }
0x89: {  	s3 =	sld [smem:$0x3FFE];
	_ =	sdelay $0x1  }
0x8a: {  	s1 =	srdreg.scid  }
0x8b: {  	s0 =	sand.u32 $0x1, s1  }
0x8c: {  	s17 =	sshll.u32 s0, $0xA;
	s2 =	sadd.s32 s3, s2  }
0x8d: {  	s2 =	sadd.s32 s2, s17  }
0x8e: {  	[smem:$0x3FA9] =	sst s2  }
0x8f: {  	_ = 	snop  }
0x90: {  	(tm) =	ssettm $0x1  }
0x91: {  	s18 =	sld [smem:$0x3FFB];
	_ =	sdelay $0x3  }
0x92: {  	_ =	strace s18  }
0x93: {  	s2 =	sld [smem:$0x3FFC];
	_ =	sdelay $0x3  }
0x94: {  	_ =	strace s2  }
0x95: {  	s2 =	sld [smem:$0x3FFD];
	_ =	sdelay $0x3  }
0x96: {  	_ =	strace s2  }
0x97: {  	_ =	strace $0x8FFFFFFF  }
0x98: {  	s19 =	sld [smem:$0x3FDB];
	_ =	sdelay $0x1  }
0x99: {  	s20 =	simm.s32 $_scs_section_size  }
0x9a: {  	s4 =	simm.s32 $_size__tile_overlayer_lowered;
	s5 =	simm.s32 $_tile_overlayer_lowered  }
0x9b: {  	s6 =	simm.s32 $0x1BFF;
	s21 =	sshll.u32 s5, $0x1;
	s3 =	sadd.s32 s20, s19  }
0x9c: {  	s22 =	simm.s32 $0x0;
	s4 =	sshll.u32 s4, $0x1;
	s5 =	sadd.s32 s21, s3  }
0x9d: {  	[timem:s22], [sflag:s6] =	dma.local [hbm:s5], s4  }
0x9e: {  	_ =	swait.ge [sflag:s6], s4  }
0x9f: {  	s4 =	ssub.s32 $0x0, s4;
	[sflag:s6] =	ssyncset.done $0x0  }
0xa0: {  	[sflag:s6] =	ssyncadd.s32 s4;
	_ =	sdelay $0x1  }
0xa1: {  	s23 =	simm.s32 $0x1B8B  }
0xa2: {  	_ =	swait.ge [sflag:s23], $0x1  }
0xa3: {  	[sflag:s23] =	ssyncset.done $0x0  }
0xa4: {  	[sflag:s23] =	ssyncadd.s32 $0xFFFFFFFF  }
0xa5: {  	s4 =	sld [smem:$0x0]  }
0xa6: {  	s5 =	sand.u32 $0xFFFFFFFE, s1  }
0xa7: {  	p0 =	sne.s32 s1, s5  }
0xa8: {  	s5 =	sshll.u32 @p0 s5, $0xE  }
0xa9: {  	s5 =	sadd.s32 @p0 $0x11B8D, s5;
	s6 =	sshll.u32 @p0 s4, $0x11  }
0xaa: {  	s5 =	sor.u32 @p0 s6, s5  }
0xab: {  	[sflag:s5] =	ssyncadd.remote.s32 @p0 $0x1;
	_ =	sdelay $0x1  }
0xac: {  	s5 =	simm.s32 @p0 $0x1B8D  }
0xad: {  	_ =	swait.eq @p0 [sflag:s5], $0x1  }
0xae: {  	[sflag:s5] =	ssyncadd.s32 @p0 $0xFFFFFFFF  }
0xaf: {  	s6 =	sshll.u32 @!p0 s1, $0xE  }
0xb0: {  	s6 =	sor.u32 @!p0 $0x4000, s6;
	s5 =	simm.s32 @!p0 $0x1B8D  }
0xb1: {  	s4 =	sshll.u32 @!p0 s4, $0x11;
	s6 =	sadd.s32 @!p0 $0x11B8D, s6;
	_ =	swait.eq @!p0 [sflag:s5], $0x1  }
0xb2: {  	s4 =	sor.u32 @!p0 s4, s6;
	[sflag:s5] =	ssyncadd.s32 @!p0 $0xFFFFFFFF  }
0xb3: {  	s25 =	simm.s32 $0x1B8E;
	s24 =	sld [smem:$0x3FFE];
	[sflag:s4] =	ssyncadd.remote.s32 @!p0 $0x1  }
0xb4: {  	s26 =	simm.s32 $execute0_lowered;
	[smem:$0x3FD2] =	sst s25  }
0xb5: {  	s5 =	sshll.u32 s26, $0x1;
	_ =	strace $0x8000004F;
	[dreg:$0x1] =	wrdreg $0xFFFFFFFF  }
0xb6: {  	s28 =	simm.s32 $_size_execute0_lowered;
	s3 =	sadd.s32 s3, s5;
	[dreg:$0x0] =	wrdreg $0x0  }
0xb7: {  	s5 =	sshll.u32 s28, $0x1;
	[dreg:$0x2] =	wrdreg s3  }
0xb8: {  	[dreg:$0x3] =	wrdreg s5  }
0xb9: {  	[dreg:$0x4] =	wrdreg $0xC0  }
0xba: {  	_ =	task [dreg:s22], $0x5FFFF  }
0xbb: {  	[dreg:$0x1] =	wrdreg $0xFFFFFFFF  }
0xbc: {  	[dreg:$0x0] =	wrdreg $0x60  }
0xbd: {  	[dreg:$0x2] =	wrdreg s24  }
0xbe: {  	[dreg:$0x3] =	wrdreg $0x116800  }
0xbf: {  	[dreg:$0x4] =	wrdreg $0xA  }
0xc0: {  	_ =	task.clear_ibuf [dreg:s22], $0x5FFFF;
	_ =	strace $0x9000004F  }
0xc1: {  	s29 =	simm.s32 $0xA;
	_ =	strace $0x80000051  }
0xc2: {  	_ =	swait.ge [sflag:s29], $0x1  }
0xc3: {  	[sflag:s29] =	ssyncadd.s32 $0xFFFFFFFF  }
0xc4: {  	_ =	strace $0x90000051  }
0xc5: {  	_ =	sfence  }
0xc6: {  	s30 =	sld [smem:$0x0];
	_ =	sdelay $0x2  }
0xc7: {  	s31 =	sshll.u32 s1, $0xD;
	s1 =	sshrl.u32 s1, $0x2  }
0xc8: {  	s4 =	sand.u32 $0x4000, s31;
	s1 =	sadd.s32 s1, s30  }
0xc9: {  	s0 =	sor.u32 s4, s0;
	s1 =	sshll.u32 s1, $0x11  }
0xca: {  	s0 =	sor.u32 s1, s0  }
0xcb: {  	s0 =	sadd.s32 $0x8F2B, s0  }
0xcc: {  	[sflag:s0] =	ssyncadd.remote.s32 $0x1  }
0xcd: {  	_ =	sfence.sel $0xFFFF  }
0xce: {  	[dreg:$0x0] =	wrdreg $0xFFFFFFFF;
	(pc) =	sbr.abs _section_cstart, $3  }
0xcf: {  	[dreg:$0x1] =	wrdreg $0xFFFFFFFF  }
0xd0: {  	_ =	task.clear_ibuf [dreg:s22], $0x2FFFF;
	_ =	strace $0x9FFFFFFF  }
0xd1: {  	(tm) =	ssettm $0x7FFFFFFF  }
tec
execute0_lowered:
.L_overlay_start_1:
0x0: {  	(tag) =	ssettag $0x1  }
0x1: {  	s5 =	rddreg [dreg:$0x0]  }
0x2: {  	s2 =	rddreg [dreg:$0x1]  }
0x3: {  	s0 =	rddreg [dreg:$0x2]  }
0x4: {  	s1 =	stileid.u32;
	s4 =	srdreg.scid  }
0x5: {  	s3 =	simm.s32 $0x0;
	s17 =	simm.s32 $0x3;
	s18 =	simm.s32 $0x100  }
0x6: {  	s19 =	simm.s32 $0x80;
	s20 =	simm.s32 $0x2900;
	s21 =	simm.s32 $0x1  }
0x7: {  	s22 =	simm.s32 $0x2;
	s23 =	simm.s32 $0x0;
	s6 =	smul.u32 $0xC580, s1  }
0x8: {  	s7 =	sand.u32 $0x1, s4;
	[smem:$0x7FF] =	sst s3;
	s4 =	sadd.s32 $0x599400, s5  }
0x9: {  	s10 =	sadd.s32 $0x50E00, s5;
	s26 =	smul.u32 $0x2800, s1;
	s13 =	sshll.u32 s1, $0x7  }
0xa: {  	s29 =	sshll.u32 s1, $0x4;
	s8 =	smul.u32 $0xC5800, s7;
	_ =	strace $0x80000050  }
0xb: {  	s24 =	ssub.s32 $0x2, s7;
	s12 =	smul.u32 $0xC80000, s7;
	s28 =	sor.u32 $0x800, s13  }
0xc: {  	s7 =	sadd.s32 s10, s29;
	s9 =	sshrl.u32 s6, $0x3;
	s25 =	sshrl.u32 s24, $0x1  }
0xd: {  	s13 =	smul.u32 $0x50, s28;
	s8 =	sadd.s32 s6, s8;
	s9 =	sadd.s32 s9, s5  }
0xe: {  	s14 =	ssub.s32 s24, s25;
	s15 =	sor.u32 s26, s12;
	s6 =	sadd.s32 s6, s2  }
0xf: {  	s8 =	sshrl.u32 s8, $0x3;
	s12 =	sor.u32 s12, s13;
	s31 =	sadd.s32 $0x78000, s15  }
0x10: {  	s13 =	sadd.s32 $0x300, s7;
	s11 =	sadd.s32 s8, s5;
	s5 =	sadd.s32 $0x6C00, s9  }
0x11: {  	s8 =	sshrl.u32 s15, $0x3;
	s9 =	sshrl.u32 s28, $0x3;
	s30 =	sshrl.u32 s12, $0x3  }
0x12: {  	s16 =	sshrl.u32 s31, $0x3;
	s12 =	smax.u32 s14, $0x1;
	s15 =	sadd.s32 $0x50000, s15  }
0x13: {  	s8 =	sadd.s32 s4, s8;
	s9 =	sadd.s32 s10, s9;
	s10 =	sadd.s32 s4, s30  }
0x14: {  	s11 =	sadd.s32 $0x8B9400, s11;
	s14 =	sadd.s32 s16, s4;
	s16 =	simm.s32 $0x5100  }
.LBB2_1:
0x15: {  	[tilespmem:s16], [sflag:$0x3] =	stream.linear.gather [hbm4b:s5+s3], $0xC580, $0x38;
	[tilespmem:$0x1DC00] =	vst v63  }
0x16: {  	_ =	swait.ge [sflag:s17], $0xC580  }
0x17: {  	[sflag:s17] =	ssyncset.done $0x0  }
0x18: {  	[sflag:s17] =	ssyncadd.s32 $0xFFFF3A80  }
0x19: {  	[spmem:s6] =	stream.linear.scatter [tilespmem:s16], [sflag:$0x3], $0xC580, $0x38;
	[tilespmem:$0x1DC00] =	vst v63  }
0x1a: {  	_ =	swait.ge [sflag:s17], $0xC580  }
0x1b: {  	[sflag:s17] =	ssyncset.done $0x0  }
0x1c: {  	[sflag:s17] =	ssyncadd.s32 $0xFFFF3A80  }
0x1d: {  	[bflag:$0x0] =	sbarrier.arrive $0xFFFF  }
0x1e: {  	[tilespmem:s3], [sflag:$0x1] =	stream.linear.gather [hbm4b:s7+s3], $0x80, $0x38;
	[tilespmem:$0x1DC00] =	vst v63  }
0x1f: {  	_ = 	snop  }
0x20: {  	[tilespmem:s18], [sflag:$0x1] =	stream.linear.gather [hbm4b:s8+s3], $0x2800, $0x38;
	[tilespmem:$0x1DC00] =	vst v63  }
0x21: {  	_ = 	snop  }
0x22: {  	[tilespmem:s19], [sflag:$0x2] =	stream.linear.gather [hbm4b:s9+s3], $0x80, $0x38;
	[tilespmem:$0x1DC00] =	vst v63  }
0x23: {  	_ = 	snop  }
0x24: {  	[tilespmem:s20], [sflag:$0x2] =	stream.linear.gather [hbm4b:s10+s3], $0x2800, $0x38;
	[tilespmem:$0x1DC00] =	vst v63  }
0x25: {  	_ =	swait.ge [sflag:s21], $0x80  }
0x26: {  	[sflag:s21] =	ssyncset.done $0x0  }
0x27: {  	[sflag:s21] =	ssyncadd.s32 $0xFFFFFF80  }
0x28: {  	_ =	swait.ge [sflag:s21], $0x2800  }
0x29: {  	[sflag:s21] =	ssyncset.done $0x0  }
0x2a: {  	[sflag:s21] =	ssyncadd.s32 $0xFFFFD800  }
0x2b: {  	[spmem:s2] =	stream.indirect.scatter.add.f32 [tilespmem:s18], [sflag:$0x3], $0x50, s3, s19, $0xb8;
	[tilespmem:$0x1DC00] =	vst v63  }
0x2c: {  	_ =	swait.ge [sflag:s17], $0x2800  }
0x2d: {  	[sflag:s17] =	ssyncset.done $0x0  }
0x2e: {  	s24 =	sadd.s32 $0xFFFFFF00, s13;
	s25 =	sshrl.u32 s15, $0x3;
	[sflag:s17] =	ssyncadd.s32 $0xFFFFD800  }
0x2f: {  	[tilespmem:s3], [sflag:$0x1] =	stream.linear.gather [hbm4b:s24+s3], $0x80, $0x38;
	[tilespmem:$0x1DC00] =	vst v63  }
0x30: {  	s31 =	sadd.s32 s4, s25  }
0x31: {  	[tilespmem:s18], [sflag:$0x1] =	stream.linear.gather [hbm4b:s31+s3], $0x2800, $0x38;
	[tilespmem:$0x1DC00] =	vst v63  }
0x32: {  	_ =	swait.ge [sflag:s22], $0x80  }
0x33: {  	[sflag:s22] =	ssyncset.done $0x0  }
0x34: {  	[sflag:s22] =	ssyncadd.s32 $0xFFFFFF80  }
0x35: {  	_ =	swait.ge [sflag:s22], $0x2800  }
0x36: {  	[sflag:s22] =	ssyncset.done $0x0  }
0x37: {  	[sflag:s22] =	ssyncadd.s32 $0xFFFFD800  }
0x38: {  	[spmem:s2] =	stream.indirect.scatter.add.f32 [tilespmem:s20], [sflag:$0x3], $0x50, s19, s19, $0xb8;
	[tilespmem:$0x1DC00] =	vst v63  }
0x39: {  	_ =	swait.ge [sflag:s17], $0x2800  }
0x3a: {  	s28 =	sadd.s32 $0x0, s14;
	s26 =	sadd.s32 $0x50000, s15;
	[sflag:s17] =	ssyncset.done $0x0  }
0x3b: {  	s25 =	sadd.s32 $0x200, s13;
	s24 =	simm.s32 $0xA000;
	[sflag:s17] =	ssyncadd.s32 $0xFFFFD800  }
0x3c: {  	[tilespmem:s19], [sflag:$0x2] =	stream.linear.gather [hbm4b:s13+s3], $0x80, $0x38;
	[tilespmem:$0x1DC00] =	vst v63  }
.LBB2_2:
0x3d: {  	[tilespmem:s20], [sflag:$0x2] =	stream.linear.gather [hbm4b:s28+s3], $0x2800, $0x38;
	[tilespmem:$0x1DC00] =	vst v63  }
0x3e: {  	s28 =	smov.u32 s24  }
0x3f: {  	p0 =	sne.s32 s24, $0x17C000;
	s24 =	sadd.s32 $0xA000, s24;
	_ =	swait.ge [sflag:s21], $0x80  }
0x40: {  	[sflag:s21] =	ssyncset.done $0x0  }
0x41: {  	[sflag:s21] =	ssyncadd.s32 $0xFFFFFF80  }
0x42: {  	_ =	swait.ge [sflag:s21], $0x2800  }
0x43: {  	[sflag:s21] =	ssyncset.done $0x0  }
0x44: {  	[sflag:s21] =	ssyncadd.s32 $0xFFFFD800  }
0x45: {  	[spmem:s2] =	stream.indirect.scatter.add.f32 [tilespmem:s18], [sflag:$0x3], $0x50, s3, s19, $0xb8;
	[tilespmem:$0x1DC00] =	vst v63  }
0x46: {  	_ =	swait.ge [sflag:s17], $0x2800  }
0x47: {  	[sflag:s17] =	ssyncset.done $0x0  }
0x48: {  	s29 =	sadd.s32 $0xFFFFFF00, s25;
	s30 =	sshrl.u32 s26, $0x3;
	[sflag:s17] =	ssyncadd.s32 $0xFFFFD800  }
0x49: {  	[tilespmem:s3], [sflag:$0x1] =	stream.linear.gather [hbm4b:s29+s3], $0x80, $0x38;
	[tilespmem:$0x1DC00] =	vst v63  }
0x4a: {  	s29 =	sadd.s32 s4, s30  }
0x4b: {  	[tilespmem:s18], [sflag:$0x1] =	stream.linear.gather [hbm4b:s29+s3], $0x2800, $0x38;
	[tilespmem:$0x1DC00] =	vst v63  }
0x4c: {  	_ =	swait.ge [sflag:s22], $0x80  }
0x4d: {  	[sflag:s22] =	ssyncset.done $0x0  }
0x4e: {  	[sflag:s22] =	ssyncadd.s32 $0xFFFFFF80  }
0x4f: {  	_ =	swait.ge [sflag:s22], $0x2800  }
0x50: {  	[sflag:s22] =	ssyncset.done $0x0  }
0x51: {  	[sflag:s22] =	ssyncadd.s32 $0xFFFFD800  }
0x52: {  	[spmem:s2] =	stream.indirect.scatter.add.f32 [tilespmem:s20], [sflag:$0x3], $0x50, s19, s19, $0xb8;
	[tilespmem:$0x1DC00] =	vst v63  }
.Ltmp0:
0x53: {  	_ =	swait.ge [sflag:s17], $0x2800;
	(pc) =	sbr.rel @p0 .LBB2_2-.Ltmp0, $4  }
0x54: {  	[sflag:s17] =	ssyncset.done $0x0  }
0x55: {  	[sflag:s17] =	ssyncadd.s32 $0xFFFFD800  }
0x56: {  	[tilespmem:s19], [sflag:$0x2] =	stream.linear.gather [hbm4b:s25+s3], $0x80, $0x38;
	[tilespmem:$0x1DC00] =	vst v63  }
0x57: {  	s26 =	sadd.s32 $0x50000, s26;
	s28 =	sadd.s32 s28, s14;
	s25 =	sadd.s32 $0x200, s25  }
0x58: {  	[tilespmem:s20], [sflag:$0x2] =	stream.linear.gather [hbm4b:s28+s3], $0x2800, $0x38;
	[tilespmem:$0x1DC00] =	vst v63  }
0x59: {  	_ =	swait.ge [sflag:s21], $0x80  }
0x5a: {  	[sflag:s21] =	ssyncset.done $0x0  }
0x5b: {  	[sflag:s21] =	ssyncadd.s32 $0xFFFFFF80  }
0x5c: {  	_ =	swait.ge [sflag:s21], $0x2800  }
0x5d: {  	[sflag:s21] =	ssyncset.done $0x0  }
0x5e: {  	[sflag:s21] =	ssyncadd.s32 $0xFFFFD800  }
0x5f: {  	[spmem:s2] =	stream.indirect.scatter.add.f32 [tilespmem:s18], [sflag:$0x3], $0x50, s3, s19, $0xb8;
	[tilespmem:$0x1DC00] =	vst v63  }
0x60: {  	_ =	swait.ge [sflag:s17], $0x2800  }
0x61: {  	[sflag:s17] =	ssyncset.done $0x0  }
0x62: {  	[sflag:s17] =	ssyncadd.s32 $0xFFFFD800  }
0x63: {  	_ =	swait.ge [sflag:s22], $0x80  }
0x64: {  	[sflag:s22] =	ssyncset.done $0x0  }
0x65: {  	[sflag:s22] =	ssyncadd.s32 $0xFFFFFF80  }
0x66: {  	_ =	swait.ge [sflag:s22], $0x2800  }
0x67: {  	[sflag:s22] =	ssyncset.done $0x0  }
0x68: {  	[sflag:s22] =	ssyncadd.s32 $0xFFFFD800  }
0x69: {  	[spmem:s2] =	stream.indirect.scatter.add.f32 [tilespmem:s20], [sflag:$0x3], $0x50, s19, s19, $0xb8;
	[tilespmem:$0x1DC00] =	vst v63  }
0x6a: {  	_ =	swait.ge [sflag:s17], $0x2800  }
0x6b: {  	[sflag:s17] =	ssyncset.done $0x0  }
0x6c: {  	[sflag:s17] =	ssyncadd.s32 $0xFFFFD800  }
0x6d: {  	[bflag:$0x0] =	sbarrier.arrive $0xFFFF  }
0x6e: {  	[tilespmem:s16], [sflag:$0x3] =	stream.linear.gather [spmem:s6], $0xC580, $0x38;
	[tilespmem:$0x1DC00] =	vst v63  }
0x6f: {  	s23 =	sadd.s32 $0x1, s23;
	_ =	swait.ge [sflag:s17], $0xC580  }
0x70: {  	p0 =	sne.s32 s23, s12;
	[sflag:s17] =	ssyncset.done $0x0  }
.Ltmp1:
0x71: {  	[sflag:s17] =	ssyncadd.s32 $0xFFFF3A80;
	(pc) =	sbr.rel @p0 .LBB2_1-.Ltmp1, $4  }
0x72: {  	[hbm4b:s11+s3] =	stream.linear.scatter [tilespmem:s16], [sflag:$0x3], $0xC580, $0x38;
	[tilespmem:$0x1DC00] =	vst v63  }
0x73: {  	_ =	swait.ge [sflag:s17], $0xC580  }
0x74: {  	[sflag:s17] =	ssyncset.done $0x0  }
0x75: {  	[sflag:s17] =	ssyncadd.s32 $0xFFFF3A80  }
0x76: {  	_ =	sfence.sel $0x180000  }
0x77: {  	[bflag:$0x0] =	sbarrier.arrive $0xFFFF  }
0x78: {  	p0 =	sne.s32 s1, $0x0;
	_ =	strace $0x90000050  }
0x79: {  	s0 =	sadd.s32 @!p0 $0x100000, s0;
	[bflag:$0x2] =	sbarrier.arrive $0xFFFF  }
0x7a: {  	[sflag:s0] =	ssyncadd.tile.s32 @!p0 $0x1;
	_ =	shalt  }
.Lfunc_end2:
_tile_overlayer_lowered:
.L_overlay_start_2:
0x7b: {  	(tag) =	ssettag $0x2  }
0x7c: {  	s0 =	rddreg [dreg:$0x0];
	s2 =	stileid.u32  }
0x7d: {  	s1 =	rddreg [dreg:$0x1];
	p0 =	sne.s32 s2, $0x0  }
0x7e: {  	s3 =	rddreg [dreg:$0x2];
	[bflag:$0x3] =	sbarrier.arrive $0xFFFF;
	s2 =	simm.s32 @!p0 $0x1C03  }
0x7f: {  	[timem:s3], [sflag:s2] =	dma.local @!p0 [hbm:s0], s1  }
0x80: {  	s0 =	simm.s32 @!p0 $0x3  }
0x81: {  	_ =	swait.ge @!p0 [sflag:s0], s1  }
0x82: {  	s1 =	ssub.s32 @!p0 $0x0, s1;
	[sflag:s0] =	ssyncset.done @!p0 $0x0  }
0x83: {  	[sflag:s0] =	ssyncadd.s32 @!p0 s1  }
0x84: {  	[bflag:$0x3] =	sbarrier.arrive $0xFFFF  }
0x85: {  	_ =	shalt  }

// kernel: kernel.33.cloned.1.call-start
scs
__scs_entry_jumppad:
0x0: {  	(pc) =	sbr.rel $0x88, $3  }
0x1: {  	(tag) =	ssettag $0x0;
	lr =	simm.s32 $0x1  }
0x2: {  	[smem:$0x3F82] =	sst lr;
	_ =	strace $0xD0000000  }
0x3: {  	_ = 	snop  }
0x4: {  	_ = 	snop  }
0x5: {  	_ = 	snop  }
0x6: {  	_ = 	snop  }
0x7: {  	_ = 	snop  }
__scs_overlays_trampoline_lowered:
0x8: {  	[smem:$0x3F91] =	sst s0  }
0x9: {  	[smem:$0x3F92] =	sst s1  }
0xa: {  	[smem:$0x3F93] =	sst s2  }
0xb: {  	[smem:$0x3F94] =	sst s3  }
0xc: {  	[smem:$0x3F95] =	sst s4  }
0xd: {  	[smem:$0x3F96] =	sst s5  }
0xe: {  	[smem:$0x3F97] =	sst s6  }
0xf: {  	[smem:$0x3F98] =	sst s7  }
0x10: {  	[smem:$0x3F99] =	sst s8  }
0x11: {  	[smem:$0x3F9A] =	sst s9;
	s0 =	simm.s32 @!p0 $0x0  }
0x12: {  	s1 =	sld [smem:$0x3F80];
	s0 =	simm.s32 @p0 $0x1  }
0x13: {  	[smem:$0x3F9B] =	sst s0;
	s0 =	simm.s32 @!p1 $0x0  }
0x14: {  	s2 =	sld [smem:$0x3F7F];
	s0 =	simm.s32 @p1 $0x1  }
0x15: {  	[smem:$0x3F9C] =	sst s0;
	s0 =	simm.s32 @!p2 $0x0  }
0x16: {  	s3 =	sld [smem:$0x3FDB];
	s0 =	simm.s32 @p2 $0x1  }
0x17: {  	s4 =	simm.s32 $0x1BF5;
	[smem:$0x3F9E] =	sst s0  }
0x18: {  	s0 =	sld [smem:$0x3F81];
	_ =	swait.ge [sflag:s4], $0x0  }
0x19: {  	s7 =	sld [smem:$0x3F82]  }
0x1a: {  	s8 =	sadd.s32 $0xFFFFE003, lr  }
0x1b: {  	s9 =	sadd.s32 $0xFFFFFEF7, lr;
	s5 =	simm.s32 $0xFFFFFFFF;
	p2 =	slt.u32 s8, $0xFFFFF086  }
0x1c: {  	p1 =	slt.u32 s9, $0xF7A;
	s5 =	simm.s32 @!p2 $0x0  }
0x1d: {  	s5 =	simm.s32 @p1 $0x1;
	p0 =	seq.s32 s7, s2  }
0x1e: {  	s7 =	smul.u32 @!p0 $0xF7A, s2;
	p2 =	seq.s32 @!p0 s5, $0x0  }
0x1f: {  	s9 =	smul.u32 $0xF7A, s1;
	s8 =	simm.s32 @!p0 $0x1BF5;
	p2 =	por !p2, p0  }
0x20: {  	[sflag:s8] =	ssyncset.s32 @!p0 $0xFFFFF086;
	s6 =	sadd.s32 @!p0 s3, s7;
	s7 =	simm.s32 @!p0 $0x108  }
0x21: {  	s3 =	sadd.s32 s3, s9;
	s6 =	sadd.s32 @!p0 $0x88, s6;
	s7 =	simm.s32 @p2 $0x1082  }
0x22: {  	[simem:s7], [sflag:s8] =	dma.local @!p0 [hbm:s6], $0xF7A  }
0x23: {  	s9 =	sor.u32 $0xD0000000, s2;
	s6 =	simm.s32 $0x108;
	_ =	swait.ge @!p0 [sflag:s8], $0x0  }
0x24: {  	s3 =	sadd.s32 $0x88, s3;
	s6 =	simm.s32 @!p1 $0x1082;
	[sflag:s4] =	ssyncset.s32 $0xFFFFF086  }
0x25: {  	[simem:s6], [sflag:s4] =	dma.local [hbm:s3], $0xF7A  }
0x26: {  	[smem:$0x3F82] =	sst s1;
	(tag) =	ssettag s2;
	_ =	strace s9  }
0x27: {  	s1 =	sld [smem:$0x3F92]  }
0x28: {  	s2 =	sld [smem:$0x3F93]  }
0x29: {  	s4 =	sld [smem:$0x3F95]  }
0x2a: {  	p0 =	seq.s32 s5, $0x0;
	s5 =	sld [smem:$0x3F96]  }
0x2b: {  	s6 =	sld [smem:$0x3F97]  }
0x2c: {  	s7 =	sld [smem:$0x3F98]  }
0x2d: {  	s3 =	simm.s32 $0x108;
	s8 =	sld [smem:$0x3F99]  }
0x2e: {  	s3 =	simm.s32 @!p0 $0x1082;
	s9 =	sld [smem:$0x3F9A]  }
0x2f: {  	lr =	sadd.s32 s0, s3;
	s0 =	sld [smem:$0x3F91]  }
0x30: {  	s3 =	sld [smem:$0x3F94]  }
0x31: {  	[smem:$0x3F9D] =	sst s10  }
0x32: {  	s10 =	sld [smem:$0x3F9B];
	_ =	sdelay $0x3  }
0x33: {  	p0 =	seq.s32 s10, $0x1;
	s10 =	sld [smem:$0x3F9D];
	_ =	sdelay $0x3  }
0x34: {  	[smem:$0x3F9D] =	sst s10  }
0x35: {  	s10 =	sld [smem:$0x3F9C];
	_ =	sdelay $0x3  }
0x36: {  	p1 =	seq.s32 s10, $0x1;
	s10 =	sld [smem:$0x3F9D];
	_ =	sdelay $0x3  }
0x37: {  	[smem:$0x3F9D] =	sst s10  }
0x38: {  	s10 =	sld [smem:$0x3F9E]  }
0x39: {  	_ = 	snop;
	(pc) =	sbr.ind lr, $3  }
0x3a: {  	_ = 	snop  }
0x3b: {  	_ = 	snop  }
0x3c: {  	p2 =	seq.s32 s10, $0x1;
	s10 =	sld [smem:$0x3F9D]  }
0x3d: {  	_ =	shalt  }
0x3e: {  	_ =	shalt  }
0x3f: {  	_ =	shalt  }
0x40: {  	_ =	shalt  }
0x41: {  	_ =	shalt  }
0x42: {  	_ =	shalt  }
0x43: {  	_ =	shalt  }
0x44: {  	_ =	shalt  }
0x45: {  	_ =	shalt  }
0x46: {  	_ =	shalt  }
0x47: {  	_ =	shalt  }
0x48: {  	_ =	shalt  }
0x49: {  	_ =	shalt  }
0x4a: {  	_ =	shalt  }
0x4b: {  	_ =	shalt  }
0x4c: {  	_ =	shalt  }
0x4d: {  	_ =	shalt  }
0x4e: {  	_ =	shalt  }
0x4f: {  	_ =	shalt  }
0x50: {  	_ =	shalt  }
0x51: {  	_ =	shalt  }
0x52: {  	_ =	shalt  }
0x53: {  	_ =	shalt  }
0x54: {  	_ =	shalt  }
0x55: {  	_ =	shalt  }
0x56: {  	_ =	shalt  }
0x57: {  	_ =	shalt  }
0x58: {  	_ =	shalt  }
0x59: {  	_ =	shalt  }
0x5a: {  	_ =	shalt  }
0x5b: {  	_ =	shalt  }
0x5c: {  	_ =	shalt  }
0x5d: {  	_ =	shalt  }
0x5e: {  	_ =	shalt  }
0x5f: {  	_ =	shalt  }
0x60: {  	_ =	shalt  }
0x61: {  	_ =	shalt  }
0x62: {  	_ =	shalt  }
0x63: {  	_ =	shalt  }
0x64: {  	_ =	shalt  }
0x65: {  	_ =	shalt  }
0x66: {  	_ =	shalt  }
0x67: {  	_ =	shalt  }
0x68: {  	_ =	shalt  }
0x69: {  	_ =	shalt  }
0x6a: {  	_ =	shalt  }
0x6b: {  	_ =	shalt  }
0x6c: {  	_ =	shalt  }
0x6d: {  	_ =	shalt  }
0x6e: {  	_ =	shalt  }
0x6f: {  	_ =	shalt  }
0x70: {  	_ =	shalt  }
0x71: {  	_ =	shalt  }
0x72: {  	_ =	shalt  }
0x73: {  	_ =	shalt  }
0x74: {  	_ =	shalt  }
0x75: {  	_ =	shalt  }
0x76: {  	_ =	shalt  }
0x77: {  	_ =	shalt  }
0x78: {  	_ =	shalt  }
0x79: {  	_ =	shalt  }
0x7a: {  	_ =	shalt  }
0x7b: {  	_ =	shalt  }
0x7c: {  	_ =	shalt  }
0x7d: {  	_ =	shalt  }
0x7e: {  	_ =	shalt  }
0x7f: {  	_ =	shalt  }
0x80: {  	_ =	shalt  }
0x81: {  	_ =	shalt  }
0x82: {  	_ =	shalt  }
0x83: {  	_ =	shalt  }
0x84: {  	_ =	shalt  }
0x85: {  	_ =	shalt  }
0x86: {  	_ =	shalt  }
0x87: {  	_ =	shalt  }
.Lfunc_end0:
.L_simem_size_0:
called_computation.4_lowered:
.L_overlay_start_0:
0x88: {  	s2 =	sld [smem:$0x3FD9]  }
0x89: {  	s3 =	sld [smem:$0x3FFE];
	_ =	sdelay $0x1  }
0x8a: {  	s1 =	srdreg.scid  }
0x8b: {  	s0 =	sand.u32 $0x1, s1  }
0x8c: {  	s16 =	sshll.u32 s0, $0xA;
	s2 =	sadd.s32 s3, s2  }
0x8d: {  	s2 =	sadd.s32 s2, s16  }
0x8e: {  	[smem:$0x3FA9] =	sst s2  }
0x8f: {  	_ = 	snop  }
0x90: {  	(tm) =	ssettm $0x1  }
0x91: {  	s17 =	sld [smem:$0x3FFB];
	_ =	sdelay $0x3  }
0x92: {  	_ =	strace s17  }
0x93: {  	s2 =	sld [smem:$0x3FFC];
	_ =	sdelay $0x3  }
0x94: {  	_ =	strace s2  }
0x95: {  	s2 =	sld [smem:$0x3FFD];
	_ =	sdelay $0x3  }
0x96: {  	_ =	strace s2  }
0x97: {  	_ =	strace $0x8FFFFFFF  }
0x98: {  	s18 =	sld [smem:$0x3FDB];
	_ =	sdelay $0x1  }
0x99: {  	s19 =	simm.s32 $_scs_section_size  }
0x9a: {  	s4 =	simm.s32 $_size__tile_overlayer_lowered;
	s5 =	simm.s32 $_tile_overlayer_lowered  }
0x9b: {  	s22 =	simm.s32 $0x1BFF;
	s21 =	sshll.u32 s5, $0x1;
	s2 =	sadd.s32 s19, s18  }
0x9c: {  	s6 =	simm.s32 $0x0;
	s20 =	sshll.u32 s4, $0x1;
	s4 =	sadd.s32 s21, s2  }
0x9d: {  	[timem:s6], [sflag:s22] =	dma.local [hbm:s4], s20  }
0x9e: {  	_ =	swait.ge [sflag:s22], s20  }
0x9f: {  	s3 =	ssub.s32 $0x0, s20;
	[sflag:s22] =	ssyncset.done $0x0  }
0xa0: {  	[sflag:s22] =	ssyncadd.s32 s3;
	_ =	sdelay $0x1  }
0xa1: {  	s23 =	simm.s32 $0x1B8B  }
0xa2: {  	_ =	swait.ge [sflag:s23], $0x1  }
0xa3: {  	[sflag:s23] =	ssyncset.done $0x0  }
0xa4: {  	s25 =	simm.s32 $0x1B8E;
	s24 =	sld [smem:$0x3FFE];
	[sflag:s23] =	ssyncadd.s32 $0xFFFFFFFF  }
0xa5: {  	s26 =	simm.s32 $execute0_lowered;
	[smem:$0x3FD2] =	sst s25  }
0xa6: {  	s4 =	sshll.u32 s26, $0x1;
	_ =	strace $0x80000052;
	[dreg:$0x1] =	wrdreg $0xFFFFFFFF  }
0xa7: {  	s28 =	simm.s32 $_size_execute0_lowered;
	s2 =	sadd.s32 s2, s4;
	[dreg:$0x0] =	wrdreg $0x0  }
0xa8: {  	s4 =	sshll.u32 s28, $0x1;
	[dreg:$0x2] =	wrdreg s2  }
0xa9: {  	[dreg:$0x3] =	wrdreg s4  }
0xaa: {  	[dreg:$0x4] =	wrdreg $0xC0  }
0xab: {  	_ =	task [dreg:s6], $0x5FFFF  }
0xac: {  	[dreg:$0x1] =	wrdreg $0xFFFFFFFF  }
0xad: {  	[dreg:$0x0] =	wrdreg $0x60  }
0xae: {  	[dreg:$0x2] =	wrdreg s24  }
0xaf: {  	[dreg:$0x3] =	wrdreg $0x9  }
0xb0: {  	_ =	task.clear_ibuf [dreg:s6], $0x4FFFF;
	_ =	strace $0x90000052  }
0xb1: {  	s29 =	simm.s32 $0x9;
	_ =	strace $0x80000054  }
0xb2: {  	_ =	swait.ge [sflag:s29], $0x1  }
0xb3: {  	[sflag:s29] =	ssyncadd.s32 $0xFFFFFFFF  }
0xb4: {  	_ =	strace $0x90000054  }
0xb5: {  	_ =	sfence  }
0xb6: {  	s30 =	sld [smem:$0x0];
	_ =	sdelay $0x2  }
0xb7: {  	s31 =	sshll.u32 s1, $0xD;
	s1 =	sshrl.u32 s1, $0x2  }
0xb8: {  	s3 =	sand.u32 $0x4000, s31;
	s1 =	sadd.s32 s1, s30  }
0xb9: {  	s0 =	sor.u32 s3, s0;
	s1 =	sshll.u32 s1, $0x11  }
0xba: {  	s0 =	sor.u32 s1, s0  }
0xbb: {  	s0 =	sadd.s32 $0x8F2B, s0  }
0xbc: {  	[sflag:s0] =	ssyncadd.remote.s32 $0x1  }
0xbd: {  	_ =	sfence.sel $0xFFFF  }
0xbe: {  	[dreg:$0x0] =	wrdreg $0xFFFFFFFF;
	(pc) =	sbr.abs _section_cstart, $3  }
0xbf: {  	[dreg:$0x1] =	wrdreg $0xFFFFFFFF  }
0xc0: {  	_ =	task.clear_ibuf [dreg:s6], $0x2FFFF;
	_ =	strace $0x9FFFFFFF  }
0xc1: {  	(tm) =	ssettm $0x7FFFFFFF  }
tec
execute0_lowered:
.L_overlay_start_1:
0x0: {  	(tag) =	ssettag $0x1  }
0x1: {  	s0 =	rddreg [dreg:$0x0];
	s1 =	simm.s32 $0x0  }
0x2: {  	s2 =	srdreg.scid;
	s14 =	stileid.u32;
	s28 =	simm.s32 $0x4200  }
0x3: {  	s29 =	simm.s32 $0xC200;
	s30 =	simm.s32 $0x1;
	s31 =	simm.s32 $0x2  }
0x4: {  	[smem:$0x7FF] =	sst s1;
	s3 =	sadd.s32 $0x1F800, s0;
	s4 =	sadd.s32 $0x55E00, s0  }
0x5: {  	s2 =	sand.u32 $0x1, s2;
	s7 =	sshll.u32 s14, $0x1;
	s5 =	sadd.s32 $0x594400, s0  }
0x6: {  	s6 =	sadd.s32 $0x58F400, s0;
	s8 =	sadd.s32 $0x7D000, s0;
	s23 =	sshll.u32 s14, $0x8  }
0x7: {  	s25 =	sshll.u32 s14, $0xF;
	_ =	strace $0x80000053;
	s10 =	sor.u32 s2, s7  }
0x8: {  	s7 =	sadd.s32 $0x2EE000, s0;
	s9 =	ssub.s32 $0x2, s2;
	s24 =	sshll.u32 s2, $0x7  }
0x9: {  	s2 =	sshll.u32 s2, $0xE;
	s11 =	ssub.s32 $0x501, s10;
	s15 =	sshrl.u32 s9, $0x1  }
0xa: {  	s16 =	sshll.u32 s10, $0x4;
	s17 =	sshll.u32 s10, $0x7;
	s19 =	sshll.u32 s10, $0xE  }
0xb: {  	s10 =	sshll.u32 s10, $0xB;
	s26 =	sor.u32 s24, s23;
	s2 =	sor.u32 s2, s25  }
0xc: {  	s23 =	simm.s32 $0x80;
	s11 =	sshrl.u32 s11, $0x5;
	s0 =	ssub.s32 s9, s15  }
0xd: {  	s12 =	sadd.s32 s5, s16;
	s13 =	sor.u32 $0x200, s16;
	[dreg:$0x2] =	wrdreg s17  }
0xe: {  	s9 =	sadd.s32 $0xFFFFFFFF, s11;
	[dreg:$0x3] =	wrdreg s12;
	s11 =	sadd.s32 s6, s16  }
0xf: {  	s24 =	simm.s32 $0x200;
	s18 =	sadd.s32 s5, s13;
	[dreg:$0x4] =	wrdreg s11  }
0x10: {  	s10 =	sor.u32 $0x260000, s10;
	s13 =	sadd.s32 s6, s13;
	[dreg:$0x5] =	wrdreg s18  }
0x11: {  	s25 =	simm.s32 $0x8200;
	s21 =	sadd.s32 s7, s10;
	[dreg:$0x6] =	wrdreg s13  }
0x12: {  	s10 =	sadd.s32 s8, s10;
	s20 =	sshll.u32 s9, $0x13;
	[dreg:$0x7] =	wrdreg s21  }
0x13: {  	[dreg:$0x8] =	wrdreg s10;
	s18 =	smax.u32 s0, $0x1;
	s21 =	simm.s32 $0x5  }
0x14: {  	s0 =	simm.s32 $0x3;
	s10 =	simm.s32 $0x0;
	s11 =	sor.u32 s19, s20  }
0x15: {  	s19 =	sor.u32 $0x2000, s26;
	s20 =	sshrl.u32 s2, $0x3;
	s22 =	sshrl.u32 s11, $0x3  }
0x16: {  	s26 =	simm.s32 $0x180;
	s2 =	simm.s32 $0x4;
	s11 =	sadd.s32 s7, s22  }
0x17: {  	s17 =	sadd.s32 s8, s22;
	s22 =	simm.s32 $0x100;
	[dreg:$0x9] =	wrdreg s11  }
.LBB2_1:
0x18: {  	s11 =	rddreg [dreg:$0x3]  }
0x19: {  	[tilespmem:s1], [sflag:$0x5] =	stream.linear.gather [hbm4b:s11+s1], $0x80, $0x38;
	[tilespmem:$0x10200] =	vst v63  }
0x1a: {  	_ =	swait.ge [sflag:s21], $0x80  }
0x1b: {  	[sflag:s21] =	ssyncset.done $0x0  }
0x1c: {  	s15 =	rddreg [dreg:$0x4];
	[sflag:s21] =	ssyncadd.s32 $0xFFFFFF80  }
0x1d: {  	[tilespmem:s22], [sflag:$0x5] =	stream.linear.gather [hbm4b:s15+s1], $0x80, $0x38;
	[tilespmem:$0x10200] =	vst v63  }
0x1e: {  	_ =	swait.ge [sflag:s21], $0x80  }
0x1f: {  	[sflag:s21] =	ssyncset.done $0x0  }
0x20: {  	[sflag:s21] =	ssyncadd.s32 $0xFFFFFF80  }
0x21: {  	[tilespmem:s24], [sflag:$0x1] =	stream.indirect.gather [hbm4b:s3+s23], $0x80, s1, s23, $0xb8;
	[tilespmem:$0x10200] =	vst v63  }
0x22: {  	_ = 	snop  }
0x23: {  	[tilespmem:s25], [sflag:$0x1] =	stream.indirect.gather [hbm4b:s4+s23], $0x80, s22, s23, $0xb8;
	[tilespmem:$0x10200] =	vst v63  }
0x24: {  	s16 =	rddreg [dreg:$0x5]  }
0x25: {  	[tilespmem:s23], [sflag:$0x5] =	stream.linear.gather [hbm4b:s16+s1], $0x80, $0x38;
	[tilespmem:$0x10200] =	vst v63  }
0x26: {  	_ =	swait.ge [sflag:s21], $0x80  }
0x27: {  	[sflag:s21] =	ssyncset.done $0x0  }
0x28: {  	s12 =	rddreg [dreg:$0x6];
	[sflag:s21] =	ssyncadd.s32 $0xFFFFFF80  }
0x29: {  	[tilespmem:s26], [sflag:$0x5] =	stream.linear.gather [hbm4b:s12+s1], $0x80, $0x38;
	[tilespmem:$0x10200] =	vst v63  }
0x2a: {  	_ =	swait.ge [sflag:s21], $0x80  }
0x2b: {  	[sflag:s21] =	ssyncset.done $0x0  }
0x2c: {  	[sflag:s21] =	ssyncadd.s32 $0xFFFFFF80  }
0x2d: {  	[tilespmem:s28], [sflag:$0x2] =	stream.indirect.gather [hbm4b:s3+s23], $0x80, s23, s23, $0xb8;
	[tilespmem:$0x10200] =	vst v63  }
0x2e: {  	_ = 	snop  }
0x2f: {  	[tilespmem:s29], [sflag:$0x2] =	stream.indirect.gather [hbm4b:s4+s23], $0x80, s26, s23, $0xb8;
	[tilespmem:$0x10200] =	vst v63  }
0x30: {  	_ =	swait.ge [sflag:s30], $0x4000  }
0x31: {  	[sflag:s30] =	ssyncset.done $0x0  }
0x32: {  	[sflag:s30] =	ssyncadd.s32 $0xFFFFC000  }
0x33: {  	_ =	swait.ge [sflag:s30], $0x4000  }
0x34: {  	[sflag:s30] =	ssyncset.done $0x0  }
0x35: {  	s13 =	sadd.s32 s20, s7;
	[sflag:s30] =	ssyncadd.s32 $0xFFFFC000  }
0x36: {  	[hbm4b:s13+s1] =	stream.linear.scatter [tilespmem:s24], [sflag:$0x3], $0x4000, $0x38;
	[tilespmem:$0x10200] =	vst v63  }
0x37: {  	s14 =	sadd.s32 s20, s8  }
0x38: {  	[hbm4b:s14+s1] =	stream.linear.scatter [tilespmem:s25], [sflag:$0x3], $0x4000, $0x38;
	[tilespmem:$0x10200] =	vst v63  }
0x39: {  	_ =	swait.ge [sflag:s31], $0x4000  }
0x3a: {  	[sflag:s31] =	ssyncset.done $0x0  }
0x3b: {  	[sflag:s31] =	ssyncadd.s32 $0xFFFFC000  }
0x3c: {  	_ =	swait.ge [sflag:s31], $0x4000  }
0x3d: {  	s15 =	sor.u32 $0x10000, s20;
	[sflag:s31] =	ssyncset.done $0x0  }
0x3e: {  	s12 =	sadd.s32 s7, s15;
	[sflag:s31] =	ssyncadd.s32 $0xFFFFC000  }
0x3f: {  	[hbm4b:s12+s1] =	stream.linear.scatter [tilespmem:s28], [sflag:$0x4], $0x4000, $0x38;
	[tilespmem:$0x10200] =	vst v63  }
0x40: {  	s11 =	sadd.s32 s8, s15;
	s16 =	sshrl.u32 s19, $0x3  }
0x41: {  	[hbm4b:s11+s1] =	stream.linear.scatter [tilespmem:s29], [sflag:$0x4], $0x4000, $0x38;
	[tilespmem:$0x10200] =	vst v63  }
0x42: {  	s13 =	sadd.s32 s5, s16  }
0x43: {  	[tilespmem:s1], [sflag:$0x5] =	stream.linear.gather [hbm4b:s13+s1], $0x80, $0x38;
	[tilespmem:$0x10200] =	vst v63  }
0x44: {  	_ =	swait.ge [sflag:s21], $0x80  }
0x45: {  	[sflag:s21] =	ssyncset.done $0x0  }
0x46: {  	s14 =	sadd.s32 s6, s16;
	[sflag:s21] =	ssyncadd.s32 $0xFFFFFF80  }
0x47: {  	[tilespmem:s22], [sflag:$0x5] =	stream.linear.gather [hbm4b:s14+s1], $0x80, $0x38;
	[tilespmem:$0x10200] =	vst v63  }
0x48: {  	_ =	swait.ge [sflag:s21], $0x80  }
0x49: {  	[sflag:s21] =	ssyncset.done $0x0  }
0x4a: {  	[sflag:s21] =	ssyncadd.s32 $0xFFFFFF80  }
0x4b: {  	_ =	swait.ge [sflag:s0], $0x4000  }
0x4c: {  	[sflag:s0] =	ssyncset.done $0x0  }
0x4d: {  	p0 =	sgt.s32 s9, $0x3;
	s11 =	smov.u32 s9;
	[sflag:s0] =	ssyncadd.s32 $0xFFFFC000  }
0x4e: {  	s11 =	smov.u32 @p0 s0;
	_ =	swait.ge [sflag:s0], $0x4000  }
0x4f: {  	s11 =	sshll.u32 s11, $0xC;
	[sflag:s0] =	ssyncset.done $0x0;
	s15 =	rddreg [dreg:$0x2]  }
0x50: {  	[sflag:s0] =	ssyncadd.s32 $0xFFFFC000;
	s11 =	sor.u32 s15, s11  }
0x51: {  	[tilespmem:s24], [sflag:$0x1] =	stream.indirect.gather [hbm4b:s3+s23], $0x80, s1, s23, $0xb8;
	[tilespmem:$0x10200] =	vst v63  }
0x52: {  	s11 =	sshrl.u32 s11, $0x3  }
0x53: {  	[tilespmem:s25], [sflag:$0x1] =	stream.indirect.gather [hbm4b:s4+s23], $0x80, s22, s23, $0xb8;
	[tilespmem:$0x10200] =	vst v63  }
0x54: {  	s16 =	sadd.s32 s5, s11  }
0x55: {  	[tilespmem:s23], [sflag:$0x5] =	stream.linear.gather [hbm4b:s16+s1], $0x80, $0x38;
	[tilespmem:$0x10200] =	vst v63  }
0x56: {  	_ =	swait.ge [sflag:s21], $0x80  }
0x57: {  	[sflag:s21] =	ssyncset.done $0x0  }
0x58: {  	s11 =	sadd.s32 s6, s11;
	[sflag:s21] =	ssyncadd.s32 $0xFFFFFF80  }
0x59: {  	[tilespmem:s26], [sflag:$0x5] =	stream.linear.gather [hbm4b:s11+s1], $0x80, $0x38;
	[tilespmem:$0x10200] =	vst v63  }
0x5a: {  	_ =	swait.ge [sflag:s21], $0x80  }
0x5b: {  	[sflag:s21] =	ssyncset.done $0x0  }
0x5c: {  	[sflag:s21] =	ssyncadd.s32 $0xFFFFFF80  }
0x5d: {  	_ =	swait.ge [sflag:s2], $0x4000  }
0x5e: {  	[sflag:s2] =	ssyncset.done $0x0  }
0x5f: {  	[sflag:s2] =	ssyncadd.s32 $0xFFFFC000  }
0x60: {  	_ =	swait.ge [sflag:s2], $0x4000  }
0x61: {  	s12 =	sadd.s32 $0x2000, s19;
	[sflag:s2] =	ssyncset.done $0x0  }
0x62: {  	s13 =	sadd.s32 $0x20000, s20;
	s11 =	simm.s32 $0x5;
	[sflag:s2] =	ssyncadd.s32 $0xFFFFC000  }
.LBB2_2:
0x63: {  	[tilespmem:s28], [sflag:$0x2] =	stream.indirect.gather [hbm4b:s3+s23], $0x80, s23, s23, $0xb8;
	[tilespmem:$0x10200] =	vst v63  }
0x64: {  	_ = 	snop  }
0x65: {  	[tilespmem:s29], [sflag:$0x2] =	stream.indirect.gather [hbm4b:s4+s23], $0x80, s26, s23, $0xb8;
	[tilespmem:$0x10200] =	vst v63  }
0x66: {  	_ =	swait.ge [sflag:s30], $0x4000  }
0x67: {  	[sflag:s30] =	ssyncset.done $0x0  }
0x68: {  	[sflag:s30] =	ssyncadd.s32 $0xFFFFC000  }
0x69: {  	_ =	swait.ge [sflag:s30], $0x4000  }
0x6a: {  	[sflag:s30] =	ssyncset.done $0x0  }
0x6b: {  	s15 =	sadd.s32 s13, s7;
	[sflag:s30] =	ssyncadd.s32 $0xFFFFC000  }
0x6c: {  	[hbm4b:s15+s1] =	stream.linear.scatter [tilespmem:s24], [sflag:$0x3], $0x4000, $0x38;
	[tilespmem:$0x10200] =	vst v63  }
0x6d: {  	s16 =	sadd.s32 s13, s8  }
0x6e: {  	[hbm4b:s16+s1] =	stream.linear.scatter [tilespmem:s25], [sflag:$0x3], $0x4000, $0x38;
	[tilespmem:$0x10200] =	vst v63  }
0x6f: {  	_ =	swait.ge [sflag:s31], $0x4000  }
0x70: {  	[sflag:s31] =	ssyncset.done $0x0  }
0x71: {  	[sflag:s31] =	ssyncadd.s32 $0xFFFFC000  }
0x72: {  	_ =	swait.ge [sflag:s31], $0x4000  }
0x73: {  	s15 =	sor.u32 $0x10000, s13;
	[sflag:s31] =	ssyncset.done $0x0  }
0x74: {  	s16 =	sadd.s32 s7, s15;
	[sflag:s31] =	ssyncadd.s32 $0xFFFFC000  }
0x75: {  	[hbm4b:s16+s1] =	stream.linear.scatter [tilespmem:s28], [sflag:$0x4], $0x4000, $0x38;
	[tilespmem:$0x10200] =	vst v63  }
0x76: {  	s15 =	sadd.s32 s8, s15;
	s16 =	sshrl.u32 s12, $0x3  }
0x77: {  	[hbm4b:s15+s1] =	stream.linear.scatter [tilespmem:s29], [sflag:$0x4], $0x4000, $0x38;
	[tilespmem:$0x10200] =	vst v63  }
0x78: {  	s15 =	sadd.s32 s5, s16  }
0x79: {  	[tilespmem:s1], [sflag:$0x5] =	stream.linear.gather [hbm4b:s15+s1], $0x80, $0x38;
	[tilespmem:$0x10200] =	vst v63  }
0x7a: {  	_ =	swait.ge [sflag:s21], $0x80  }
0x7b: {  	[sflag:s21] =	ssyncset.done $0x0  }
0x7c: {  	s16 =	sadd.s32 s6, s16;
	[sflag:s21] =	ssyncadd.s32 $0xFFFFFF80  }
0x7d: {  	[tilespmem:s22], [sflag:$0x5] =	stream.linear.gather [hbm4b:s16+s1], $0x80, $0x38;
	[tilespmem:$0x10200] =	vst v63  }
0x7e: {  	_ =	swait.ge [sflag:s21], $0x80  }
0x7f: {  	[sflag:s21] =	ssyncset.done $0x0  }
0x80: {  	[sflag:s21] =	ssyncadd.s32 $0xFFFFFF80  }
0x81: {  	_ =	swait.ge [sflag:s0], $0x4000  }
0x82: {  	s14 =	smov.u32 s11;
	[sflag:s0] =	ssyncset.done $0x0  }
0x83: {  	p1 =	slt.s32 s14, s9;
	s15 =	smov.u32 s9;
	[sflag:s0] =	ssyncadd.s32 $0xFFFFC000  }
0x84: {  	s15 =	smov.u32 @p1 s14;
	_ =	swait.ge [sflag:s0], $0x4000  }
0x85: {  	s15 =	sshll.u32 s15, $0xC;
	[sflag:s0] =	ssyncset.done $0x0;
	s16 =	rddreg [dreg:$0x2]  }
0x86: {  	[sflag:s0] =	ssyncadd.s32 $0xFFFFC000;
	s14 =	sor.u32 s16, s15  }
0x87: {  	[tilespmem:s24], [sflag:$0x1] =	stream.indirect.gather [hbm4b:s3+s23], $0x80, s1, s23, $0xb8;
	[tilespmem:$0x10200] =	vst v63  }
0x88: {  	s14 =	sshrl.u32 s14, $0x3  }
0x89: {  	[tilespmem:s25], [sflag:$0x1] =	stream.indirect.gather [hbm4b:s4+s23], $0x80, s22, s23, $0xb8;
	[tilespmem:$0x10200] =	vst v63  }
0x8a: {  	s16 =	sadd.s32 s5, s14  }
0x8b: {  	[tilespmem:s23], [sflag:$0x5] =	stream.linear.gather [hbm4b:s16+s1], $0x80, $0x38;
	[tilespmem:$0x10200] =	vst v63  }
0x8c: {  	_ =	swait.ge [sflag:s21], $0x80  }
0x8d: {  	[sflag:s21] =	ssyncset.done $0x0  }
0x8e: {  	s14 =	sadd.s32 s6, s14;
	[sflag:s21] =	ssyncadd.s32 $0xFFFFFF80  }
0x8f: {  	[tilespmem:s26], [sflag:$0x5] =	stream.linear.gather [hbm4b:s14+s1], $0x80, $0x38;
	[tilespmem:$0x10200] =	vst v63  }
0x90: {  	_ =	swait.ge [sflag:s21], $0x80  }
0x91: {  	[sflag:s21] =	ssyncset.done $0x0  }
0x92: {  	[sflag:s21] =	ssyncadd.s32 $0xFFFFFF80  }
0x93: {  	p0 =	sne.s32 s11, $0x27;
	_ =	swait.ge [sflag:s2], $0x4000  }
.Ltmp0:
0x94: {  	[sflag:s2] =	ssyncset.done $0x0;
	(pc) =	sbr.rel @p0 .LBB2_2-.Ltmp0, $4  }
0x95: {  	[sflag:s2] =	ssyncadd.s32 $0xFFFFC000  }
0x96: {  	_ =	swait.ge [sflag:s2], $0x4000  }
0x97: {  	s11 =	sadd.s32 $0x2, s11;
	[sflag:s2] =	ssyncset.done $0x0  }
0x98: {  	s13 =	sadd.s32 $0x20000, s13;
	s12 =	sadd.s32 $0x2000, s12;
	[sflag:s2] =	ssyncadd.s32 $0xFFFFC000  }
0x99: {  	[tilespmem:s28], [sflag:$0x2] =	stream.indirect.gather [hbm4b:s3+s23], $0x80, s23, s23, $0xb8;
	[tilespmem:$0x10200] =	vst v63  }
0x9a: {  	_ = 	snop  }
0x9b: {  	[tilespmem:s29], [sflag:$0x2] =	stream.indirect.gather [hbm4b:s4+s23], $0x80, s26, s23, $0xb8;
	[tilespmem:$0x10200] =	vst v63  }
0x9c: {  	_ =	swait.ge [sflag:s30], $0x4000  }
0x9d: {  	[sflag:s30] =	ssyncset.done $0x0  }
0x9e: {  	[sflag:s30] =	ssyncadd.s32 $0xFFFFC000  }
0x9f: {  	_ =	swait.ge [sflag:s30], $0x4000  }
0xa0: {  	[sflag:s30] =	ssyncset.done $0x0  }
0xa1: {  	s11 =	rddreg [dreg:$0x7];
	[sflag:s30] =	ssyncadd.s32 $0xFFFFC000  }
0xa2: {  	[hbm4b:s11+s1] =	stream.linear.scatter [tilespmem:s24], [sflag:$0x3], $0x4000, $0x38;
	[tilespmem:$0x10200] =	vst v63  }
0xa3: {  	s15 =	rddreg [dreg:$0x8]  }
0xa4: {  	[hbm4b:s15+s1] =	stream.linear.scatter [tilespmem:s25], [sflag:$0x3], $0x4000, $0x38;
	[tilespmem:$0x10200] =	vst v63  }
0xa5: {  	_ =	swait.ge [sflag:s31], $0x4000  }
0xa6: {  	[sflag:s31] =	ssyncset.done $0x0  }
0xa7: {  	[sflag:s31] =	ssyncadd.s32 $0xFFFFC000  }
0xa8: {  	_ =	swait.ge [sflag:s31], $0x4000  }
0xa9: {  	[sflag:s31] =	ssyncset.done $0x0  }
0xaa: {  	s16 =	rddreg [dreg:$0x9];
	[sflag:s31] =	ssyncadd.s32 $0xFFFFC000  }
0xab: {  	[hbm4b:s16+s1] =	stream.linear.scatter [tilespmem:s28], [sflag:$0x4], $0x4000, $0x38;
	[tilespmem:$0x10200] =	vst v63  }
0xac: {  	_ = 	snop  }
0xad: {  	[hbm4b:s17+s1] =	stream.linear.scatter [tilespmem:s29], [sflag:$0x4], $0x4000, $0x38;
	[tilespmem:$0x10200] =	vst v63  }
0xae: {  	_ =	swait.ge [sflag:s0], $0x4000  }
0xaf: {  	[sflag:s0] =	ssyncset.done $0x0  }
0xb0: {  	[sflag:s0] =	ssyncadd.s32 $0xFFFFC000  }
0xb1: {  	_ =	swait.ge [sflag:s0], $0x4000  }
0xb2: {  	[sflag:s0] =	ssyncset.done $0x0  }
0xb3: {  	s10 =	sadd.s32 $0x1, s10;
	[sflag:s0] =	ssyncadd.s32 $0xFFFFC000  }
0xb4: {  	p0 =	sne.s32 s10, s18;
	_ =	swait.ge [sflag:s2], $0x4000  }
.Ltmp1:
0xb5: {  	[sflag:s2] =	ssyncset.done $0x0;
	(pc) =	sbr.rel @p0 .LBB2_1-.Ltmp1, $4  }
0xb6: {  	[sflag:s2] =	ssyncadd.s32 $0xFFFFC000  }
0xb7: {  	_ =	swait.ge [sflag:s2], $0x4000  }
0xb8: {  	[sflag:s2] =	ssyncset.done $0x0  }
0xb9: {  	[sflag:s2] =	ssyncadd.s32 $0xFFFFC000  }
0xba: {  	_ =	sfence.sel $0x180000  }
0xbb: {  	[bflag:$0x0] =	sbarrier.arrive $0xFFFF  }
0xbc: {  	_ =	strace $0x90000053  }
0xbd: {  	s0 =	stileid.u32;
	[bflag:$0x2] =	sbarrier.arrive $0xFFFF  }
0xbe: {  	p0 =	sne.s32 s0, $0x0;
	s0 =	rddreg [dreg:$0x1]  }
0xbf: {  	s0 =	sadd.s32 @!p0 $0x100000, s0  }
0xc0: {  	[sflag:s0] =	ssyncadd.tile.s32 @!p0 $0x1;
	_ =	shalt  }
.Lfunc_end2:
_tile_overlayer_lowered:
.L_overlay_start_2:
0xc1: {  	(tag) =	ssettag $0x2  }
0xc2: {  	s0 =	rddreg [dreg:$0x0];
	s2 =	stileid.u32  }
0xc3: {  	s1 =	rddreg [dreg:$0x1];
	p0 =	sne.s32 s2, $0x0  }
0xc4: {  	s3 =	rddreg [dreg:$0x2];
	[bflag:$0x3] =	sbarrier.arrive $0xFFFF;
	s2 =	simm.s32 @!p0 $0x1C05  }
0xc5: {  	[timem:s3], [sflag:s2] =	dma.local @!p0 [hbm:s0], s1  }
0xc6: {  	s0 =	simm.s32 @!p0 $0x5  }
0xc7: {  	_ =	swait.ge @!p0 [sflag:s0], s1  }
0xc8: {  	s1 =	ssub.s32 @!p0 $0x0, s1;
	[sflag:s0] =	ssyncset.done @!p0 $0x0  }
0xc9: {  	[sflag:s0] =	ssyncadd.s32 @!p0 s1  }
0xca: {  	[bflag:$0x3] =	sbarrier.arrive $0xFFFF  }
0xcb: {  	_ =	shalt  }

// kernel: kernel.36.cloned.1.call-start
scs
__scs_entry_jumppad:
0x0: {  	(pc) =	sbr.rel $0x88, $3  }
0x1: {  	(tag) =	ssettag $0x0;
	lr =	simm.s32 $0x1  }
0x2: {  	[smem:$0x3F82] =	sst lr;
	_ =	strace $0xD0000000  }
0x3: {  	_ = 	snop  }
0x4: {  	_ = 	snop  }
0x5: {  	_ = 	snop  }
0x6: {  	_ = 	snop  }
0x7: {  	_ = 	snop  }
__scs_overlays_trampoline_lowered:
0x8: {  	[smem:$0x3F91] =	sst s0  }
0x9: {  	[smem:$0x3F92] =	sst s1  }
0xa: {  	[smem:$0x3F93] =	sst s2  }
0xb: {  	[smem:$0x3F94] =	sst s3  }
0xc: {  	[smem:$0x3F95] =	sst s4  }
0xd: {  	[smem:$0x3F96] =	sst s5  }
0xe: {  	[smem:$0x3F97] =	sst s6  }
0xf: {  	[smem:$0x3F98] =	sst s7  }
0x10: {  	[smem:$0x3F99] =	sst s8  }
0x11: {  	[smem:$0x3F9A] =	sst s9;
	s0 =	simm.s32 @!p0 $0x0  }
0x12: {  	s1 =	sld [smem:$0x3F80];
	s0 =	simm.s32 @p0 $0x1  }
0x13: {  	[smem:$0x3F9B] =	sst s0;
	s0 =	simm.s32 @!p1 $0x0  }
0x14: {  	s2 =	sld [smem:$0x3F7F];
	s0 =	simm.s32 @p1 $0x1  }
0x15: {  	[smem:$0x3F9C] =	sst s0;
	s0 =	simm.s32 @!p2 $0x0  }
0x16: {  	s3 =	sld [smem:$0x3FDB];
	s0 =	simm.s32 @p2 $0x1  }
0x17: {  	s4 =	simm.s32 $0x1BF5;
	[smem:$0x3F9E] =	sst s0  }
0x18: {  	s0 =	sld [smem:$0x3F81];
	_ =	swait.ge [sflag:s4], $0x0  }
0x19: {  	s7 =	sld [smem:$0x3F82]  }
0x1a: {  	s8 =	sadd.s32 $0xFFFFE003, lr  }
0x1b: {  	s9 =	sadd.s32 $0xFFFFFEF7, lr;
	s5 =	simm.s32 $0xFFFFFFFF;
	p2 =	slt.u32 s8, $0xFFFFF086  }
0x1c: {  	p1 =	slt.u32 s9, $0xF7A;
	s5 =	simm.s32 @!p2 $0x0  }
0x1d: {  	s5 =	simm.s32 @p1 $0x1;
	p0 =	seq.s32 s7, s2  }
0x1e: {  	s7 =	smul.u32 @!p0 $0xF7A, s2;
	p2 =	seq.s32 @!p0 s5, $0x0  }
0x1f: {  	s9 =	smul.u32 $0xF7A, s1;
	s8 =	simm.s32 @!p0 $0x1BF5;
	p2 =	por !p2, p0  }
0x20: {  	[sflag:s8] =	ssyncset.s32 @!p0 $0xFFFFF086;
	s6 =	sadd.s32 @!p0 s3, s7;
	s7 =	simm.s32 @!p0 $0x108  }
0x21: {  	s3 =	sadd.s32 s3, s9;
	s6 =	sadd.s32 @!p0 $0x88, s6;
	s7 =	simm.s32 @p2 $0x1082  }
0x22: {  	[simem:s7], [sflag:s8] =	dma.local @!p0 [hbm:s6], $0xF7A  }
0x23: {  	s9 =	sor.u32 $0xD0000000, s2;
	s6 =	simm.s32 $0x108;
	_ =	swait.ge @!p0 [sflag:s8], $0x0  }
0x24: {  	s3 =	sadd.s32 $0x88, s3;
	s6 =	simm.s32 @!p1 $0x1082;
	[sflag:s4] =	ssyncset.s32 $0xFFFFF086  }
0x25: {  	[simem:s6], [sflag:s4] =	dma.local [hbm:s3], $0xF7A  }
0x26: {  	[smem:$0x3F82] =	sst s1;
	(tag) =	ssettag s2;
	_ =	strace s9  }
0x27: {  	s1 =	sld [smem:$0x3F92]  }
0x28: {  	s2 =	sld [smem:$0x3F93]  }
0x29: {  	s4 =	sld [smem:$0x3F95]  }
0x2a: {  	p0 =	seq.s32 s5, $0x0;
	s5 =	sld [smem:$0x3F96]  }
0x2b: {  	s6 =	sld [smem:$0x3F97]  }
0x2c: {  	s7 =	sld [smem:$0x3F98]  }
0x2d: {  	s3 =	simm.s32 $0x108;
	s8 =	sld [smem:$0x3F99]  }
0x2e: {  	s3 =	simm.s32 @!p0 $0x1082;
	s9 =	sld [smem:$0x3F9A]  }
0x2f: {  	lr =	sadd.s32 s0, s3;
	s0 =	sld [smem:$0x3F91]  }
0x30: {  	s3 =	sld [smem:$0x3F94]  }
0x31: {  	[smem:$0x3F9D] =	sst s10  }
0x32: {  	s10 =	sld [smem:$0x3F9B];
	_ =	sdelay $0x3  }
0x33: {  	p0 =	seq.s32 s10, $0x1;
	s10 =	sld [smem:$0x3F9D];
	_ =	sdelay $0x3  }
0x34: {  	[smem:$0x3F9D] =	sst s10  }
0x35: {  	s10 =	sld [smem:$0x3F9C];
	_ =	sdelay $0x3  }
0x36: {  	p1 =	seq.s32 s10, $0x1;
	s10 =	sld [smem:$0x3F9D];
	_ =	sdelay $0x3  }
0x37: {  	[smem:$0x3F9D] =	sst s10  }
0x38: {  	s10 =	sld [smem:$0x3F9E]  }
0x39: {  	_ = 	snop;
	(pc) =	sbr.ind lr, $3  }
0x3a: {  	_ = 	snop  }
0x3b: {  	_ = 	snop  }
0x3c: {  	p2 =	seq.s32 s10, $0x1;
	s10 =	sld [smem:$0x3F9D]  }
0x3d: {  	_ =	shalt  }
0x3e: {  	_ =	shalt  }
0x3f: {  	_ =	shalt  }
0x40: {  	_ =	shalt  }
0x41: {  	_ =	shalt  }
0x42: {  	_ =	shalt  }
0x43: {  	_ =	shalt  }
0x44: {  	_ =	shalt  }
0x45: {  	_ =	shalt  }
0x46: {  	_ =	shalt  }
0x47: {  	_ =	shalt  }
0x48: {  	_ =	shalt  }
0x49: {  	_ =	shalt  }
0x4a: {  	_ =	shalt  }
0x4b: {  	_ =	shalt  }
0x4c: {  	_ =	shalt  }
0x4d: {  	_ =	shalt  }
0x4e: {  	_ =	shalt  }
0x4f: {  	_ =	shalt  }
0x50: {  	_ =	shalt  }
0x51: {  	_ =	shalt  }
0x52: {  	_ =	shalt  }
0x53: {  	_ =	shalt  }
0x54: {  	_ =	shalt  }
0x55: {  	_ =	shalt  }
0x56: {  	_ =	shalt  }
0x57: {  	_ =	shalt  }
0x58: {  	_ =	shalt  }
0x59: {  	_ =	shalt  }
0x5a: {  	_ =	shalt  }
0x5b: {  	_ =	shalt  }
0x5c: {  	_ =	shalt  }
0x5d: {  	_ =	shalt  }
0x5e: {  	_ =	shalt  }
0x5f: {  	_ =	shalt  }
0x60: {  	_ =	shalt  }
0x61: {  	_ =	shalt  }
0x62: {  	_ =	shalt  }
0x63: {  	_ =	shalt  }
0x64: {  	_ =	shalt  }
0x65: {  	_ =	shalt  }
0x66: {  	_ =	shalt  }
0x67: {  	_ =	shalt  }
0x68: {  	_ =	shalt  }
0x69: {  	_ =	shalt  }
0x6a: {  	_ =	shalt  }
0x6b: {  	_ =	shalt  }
0x6c: {  	_ =	shalt  }
0x6d: {  	_ =	shalt  }
0x6e: {  	_ =	shalt  }
0x6f: {  	_ =	shalt  }
0x70: {  	_ =	shalt  }
0x71: {  	_ =	shalt  }
0x72: {  	_ =	shalt  }
0x73: {  	_ =	shalt  }
0x74: {  	_ =	shalt  }
0x75: {  	_ =	shalt  }
0x76: {  	_ =	shalt  }
0x77: {  	_ =	shalt  }
0x78: {  	_ =	shalt  }
0x79: {  	_ =	shalt  }
0x7a: {  	_ =	shalt  }
0x7b: {  	_ =	shalt  }
0x7c: {  	_ =	shalt  }
0x7d: {  	_ =	shalt  }
0x7e: {  	_ =	shalt  }
0x7f: {  	_ =	shalt  }
0x80: {  	_ =	shalt  }
0x81: {  	_ =	shalt  }
0x82: {  	_ =	shalt  }
0x83: {  	_ =	shalt  }
0x84: {  	_ =	shalt  }
0x85: {  	_ =	shalt  }
0x86: {  	_ =	shalt  }
0x87: {  	_ =	shalt  }
.Lfunc_end0:
.L_simem_size_0:
called_computation.5_lowered:
.L_overlay_start_0:
0x88: {  	s2 =	sld [smem:$0x3FD9]  }
0x89: {  	s3 =	sld [smem:$0x3FFE];
	_ =	sdelay $0x1  }
0x8a: {  	s1 =	srdreg.scid  }
0x8b: {  	s0 =	sand.u32 $0x1, s1  }
0x8c: {  	s16 =	sshll.u32 s0, $0xA;
	s2 =	sadd.s32 s3, s2  }
0x8d: {  	s2 =	sadd.s32 s2, s16  }
0x8e: {  	[smem:$0x3FA9] =	sst s2  }
0x8f: {  	_ = 	snop  }
0x90: {  	(tm) =	ssettm $0x1  }
0x91: {  	s17 =	sld [smem:$0x3FFB];
	_ =	sdelay $0x3  }
0x92: {  	_ =	strace s17  }
0x93: {  	s2 =	sld [smem:$0x3FFC];
	_ =	sdelay $0x3  }
0x94: {  	_ =	strace s2  }
0x95: {  	s2 =	sld [smem:$0x3FFD];
	_ =	sdelay $0x3  }
0x96: {  	_ =	strace s2  }
0x97: {  	_ =	strace $0x8FFFFFFF  }
0x98: {  	s18 =	sld [smem:$0x3FDB];
	_ =	sdelay $0x1  }
0x99: {  	s19 =	simm.s32 $_scs_section_size  }
0x9a: {  	s4 =	simm.s32 $_size__tile_overlayer_lowered;
	s5 =	simm.s32 $_tile_overlayer_lowered  }
0x9b: {  	s22 =	simm.s32 $0x1BFF;
	s21 =	sshll.u32 s5, $0x1;
	s2 =	sadd.s32 s19, s18  }
0x9c: {  	s6 =	simm.s32 $0x0;
	s20 =	sshll.u32 s4, $0x1;
	s4 =	sadd.s32 s21, s2  }
0x9d: {  	[timem:s6], [sflag:s22] =	dma.local [hbm:s4], s20  }
0x9e: {  	_ =	swait.ge [sflag:s22], s20  }
0x9f: {  	s3 =	ssub.s32 $0x0, s20;
	[sflag:s22] =	ssyncset.done $0x0  }
0xa0: {  	[sflag:s22] =	ssyncadd.s32 s3;
	_ =	sdelay $0x1  }
0xa1: {  	s23 =	simm.s32 $0x1B8B  }
0xa2: {  	_ =	swait.ge [sflag:s23], $0x1  }
0xa3: {  	[sflag:s23] =	ssyncset.done $0x0  }
0xa4: {  	s25 =	simm.s32 $0x1B8E;
	s24 =	sld [smem:$0x3FFE];
	[sflag:s23] =	ssyncadd.s32 $0xFFFFFFFF  }
0xa5: {  	s26 =	simm.s32 $execute0_lowered;
	[smem:$0x3FD2] =	sst s25  }
0xa6: {  	s4 =	sshll.u32 s26, $0x1;
	_ =	strace $0x80000055;
	[dreg:$0x1] =	wrdreg $0xFFFFFFFF  }
0xa7: {  	s28 =	simm.s32 $_size_execute0_lowered;
	s2 =	sadd.s32 s2, s4;
	[dreg:$0x0] =	wrdreg $0x0  }
0xa8: {  	s4 =	sshll.u32 s28, $0x1;
	[dreg:$0x2] =	wrdreg s2  }
0xa9: {  	[dreg:$0x3] =	wrdreg s4  }
0xaa: {  	[dreg:$0x4] =	wrdreg $0xC0  }
0xab: {  	_ =	task [dreg:s6], $0x5FFFF  }
0xac: {  	[dreg:$0x1] =	wrdreg $0xFFFFFFFF  }
0xad: {  	[dreg:$0x0] =	wrdreg $0x60  }
0xae: {  	[dreg:$0x2] =	wrdreg s24  }
0xaf: {  	[dreg:$0x3] =	wrdreg $0x116800  }
0xb0: {  	[dreg:$0x4] =	wrdreg $0x9  }
0xb1: {  	_ =	task.clear_ibuf [dreg:s6], $0x5FFFF;
	_ =	strace $0x90000055  }
0xb2: {  	s29 =	simm.s32 $0x9;
	_ =	strace $0x80000057  }
0xb3: {  	_ =	swait.ge [sflag:s29], $0x1  }
0xb4: {  	[sflag:s29] =	ssyncadd.s32 $0xFFFFFFFF  }
0xb5: {  	_ =	strace $0x90000057  }
0xb6: {  	_ =	sfence  }
0xb7: {  	s30 =	sld [smem:$0x0];
	_ =	sdelay $0x2  }
0xb8: {  	s31 =	sshll.u32 s1, $0xD;
	s1 =	sshrl.u32 s1, $0x2  }
0xb9: {  	s3 =	sand.u32 $0x4000, s31;
	s1 =	sadd.s32 s1, s30  }
0xba: {  	s0 =	sor.u32 s3, s0;
	s1 =	sshll.u32 s1, $0x11  }
0xbb: {  	s0 =	sor.u32 s1, s0  }
0xbc: {  	s0 =	sadd.s32 $0x8F2B, s0  }
0xbd: {  	[sflag:s0] =	ssyncadd.remote.s32 $0x1  }
0xbe: {  	_ =	sfence.sel $0xFFFF  }
0xbf: {  	[dreg:$0x0] =	wrdreg $0xFFFFFFFF;
	(pc) =	sbr.abs _section_cstart, $3  }
0xc0: {  	[dreg:$0x1] =	wrdreg $0xFFFFFFFF  }
0xc1: {  	_ =	task.clear_ibuf [dreg:s6], $0x2FFFF;
	_ =	strace $0x9FFFFFFF  }
0xc2: {  	(tm) =	ssettm $0x7FFFFFFF  }
0xc3: {  	_ =	shalt  }
tec
execute0_lowered:
.L_overlay_start_1:
0x0: {  	(tag) =	ssettag $0x1  }
0x1: {  	s5 =	rddreg [dreg:$0x0]  }
0x2: {  	s2 =	rddreg [dreg:$0x1]  }
0x3: {  	s0 =	rddreg [dreg:$0x2]  }
0x4: {  	s1 =	stileid.u32;
	s4 =	srdreg.scid  }
0x5: {  	s3 =	simm.s32 $0x0;
	s17 =	simm.s32 $0x3;
	s18 =	simm.s32 $0x100  }
0x6: {  	s19 =	simm.s32 $0x80;
	s20 =	simm.s32 $0x2900;
	s21 =	simm.s32 $0x1  }
0x7: {  	s22 =	simm.s32 $0x2;
	s23 =	simm.s32 $0x0;
	s6 =	smul.u32 $0xC580, s1  }
0x8: {  	s7 =	sand.u32 $0x1, s4;
	[smem:$0x7FF] =	sst s3;
	s4 =	sadd.s32 $0x55E00, s5  }
0x9: {  	s10 =	sadd.s32 $0x50E00, s5;
	s26 =	smul.u32 $0x2800, s1;
	s13 =	sshll.u32 s1, $0x7  }
0xa: {  	s29 =	sshll.u32 s1, $0x4;
	s8 =	smul.u32 $0xC5800, s7;
	_ =	strace $0x80000056  }
0xb: {  	s24 =	ssub.s32 $0x2, s7;
	s12 =	smul.u32 $0xC80000, s7;
	s28 =	sor.u32 $0x800, s13  }
0xc: {  	s7 =	sadd.s32 s10, s29;
	s9 =	sshrl.u32 s6, $0x3;
	s25 =	sshrl.u32 s24, $0x1  }
0xd: {  	s13 =	smul.u32 $0x50, s28;
	s8 =	sadd.s32 s6, s8;
	s9 =	sadd.s32 s9, s5  }
0xe: {  	s14 =	ssub.s32 s24, s25;
	s15 =	sor.u32 s26, s12;
	s6 =	sadd.s32 s6, s2  }
0xf: {  	s8 =	sshrl.u32 s8, $0x3;
	s12 =	sor.u32 s12, s13;
	s31 =	sadd.s32 $0x78000, s15  }
0x10: {  	s13 =	sadd.s32 $0x300, s7;
	s11 =	sadd.s32 s8, s5;
	s5 =	sadd.s32 $0x6C00, s9  }
0x11: {  	s8 =	sshrl.u32 s15, $0x3;
	s9 =	sshrl.u32 s28, $0x3;
	s30 =	sshrl.u32 s12, $0x3  }
0x12: {  	s16 =	sshrl.u32 s31, $0x3;
	s12 =	smax.u32 s14, $0x1;
	s15 =	sadd.s32 $0x50000, s15  }
0x13: {  	s8 =	sadd.s32 s4, s8;
	s9 =	sadd.s32 s10, s9;
	s10 =	sadd.s32 s4, s30  }
0x14: {  	s11 =	sadd.s32 $0x1F800, s11;
	s14 =	sadd.s32 s16, s4;
	s16 =	simm.s32 $0x5100  }
.LBB2_1:
0x15: {  	[tilespmem:s16], [sflag:$0x3] =	stream.linear.gather [hbm4b:s5+s3], $0xC580, $0x38;
	[tilespmem:$0x1DC00] =	vst v63  }
0x16: {  	_ =	swait.ge [sflag:s17], $0xC580  }
0x17: {  	[sflag:s17] =	ssyncset.done $0x0  }
0x18: {  	[sflag:s17] =	ssyncadd.s32 $0xFFFF3A80  }
0x19: {  	[spmem:s6] =	stream.linear.scatter [tilespmem:s16], [sflag:$0x3], $0xC580, $0x38;
	[tilespmem:$0x1DC00] =	vst v63  }
0x1a: {  	_ =	swait.ge [sflag:s17], $0xC580  }
0x1b: {  	[sflag:s17] =	ssyncset.done $0x0  }
0x1c: {  	[sflag:s17] =	ssyncadd.s32 $0xFFFF3A80  }
0x1d: {  	[bflag:$0x0] =	sbarrier.arrive $0xFFFF  }
0x1e: {  	[tilespmem:s3], [sflag:$0x1] =	stream.linear.gather [hbm4b:s7+s3], $0x80, $0x38;
	[tilespmem:$0x1DC00] =	vst v63  }
0x1f: {  	_ = 	snop  }
0x20: {  	[tilespmem:s18], [sflag:$0x1] =	stream.linear.gather [hbm4b:s8+s3], $0x2800, $0x38;
	[tilespmem:$0x1DC00] =	vst v63  }
0x21: {  	_ = 	snop  }
0x22: {  	[tilespmem:s19], [sflag:$0x2] =	stream.linear.gather [hbm4b:s9+s3], $0x80, $0x38;
	[tilespmem:$0x1DC00] =	vst v63  }
0x23: {  	_ = 	snop  }
0x24: {  	[tilespmem:s20], [sflag:$0x2] =	stream.linear.gather [hbm4b:s10+s3], $0x2800, $0x38;
	[tilespmem:$0x1DC00] =	vst v63  }
0x25: {  	_ =	swait.ge [sflag:s21], $0x80  }
0x26: {  	[sflag:s21] =	ssyncset.done $0x0  }
0x27: {  	[sflag:s21] =	ssyncadd.s32 $0xFFFFFF80  }
0x28: {  	_ =	swait.ge [sflag:s21], $0x2800  }
0x29: {  	[sflag:s21] =	ssyncset.done $0x0  }
0x2a: {  	[sflag:s21] =	ssyncadd.s32 $0xFFFFD800  }
0x2b: {  	[spmem:s2] =	stream.indirect.scatter.add.f32 [tilespmem:s18], [sflag:$0x3], $0x50, s3, s19, $0xb8;
	[tilespmem:$0x1DC00] =	vst v63  }
0x2c: {  	_ =	swait.ge [sflag:s17], $0x2800  }
0x2d: {  	[sflag:s17] =	ssyncset.done $0x0  }
0x2e: {  	s24 =	sadd.s32 $0xFFFFFF00, s13;
	s25 =	sshrl.u32 s15, $0x3;
	[sflag:s17] =	ssyncadd.s32 $0xFFFFD800  }
0x2f: {  	[tilespmem:s3], [sflag:$0x1] =	stream.linear.gather [hbm4b:s24+s3], $0x80, $0x38;
	[tilespmem:$0x1DC00] =	vst v63  }
0x30: {  	s31 =	sadd.s32 s4, s25  }
0x31: {  	[tilespmem:s18], [sflag:$0x1] =	stream.linear.gather [hbm4b:s31+s3], $0x2800, $0x38;
	[tilespmem:$0x1DC00] =	vst v63  }
0x32: {  	_ =	swait.ge [sflag:s22], $0x80  }
0x33: {  	[sflag:s22] =	ssyncset.done $0x0  }
0x34: {  	[sflag:s22] =	ssyncadd.s32 $0xFFFFFF80  }
0x35: {  	_ =	swait.ge [sflag:s22], $0x2800  }
0x36: {  	[sflag:s22] =	ssyncset.done $0x0  }
0x37: {  	[sflag:s22] =	ssyncadd.s32 $0xFFFFD800  }
0x38: {  	[spmem:s2] =	stream.indirect.scatter.add.f32 [tilespmem:s20], [sflag:$0x3], $0x50, s19, s19, $0xb8;
	[tilespmem:$0x1DC00] =	vst v63  }
0x39: {  	_ =	swait.ge [sflag:s17], $0x2800  }
0x3a: {  	s28 =	sadd.s32 $0x0, s14;
	s26 =	sadd.s32 $0x50000, s15;
	[sflag:s17] =	ssyncset.done $0x0  }
0x3b: {  	s25 =	sadd.s32 $0x200, s13;
	s24 =	simm.s32 $0xA000;
	[sflag:s17] =	ssyncadd.s32 $0xFFFFD800  }
0x3c: {  	[tilespmem:s19], [sflag:$0x2] =	stream.linear.gather [hbm4b:s13+s3], $0x80, $0x38;
	[tilespmem:$0x1DC00] =	vst v63  }
.LBB2_2:
0x3d: {  	[tilespmem:s20], [sflag:$0x2] =	stream.linear.gather [hbm4b:s28+s3], $0x2800, $0x38;
	[tilespmem:$0x1DC00] =	vst v63  }
0x3e: {  	s28 =	smov.u32 s24  }
0x3f: {  	p0 =	sne.s32 s24, $0x17C000;
	s24 =	sadd.s32 $0xA000, s24;
	_ =	swait.ge [sflag:s21], $0x80  }
0x40: {  	[sflag:s21] =	ssyncset.done $0x0  }
0x41: {  	[sflag:s21] =	ssyncadd.s32 $0xFFFFFF80  }
0x42: {  	_ =	swait.ge [sflag:s21], $0x2800  }
0x43: {  	[sflag:s21] =	ssyncset.done $0x0  }
0x44: {  	[sflag:s21] =	ssyncadd.s32 $0xFFFFD800  }
0x45: {  	[spmem:s2] =	stream.indirect.scatter.add.f32 [tilespmem:s18], [sflag:$0x3], $0x50, s3, s19, $0xb8;
	[tilespmem:$0x1DC00] =	vst v63  }
0x46: {  	_ =	swait.ge [sflag:s17], $0x2800  }
0x47: {  	[sflag:s17] =	ssyncset.done $0x0  }
0x48: {  	s29 =	sadd.s32 $0xFFFFFF00, s25;
	s30 =	sshrl.u32 s26, $0x3;
	[sflag:s17] =	ssyncadd.s32 $0xFFFFD800  }
0x49: {  	[tilespmem:s3], [sflag:$0x1] =	stream.linear.gather [hbm4b:s29+s3], $0x80, $0x38;
	[tilespmem:$0x1DC00] =	vst v63  }
0x4a: {  	s29 =	sadd.s32 s4, s30  }
0x4b: {  	[tilespmem:s18], [sflag:$0x1] =	stream.linear.gather [hbm4b:s29+s3], $0x2800, $0x38;
	[tilespmem:$0x1DC00] =	vst v63  }
0x4c: {  	_ =	swait.ge [sflag:s22], $0x80  }
0x4d: {  	[sflag:s22] =	ssyncset.done $0x0  }
0x4e: {  	[sflag:s22] =	ssyncadd.s32 $0xFFFFFF80  }
0x4f: {  	_ =	swait.ge [sflag:s22], $0x2800  }
0x50: {  	[sflag:s22] =	ssyncset.done $0x0  }
0x51: {  	[sflag:s22] =	ssyncadd.s32 $0xFFFFD800  }
0x52: {  	[spmem:s2] =	stream.indirect.scatter.add.f32 [tilespmem:s20], [sflag:$0x3], $0x50, s19, s19, $0xb8;
	[tilespmem:$0x1DC00] =	vst v63  }
.Ltmp0:
0x53: {  	_ =	swait.ge [sflag:s17], $0x2800;
	(pc) =	sbr.rel @p0 .LBB2_2-.Ltmp0, $4  }
0x54: {  	[sflag:s17] =	ssyncset.done $0x0  }
0x55: {  	[sflag:s17] =	ssyncadd.s32 $0xFFFFD800  }
0x56: {  	[tilespmem:s19], [sflag:$0x2] =	stream.linear.gather [hbm4b:s25+s3], $0x80, $0x38;
	[tilespmem:$0x1DC00] =	vst v63  }
0x57: {  	s26 =	sadd.s32 $0x50000, s26;
	s28 =	sadd.s32 s28, s14;
	s25 =	sadd.s32 $0x200, s25  }
0x58: {  	[tilespmem:s20], [sflag:$0x2] =	stream.linear.gather [hbm4b:s28+s3], $0x2800, $0x38;
	[tilespmem:$0x1DC00] =	vst v63  }
0x59: {  	_ =	swait.ge [sflag:s21], $0x80  }
0x5a: {  	[sflag:s21] =	ssyncset.done $0x0  }
0x5b: {  	[sflag:s21] =	ssyncadd.s32 $0xFFFFFF80  }
0x5c: {  	_ =	swait.ge [sflag:s21], $0x2800  }
0x5d: {  	[sflag:s21] =	ssyncset.done $0x0  }
0x5e: {  	[sflag:s21] =	ssyncadd.s32 $0xFFFFD800  }
0x5f: {  	[spmem:s2] =	stream.indirect.scatter.add.f32 [tilespmem:s18], [sflag:$0x3], $0x50, s3, s19, $0xb8;
	[tilespmem:$0x1DC00] =	vst v63  }
0x60: {  	_ =	swait.ge [sflag:s17], $0x2800  }
0x61: {  	[sflag:s17] =	ssyncset.done $0x0  }
0x62: {  	[sflag:s17] =	ssyncadd.s32 $0xFFFFD800  }
0x63: {  	_ =	swait.ge [sflag:s22], $0x80  }
0x64: {  	[sflag:s22] =	ssyncset.done $0x0  }
0x65: {  	[sflag:s22] =	ssyncadd.s32 $0xFFFFFF80  }
0x66: {  	_ =	swait.ge [sflag:s22], $0x2800  }
0x67: {  	[sflag:s22] =	ssyncset.done $0x0  }
0x68: {  	[sflag:s22] =	ssyncadd.s32 $0xFFFFD800  }
0x69: {  	[spmem:s2] =	stream.indirect.scatter.add.f32 [tilespmem:s20], [sflag:$0x3], $0x50, s19, s19, $0xb8;
	[tilespmem:$0x1DC00] =	vst v63  }
0x6a: {  	_ =	swait.ge [sflag:s17], $0x2800  }
0x6b: {  	[sflag:s17] =	ssyncset.done $0x0  }
0x6c: {  	[sflag:s17] =	ssyncadd.s32 $0xFFFFD800  }
0x6d: {  	[bflag:$0x0] =	sbarrier.arrive $0xFFFF  }
0x6e: {  	[tilespmem:s16], [sflag:$0x3] =	stream.linear.gather [spmem:s6], $0xC580, $0x38;
	[tilespmem:$0x1DC00] =	vst v63  }
0x6f: {  	s23 =	sadd.s32 $0x1, s23;
	_ =	swait.ge [sflag:s17], $0xC580  }
0x70: {  	p0 =	sne.s32 s23, s12;
	[sflag:s17] =	ssyncset.done $0x0  }
.Ltmp1:
0x71: {  	[sflag:s17] =	ssyncadd.s32 $0xFFFF3A80;
	(pc) =	sbr.rel @p0 .LBB2_1-.Ltmp1, $4  }
0x72: {  	[hbm4b:s11+s3] =	stream.linear.scatter [tilespmem:s16], [sflag:$0x3], $0xC580, $0x38;
	[tilespmem:$0x1DC00] =	vst v63  }
0x73: {  	_ =	swait.ge [sflag:s17], $0xC580  }
0x74: {  	[sflag:s17] =	ssyncset.done $0x0  }
0x75: {  	[sflag:s17] =	ssyncadd.s32 $0xFFFF3A80  }
0x76: {  	_ =	sfence.sel $0x180000  }
0x77: {  	[bflag:$0x0] =	sbarrier.arrive $0xFFFF  }
0x78: {  	p0 =	sne.s32 s1, $0x0;
	_ =	strace $0x90000056  }
0x79: {  	s0 =	sadd.s32 @!p0 $0x100000, s0;
	[bflag:$0x2] =	sbarrier.arrive $0xFFFF  }
0x7a: {  	[sflag:s0] =	ssyncadd.tile.s32 @!p0 $0x1;
	_ =	shalt  }
.Lfunc_end2:
_tile_overlayer_lowered:
.L_overlay_start_2:
0x7b: {  	(tag) =	ssettag $0x2  }
0x7c: {  	s0 =	rddreg [dreg:$0x0];
	s2 =	stileid.u32  }
0x7d: {  	s1 =	rddreg [dreg:$0x1];
	p0 =	sne.s32 s2, $0x0  }
0x7e: {  	s3 =	rddreg [dreg:$0x2];
	[bflag:$0x3] =	sbarrier.arrive $0xFFFF;
	s2 =	simm.s32 @!p0 $0x1C03  }
0x7f: {  	[timem:s3], [sflag:s2] =	dma.local @!p0 [hbm:s0], s1  }
0x80: {  	s0 =	simm.s32 @!p0 $0x3  }
0x81: {  	_ =	swait.ge @!p0 [sflag:s0], s1  }
0x82: {  	s1 =	ssub.s32 @!p0 $0x0, s1;
	[sflag:s0] =	ssyncset.done @!p0 $0x0  }
0x83: {  	[sflag:s0] =	ssyncadd.s32 @!p0 s1  }
0x84: {  	[bflag:$0x3] =	sbarrier.arrive $0xFFFF  }
0x85: {  	_ =	shalt  }

</sc_bundles>
